<compile_context>
chip_gen: v7x
topology: tpu7x:2x2x1
jax: 0.10.2.dev20260603
libtpu: 0.0.44.dev20260713+nightly
codegen_flags: <defaults>
</compile_context>

<pallas_src>
import functools

import jax
import jax.numpy as jnp
from jax import lax
from jax.experimental import pallas as pl
from jax.experimental.pallas import tpu as pltpu
from jax.experimental.pallas import tpu_sc as plsc

BATCH = 16384
EMBED_DIM = 32
LANE_TILE = 128
NUM_CORES = 2
NUM_SUBCORES = 16
LANES = 16
NUM_WORKERS = NUM_CORES * NUM_SUBCORES
BPW = BATCH // NUM_WORKERS
GROUPS = BPW // LANES
NRING = 8

_mesh = plsc.VectorSubcoreMesh(core_axis_name="c", subcore_axis_name="s")


@functools.partial(
    pl.kernel,
    out_type=jax.ShapeDtypeStruct((BATCH,), jnp.float32),
    mesh=_mesh,
    compiler_params=pltpu.CompilerParams(needs_layout_passes=False),
    scratch_types=[
        pltpu.VMEM((BPW + LANES,), jnp.int32),
        pltpu.VMEM((BPW + LANES,), jnp.int32),
        pltpu.VMEM((NRING, EMBED_DIM, LANE_TILE), jnp.float32),
        pltpu.VMEM((NRING, EMBED_DIM, LANE_TILE), jnp.float32),
        pltpu.VMEM((BPW,), jnp.float32),
        pltpu.SemaphoreType.DMA,
        pltpu.SemaphoreType.DMA,
    ],
)
def _sc_dot(uid_hbm, iid_hbm, utabT_hbm, itabT_hbm, out_hbm,
            uidx, iidx, uslabs, islabs, outb, sem_u, sem_i):
    wid = lax.axis_index("s") * NUM_CORES + lax.axis_index("c")
    base = wid * BPW

    pltpu.sync_copy(uid_hbm.at[pl.ds(base, BPW)], uidx.at[pl.ds(0, BPW)])
    pltpu.sync_copy(iid_hbm.at[pl.ds(base, BPW)], iidx.at[pl.ds(0, BPW)])
    uidx[pl.ds(BPW, LANES)] = jnp.zeros((LANES,), jnp.int32)
    iidx[pl.ds(BPW, LANES)] = jnp.zeros((LANES,), jnp.int32)

    dlo = lax.iota(jnp.int32, LANES)
    dhi = dlo + LANES

    def slab_src(tab, idv):
        off = pl.multiple_of((idv // LANE_TILE) * LANE_TILE, LANE_TILE)
        return tab.at[:, pl.ds(off, LANE_TILE)]

    uvec0 = uidx[pl.ds(0, LANES)]
    ivec0 = iidx[pl.ds(0, LANES)]
    for j in range(NRING):
        pltpu.async_copy(slab_src(utabT_hbm, uvec0[j]), uslabs.at[j], sem_u)
        pltpu.async_copy(slab_src(itabT_hbm, ivec0[j]), islabs.at[j], sem_i)

    onehot = [(lax.iota(jnp.int32, LANES) == j).astype(jnp.float32)
              for j in range(LANES)]

    def group_body(g, carry):
        uvec = uidx[pl.ds(g * LANES, LANES)]
        ivec = iidx[pl.ds(g * LANES, LANES)]
        uvecn = uidx[pl.ds(g * LANES + NRING, LANES)]
        ivecn = iidx[pl.ds(g * LANES + NRING, LANES)]

        acc = jnp.zeros((LANES,), jnp.float32)
        for j in range(LANES):
            slot = j % NRING
            pltpu.make_async_copy(slab_src(utabT_hbm, uvec[j]),
                                  uslabs.at[slot], sem_u).wait()
            pltpu.make_async_copy(slab_src(itabT_hbm, ivec[j]),
                                  islabs.at[slot], sem_i).wait()
            uc = jnp.full((LANES,), uvec[j] % LANE_TILE, jnp.int32)
            ic = jnp.full((LANES,), ivec[j] % LANE_TILE, jnp.int32)
            u0 = plsc.load_gather(uslabs.at[slot], [dlo, uc])
            u1 = plsc.load_gather(uslabs.at[slot], [dhi, uc])
            v0 = plsc.load_gather(islabs.at[slot], [dlo, ic])
            v1 = plsc.load_gather(islabs.at[slot], [dhi, ic])
            pltpu.async_copy(slab_src(utabT_hbm, uvecn[j]),
                             uslabs.at[slot], sem_u)
            pltpu.async_copy(slab_src(itabT_hbm, ivecn[j]),
                             islabs.at[slot], sem_i)
            dot = jnp.sum(u0 * v0 + u1 * v1, axis=0)
            acc = acc + dot * onehot[j]
        outb[pl.ds(g * LANES, LANES)] = acc
        return carry

    lax.fori_loop(0, GROUPS, group_body, 0)

    uvecz = uidx[pl.ds(BPW, LANES)]
    for j in range(NRING):
        pltpu.make_async_copy(slab_src(utabT_hbm, uvecz[j]),
                              uslabs.at[j], sem_u).wait()
        pltpu.make_async_copy(slab_src(itabT_hbm, uvecz[j]),
                              islabs.at[j], sem_i).wait()

    pltpu.sync_copy(outb, out_hbm.at[pl.ds(base, BPW)])


def kernel(user_ids, item_ids, user_table, item_table):
    return _sc_dot(user_ids.astype(jnp.int32), item_ids.astype(jnp.int32),
                   user_table.T, item_table.T)

# --- scband reference (transcript-rebuilt; emitter-appended) ---
"""Pipeline reference for scband-embedding-model-61125974556965 (READ-ONLY COPY).

The authoritative reference and input builder live on the scoring server;
editing this copy changes nothing except your own understanding.
"""

import jax, jax.numpy as jnp
import numpy as np

NUM_USERS = 1000000
NUM_ITEMS = 1000000
EMBED_DIM = 32
BATCH = 16384


def setup_inputs(seed: int = 0) -> dict:
    key = jax.random.key(seed)
    k1, k2, k3, k4 = jax.random.split(key, 4)
    user_ids = jax.random.randint(k1, (BATCH,), 0, NUM_USERS, dtype=jnp.int64 if jax.config.jax_enable_x64 else jnp.int32)
    item_ids = jax.random.randint(k2, (BATCH,), 0, NUM_ITEMS, dtype=jnp.int64 if jax.config.jax_enable_x64 else jnp.int32)
    user_table = jax.random.normal(k3, (NUM_USERS, EMBED_DIM), dtype=jnp.float32)
    item_table = jax.random.normal(k4, (NUM_ITEMS, EMBED_DIM), dtype=jnp.float32)
    return {"user_ids": user_ids, "item_ids": item_ids, "user_table": user_table, "item_table": item_table}


def reference(user_ids, item_ids, user_table, item_table):
    # nn.Embedding lookup -> table[idx]
    user_embedding = jnp.take(user_table, user_ids, axis=0)
    item_embedding = jnp.take(item_table, item_ids, axis=0)
    # torch.sum(user_embedding * item_embedding, dim=1)
    return jnp.sum(user_embedding * item_embedding, axis=1)

if __name__ == "__main__":
    import jax
    _d = setup_inputs()
    print(jax.jit(kernel)(*tuple(_d.values())))

</pallas_src>

<mosaic_0001>
#map = affine_map<(d0, d1) -> (0)>
#map1 = affine_map<(d0, d1) -> (0, 0)>
module attributes {stable_mosaic.version = 14 : i64} {
  func.func @_sc_dot(%arg0: i32, %arg1: i32, %arg2: memref<16384xi32, #tpu.memory_space<hbm>>, %arg3: memref<16384xi32, #tpu.memory_space<hbm>>, %arg4: memref<32x1000000xf32, #tpu.memory_space<hbm>>, %arg5: memref<32x1000000xf32, #tpu.memory_space<hbm>>, %arg6: memref<16384xf32, #tpu.memory_space<hbm>>, %arg7: memref<528xi32, #tpu.memory_space<vmem>>, %arg8: memref<528xi32, #tpu.memory_space<vmem>>, %arg9: memref<8x32x128xf32, #tpu.memory_space<vmem>>, %arg10: memref<8x32x128xf32, #tpu.memory_space<vmem>>, %arg11: memref<512xf32, #tpu.memory_space<vmem>>, %arg12: memref<!tpu.dma_semaphore, #tpu.memory_space<semaphore_mem>>, %arg13: memref<!tpu.dma_semaphore, #tpu.memory_space<semaphore_mem>>) attributes {dimension_semantics = [#tpu.dimension_semantics<core_parallel>, #tpu.dimension_semantics<subcore_parallel>], iteration_bounds = array<i64: 2, 16>, scalar_prefetch = 0 : i64, scratch_operands = 7 : i64, tpu.core_type = #tpu.core_type<sc_vector_subcore>, window_params = [{transform_indices = #map}, {transform_indices = #map}, {transform_indices = #map1}, {transform_indices = #map1}, {transform_indices = #map}]} {
    %mul3A = arith.constant 2 : i32
    %mul3A_0 = arith.muli %arg1, %mul3A : i32
    %add3A = arith.addi %mul3A_0, %arg0 : i32
    %mul3A_1 = arith.constant 512 : i32
    %mul3A_2 = arith.muli %add3A, %mul3A_1 : i32
    "tpu.region"() ({
      %run_scoped3A = tpu.sem_alloc : memref<!tpu.dma_semaphore, #tpu.memory_space<semaphore_mem>>
      %dma_start3A_1447 = arith.constant 0 : i32
      %dma_start3A_1448 = tpu.memref_slice %arg7[%dma_start3A_1447] : memref<528xi32, #tpu.memory_space<vmem>> -> memref<512xi32, #tpu.memory_space<vmem>>
      %dma_start3A_1449 = tpu.memref_slice %arg2[%mul3A_2] : memref<16384xi32, #tpu.memory_space<hbm>> -> memref<512xi32, #tpu.memory_space<hbm>>
      %dma_start3A_1450 = arith.constant 0 : i32
      %dma_start3A_1451 = tpu.memref_slice %arg7[%dma_start3A_1450] : memref<528xi32, #tpu.memory_space<vmem>> -> memref<512xi32, #tpu.memory_space<vmem>>
      %dma_start3A_1452 = tpu.memref_slice %arg2[%mul3A_2] : memref<16384xi32, #tpu.memory_space<hbm>> -> memref<512xi32, #tpu.memory_space<hbm>>
      tpu.enqueue_dma source(%dma_start3A_1452 : memref<512xi32, #tpu.memory_space<hbm>>) target(%dma_start3A_1451 : memref<512xi32, #tpu.memory_space<vmem>>) target_semaphore(%run_scoped3A : memref<!tpu.dma_semaphore, #tpu.memory_space<semaphore_mem>>)
      %dma_wait3A_1453 = arith.constant 0 : i32
      %dma_wait3A_1454 = tpu.memref_slice %arg7[%dma_wait3A_1453] : memref<528xi32, #tpu.memory_space<vmem>> -> memref<512xi32, #tpu.memory_space<vmem>>
      %dma_wait3A_1455 = tpu.memref_slice %arg2[%mul3A_2] : memref<16384xi32, #tpu.memory_space<hbm>> -> memref<512xi32, #tpu.memory_space<hbm>>
      %dma_wait3A_1456 = arith.constant 0 : i32
      %dma_wait3A_1457 = tpu.memref_slice %arg7[%dma_wait3A_1456] : memref<528xi32, #tpu.memory_space<vmem>> -> memref<512xi32, #tpu.memory_space<vmem>>
      %dma_wait3A_1458 = tpu.memref_slice %arg2[%mul3A_2] : memref<16384xi32, #tpu.memory_space<hbm>> -> memref<512xi32, #tpu.memory_space<hbm>>
      tpu.wait_dma2 semaphore(%run_scoped3A : memref<!tpu.dma_semaphore, #tpu.memory_space<semaphore_mem>>) src(%dma_wait3A_1458 : memref<512xi32, #tpu.memory_space<hbm>>) dst(%dma_wait3A_1457 : memref<512xi32, #tpu.memory_space<vmem>>)
      tpu.yield
    }) : () -> ()
    "tpu.region"() ({
      %run_scoped3A = tpu.sem_alloc : memref<!tpu.dma_semaphore, #tpu.memory_space<semaphore_mem>>
      %dma_start3A_1447 = arith.constant 0 : i32
      %dma_start3A_1448 = tpu.memref_slice %arg8[%dma_start3A_1447] : memref<528xi32, #tpu.memory_space<vmem>> -> memref<512xi32, #tpu.memory_space<vmem>>
      %dma_start3A_1449 = tpu.memref_slice %arg3[%mul3A_2] : memref<16384xi32, #tpu.memory_space<hbm>> -> memref<512xi32, #tpu.memory_space<hbm>>
      %dma_start3A_1450 = arith.constant 0 : i32
      %dma_start3A_1451 = tpu.memref_slice %arg8[%dma_start3A_1450] : memref<528xi32, #tpu.memory_space<vmem>> -> memref<512xi32, #tpu.memory_space<vmem>>
      %dma_start3A_1452 = tpu.memref_slice %arg3[%mul3A_2] : memref<16384xi32, #tpu.memory_space<hbm>> -> memref<512xi32, #tpu.memory_space<hbm>>
      tpu.enqueue_dma source(%dma_start3A_1452 : memref<512xi32, #tpu.memory_space<hbm>>) target(%dma_start3A_1451 : memref<512xi32, #tpu.memory_space<vmem>>) target_semaphore(%run_scoped3A : memref<!tpu.dma_semaphore, #tpu.memory_space<semaphore_mem>>)
      %dma_wait3A_1453 = arith.constant 0 : i32
      %dma_wait3A_1454 = tpu.memref_slice %arg8[%dma_wait3A_1453] : memref<528xi32, #tpu.memory_space<vmem>> -> memref<512xi32, #tpu.memory_space<vmem>>
      %dma_wait3A_1455 = tpu.memref_slice %arg3[%mul3A_2] : memref<16384xi32, #tpu.memory_space<hbm>> -> memref<512xi32, #tpu.memory_space<hbm>>
      %dma_wait3A_1456 = arith.constant 0 : i32
      %dma_wait3A_1457 = tpu.memref_slice %arg8[%dma_wait3A_1456] : memref<528xi32, #tpu.memory_space<vmem>> -> memref<512xi32, #tpu.memory_space<vmem>>
      %dma_wait3A_1458 = tpu.memref_slice %arg3[%mul3A_2] : memref<16384xi32, #tpu.memory_space<hbm>> -> memref<512xi32, #tpu.memory_space<hbm>>
      tpu.wait_dma2 semaphore(%run_scoped3A : memref<!tpu.dma_semaphore, #tpu.memory_space<semaphore_mem>>) src(%dma_wait3A_1458 : memref<512xi32, #tpu.memory_space<hbm>>) dst(%dma_wait3A_1457 : memref<512xi32, #tpu.memory_space<vmem>>)
      tpu.yield
    }) : () -> ()
    %broadcast_in_dim3A = arith.constant 0 : i32
    %broadcast_in_dim3A_3 = vector.broadcast %broadcast_in_dim3A : i32 to vector<16xi32>
    %swap3A = arith.constant 512 : index
    %swap3A_4 = tpu.vector_load %arg7[%swap3A] {strides = array<i32>} : memref<528xi32, #tpu.memory_space<vmem>>, vector<16xi32>,
    tpu.vector_store %arg7[%swap3A], %broadcast_in_dim3A_3 {strides = array<i32>} : memref<528xi32, #tpu.memory_space<vmem>>, vector<16xi32>,
    %broadcast_in_dim3A_5 = arith.constant 0 : i32
    %broadcast_in_dim3A_6 = vector.broadcast %broadcast_in_dim3A_5 : i32 to vector<16xi32>
    %swap3A_7 = arith.constant 512 : index
    %swap3A_8 = tpu.vector_load %arg8[%swap3A_7] {strides = array<i32>} : memref<528xi32, #tpu.memory_space<vmem>>, vector<16xi32>,
    tpu.vector_store %arg8[%swap3A_7], %broadcast_in_dim3A_6 {strides = array<i32>} : memref<528xi32, #tpu.memory_space<vmem>>, vector<16xi32>,
    %iota3A = tpu.iota {dimensions = array<i32: 0>} : vector<16xi32>
    %add3A_9 = arith.constant 16 : i32
    %add3A_10 = vector.broadcast %add3A_9 : i32 to vector<16xi32>
    %add3A_11 = arith.addi %iota3A, %add3A_10 : vector<16xi32>
    %get3A = arith.constant 0 : index
    %get3A_12 = tpu.vector_load %arg7[%get3A] {strides = array<i32>} : memref<528xi32, #tpu.memory_space<vmem>>, vector<16xi32>,
    %get3A_13 = arith.constant 0 : index
    %get3A_14 = tpu.vector_load %arg8[%get3A_13] {strides = array<i32>} : memref<528xi32, #tpu.memory_space<vmem>>, vector<16xi32>,
    %slice3A = vector.extract_strided_slice %get3A_12 {offsets = [0], sizes = [1], strides = [1]} : vector<16xi32> to vector<1xi32>
    %squeeze3A = vector.extract %slice3A[0] : i32 from vector<1xi32>
    %jit3A = arith.constant 128 : i32
    %div3A = arith.divsi %squeeze3A, %jit3A : i32
    %sign3A = arith.constant 0 : i32
    %sign3A_15 = arith.cmpi sgt, %squeeze3A, %sign3A : i32
    %sign3A_16 = arith.extui %sign3A_15 : i1 to i32
    %sign3A_17 = arith.constant 0 : i32
    %sign3A_18 = arith.cmpi slt, %squeeze3A, %sign3A_17 : i32
    %sign3A_19 = arith.extui %sign3A_18 : i1 to i32
    %sign3A_20 = arith.subi %sign3A_16, %sign3A_19 : i32
    %sign3A_21 = arith.constant 0 : i32
    %sign3A_22 = arith.cmpi sgt, %jit3A, %sign3A_21 : i32
    %sign3A_23 = arith.extui %sign3A_22 : i1 to i32
    %sign3A_24 = arith.constant 0 : i32
    %sign3A_25 = arith.cmpi slt, %jit3A, %sign3A_24 : i32
    %sign3A_26 = arith.extui %sign3A_25 : i1 to i32
    %sign3A_27 = arith.subi %sign3A_23, %sign3A_26 : i32
    %ne3A = arith.cmpi ne, %sign3A_20, %sign3A_27 : i32
    %rem3A = arith.remsi %squeeze3A, %jit3A : i32
    %ne3A_28 = arith.constant 0 : i32
    %ne3A_29 = arith.cmpi ne, %rem3A, %ne3A_28 : i32
    %and3A = arith.andi %ne3A, %ne3A_29 : i1
    %sub3A = arith.constant 1 : i32
    %sub3A_30 = arith.subi %div3A, %sub3A : i32
    %select_n3A = arith.select %and3A, %sub3A_30, %div3A : i32
    %mul3A_31 = arith.constant 128 : i32
    %mul3A_32 = arith.muli %select_n3A, %mul3A_31 : i32
    %multiple_of3A = tpu.assume_multiple %mul3A_32, 128 : i32
    %dma_start3A = arith.constant 0 : i32
    %dma_start3A_33 = arith.constant 0 : i32
    %dma_start3A_34 = arith.constant 0 : i32
    %dma_start3A_35 = tpu.memref_slice %arg9[%dma_start3A, %dma_start3A_33, %dma_start3A_34] : memref<8x32x128xf32, #tpu.memory_space<vmem>> -> memref<1x32x128xf32, #tpu.memory_space<vmem>>
    %dma_start3A_36 = tpu.memref_squeeze %dma_start3A_35 : memref<1x32x128xf32, #tpu.memory_space<vmem>> -> memref<32x128xf32, #tpu.memory_space<vmem>>
    %dma_start3A_37 = arith.constant 0 : i32
    %dma_start3A_38 = tpu.memref_slice %arg4[%dma_start3A_37, %multiple_of3A] : memref<32x1000000xf32, #tpu.memory_space<hbm>> -> memref<32x128xf32, #tpu.memory_space<hbm>>
    %dma_start3A_39 = arith.constant 0 : i32
    %dma_start3A_40 = arith.constant 0 : i32
    %dma_start3A_41 = tpu.memref_slice %arg9[%dma_start3A, %dma_start3A_39, %dma_start3A_40] : memref<8x32x128xf32, #tpu.memory_space<vmem>> -> memref<1x32x128xf32, #tpu.memory_space<vmem>>
    %dma_start3A_42 = tpu.memref_squeeze %dma_start3A_41 : memref<1x32x128xf32, #tpu.memory_space<vmem>> -> memref<32x128xf32, #tpu.memory_space<vmem>>
    %dma_start3A_43 = arith.constant 0 : i32
    %dma_start3A_44 = tpu.memref_slice %arg4[%dma_start3A_43, %multiple_of3A] : memref<32x1000000xf32, #tpu.memory_space<hbm>> -> memref<32x128xf32, #tpu.memory_space<hbm>>
    tpu.enqueue_dma source(%dma_start3A_44 : memref<32x128xf32, #tpu.memory_space<hbm>>) target(%dma_start3A_42 : memref<32x128xf32, #tpu.memory_space<vmem>>) target_semaphore(%arg12 : memref<!tpu.dma_semaphore, #tpu.memory_space<semaphore_mem>>)
    %slice3A_45 = vector.extract_strided_slice %get3A_14 {offsets = [0], sizes = [1], strides = [1]} : vector<16xi32> to vector<1xi32>
    %squeeze3A_46 = vector.extract %slice3A_45[0] : i32 from vector<1xi32>
    %jit3A_47 = arith.constant 128 : i32
    %div3A_48 = arith.divsi %squeeze3A_46, %jit3A_47 : i32
    %sign3A_49 = arith.constant 0 : i32
    %sign3A_50 = arith.cmpi sgt, %squeeze3A_46, %sign3A_49 : i32
    %sign3A_51 = arith.extui %sign3A_50 : i1 to i32
    %sign3A_52 = arith.constant 0 : i32
    %sign3A_53 = arith.cmpi slt, %squeeze3A_46, %sign3A_52 : i32
    %sign3A_54 = arith.extui %sign3A_53 : i1 to i32
    %sign3A_55 = arith.subi %sign3A_51, %sign3A_54 : i32
    %sign3A_56 = arith.constant 0 : i32
    %sign3A_57 = arith.cmpi sgt, %jit3A_47, %sign3A_56 : i32
    %sign3A_58 = arith.extui %sign3A_57 : i1 to i32
    %sign3A_59 = arith.constant 0 : i32
    %sign3A_60 = arith.cmpi slt, %jit3A_47, %sign3A_59 : i32
    %sign3A_61 = arith.extui %sign3A_60 : i1 to i32
    %sign3A_62 = arith.subi %sign3A_58, %sign3A_61 : i32
    %ne3A_63 = arith.cmpi ne, %sign3A_55, %sign3A_62 : i32
    %rem3A_64 = arith.remsi %squeeze3A_46, %jit3A_47 : i32
    %ne3A_65 = arith.constant 0 : i32
    %ne3A_66 = arith.cmpi ne, %rem3A_64, %ne3A_65 : i32
    %and3A_67 = arith.andi %ne3A_63, %ne3A_66 : i1
    %sub3A_68 = arith.constant 1 : i32
    %sub3A_69 = arith.subi %div3A_48, %sub3A_68 : i32
    %select_n3A_70 = arith.select %and3A_67, %sub3A_69, %div3A_48 : i32
    %mul3A_71 = arith.constant 128 : i32
    %mul3A_72 = arith.muli %select_n3A_70, %mul3A_71 : i32
    %multiple_of3A_73 = tpu.assume_multiple %mul3A_72, 128 : i32
    %dma_start3A_74 = arith.constant 0 : i32
    %dma_start3A_75 = arith.constant 0 : i32
    %dma_start3A_76 = arith.constant 0 : i32
    %dma_start3A_77 = tpu.memref_slice %arg10[%dma_start3A_74, %dma_start3A_75, %dma_start3A_76] : memref<8x32x128xf32, #tpu.memory_space<vmem>> -> memref<1x32x128xf32, #tpu.memory_space<vmem>>
    %dma_start3A_78 = tpu.memref_squeeze %dma_start3A_77 : memref<1x32x128xf32, #tpu.memory_space<vmem>> -> memref<32x128xf32, #tpu.memory_space<vmem>>
    %dma_start3A_79 = arith.constant 0 : i32
    %dma_start3A_80 = tpu.memref_slice %arg5[%dma_start3A_79, %multiple_of3A_73] : memref<32x1000000xf32, #tpu.memory_space<hbm>> -> memref<32x128xf32, #tpu.memory_space<hbm>>
    %dma_start3A_81 = arith.constant 0 : i32
    %dma_start3A_82 = arith.constant 0 : i32
    %dma_start3A_83 = tpu.memref_slice %arg10[%dma_start3A_74, %dma_start3A_81, %dma_start3A_82] : memref<8x32x128xf32, #tpu.memory_space<vmem>> -> memref<1x32x128xf32, #tpu.memory_space<vmem>>
    %dma_start3A_84 = tpu.memref_squeeze %dma_start3A_83 : memref<1x32x128xf32, #tpu.memory_space<vmem>> -> memref<32x128xf32, #tpu.memory_space<vmem>>
    %dma_start3A_85 = arith.constant 0 : i32
    %dma_start3A_86 = tpu.memref_slice %arg5[%dma_start3A_85, %multiple_of3A_73] : memref<32x1000000xf32, #tpu.memory_space<hbm>> -> memref<32x128xf32, #tpu.memory_space<hbm>>
    tpu.enqueue_dma source(%dma_start3A_86 : memref<32x128xf32, #tpu.memory_space<hbm>>) target(%dma_start3A_84 : memref<32x128xf32, #tpu.memory_space<vmem>>) target_semaphore(%arg13 : memref<!tpu.dma_semaphore, #tpu.memory_space<semaphore_mem>>)
    %slice3A_87 = vector.extract_strided_slice %get3A_12 {offsets = [1], sizes = [1], strides = [1]} : vector<16xi32> to vector<1xi32>
    %squeeze3A_88 = vector.extract %slice3A_87[0] : i32 from vector<1xi32>
    %jit3A_89 = arith.constant 128 : i32
    %div3A_90 = arith.divsi %squeeze3A_88, %jit3A_89 : i32
    %sign3A_91 = arith.constant 0 : i32
    %sign3A_92 = arith.cmpi sgt, %squeeze3A_88, %sign3A_91 : i32
    %sign3A_93 = arith.extui %sign3A_92 : i1 to i32
    %sign3A_94 = arith.constant 0 : i32
    %sign3A_95 = arith.cmpi slt, %squeeze3A_88, %sign3A_94 : i32
    %sign3A_96 = arith.extui %sign3A_95 : i1 to i32
    %sign3A_97 = arith.subi %sign3A_93, %sign3A_96 : i32
    %sign3A_98 = arith.constant 0 : i32
    %sign3A_99 = arith.cmpi sgt, %jit3A_89, %sign3A_98 : i32
    %sign3A_100 = arith.extui %sign3A_99 : i1 to i32
    %sign3A_101 = arith.constant 0 : i32
    %sign3A_102 = arith.cmpi slt, %jit3A_89, %sign3A_101 : i32
    %sign3A_103 = arith.extui %sign3A_102 : i1 to i32
    %sign3A_104 = arith.subi %sign3A_100, %sign3A_103 : i32
    %ne3A_105 = arith.cmpi ne, %sign3A_97, %sign3A_104 : i32
    %rem3A_106 = arith.remsi %squeeze3A_88, %jit3A_89 : i32
    %ne3A_107 = arith.constant 0 : i32
    %ne3A_108 = arith.cmpi ne, %rem3A_106, %ne3A_107 : i32
    %and3A_109 = arith.andi %ne3A_105, %ne3A_108 : i1
    %sub3A_110 = arith.constant 1 : i32
    %sub3A_111 = arith.subi %div3A_90, %sub3A_110 : i32
    %select_n3A_112 = arith.select %and3A_109, %sub3A_111, %div3A_90 : i32
    %mul3A_113 = arith.constant 128 : i32
    %mul3A_114 = arith.muli %select_n3A_112, %mul3A_113 : i32
    %multiple_of3A_115 = tpu.assume_multiple %mul3A_114, 128 : i32
    %dma_start3A_116 = arith.constant 1 : i32
    %dma_start3A_117 = arith.constant 0 : i32
    %dma_start3A_118 = arith.constant 0 : i32
    %dma_start3A_119 = tpu.memref_slice %arg9[%dma_start3A_116, %dma_start3A_117, %dma_start3A_118] : memref<8x32x128xf32, #tpu.memory_space<vmem>> -> memref<1x32x128xf32, #tpu.memory_space<vmem>>
    %dma_start3A_120 = tpu.memref_squeeze %dma_start3A_119 : memref<1x32x128xf32, #tpu.memory_space<vmem>> -> memref<32x128xf32, #tpu.memory_space<vmem>>
    %dma_start3A_121 = arith.constant 0 : i32
    %dma_start3A_122 = tpu.memref_slice %arg4[%dma_start3A_121, %multiple_of3A_115] : memref<32x1000000xf32, #tpu.memory_space<hbm>> -> memref<32x128xf32, #tpu.memory_space<hbm>>
    %dma_start3A_123 = arith.constant 0 : i32
    %dma_start3A_124 = arith.constant 0 : i32
    %dma_start3A_125 = tpu.memref_slice %arg9[%dma_start3A_116, %dma_start3A_123, %dma_start3A_124] : memref<8x32x128xf32, #tpu.memory_space<vmem>> -> memref<1x32x128xf32, #tpu.memory_space<vmem>>
    %dma_start3A_126 = tpu.memref_squeeze %dma_start3A_125 : memref<1x32x128xf32, #tpu.memory_space<vmem>> -> memref<32x128xf32, #tpu.memory_space<vmem>>
    %dma_start3A_127 = arith.constant 0 : i32
    %dma_start3A_128 = tpu.memref_slice %arg4[%dma_start3A_127, %multiple_of3A_115] : memref<32x1000000xf32, #tpu.memory_space<hbm>> -> memref<32x128xf32, #tpu.memory_space<hbm>>
    tpu.enqueue_dma source(%dma_start3A_128 : memref<32x128xf32, #tpu.memory_space<hbm>>) target(%dma_start3A_126 : memref<32x128xf32, #tpu.memory_space<vmem>>) target_semaphore(%arg12 : memref<!tpu.dma_semaphore, #tpu.memory_space<semaphore_mem>>)
    %slice3A_129 = vector.extract_strided_slice %get3A_14 {offsets = [1], sizes = [1], strides = [1]} : vector<16xi32> to vector<1xi32>
    %squeeze3A_130 = vector.extract %slice3A_129[0] : i32 from vector<1xi32>
    %jit3A_131 = arith.constant 128 : i32
    %div3A_132 = arith.divsi %squeeze3A_130, %jit3A_131 : i32
    %sign3A_133 = arith.constant 0 : i32
    %sign3A_134 = arith.cmpi sgt, %squeeze3A_130, %sign3A_133 : i32
    %sign3A_135 = arith.extui %sign3A_134 : i1 to i32
    %sign3A_136 = arith.constant 0 : i32
    %sign3A_137 = arith.cmpi slt, %squeeze3A_130, %sign3A_136 : i32
    %sign3A_138 = arith.extui %sign3A_137 : i1 to i32
    %sign3A_139 = arith.subi %sign3A_135, %sign3A_138 : i32
    %sign3A_140 = arith.constant 0 : i32
    %sign3A_141 = arith.cmpi sgt, %jit3A_131, %sign3A_140 : i32
    %sign3A_142 = arith.extui %sign3A_141 : i1 to i32
    %sign3A_143 = arith.constant 0 : i32
    %sign3A_144 = arith.cmpi slt, %jit3A_131, %sign3A_143 : i32
    %sign3A_145 = arith.extui %sign3A_144 : i1 to i32
    %sign3A_146 = arith.subi %sign3A_142, %sign3A_145 : i32
    %ne3A_147 = arith.cmpi ne, %sign3A_139, %sign3A_146 : i32
    %rem3A_148 = arith.remsi %squeeze3A_130, %jit3A_131 : i32
    %ne3A_149 = arith.constant 0 : i32
    %ne3A_150 = arith.cmpi ne, %rem3A_148, %ne3A_149 : i32
    %and3A_151 = arith.andi %ne3A_147, %ne3A_150 : i1
    %sub3A_152 = arith.constant 1 : i32
    %sub3A_153 = arith.subi %div3A_132, %sub3A_152 : i32
    %select_n3A_154 = arith.select %and3A_151, %sub3A_153, %div3A_132 : i32
    %mul3A_155 = arith.constant 128 : i32
    %mul3A_156 = arith.muli %select_n3A_154, %mul3A_155 : i32
    %multiple_of3A_157 = tpu.assume_multiple %mul3A_156, 128 : i32
    %dma_start3A_158 = arith.constant 1 : i32
    %dma_start3A_159 = arith.constant 0 : i32
    %dma_start3A_160 = arith.constant 0 : i32
    %dma_start3A_161 = tpu.memref_slice %arg10[%dma_start3A_158, %dma_start3A_159, %dma_start3A_160] : memref<8x32x128xf32, #tpu.memory_space<vmem>> -> memref<1x32x128xf32, #tpu.memory_space<vmem>>
    %dma_start3A_162 = tpu.memref_squeeze %dma_start3A_161 : memref<1x32x128xf32, #tpu.memory_space<vmem>> -> memref<32x128xf32, #tpu.memory_space<vmem>>
    %dma_start3A_163 = arith.constant 0 : i32
    %dma_start3A_164 = tpu.memref_slice %arg5[%dma_start3A_163, %multiple_of3A_157] : memref<32x1000000xf32, #tpu.memory_space<hbm>> -> memref<32x128xf32, #tpu.memory_space<hbm>>
    %dma_start3A_165 = arith.constant 0 : i32
    %dma_start3A_166 = arith.constant 0 : i32
    %dma_start3A_167 = tpu.memref_slice %arg10[%dma_start3A_158, %dma_start3A_165, %dma_start3A_166] : memref<8x32x128xf32, #tpu.memory_space<vmem>> -> memref<1x32x128xf32, #tpu.memory_space<vmem>>
    %dma_start3A_168 = tpu.memref_squeeze %dma_start3A_167 : memref<1x32x128xf32, #tpu.memory_space<vmem>> -> memref<32x128xf32, #tpu.memory_space<vmem>>
    %dma_start3A_169 = arith.constant 0 : i32
    %dma_start3A_170 = tpu.memref_slice %arg5[%dma_start3A_169, %multiple_of3A_157] : memref<32x1000000xf32, #tpu.memory_space<hbm>> -> memref<32x128xf32, #tpu.memory_space<hbm>>
    tpu.enqueue_dma source(%dma_start3A_170 : memref<32x128xf32, #tpu.memory_space<hbm>>) target(%dma_start3A_168 : memref<32x128xf32, #tpu.memory_space<vmem>>) target_semaphore(%arg13 : memref<!tpu.dma_semaphore, #tpu.memory_space<semaphore_mem>>)
    %slice3A_171 = vector.extract_strided_slice %get3A_12 {offsets = [2], sizes = [1], strides = [1]} : vector<16xi32> to vector<1xi32>
    %squeeze3A_172 = vector.extract %slice3A_171[0] : i32 from vector<1xi32>
    %jit3A_173 = arith.constant 128 : i32
    %div3A_174 = arith.divsi %squeeze3A_172, %jit3A_173 : i32
    %sign3A_175 = arith.constant 0 : i32
    %sign3A_176 = arith.cmpi sgt, %squeeze3A_172, %sign3A_175 : i32
    %sign3A_177 = arith.extui %sign3A_176 : i1 to i32
    %sign3A_178 = arith.constant 0 : i32
    %sign3A_179 = arith.cmpi slt, %squeeze3A_172, %sign3A_178 : i32
    %sign3A_180 = arith.extui %sign3A_179 : i1 to i32
    %sign3A_181 = arith.subi %sign3A_177, %sign3A_180 : i32
    %sign3A_182 = arith.constant 0 : i32
    %sign3A_183 = arith.cmpi sgt, %jit3A_173, %sign3A_182 : i32
    %sign3A_184 = arith.extui %sign3A_183 : i1 to i32
    %sign3A_185 = arith.constant 0 : i32
    %sign3A_186 = arith.cmpi slt, %jit3A_173, %sign3A_185 : i32
    %sign3A_187 = arith.extui %sign3A_186 : i1 to i32
    %sign3A_188 = arith.subi %sign3A_184, %sign3A_187 : i32
    %ne3A_189 = arith.cmpi ne, %sign3A_181, %sign3A_188 : i32
    %rem3A_190 = arith.remsi %squeeze3A_172, %jit3A_173 : i32
    %ne3A_191 = arith.constant 0 : i32
    %ne3A_192 = arith.cmpi ne, %rem3A_190, %ne3A_191 : i32
    %and3A_193 = arith.andi %ne3A_189, %ne3A_192 : i1
    %sub3A_194 = arith.constant 1 : i32
    %sub3A_195 = arith.subi %div3A_174, %sub3A_194 : i32
    %select_n3A_196 = arith.select %and3A_193, %sub3A_195, %div3A_174 : i32
    %mul3A_197 = arith.constant 128 : i32
    %mul3A_198 = arith.muli %select_n3A_196, %mul3A_197 : i32
    %multiple_of3A_199 = tpu.assume_multiple %mul3A_198, 128 : i32
    %dma_start3A_200 = arith.constant 2 : i32
    %dma_start3A_201 = arith.constant 0 : i32
    %dma_start3A_202 = arith.constant 0 : i32
    %dma_start3A_203 = tpu.memref_slice %arg9[%dma_start3A_200, %dma_start3A_201, %dma_start3A_202] : memref<8x32x128xf32, #tpu.memory_space<vmem>> -> memref<1x32x128xf32, #tpu.memory_space<vmem>>
    %dma_start3A_204 = tpu.memref_squeeze %dma_start3A_203 : memref<1x32x128xf32, #tpu.memory_space<vmem>> -> memref<32x128xf32, #tpu.memory_space<vmem>>
    %dma_start3A_205 = arith.constant 0 : i32
    %dma_start3A_206 = tpu.memref_slice %arg4[%dma_start3A_205, %multiple_of3A_199] : memref<32x1000000xf32, #tpu.memory_space<hbm>> -> memref<32x128xf32, #tpu.memory_space<hbm>>
    %dma_start3A_207 = arith.constant 0 : i32
    %dma_start3A_208 = arith.constant 0 : i32
    %dma_start3A_209 = tpu.memref_slice %arg9[%dma_start3A_200, %dma_start3A_207, %dma_start3A_208] : memref<8x32x128xf32, #tpu.memory_space<vmem>> -> memref<1x32x128xf32, #tpu.memory_space<vmem>>
    %dma_start3A_210 = tpu.memref_squeeze %dma_start3A_209 : memref<1x32x128xf32, #tpu.memory_space<vmem>> -> memref<32x128xf32, #tpu.memory_space<vmem>>
    %dma_start3A_211 = arith.constant 0 : i32
    %dma_start3A_212 = tpu.memref_slice %arg4[%dma_start3A_211, %multiple_of3A_199] : memref<32x1000000xf32, #tpu.memory_space<hbm>> -> memref<32x128xf32, #tpu.memory_space<hbm>>
    tpu.enqueue_dma source(%dma_start3A_212 : memref<32x128xf32, #tpu.memory_space<hbm>>) target(%dma_start3A_210 : memref<32x128xf32, #tpu.memory_space<vmem>>) target_semaphore(%arg12 : memref<!tpu.dma_semaphore, #tpu.memory_space<semaphore_mem>>)
    %slice3A_213 = vector.extract_strided_slice %get3A_14 {offsets = [2], sizes = [1], strides = [1]} : vector<16xi32> to vector<1xi32>
    %squeeze3A_214 = vector.extract %slice3A_213[0] : i32 from vector<1xi32>
    %jit3A_215 = arith.constant 128 : i32
    %div3A_216 = arith.divsi %squeeze3A_214, %jit3A_215 : i32
    %sign3A_217 = arith.constant 0 : i32
    %sign3A_218 = arith.cmpi sgt, %squeeze3A_214, %sign3A_217 : i32
    %sign3A_219 = arith.extui %sign3A_218 : i1 to i32
    %sign3A_220 = arith.constant 0 : i32
    %sign3A_221 = arith.cmpi slt, %squeeze3A_214, %sign3A_220 : i32
    %sign3A_222 = arith.extui %sign3A_221 : i1 to i32
    %sign3A_223 = arith.subi %sign3A_219, %sign3A_222 : i32
    %sign3A_224 = arith.constant 0 : i32
    %sign3A_225 = arith.cmpi sgt, %jit3A_215, %sign3A_224 : i32
    %sign3A_226 = arith.extui %sign3A_225 : i1 to i32
    %sign3A_227 = arith.constant 0 : i32
    %sign3A_228 = arith.cmpi slt, %jit3A_215, %sign3A_227 : i32
    %sign3A_229 = arith.extui %sign3A_228 : i1 to i32
    %sign3A_230 = arith.subi %sign3A_226, %sign3A_229 : i32
    %ne3A_231 = arith.cmpi ne, %sign3A_223, %sign3A_230 : i32
    %rem3A_232 = arith.remsi %squeeze3A_214, %jit3A_215 : i32
    %ne3A_233 = arith.constant 0 : i32
    %ne3A_234 = arith.cmpi ne, %rem3A_232, %ne3A_233 : i32
    %and3A_235 = arith.andi %ne3A_231, %ne3A_234 : i1
    %sub3A_236 = arith.constant 1 : i32
    %sub3A_237 = arith.subi %div3A_216, %sub3A_236 : i32
    %select_n3A_238 = arith.select %and3A_235, %sub3A_237, %div3A_216 : i32
    %mul3A_239 = arith.constant 128 : i32
    %mul3A_240 = arith.muli %select_n3A_238, %mul3A_239 : i32
    %multiple_of3A_241 = tpu.assume_multiple %mul3A_240, 128 : i32
    %dma_start3A_242 = arith.constant 2 : i32
    %dma_start3A_243 = arith.constant 0 : i32
    %dma_start3A_244 = arith.constant 0 : i32
    %dma_start3A_245 = tpu.memref_slice %arg10[%dma_start3A_242, %dma_start3A_243, %dma_start3A_244] : memref<8x32x128xf32, #tpu.memory_space<vmem>> -> memref<1x32x128xf32, #tpu.memory_space<vmem>>
    %dma_start3A_246 = tpu.memref_squeeze %dma_start3A_245 : memref<1x32x128xf32, #tpu.memory_space<vmem>> -> memref<32x128xf32, #tpu.memory_space<vmem>>
    %dma_start3A_247 = arith.constant 0 : i32
    %dma_start3A_248 = tpu.memref_slice %arg5[%dma_start3A_247, %multiple_of3A_241] : memref<32x1000000xf32, #tpu.memory_space<hbm>> -> memref<32x128xf32, #tpu.memory_space<hbm>>
    %dma_start3A_249 = arith.constant 0 : i32
    %dma_start3A_250 = arith.constant 0 : i32
    %dma_start3A_251 = tpu.memref_slice %arg10[%dma_start3A_242, %dma_start3A_249, %dma_start3A_250] : memref<8x32x128xf32, #tpu.memory_space<vmem>> -> memref<1x32x128xf32, #tpu.memory_space<vmem>>
    %dma_start3A_252 = tpu.memref_squeeze %dma_start3A_251 : memref<1x32x128xf32, #tpu.memory_space<vmem>> -> memref<32x128xf32, #tpu.memory_space<vmem>>
    %dma_start3A_253 = arith.constant 0 : i32
    %dma_start3A_254 = tpu.memref_slice %arg5[%dma_start3A_253, %multiple_of3A_241] : memref<32x1000000xf32, #tpu.memory_space<hbm>> -> memref<32x128xf32, #tpu.memory_space<hbm>>
    tpu.enqueue_dma source(%dma_start3A_254 : memref<32x128xf32, #tpu.memory_space<hbm>>) target(%dma_start3A_252 : memref<32x128xf32, #tpu.memory_space<vmem>>) target_semaphore(%arg13 : memref<!tpu.dma_semaphore, #tpu.memory_space<semaphore_mem>>)
    %slice3A_255 = vector.extract_strided_slice %get3A_12 {offsets = [3], sizes = [1], strides = [1]} : vector<16xi32> to vector<1xi32>
    %squeeze3A_256 = vector.extract %slice3A_255[0] : i32 from vector<1xi32>
    %jit3A_257 = arith.constant 128 : i32
    %div3A_258 = arith.divsi %squeeze3A_256, %jit3A_257 : i32
    %sign3A_259 = arith.constant 0 : i32
    %sign3A_260 = arith.cmpi sgt, %squeeze3A_256, %sign3A_259 : i32
    %sign3A_261 = arith.extui %sign3A_260 : i1 to i32
    %sign3A_262 = arith.constant 0 : i32
    %sign3A_263 = arith.cmpi slt, %squeeze3A_256, %sign3A_262 : i32
    %sign3A_264 = arith.extui %sign3A_263 : i1 to i32
    %sign3A_265 = arith.subi %sign3A_261, %sign3A_264 : i32
    %sign3A_266 = arith.constant 0 : i32
    %sign3A_267 = arith.cmpi sgt, %jit3A_257, %sign3A_266 : i32
    %sign3A_268 = arith.extui %sign3A_267 : i1 to i32
    %sign3A_269 = arith.constant 0 : i32
    %sign3A_270 = arith.cmpi slt, %jit3A_257, %sign3A_269 : i32
    %sign3A_271 = arith.extui %sign3A_270 : i1 to i32
    %sign3A_272 = arith.subi %sign3A_268, %sign3A_271 : i32
    %ne3A_273 = arith.cmpi ne, %sign3A_265, %sign3A_272 : i32
    %rem3A_274 = arith.remsi %squeeze3A_256, %jit3A_257 : i32
    %ne3A_275 = arith.constant 0 : i32
    %ne3A_276 = arith.cmpi ne, %rem3A_274, %ne3A_275 : i32
    %and3A_277 = arith.andi %ne3A_273, %ne3A_276 : i1
    %sub3A_278 = arith.constant 1 : i32
    %sub3A_279 = arith.subi %div3A_258, %sub3A_278 : i32
    %select_n3A_280 = arith.select %and3A_277, %sub3A_279, %div3A_258 : i32
    %mul3A_281 = arith.constant 128 : i32
    %mul3A_282 = arith.muli %select_n3A_280, %mul3A_281 : i32
    %multiple_of3A_283 = tpu.assume_multiple %mul3A_282, 128 : i32
    %dma_start3A_284 = arith.constant 3 : i32
    %dma_start3A_285 = arith.constant 0 : i32
    %dma_start3A_286 = arith.constant 0 : i32
    %dma_start3A_287 = tpu.memref_slice %arg9[%dma_start3A_284, %dma_start3A_285, %dma_start3A_286] : memref<8x32x128xf32, #tpu.memory_space<vmem>> -> memref<1x32x128xf32, #tpu.memory_space<vmem>>
    %dma_start3A_288 = tpu.memref_squeeze %dma_start3A_287 : memref<1x32x128xf32, #tpu.memory_space<vmem>> -> memref<32x128xf32, #tpu.memory_space<vmem>>
    %dma_start3A_289 = arith.constant 0 : i32
    %dma_start3A_290 = tpu.memref_slice %arg4[%dma_start3A_289, %multiple_of3A_283] : memref<32x1000000xf32, #tpu.memory_space<hbm>> -> memref<32x128xf32, #tpu.memory_space<hbm>>
    %dma_start3A_291 = arith.constant 0 : i32
    %dma_start3A_292 = arith.constant 0 : i32
    %dma_start3A_293 = tpu.memref_slice %arg9[%dma_start3A_284, %dma_start3A_291, %dma_start3A_292] : memref<8x32x128xf32, #tpu.memory_space<vmem>> -> memref<1x32x128xf32, #tpu.memory_space<vmem>>
    %dma_start3A_294 = tpu.memref_squeeze %dma_start3A_293 : memref<1x32x128xf32, #tpu.memory_space<vmem>> -> memref<32x128xf32, #tpu.memory_space<vmem>>
    %dma_start3A_295 = arith.constant 0 : i32
    %dma_start3A_296 = tpu.memref_slice %arg4[%dma_start3A_295, %multiple_of3A_283] : memref<32x1000000xf32, #tpu.memory_space<hbm>> -> memref<32x128xf32, #tpu.memory_space<hbm>>
    tpu.enqueue_dma source(%dma_start3A_296 : memref<32x128xf32, #tpu.memory_space<hbm>>) target(%dma_start3A_294 : memref<32x128xf32, #tpu.memory_space<vmem>>) target_semaphore(%arg12 : memref<!tpu.dma_semaphore, #tpu.memory_space<semaphore_mem>>)
    %slice3A_297 = vector.extract_strided_slice %get3A_14 {offsets = [3], sizes = [1], strides = [1]} : vector<16xi32> to vector<1xi32>
    %squeeze3A_298 = vector.extract %slice3A_297[0] : i32 from vector<1xi32>
    %jit3A_299 = arith.constant 128 : i32
    %div3A_300 = arith.divsi %squeeze3A_298, %jit3A_299 : i32
    %sign3A_301 = arith.constant 0 : i32
    %sign3A_302 = arith.cmpi sgt, %squeeze3A_298, %sign3A_301 : i32
    %sign3A_303 = arith.extui %sign3A_302 : i1 to i32
    %sign3A_304 = arith.constant 0 : i32
    %sign3A_305 = arith.cmpi slt, %squeeze3A_298, %sign3A_304 : i32
    %sign3A_306 = arith.extui %sign3A_305 : i1 to i32
    %sign3A_307 = arith.subi %sign3A_303, %sign3A_306 : i32
    %sign3A_308 = arith.constant 0 : i32
    %sign3A_309 = arith.cmpi sgt, %jit3A_299, %sign3A_308 : i32
    %sign3A_310 = arith.extui %sign3A_309 : i1 to i32
    %sign3A_311 = arith.constant 0 : i32
    %sign3A_312 = arith.cmpi slt, %jit3A_299, %sign3A_311 : i32
    %sign3A_313 = arith.extui %sign3A_312 : i1 to i32
    %sign3A_314 = arith.subi %sign3A_310, %sign3A_313 : i32
    %ne3A_315 = arith.cmpi ne, %sign3A_307, %sign3A_314 : i32
    %rem3A_316 = arith.remsi %squeeze3A_298, %jit3A_299 : i32
    %ne3A_317 = arith.constant 0 : i32
    %ne3A_318 = arith.cmpi ne, %rem3A_316, %ne3A_317 : i32
    %and3A_319 = arith.andi %ne3A_315, %ne3A_318 : i1
    %sub3A_320 = arith.constant 1 : i32
    %sub3A_321 = arith.subi %div3A_300, %sub3A_320 : i32
    %select_n3A_322 = arith.select %and3A_319, %sub3A_321, %div3A_300 : i32
    %mul3A_323 = arith.constant 128 : i32
    %mul3A_324 = arith.muli %select_n3A_322, %mul3A_323 : i32
    %multiple_of3A_325 = tpu.assume_multiple %mul3A_324, 128 : i32
    %dma_start3A_326 = arith.constant 3 : i32
    %dma_start3A_327 = arith.constant 0 : i32
    %dma_start3A_328 = arith.constant 0 : i32
    %dma_start3A_329 = tpu.memref_slice %arg10[%dma_start3A_326, %dma_start3A_327, %dma_start3A_328] : memref<8x32x128xf32, #tpu.memory_space<vmem>> -> memref<1x32x128xf32, #tpu.memory_space<vmem>>
    %dma_start3A_330 = tpu.memref_squeeze %dma_start3A_329 : memref<1x32x128xf32, #tpu.memory_space<vmem>> -> memref<32x128xf32, #tpu.memory_space<vmem>>
    %dma_start3A_331 = arith.constant 0 : i32
    %dma_start3A_332 = tpu.memref_slice %arg5[%dma_start3A_331, %multiple_of3A_325] : memref<32x1000000xf32, #tpu.memory_space<hbm>> -> memref<32x128xf32, #tpu.memory_space<hbm>>
    %dma_start3A_333 = arith.constant 0 : i32
    %dma_start3A_334 = arith.constant 0 : i32
    %dma_start3A_335 = tpu.memref_slice %arg10[%dma_start3A_326, %dma_start3A_333, %dma_start3A_334] : memref<8x32x128xf32, #tpu.memory_space<vmem>> -> memref<1x32x128xf32, #tpu.memory_space<vmem>>
    %dma_start3A_336 = tpu.memref_squeeze %dma_start3A_335 : memref<1x32x128xf32, #tpu.memory_space<vmem>> -> memref<32x128xf32, #tpu.memory_space<vmem>>
    %dma_start3A_337 = arith.constant 0 : i32
    %dma_start3A_338 = tpu.memref_slice %arg5[%dma_start3A_337, %multiple_of3A_325] : memref<32x1000000xf32, #tpu.memory_space<hbm>> -> memref<32x128xf32, #tpu.memory_space<hbm>>
    tpu.enqueue_dma source(%dma_start3A_338 : memref<32x128xf32, #tpu.memory_space<hbm>>) target(%dma_start3A_336 : memref<32x128xf32, #tpu.memory_space<vmem>>) target_semaphore(%arg13 : memref<!tpu.dma_semaphore, #tpu.memory_space<semaphore_mem>>)
    %slice3A_339 = vector.extract_strided_slice %get3A_12 {offsets = [4], sizes = [1], strides = [1]} : vector<16xi32> to vector<1xi32>
    %squeeze3A_340 = vector.extract %slice3A_339[0] : i32 from vector<1xi32>
    %jit3A_341 = arith.constant 128 : i32
    %div3A_342 = arith.divsi %squeeze3A_340, %jit3A_341 : i32
    %sign3A_343 = arith.constant 0 : i32
    %sign3A_344 = arith.cmpi sgt, %squeeze3A_340, %sign3A_343 : i32
    %sign3A_345 = arith.extui %sign3A_344 : i1 to i32
    %sign3A_346 = arith.constant 0 : i32
    %sign3A_347 = arith.cmpi slt, %squeeze3A_340, %sign3A_346 : i32
    %sign3A_348 = arith.extui %sign3A_347 : i1 to i32
    %sign3A_349 = arith.subi %sign3A_345, %sign3A_348 : i32
    %sign3A_350 = arith.constant 0 : i32
    %sign3A_351 = arith.cmpi sgt, %jit3A_341, %sign3A_350 : i32
    %sign3A_352 = arith.extui %sign3A_351 : i1 to i32
    %sign3A_353 = arith.constant 0 : i32
    %sign3A_354 = arith.cmpi slt, %jit3A_341, %sign3A_353 : i32
    %sign3A_355 = arith.extui %sign3A_354 : i1 to i32
    %sign3A_356 = arith.subi %sign3A_352, %sign3A_355 : i32
    %ne3A_357 = arith.cmpi ne, %sign3A_349, %sign3A_356 : i32
    %rem3A_358 = arith.remsi %squeeze3A_340, %jit3A_341 : i32
    %ne3A_359 = arith.constant 0 : i32
    %ne3A_360 = arith.cmpi ne, %rem3A_358, %ne3A_359 : i32
    %and3A_361 = arith.andi %ne3A_357, %ne3A_360 : i1
    %sub3A_362 = arith.constant 1 : i32
    %sub3A_363 = arith.subi %div3A_342, %sub3A_362 : i32
    %select_n3A_364 = arith.select %and3A_361, %sub3A_363, %div3A_342 : i32
    %mul3A_365 = arith.constant 128 : i32
    %mul3A_366 = arith.muli %select_n3A_364, %mul3A_365 : i32
    %multiple_of3A_367 = tpu.assume_multiple %mul3A_366, 128 : i32
    %dma_start3A_368 = arith.constant 4 : i32
    %dma_start3A_369 = arith.constant 0 : i32
    %dma_start3A_370 = arith.constant 0 : i32
    %dma_start3A_371 = tpu.memref_slice %arg9[%dma_start3A_368, %dma_start3A_369, %dma_start3A_370] : memref<8x32x128xf32, #tpu.memory_space<vmem>> -> memref<1x32x128xf32, #tpu.memory_space<vmem>>
    %dma_start3A_372 = tpu.memref_squeeze %dma_start3A_371 : memref<1x32x128xf32, #tpu.memory_space<vmem>> -> memref<32x128xf32, #tpu.memory_space<vmem>>
    %dma_start3A_373 = arith.constant 0 : i32
    %dma_start3A_374 = tpu.memref_slice %arg4[%dma_start3A_373, %multiple_of3A_367] : memref<32x1000000xf32, #tpu.memory_space<hbm>> -> memref<32x128xf32, #tpu.memory_space<hbm>>
    %dma_start3A_375 = arith.constant 0 : i32
    %dma_start3A_376 = arith.constant 0 : i32
    %dma_start3A_377 = tpu.memref_slice %arg9[%dma_start3A_368, %dma_start3A_375, %dma_start3A_376] : memref<8x32x128xf32, #tpu.memory_space<vmem>> -> memref<1x32x128xf32, #tpu.memory_space<vmem>>
    %dma_start3A_378 = tpu.memref_squeeze %dma_start3A_377 : memref<1x32x128xf32, #tpu.memory_space<vmem>> -> memref<32x128xf32, #tpu.memory_space<vmem>>
    %dma_start3A_379 = arith.constant 0 : i32
    %dma_start3A_380 = tpu.memref_slice %arg4[%dma_start3A_379, %multiple_of3A_367] : memref<32x1000000xf32, #tpu.memory_space<hbm>> -> memref<32x128xf32, #tpu.memory_space<hbm>>
    tpu.enqueue_dma source(%dma_start3A_380 : memref<32x128xf32, #tpu.memory_space<hbm>>) target(%dma_start3A_378 : memref<32x128xf32, #tpu.memory_space<vmem>>) target_semaphore(%arg12 : memref<!tpu.dma_semaphore, #tpu.memory_space<semaphore_mem>>)
    %slice3A_381 = vector.extract_strided_slice %get3A_14 {offsets = [4], sizes = [1], strides = [1]} : vector<16xi32> to vector<1xi32>
    %squeeze3A_382 = vector.extract %slice3A_381[0] : i32 from vector<1xi32>
    %jit3A_383 = arith.constant 128 : i32
    %div3A_384 = arith.divsi %squeeze3A_382, %jit3A_383 : i32
    %sign3A_385 = arith.constant 0 : i32
    %sign3A_386 = arith.cmpi sgt, %squeeze3A_382, %sign3A_385 : i32
    %sign3A_387 = arith.extui %sign3A_386 : i1 to i32
    %sign3A_388 = arith.constant 0 : i32
    %sign3A_389 = arith.cmpi slt, %squeeze3A_382, %sign3A_388 : i32
    %sign3A_390 = arith.extui %sign3A_389 : i1 to i32
    %sign3A_391 = arith.subi %sign3A_387, %sign3A_390 : i32
    %sign3A_392 = arith.constant 0 : i32
    %sign3A_393 = arith.cmpi sgt, %jit3A_383, %sign3A_392 : i32
    %sign3A_394 = arith.extui %sign3A_393 : i1 to i32
    %sign3A_395 = arith.constant 0 : i32
    %sign3A_396 = arith.cmpi slt, %jit3A_383, %sign3A_395 : i32
    %sign3A_397 = arith.extui %sign3A_396 : i1 to i32
    %sign3A_398 = arith.subi %sign3A_394, %sign3A_397 : i32
    %ne3A_399 = arith.cmpi ne, %sign3A_391, %sign3A_398 : i32
    %rem3A_400 = arith.remsi %squeeze3A_382, %jit3A_383 : i32
    %ne3A_401 = arith.constant 0 : i32
    %ne3A_402 = arith.cmpi ne, %rem3A_400, %ne3A_401 : i32
    %and3A_403 = arith.andi %ne3A_399, %ne3A_402 : i1
    %sub3A_404 = arith.constant 1 : i32
    %sub3A_405 = arith.subi %div3A_384, %sub3A_404 : i32
    %select_n3A_406 = arith.select %and3A_403, %sub3A_405, %div3A_384 : i32
    %mul3A_407 = arith.constant 128 : i32
    %mul3A_408 = arith.muli %select_n3A_406, %mul3A_407 : i32
    %multiple_of3A_409 = tpu.assume_multiple %mul3A_408, 128 : i32
    %dma_start3A_410 = arith.constant 4 : i32
    %dma_start3A_411 = arith.constant 0 : i32
    %dma_start3A_412 = arith.constant 0 : i32
    %dma_start3A_413 = tpu.memref_slice %arg10[%dma_start3A_410, %dma_start3A_411, %dma_start3A_412] : memref<8x32x128xf32, #tpu.memory_space<vmem>> -> memref<1x32x128xf32, #tpu.memory_space<vmem>>
    %dma_start3A_414 = tpu.memref_squeeze %dma_start3A_413 : memref<1x32x128xf32, #tpu.memory_space<vmem>> -> memref<32x128xf32, #tpu.memory_space<vmem>>
    %dma_start3A_415 = arith.constant 0 : i32
    %dma_start3A_416 = tpu.memref_slice %arg5[%dma_start3A_415, %multiple_of3A_409] : memref<32x1000000xf32, #tpu.memory_space<hbm>> -> memref<32x128xf32, #tpu.memory_space<hbm>>
    %dma_start3A_417 = arith.constant 0 : i32
    %dma_start3A_418 = arith.constant 0 : i32
    %dma_start3A_419 = tpu.memref_slice %arg10[%dma_start3A_410, %dma_start3A_417, %dma_start3A_418] : memref<8x32x128xf32, #tpu.memory_space<vmem>> -> memref<1x32x128xf32, #tpu.memory_space<vmem>>
    %dma_start3A_420 = tpu.memref_squeeze %dma_start3A_419 : memref<1x32x128xf32, #tpu.memory_space<vmem>> -> memref<32x128xf32, #tpu.memory_space<vmem>>
    %dma_start3A_421 = arith.constant 0 : i32
    %dma_start3A_422 = tpu.memref_slice %arg5[%dma_start3A_421, %multiple_of3A_409] : memref<32x1000000xf32, #tpu.memory_space<hbm>> -> memref<32x128xf32, #tpu.memory_space<hbm>>
    tpu.enqueue_dma source(%dma_start3A_422 : memref<32x128xf32, #tpu.memory_space<hbm>>) target(%dma_start3A_420 : memref<32x128xf32, #tpu.memory_space<vmem>>) target_semaphore(%arg13 : memref<!tpu.dma_semaphore, #tpu.memory_space<semaphore_mem>>)
    %slice3A_423 = vector.extract_strided_slice %get3A_12 {offsets = [5], sizes = [1], strides = [1]} : vector<16xi32> to vector<1xi32>
    %squeeze3A_424 = vector.extract %slice3A_423[0] : i32 from vector<1xi32>
    %jit3A_425 = arith.constant 128 : i32
    %div3A_426 = arith.divsi %squeeze3A_424, %jit3A_425 : i32
    %sign3A_427 = arith.constant 0 : i32
    %sign3A_428 = arith.cmpi sgt, %squeeze3A_424, %sign3A_427 : i32
    %sign3A_429 = arith.extui %sign3A_428 : i1 to i32
    %sign3A_430 = arith.constant 0 : i32
    %sign3A_431 = arith.cmpi slt, %squeeze3A_424, %sign3A_430 : i32
    %sign3A_432 = arith.extui %sign3A_431 : i1 to i32
    %sign3A_433 = arith.subi %sign3A_429, %sign3A_432 : i32
    %sign3A_434 = arith.constant 0 : i32
    %sign3A_435 = arith.cmpi sgt, %jit3A_425, %sign3A_434 : i32
    %sign3A_436 = arith.extui %sign3A_435 : i1 to i32
    %sign3A_437 = arith.constant 0 : i32
    %sign3A_438 = arith.cmpi slt, %jit3A_425, %sign3A_437 : i32
    %sign3A_439 = arith.extui %sign3A_438 : i1 to i32
    %sign3A_440 = arith.subi %sign3A_436, %sign3A_439 : i32
    %ne3A_441 = arith.cmpi ne, %sign3A_433, %sign3A_440 : i32
    %rem3A_442 = arith.remsi %squeeze3A_424, %jit3A_425 : i32
    %ne3A_443 = arith.constant 0 : i32
    %ne3A_444 = arith.cmpi ne, %rem3A_442, %ne3A_443 : i32
    %and3A_445 = arith.andi %ne3A_441, %ne3A_444 : i1
    %sub3A_446 = arith.constant 1 : i32
    %sub3A_447 = arith.subi %div3A_426, %sub3A_446 : i32
    %select_n3A_448 = arith.select %and3A_445, %sub3A_447, %div3A_426 : i32
    %mul3A_449 = arith.constant 128 : i32
    %mul3A_450 = arith.muli %select_n3A_448, %mul3A_449 : i32
    %multiple_of3A_451 = tpu.assume_multiple %mul3A_450, 128 : i32
    %dma_start3A_452 = arith.constant 5 : i32
    %dma_start3A_453 = arith.constant 0 : i32
    %dma_start3A_454 = arith.constant 0 : i32
    %dma_start3A_455 = tpu.memref_slice %arg9[%dma_start3A_452, %dma_start3A_453, %dma_start3A_454] : memref<8x32x128xf32, #tpu.memory_space<vmem>> -> memref<1x32x128xf32, #tpu.memory_space<vmem>>
    %dma_start3A_456 = tpu.memref_squeeze %dma_start3A_455 : memref<1x32x128xf32, #tpu.memory_space<vmem>> -> memref<32x128xf32, #tpu.memory_space<vmem>>
    %dma_start3A_457 = arith.constant 0 : i32
    %dma_start3A_458 = tpu.memref_slice %arg4[%dma_start3A_457, %multiple_of3A_451] : memref<32x1000000xf32, #tpu.memory_space<hbm>> -> memref<32x128xf32, #tpu.memory_space<hbm>>
    %dma_start3A_459 = arith.constant 0 : i32
    %dma_start3A_460 = arith.constant 0 : i32
    %dma_start3A_461 = tpu.memref_slice %arg9[%dma_start3A_452, %dma_start3A_459, %dma_start3A_460] : memref<8x32x128xf32, #tpu.memory_space<vmem>> -> memref<1x32x128xf32, #tpu.memory_space<vmem>>
    %dma_start3A_462 = tpu.memref_squeeze %dma_start3A_461 : memref<1x32x128xf32, #tpu.memory_space<vmem>> -> memref<32x128xf32, #tpu.memory_space<vmem>>
    %dma_start3A_463 = arith.constant 0 : i32
    %dma_start3A_464 = tpu.memref_slice %arg4[%dma_start3A_463, %multiple_of3A_451] : memref<32x1000000xf32, #tpu.memory_space<hbm>> -> memref<32x128xf32, #tpu.memory_space<hbm>>
    tpu.enqueue_dma source(%dma_start3A_464 : memref<32x128xf32, #tpu.memory_space<hbm>>) target(%dma_start3A_462 : memref<32x128xf32, #tpu.memory_space<vmem>>) target_semaphore(%arg12 : memref<!tpu.dma_semaphore, #tpu.memory_space<semaphore_mem>>)
    %slice3A_465 = vector.extract_strided_slice %get3A_14 {offsets = [5], sizes = [1], strides = [1]} : vector<16xi32> to vector<1xi32>
    %squeeze3A_466 = vector.extract %slice3A_465[0] : i32 from vector<1xi32>
    %jit3A_467 = arith.constant 128 : i32
    %div3A_468 = arith.divsi %squeeze3A_466, %jit3A_467 : i32
    %sign3A_469 = arith.constant 0 : i32
    %sign3A_470 = arith.cmpi sgt, %squeeze3A_466, %sign3A_469 : i32
    %sign3A_471 = arith.extui %sign3A_470 : i1 to i32
    %sign3A_472 = arith.constant 0 : i32
    %sign3A_473 = arith.cmpi slt, %squeeze3A_466, %sign3A_472 : i32
    %sign3A_474 = arith.extui %sign3A_473 : i1 to i32
    %sign3A_475 = arith.subi %sign3A_471, %sign3A_474 : i32
    %sign3A_476 = arith.constant 0 : i32
    %sign3A_477 = arith.cmpi sgt, %jit3A_467, %sign3A_476 : i32
    %sign3A_478 = arith.extui %sign3A_477 : i1 to i32
    %sign3A_479 = arith.constant 0 : i32
    %sign3A_480 = arith.cmpi slt, %jit3A_467, %sign3A_479 : i32
    %sign3A_481 = arith.extui %sign3A_480 : i1 to i32
    %sign3A_482 = arith.subi %sign3A_478, %sign3A_481 : i32
    %ne3A_483 = arith.cmpi ne, %sign3A_475, %sign3A_482 : i32
    %rem3A_484 = arith.remsi %squeeze3A_466, %jit3A_467 : i32
    %ne3A_485 = arith.constant 0 : i32
    %ne3A_486 = arith.cmpi ne, %rem3A_484, %ne3A_485 : i32
    %and3A_487 = arith.andi %ne3A_483, %ne3A_486 : i1
    %sub3A_488 = arith.constant 1 : i32
    %sub3A_489 = arith.subi %div3A_468, %sub3A_488 : i32
    %select_n3A_490 = arith.select %and3A_487, %sub3A_489, %div3A_468 : i32
    %mul3A_491 = arith.constant 128 : i32
    %mul3A_492 = arith.muli %select_n3A_490, %mul3A_491 : i32
    %multiple_of3A_493 = tpu.assume_multiple %mul3A_492, 128 : i32
    %dma_start3A_494 = arith.constant 5 : i32
    %dma_start3A_495 = arith.constant 0 : i32
    %dma_start3A_496 = arith.constant 0 : i32
    %dma_start3A_497 = tpu.memref_slice %arg10[%dma_start3A_494, %dma_start3A_495, %dma_start3A_496] : memref<8x32x128xf32, #tpu.memory_space<vmem>> -> memref<1x32x128xf32, #tpu.memory_space<vmem>>
    %dma_start3A_498 = tpu.memref_squeeze %dma_start3A_497 : memref<1x32x128xf32, #tpu.memory_space<vmem>> -> memref<32x128xf32, #tpu.memory_space<vmem>>
    %dma_start3A_499 = arith.constant 0 : i32
    %dma_start3A_500 = tpu.memref_slice %arg5[%dma_start3A_499, %multiple_of3A_493] : memref<32x1000000xf32, #tpu.memory_space<hbm>> -> memref<32x128xf32, #tpu.memory_space<hbm>>
    %dma_start3A_501 = arith.constant 0 : i32
    %dma_start3A_502 = arith.constant 0 : i32
    %dma_start3A_503 = tpu.memref_slice %arg10[%dma_start3A_494, %dma_start3A_501, %dma_start3A_502] : memref<8x32x128xf32, #tpu.memory_space<vmem>> -> memref<1x32x128xf32, #tpu.memory_space<vmem>>
    %dma_start3A_504 = tpu.memref_squeeze %dma_start3A_503 : memref<1x32x128xf32, #tpu.memory_space<vmem>> -> memref<32x128xf32, #tpu.memory_space<vmem>>
    %dma_start3A_505 = arith.constant 0 : i32
    %dma_start3A_506 = tpu.memref_slice %arg5[%dma_start3A_505, %multiple_of3A_493] : memref<32x1000000xf32, #tpu.memory_space<hbm>> -> memref<32x128xf32, #tpu.memory_space<hbm>>
    tpu.enqueue_dma source(%dma_start3A_506 : memref<32x128xf32, #tpu.memory_space<hbm>>) target(%dma_start3A_504 : memref<32x128xf32, #tpu.memory_space<vmem>>) target_semaphore(%arg13 : memref<!tpu.dma_semaphore, #tpu.memory_space<semaphore_mem>>)
    %slice3A_507 = vector.extract_strided_slice %get3A_12 {offsets = [6], sizes = [1], strides = [1]} : vector<16xi32> to vector<1xi32>
    %squeeze3A_508 = vector.extract %slice3A_507[0] : i32 from vector<1xi32>
    %jit3A_509 = arith.constant 128 : i32
    %div3A_510 = arith.divsi %squeeze3A_508, %jit3A_509 : i32
    %sign3A_511 = arith.constant 0 : i32
    %sign3A_512 = arith.cmpi sgt, %squeeze3A_508, %sign3A_511 : i32
    %sign3A_513 = arith.extui %sign3A_512 : i1 to i32
    %sign3A_514 = arith.constant 0 : i32
    %sign3A_515 = arith.cmpi slt, %squeeze3A_508, %sign3A_514 : i32
    %sign3A_516 = arith.extui %sign3A_515 : i1 to i32
    %sign3A_517 = arith.subi %sign3A_513, %sign3A_516 : i32
    %sign3A_518 = arith.constant 0 : i32
    %sign3A_519 = arith.cmpi sgt, %jit3A_509, %sign3A_518 : i32
    %sign3A_520 = arith.extui %sign3A_519 : i1 to i32
    %sign3A_521 = arith.constant 0 : i32
    %sign3A_522 = arith.cmpi slt, %jit3A_509, %sign3A_521 : i32
    %sign3A_523 = arith.extui %sign3A_522 : i1 to i32
    %sign3A_524 = arith.subi %sign3A_520, %sign3A_523 : i32
    %ne3A_525 = arith.cmpi ne, %sign3A_517, %sign3A_524 : i32
    %rem3A_526 = arith.remsi %squeeze3A_508, %jit3A_509 : i32
    %ne3A_527 = arith.constant 0 : i32
    %ne3A_528 = arith.cmpi ne, %rem3A_526, %ne3A_527 : i32
    %and3A_529 = arith.andi %ne3A_525, %ne3A_528 : i1
    %sub3A_530 = arith.constant 1 : i32
    %sub3A_531 = arith.subi %div3A_510, %sub3A_530 : i32
    %select_n3A_532 = arith.select %and3A_529, %sub3A_531, %div3A_510 : i32
    %mul3A_533 = arith.constant 128 : i32
    %mul3A_534 = arith.muli %select_n3A_532, %mul3A_533 : i32
    %multiple_of3A_535 = tpu.assume_multiple %mul3A_534, 128 : i32
    %dma_start3A_536 = arith.constant 6 : i32
    %dma_start3A_537 = arith.constant 0 : i32
    %dma_start3A_538 = arith.constant 0 : i32
    %dma_start3A_539 = tpu.memref_slice %arg9[%dma_start3A_536, %dma_start3A_537, %dma_start3A_538] : memref<8x32x128xf32, #tpu.memory_space<vmem>> -> memref<1x32x128xf32, #tpu.memory_space<vmem>>
    %dma_start3A_540 = tpu.memref_squeeze %dma_start3A_539 : memref<1x32x128xf32, #tpu.memory_space<vmem>> -> memref<32x128xf32, #tpu.memory_space<vmem>>
    %dma_start3A_541 = arith.constant 0 : i32
    %dma_start3A_542 = tpu.memref_slice %arg4[%dma_start3A_541, %multiple_of3A_535] : memref<32x1000000xf32, #tpu.memory_space<hbm>> -> memref<32x128xf32, #tpu.memory_space<hbm>>
    %dma_start3A_543 = arith.constant 0 : i32
    %dma_start3A_544 = arith.constant 0 : i32
    %dma_start3A_545 = tpu.memref_slice %arg9[%dma_start3A_536, %dma_start3A_543, %dma_start3A_544] : memref<8x32x128xf32, #tpu.memory_space<vmem>> -> memref<1x32x128xf32, #tpu.memory_space<vmem>>
    %dma_start3A_546 = tpu.memref_squeeze %dma_start3A_545 : memref<1x32x128xf32, #tpu.memory_space<vmem>> -> memref<32x128xf32, #tpu.memory_space<vmem>>
    %dma_start3A_547 = arith.constant 0 : i32
    %dma_start3A_548 = tpu.memref_slice %arg4[%dma_start3A_547, %multiple_of3A_535] : memref<32x1000000xf32, #tpu.memory_space<hbm>> -> memref<32x128xf32, #tpu.memory_space<hbm>>
    tpu.enqueue_dma source(%dma_start3A_548 : memref<32x128xf32, #tpu.memory_space<hbm>>) target(%dma_start3A_546 : memref<32x128xf32, #tpu.memory_space<vmem>>) target_semaphore(%arg12 : memref<!tpu.dma_semaphore, #tpu.memory_space<semaphore_mem>>)
    %slice3A_549 = vector.extract_strided_slice %get3A_14 {offsets = [6], sizes = [1], strides = [1]} : vector<16xi32> to vector<1xi32>
    %squeeze3A_550 = vector.extract %slice3A_549[0] : i32 from vector<1xi32>
    %jit3A_551 = arith.constant 128 : i32
    %div3A_552 = arith.divsi %squeeze3A_550, %jit3A_551 : i32
    %sign3A_553 = arith.constant 0 : i32
    %sign3A_554 = arith.cmpi sgt, %squeeze3A_550, %sign3A_553 : i32
    %sign3A_555 = arith.extui %sign3A_554 : i1 to i32
    %sign3A_556 = arith.constant 0 : i32
    %sign3A_557 = arith.cmpi slt, %squeeze3A_550, %sign3A_556 : i32
    %sign3A_558 = arith.extui %sign3A_557 : i1 to i32
    %sign3A_559 = arith.subi %sign3A_555, %sign3A_558 : i32
    %sign3A_560 = arith.constant 0 : i32
    %sign3A_561 = arith.cmpi sgt, %jit3A_551, %sign3A_560 : i32
    %sign3A_562 = arith.extui %sign3A_561 : i1 to i32
    %sign3A_563 = arith.constant 0 : i32
    %sign3A_564 = arith.cmpi slt, %jit3A_551, %sign3A_563 : i32
    %sign3A_565 = arith.extui %sign3A_564 : i1 to i32
    %sign3A_566 = arith.subi %sign3A_562, %sign3A_565 : i32
    %ne3A_567 = arith.cmpi ne, %sign3A_559, %sign3A_566 : i32
    %rem3A_568 = arith.remsi %squeeze3A_550, %jit3A_551 : i32
    %ne3A_569 = arith.constant 0 : i32
    %ne3A_570 = arith.cmpi ne, %rem3A_568, %ne3A_569 : i32
    %and3A_571 = arith.andi %ne3A_567, %ne3A_570 : i1
    %sub3A_572 = arith.constant 1 : i32
    %sub3A_573 = arith.subi %div3A_552, %sub3A_572 : i32
    %select_n3A_574 = arith.select %and3A_571, %sub3A_573, %div3A_552 : i32
    %mul3A_575 = arith.constant 128 : i32
    %mul3A_576 = arith.muli %select_n3A_574, %mul3A_575 : i32
    %multiple_of3A_577 = tpu.assume_multiple %mul3A_576, 128 : i32
    %dma_start3A_578 = arith.constant 6 : i32
    %dma_start3A_579 = arith.constant 0 : i32
    %dma_start3A_580 = arith.constant 0 : i32
    %dma_start3A_581 = tpu.memref_slice %arg10[%dma_start3A_578, %dma_start3A_579, %dma_start3A_580] : memref<8x32x128xf32, #tpu.memory_space<vmem>> -> memref<1x32x128xf32, #tpu.memory_space<vmem>>
    %dma_start3A_582 = tpu.memref_squeeze %dma_start3A_581 : memref<1x32x128xf32, #tpu.memory_space<vmem>> -> memref<32x128xf32, #tpu.memory_space<vmem>>
    %dma_start3A_583 = arith.constant 0 : i32
    %dma_start3A_584 = tpu.memref_slice %arg5[%dma_start3A_583, %multiple_of3A_577] : memref<32x1000000xf32, #tpu.memory_space<hbm>> -> memref<32x128xf32, #tpu.memory_space<hbm>>
    %dma_start3A_585 = arith.constant 0 : i32
    %dma_start3A_586 = arith.constant 0 : i32
    %dma_start3A_587 = tpu.memref_slice %arg10[%dma_start3A_578, %dma_start3A_585, %dma_start3A_586] : memref<8x32x128xf32, #tpu.memory_space<vmem>> -> memref<1x32x128xf32, #tpu.memory_space<vmem>>
    %dma_start3A_588 = tpu.memref_squeeze %dma_start3A_587 : memref<1x32x128xf32, #tpu.memory_space<vmem>> -> memref<32x128xf32, #tpu.memory_space<vmem>>
    %dma_start3A_589 = arith.constant 0 : i32
    %dma_start3A_590 = tpu.memref_slice %arg5[%dma_start3A_589, %multiple_of3A_577] : memref<32x1000000xf32, #tpu.memory_space<hbm>> -> memref<32x128xf32, #tpu.memory_space<hbm>>
    tpu.enqueue_dma source(%dma_start3A_590 : memref<32x128xf32, #tpu.memory_space<hbm>>) target(%dma_start3A_588 : memref<32x128xf32, #tpu.memory_space<vmem>>) target_semaphore(%arg13 : memref<!tpu.dma_semaphore, #tpu.memory_space<semaphore_mem>>)
    %slice3A_591 = vector.extract_strided_slice %get3A_12 {offsets = [7], sizes = [1], strides = [1]} : vector<16xi32> to vector<1xi32>
    %squeeze3A_592 = vector.extract %slice3A_591[0] : i32 from vector<1xi32>
    %jit3A_593 = arith.constant 128 : i32
    %div3A_594 = arith.divsi %squeeze3A_592, %jit3A_593 : i32
    %sign3A_595 = arith.constant 0 : i32
    %sign3A_596 = arith.cmpi sgt, %squeeze3A_592, %sign3A_595 : i32
    %sign3A_597 = arith.extui %sign3A_596 : i1 to i32
    %sign3A_598 = arith.constant 0 : i32
    %sign3A_599 = arith.cmpi slt, %squeeze3A_592, %sign3A_598 : i32
    %sign3A_600 = arith.extui %sign3A_599 : i1 to i32
    %sign3A_601 = arith.subi %sign3A_597, %sign3A_600 : i32
    %sign3A_602 = arith.constant 0 : i32
    %sign3A_603 = arith.cmpi sgt, %jit3A_593, %sign3A_602 : i32
    %sign3A_604 = arith.extui %sign3A_603 : i1 to i32
    %sign3A_605 = arith.constant 0 : i32
    %sign3A_606 = arith.cmpi slt, %jit3A_593, %sign3A_605 : i32
    %sign3A_607 = arith.extui %sign3A_606 : i1 to i32
    %sign3A_608 = arith.subi %sign3A_604, %sign3A_607 : i32
    %ne3A_609 = arith.cmpi ne, %sign3A_601, %sign3A_608 : i32
    %rem3A_610 = arith.remsi %squeeze3A_592, %jit3A_593 : i32
    %ne3A_611 = arith.constant 0 : i32
    %ne3A_612 = arith.cmpi ne, %rem3A_610, %ne3A_611 : i32
    %and3A_613 = arith.andi %ne3A_609, %ne3A_612 : i1
    %sub3A_614 = arith.constant 1 : i32
    %sub3A_615 = arith.subi %div3A_594, %sub3A_614 : i32
    %select_n3A_616 = arith.select %and3A_613, %sub3A_615, %div3A_594 : i32
    %mul3A_617 = arith.constant 128 : i32
    %mul3A_618 = arith.muli %select_n3A_616, %mul3A_617 : i32
    %multiple_of3A_619 = tpu.assume_multiple %mul3A_618, 128 : i32
    %dma_start3A_620 = arith.constant 7 : i32
    %dma_start3A_621 = arith.constant 0 : i32
    %dma_start3A_622 = arith.constant 0 : i32
    %dma_start3A_623 = tpu.memref_slice %arg9[%dma_start3A_620, %dma_start3A_621, %dma_start3A_622] : memref<8x32x128xf32, #tpu.memory_space<vmem>> -> memref<1x32x128xf32, #tpu.memory_space<vmem>>
    %dma_start3A_624 = tpu.memref_squeeze %dma_start3A_623 : memref<1x32x128xf32, #tpu.memory_space<vmem>> -> memref<32x128xf32, #tpu.memory_space<vmem>>
    %dma_start3A_625 = arith.constant 0 : i32
    %dma_start3A_626 = tpu.memref_slice %arg4[%dma_start3A_625, %multiple_of3A_619] : memref<32x1000000xf32, #tpu.memory_space<hbm>> -> memref<32x128xf32, #tpu.memory_space<hbm>>
    %dma_start3A_627 = arith.constant 0 : i32
    %dma_start3A_628 = arith.constant 0 : i32
    %dma_start3A_629 = tpu.memref_slice %arg9[%dma_start3A_620, %dma_start3A_627, %dma_start3A_628] : memref<8x32x128xf32, #tpu.memory_space<vmem>> -> memref<1x32x128xf32, #tpu.memory_space<vmem>>
    %dma_start3A_630 = tpu.memref_squeeze %dma_start3A_629 : memref<1x32x128xf32, #tpu.memory_space<vmem>> -> memref<32x128xf32, #tpu.memory_space<vmem>>
    %dma_start3A_631 = arith.constant 0 : i32
    %dma_start3A_632 = tpu.memref_slice %arg4[%dma_start3A_631, %multiple_of3A_619] : memref<32x1000000xf32, #tpu.memory_space<hbm>> -> memref<32x128xf32, #tpu.memory_space<hbm>>
    tpu.enqueue_dma source(%dma_start3A_632 : memref<32x128xf32, #tpu.memory_space<hbm>>) target(%dma_start3A_630 : memref<32x128xf32, #tpu.memory_space<vmem>>) target_semaphore(%arg12 : memref<!tpu.dma_semaphore, #tpu.memory_space<semaphore_mem>>)
    %slice3A_633 = vector.extract_strided_slice %get3A_14 {offsets = [7], sizes = [1], strides = [1]} : vector<16xi32> to vector<1xi32>
    %squeeze3A_634 = vector.extract %slice3A_633[0] : i32 from vector<1xi32>
    %jit3A_635 = arith.constant 128 : i32
    %div3A_636 = arith.divsi %squeeze3A_634, %jit3A_635 : i32
    %sign3A_637 = arith.constant 0 : i32
    %sign3A_638 = arith.cmpi sgt, %squeeze3A_634, %sign3A_637 : i32
    %sign3A_639 = arith.extui %sign3A_638 : i1 to i32
    %sign3A_640 = arith.constant 0 : i32
    %sign3A_641 = arith.cmpi slt, %squeeze3A_634, %sign3A_640 : i32
    %sign3A_642 = arith.extui %sign3A_641 : i1 to i32
    %sign3A_643 = arith.subi %sign3A_639, %sign3A_642 : i32
    %sign3A_644 = arith.constant 0 : i32
    %sign3A_645 = arith.cmpi sgt, %jit3A_635, %sign3A_644 : i32
    %sign3A_646 = arith.extui %sign3A_645 : i1 to i32
    %sign3A_647 = arith.constant 0 : i32
    %sign3A_648 = arith.cmpi slt, %jit3A_635, %sign3A_647 : i32
    %sign3A_649 = arith.extui %sign3A_648 : i1 to i32
    %sign3A_650 = arith.subi %sign3A_646, %sign3A_649 : i32
    %ne3A_651 = arith.cmpi ne, %sign3A_643, %sign3A_650 : i32
    %rem3A_652 = arith.remsi %squeeze3A_634, %jit3A_635 : i32
    %ne3A_653 = arith.constant 0 : i32
    %ne3A_654 = arith.cmpi ne, %rem3A_652, %ne3A_653 : i32
    %and3A_655 = arith.andi %ne3A_651, %ne3A_654 : i1
    %sub3A_656 = arith.constant 1 : i32
    %sub3A_657 = arith.subi %div3A_636, %sub3A_656 : i32
    %select_n3A_658 = arith.select %and3A_655, %sub3A_657, %div3A_636 : i32
    %mul3A_659 = arith.constant 128 : i32
    %mul3A_660 = arith.muli %select_n3A_658, %mul3A_659 : i32
    %multiple_of3A_661 = tpu.assume_multiple %mul3A_660, 128 : i32
    %dma_start3A_662 = arith.constant 7 : i32
    %dma_start3A_663 = arith.constant 0 : i32
    %dma_start3A_664 = arith.constant 0 : i32
    %dma_start3A_665 = tpu.memref_slice %arg10[%dma_start3A_662, %dma_start3A_663, %dma_start3A_664] : memref<8x32x128xf32, #tpu.memory_space<vmem>> -> memref<1x32x128xf32, #tpu.memory_space<vmem>>
    %dma_start3A_666 = tpu.memref_squeeze %dma_start3A_665 : memref<1x32x128xf32, #tpu.memory_space<vmem>> -> memref<32x128xf32, #tpu.memory_space<vmem>>
    %dma_start3A_667 = arith.constant 0 : i32
    %dma_start3A_668 = tpu.memref_slice %arg5[%dma_start3A_667, %multiple_of3A_661] : memref<32x1000000xf32, #tpu.memory_space<hbm>> -> memref<32x128xf32, #tpu.memory_space<hbm>>
    %dma_start3A_669 = arith.constant 0 : i32
    %dma_start3A_670 = arith.constant 0 : i32
    %dma_start3A_671 = tpu.memref_slice %arg10[%dma_start3A_662, %dma_start3A_669, %dma_start3A_670] : memref<8x32x128xf32, #tpu.memory_space<vmem>> -> memref<1x32x128xf32, #tpu.memory_space<vmem>>
    %dma_start3A_672 = tpu.memref_squeeze %dma_start3A_671 : memref<1x32x128xf32, #tpu.memory_space<vmem>> -> memref<32x128xf32, #tpu.memory_space<vmem>>
    %dma_start3A_673 = arith.constant 0 : i32
    %dma_start3A_674 = tpu.memref_slice %arg5[%dma_start3A_673, %multiple_of3A_661] : memref<32x1000000xf32, #tpu.memory_space<hbm>> -> memref<32x128xf32, #tpu.memory_space<hbm>>
    tpu.enqueue_dma source(%dma_start3A_674 : memref<32x128xf32, #tpu.memory_space<hbm>>) target(%dma_start3A_672 : memref<32x128xf32, #tpu.memory_space<vmem>>) target_semaphore(%arg13 : memref<!tpu.dma_semaphore, #tpu.memory_space<semaphore_mem>>)
    %iota3A_675 = tpu.iota {dimensions = array<i32: 0>} : vector<16xi32>
    %eq3A = arith.constant 0 : i32
    %eq3A_676 = vector.broadcast %eq3A : i32 to vector<16xi32>
    %eq3A_677 = arith.cmpi eq, %iota3A_675, %eq3A_676 : vector<16xi32>
    %convert_element_type3A = arith.extui %eq3A_677 : vector<16xi1> to vector<16xi32>
    %convert_element_type3A_678 = arith.sitofp %convert_element_type3A : vector<16xi32> to vector<16xf32>
    %iota3A_679 = tpu.iota {dimensions = array<i32: 0>} : vector<16xi32>
    %eq3A_680 = arith.constant 1 : i32
    %eq3A_681 = vector.broadcast %eq3A_680 : i32 to vector<16xi32>
    %eq3A_682 = arith.cmpi eq, %iota3A_679, %eq3A_681 : vector<16xi32>
    %convert_element_type3A_683 = arith.extui %eq3A_682 : vector<16xi1> to vector<16xi32>
    %convert_element_type3A_684 = arith.sitofp %convert_element_type3A_683 : vector<16xi32> to vector<16xf32>
    %iota3A_685 = tpu.iota {dimensions = array<i32: 0>} : vector<16xi32>
    %eq3A_686 = arith.constant 2 : i32
    %eq3A_687 = vector.broadcast %eq3A_686 : i32 to vector<16xi32>
    %eq3A_688 = arith.cmpi eq, %iota3A_685, %eq3A_687 : vector<16xi32>
    %convert_element_type3A_689 = arith.extui %eq3A_688 : vector<16xi1> to vector<16xi32>
    %convert_element_type3A_690 = arith.sitofp %convert_element_type3A_689 : vector<16xi32> to vector<16xf32>
    %iota3A_691 = tpu.iota {dimensions = array<i32: 0>} : vector<16xi32>
    %eq3A_692 = arith.constant 3 : i32
    %eq3A_693 = vector.broadcast %eq3A_692 : i32 to vector<16xi32>
    %eq3A_694 = arith.cmpi eq, %iota3A_691, %eq3A_693 : vector<16xi32>
    %convert_element_type3A_695 = arith.extui %eq3A_694 : vector<16xi1> to vector<16xi32>
    %convert_element_type3A_696 = arith.sitofp %convert_element_type3A_695 : vector<16xi32> to vector<16xf32>
    %iota3A_697 = tpu.iota {dimensions = array<i32: 0>} : vector<16xi32>
    %eq3A_698 = arith.constant 4 : i32
    %eq3A_699 = vector.broadcast %eq3A_698 : i32 to vector<16xi32>
    %eq3A_700 = arith.cmpi eq, %iota3A_697, %eq3A_699 : vector<16xi32>
    %convert_element_type3A_701 = arith.extui %eq3A_700 : vector<16xi1> to vector<16xi32>
    %convert_element_type3A_702 = arith.sitofp %convert_element_type3A_701 : vector<16xi32> to vector<16xf32>
    %iota3A_703 = tpu.iota {dimensions = array<i32: 0>} : vector<16xi32>
    %eq3A_704 = arith.constant 5 : i32
    %eq3A_705 = vector.broadcast %eq3A_704 : i32 to vector<16xi32>
    %eq3A_706 = arith.cmpi eq, %iota3A_703, %eq3A_705 : vector<16xi32>
    %convert_element_type3A_707 = arith.extui %eq3A_706 : vector<16xi1> to vector<16xi32>
    %convert_element_type3A_708 = arith.sitofp %convert_element_type3A_707 : vector<16xi32> to vector<16xf32>
    %iota3A_709 = tpu.iota {dimensions = array<i32: 0>} : vector<16xi32>
    %eq3A_710 = arith.constant 6 : i32
    %eq3A_711 = vector.broadcast %eq3A_710 : i32 to vector<16xi32>
    %eq3A_712 = arith.cmpi eq, %iota3A_709, %eq3A_711 : vector<16xi32>
    %convert_element_type3A_713 = arith.extui %eq3A_712 : vector<16xi1> to vector<16xi32>
    %convert_element_type3A_714 = arith.sitofp %convert_element_type3A_713 : vector<16xi32> to vector<16xf32>
    %iota3A_715 = tpu.iota {dimensions = array<i32: 0>} : vector<16xi32>
    %eq3A_716 = arith.constant 7 : i32
    %eq3A_717 = vector.broadcast %eq3A_716 : i32 to vector<16xi32>
    %eq3A_718 = arith.cmpi eq, %iota3A_715, %eq3A_717 : vector<16xi32>
    %convert_element_type3A_719 = arith.extui %eq3A_718 : vector<16xi1> to vector<16xi32>
    %convert_element_type3A_720 = arith.sitofp %convert_element_type3A_719 : vector<16xi32> to vector<16xf32>
    %iota3A_721 = tpu.iota {dimensions = array<i32: 0>} : vector<16xi32>
    %eq3A_722 = arith.constant 8 : i32
    %eq3A_723 = vector.broadcast %eq3A_722 : i32 to vector<16xi32>
    %eq3A_724 = arith.cmpi eq, %iota3A_721, %eq3A_723 : vector<16xi32>
    %convert_element_type3A_725 = arith.extui %eq3A_724 : vector<16xi1> to vector<16xi32>
    %convert_element_type3A_726 = arith.sitofp %convert_element_type3A_725 : vector<16xi32> to vector<16xf32>
    %iota3A_727 = tpu.iota {dimensions = array<i32: 0>} : vector<16xi32>
    %eq3A_728 = arith.constant 9 : i32
    %eq3A_729 = vector.broadcast %eq3A_728 : i32 to vector<16xi32>
    %eq3A_730 = arith.cmpi eq, %iota3A_727, %eq3A_729 : vector<16xi32>
    %convert_element_type3A_731 = arith.extui %eq3A_730 : vector<16xi1> to vector<16xi32>
    %convert_element_type3A_732 = arith.sitofp %convert_element_type3A_731 : vector<16xi32> to vector<16xf32>
    %iota3A_733 = tpu.iota {dimensions = array<i32: 0>} : vector<16xi32>
    %eq3A_734 = arith.constant 10 : i32
    %eq3A_735 = vector.broadcast %eq3A_734 : i32 to vector<16xi32>
    %eq3A_736 = arith.cmpi eq, %iota3A_733, %eq3A_735 : vector<16xi32>
    %convert_element_type3A_737 = arith.extui %eq3A_736 : vector<16xi1> to vector<16xi32>
    %convert_element_type3A_738 = arith.sitofp %convert_element_type3A_737 : vector<16xi32> to vector<16xf32>
    %iota3A_739 = tpu.iota {dimensions = array<i32: 0>} : vector<16xi32>
    %eq3A_740 = arith.constant 11 : i32
    %eq3A_741 = vector.broadcast %eq3A_740 : i32 to vector<16xi32>
    %eq3A_742 = arith.cmpi eq, %iota3A_739, %eq3A_741 : vector<16xi32>
    %convert_element_type3A_743 = arith.extui %eq3A_742 : vector<16xi1> to vector<16xi32>
    %convert_element_type3A_744 = arith.sitofp %convert_element_type3A_743 : vector<16xi32> to vector<16xf32>
    %iota3A_745 = tpu.iota {dimensions = array<i32: 0>} : vector<16xi32>
    %eq3A_746 = arith.constant 12 : i32
    %eq3A_747 = vector.broadcast %eq3A_746 : i32 to vector<16xi32>
    %eq3A_748 = arith.cmpi eq, %iota3A_745, %eq3A_747 : vector<16xi32>
    %convert_element_type3A_749 = arith.extui %eq3A_748 : vector<16xi1> to vector<16xi32>
    %convert_element_type3A_750 = arith.sitofp %convert_element_type3A_749 : vector<16xi32> to vector<16xf32>
    %iota3A_751 = tpu.iota {dimensions = array<i32: 0>} : vector<16xi32>
    %eq3A_752 = arith.constant 13 : i32
    %eq3A_753 = vector.broadcast %eq3A_752 : i32 to vector<16xi32>
    %eq3A_754 = arith.cmpi eq, %iota3A_751, %eq3A_753 : vector<16xi32>
    %convert_element_type3A_755 = arith.extui %eq3A_754 : vector<16xi1> to vector<16xi32>
    %convert_element_type3A_756 = arith.sitofp %convert_element_type3A_755 : vector<16xi32> to vector<16xf32>
    %iota3A_757 = tpu.iota {dimensions = array<i32: 0>} : vector<16xi32>
    %eq3A_758 = arith.constant 14 : i32
    %eq3A_759 = vector.broadcast %eq3A_758 : i32 to vector<16xi32>
    %eq3A_760 = arith.cmpi eq, %iota3A_757, %eq3A_759 : vector<16xi32>
    %convert_element_type3A_761 = arith.extui %eq3A_760 : vector<16xi1> to vector<16xi32>
    %convert_element_type3A_762 = arith.sitofp %convert_element_type3A_761 : vector<16xi32> to vector<16xf32>
    %iota3A_763 = tpu.iota {dimensions = array<i32: 0>} : vector<16xi32>
    %eq3A_764 = arith.constant 15 : i32
    %eq3A_765 = vector.broadcast %eq3A_764 : i32 to vector<16xi32>
    %eq3A_766 = arith.cmpi eq, %iota3A_763, %eq3A_765 : vector<16xi32>
    %convert_element_type3A_767 = arith.extui %eq3A_766 : vector<16xi1> to vector<16xi32>
    %convert_element_type3A_768 = arith.sitofp %convert_element_type3A_767 : vector<16xi32> to vector<16xf32>
    %scan3A = arith.constant 0 : i32
    %scan3A_769 = arith.constant 0 : i32
    %scan3A_770 = arith.constant 32 : i32
    %scan3A_771 = arith.addi %scan3A_769, %scan3A_770 : i32
    %scan3A_772 = arith.constant 1 : i32
    scf.for %scan3A_1447 = %scan3A_769 to %scan3A_771 step %scan3A_772  : i32 {
      %mul3A_1448 = arith.constant 16 : i32
      %mul3A_1449 = arith.muli %scan3A_1447, %mul3A_1448 : i32
      %get3A_1450 = arith.index_cast %mul3A_1449 : i32 to index
      %get3A_1451 = tpu.vector_load %arg7[%get3A_1450] {strides = array<i32>} : memref<528xi32, #tpu.memory_space<vmem>>, vector<16xi32>,
      %mul3A_1452 = arith.constant 16 : i32
      %mul3A_1453 = arith.muli %scan3A_1447, %mul3A_1452 : i32
      %get3A_1454 = arith.index_cast %mul3A_1453 : i32 to index
      %get3A_1455 = tpu.vector_load %arg8[%get3A_1454] {strides = array<i32>} : memref<528xi32, #tpu.memory_space<vmem>>, vector<16xi32>,
      %mul3A_1456 = arith.constant 16 : i32
      %mul3A_1457 = arith.muli %scan3A_1447, %mul3A_1456 : i32
      %add3A_1458 = arith.constant 8 : i32
      %add3A_1459 = arith.addi %mul3A_1457, %add3A_1458 : i32
      %get3A_1460 = arith.index_cast %add3A_1459 : i32 to index
      %get3A_1461 = tpu.vector_load %arg7[%get3A_1460] {strides = array<i32>} : memref<528xi32, #tpu.memory_space<vmem>>, vector<16xi32>,
      %mul3A_1462 = arith.constant 16 : i32
      %mul3A_1463 = arith.muli %scan3A_1447, %mul3A_1462 : i32
      %add3A_1464 = arith.constant 8 : i32
      %add3A_1465 = arith.addi %mul3A_1463, %add3A_1464 : i32
      %get3A_1466 = arith.index_cast %add3A_1465 : i32 to index
      %get3A_1467 = tpu.vector_load %arg8[%get3A_1466] {strides = array<i32>} : memref<528xi32, #tpu.memory_space<vmem>>, vector<16xi32>,
      %broadcast_in_dim3A_1468 = arith.constant 0.000000e+00 : f32
      %broadcast_in_dim3A_1469 = vector.broadcast %broadcast_in_dim3A_1468 : f32 to vector<16xf32>
      %slice3A_1470 = vector.extract_strided_slice %get3A_1451 {offsets = [0], sizes = [1], strides = [1]} : vector<16xi32> to vector<1xi32>
      %squeeze3A_1471 = vector.extract %slice3A_1470[0] : i32 from vector<1xi32>
      %jit3A_1472 = arith.constant 128 : i32
      %div3A_1473 = arith.divsi %squeeze3A_1471, %jit3A_1472 : i32
      %sign3A_1474 = arith.constant 0 : i32
      %sign3A_1475 = arith.cmpi sgt, %squeeze3A_1471, %sign3A_1474 : i32
      %sign3A_1476 = arith.extui %sign3A_1475 : i1 to i32
      %sign3A_1477 = arith.constant 0 : i32
      %sign3A_1478 = arith.cmpi slt, %squeeze3A_1471, %sign3A_1477 : i32
      %sign3A_1479 = arith.extui %sign3A_1478 : i1 to i32
      %sign3A_1480 = arith.subi %sign3A_1476, %sign3A_1479 : i32
      %sign3A_1481 = arith.constant 0 : i32
      %sign3A_1482 = arith.cmpi sgt, %jit3A_1472, %sign3A_1481 : i32
      %sign3A_1483 = arith.extui %sign3A_1482 : i1 to i32
      %sign3A_1484 = arith.constant 0 : i32
      %sign3A_1485 = arith.cmpi slt, %jit3A_1472, %sign3A_1484 : i32
      %sign3A_1486 = arith.extui %sign3A_1485 : i1 to i32
      %sign3A_1487 = arith.subi %sign3A_1483, %sign3A_1486 : i32
      %ne3A_1488 = arith.cmpi ne, %sign3A_1480, %sign3A_1487 : i32
      %rem3A_1489 = arith.remsi %squeeze3A_1471, %jit3A_1472 : i32
      %ne3A_1490 = arith.constant 0 : i32
      %ne3A_1491 = arith.cmpi ne, %rem3A_1489, %ne3A_1490 : i32
      %and3A_1492 = arith.andi %ne3A_1488, %ne3A_1491 : i1
      %sub3A_1493 = arith.constant 1 : i32
      %sub3A_1494 = arith.subi %div3A_1473, %sub3A_1493 : i32
      %select_n3A_1495 = arith.select %and3A_1492, %sub3A_1494, %div3A_1473 : i32
      %mul3A_1496 = arith.constant 128 : i32
      %mul3A_1497 = arith.muli %select_n3A_1495, %mul3A_1496 : i32
      %multiple_of3A_1498 = tpu.assume_multiple %mul3A_1497, 128 : i32
      %dma_wait3A_1499 = arith.constant 0 : i32
      %dma_wait3A_1500 = arith.constant 0 : i32
      %dma_wait3A_1501 = arith.constant 0 : i32
      %dma_wait3A_1502 = tpu.memref_slice %arg9[%dma_wait3A_1499, %dma_wait3A_1500, %dma_wait3A_1501] : memref<8x32x128xf32, #tpu.memory_space<vmem>> -> memref<1x32x128xf32, #tpu.memory_space<vmem>>
      %dma_wait3A_1503 = tpu.memref_squeeze %dma_wait3A_1502 : memref<1x32x128xf32, #tpu.memory_space<vmem>> -> memref<32x128xf32, #tpu.memory_space<vmem>>
      %dma_wait3A_1504 = arith.constant 0 : i32
      %dma_wait3A_1505 = tpu.memref_slice %arg4[%dma_wait3A_1504, %multiple_of3A_1498] : memref<32x1000000xf32, #tpu.memory_space<hbm>> -> memref<32x128xf32, #tpu.memory_space<hbm>>
      %dma_wait3A_1506 = arith.constant 0 : i32
      %dma_wait3A_1507 = arith.constant 0 : i32
      %dma_wait3A_1508 = tpu.memref_slice %arg9[%dma_wait3A_1499, %dma_wait3A_1506, %dma_wait3A_1507] : memref<8x32x128xf32, #tpu.memory_space<vmem>> -> memref<1x32x128xf32, #tpu.memory_space<vmem>>
      %dma_wait3A_1509 = tpu.memref_squeeze %dma_wait3A_1508 : memref<1x32x128xf32, #tpu.memory_space<vmem>> -> memref<32x128xf32, #tpu.memory_space<vmem>>
      %dma_wait3A_1510 = arith.constant 0 : i32
      %dma_wait3A_1511 = tpu.memref_slice %arg4[%dma_wait3A_1510, %multiple_of3A_1498] : memref<32x1000000xf32, #tpu.memory_space<hbm>> -> memref<32x128xf32, #tpu.memory_space<hbm>>
      tpu.wait_dma2 semaphore(%arg12 : memref<!tpu.dma_semaphore, #tpu.memory_space<semaphore_mem>>) src(%dma_wait3A_1511 : memref<32x128xf32, #tpu.memory_space<hbm>>) dst(%dma_wait3A_1509 : memref<32x128xf32, #tpu.memory_space<vmem>>)
      %slice3A_1512 = vector.extract_strided_slice %get3A_1455 {offsets = [0], sizes = [1], strides = [1]} : vector<16xi32> to vector<1xi32>
      %squeeze3A_1513 = vector.extract %slice3A_1512[0] : i32 from vector<1xi32>
      %jit3A_1514 = arith.constant 128 : i32
      %div3A_1515 = arith.divsi %squeeze3A_1513, %jit3A_1514 : i32
      %sign3A_1516 = arith.constant 0 : i32
      %sign3A_1517 = arith.cmpi sgt, %squeeze3A_1513, %sign3A_1516 : i32
      %sign3A_1518 = arith.extui %sign3A_1517 : i1 to i32
      %sign3A_1519 = arith.constant 0 : i32
      %sign3A_1520 = arith.cmpi slt, %squeeze3A_1513, %sign3A_1519 : i32
      %sign3A_1521 = arith.extui %sign3A_1520 : i1 to i32
      %sign3A_1522 = arith.subi %sign3A_1518, %sign3A_1521 : i32
      %sign3A_1523 = arith.constant 0 : i32
      %sign3A_1524 = arith.cmpi sgt, %jit3A_1514, %sign3A_1523 : i32
      %sign3A_1525 = arith.extui %sign3A_1524 : i1 to i32
      %sign3A_1526 = arith.constant 0 : i32
      %sign3A_1527 = arith.cmpi slt, %jit3A_1514, %sign3A_1526 : i32
      %sign3A_1528 = arith.extui %sign3A_1527 : i1 to i32
      %sign3A_1529 = arith.subi %sign3A_1525, %sign3A_1528 : i32
      %ne3A_1530 = arith.cmpi ne, %sign3A_1522, %sign3A_1529 : i32
      %rem3A_1531 = arith.remsi %squeeze3A_1513, %jit3A_1514 : i32
      %ne3A_1532 = arith.constant 0 : i32
      %ne3A_1533 = arith.cmpi ne, %rem3A_1531, %ne3A_1532 : i32
      %and3A_1534 = arith.andi %ne3A_1530, %ne3A_1533 : i1
      %sub3A_1535 = arith.constant 1 : i32
      %sub3A_1536 = arith.subi %div3A_1515, %sub3A_1535 : i32
      %select_n3A_1537 = arith.select %and3A_1534, %sub3A_1536, %div3A_1515 : i32
      %mul3A_1538 = arith.constant 128 : i32
      %mul3A_1539 = arith.muli %select_n3A_1537, %mul3A_1538 : i32
      %multiple_of3A_1540 = tpu.assume_multiple %mul3A_1539, 128 : i32
      %dma_wait3A_1541 = arith.constant 0 : i32
      %dma_wait3A_1542 = arith.constant 0 : i32
      %dma_wait3A_1543 = arith.constant 0 : i32
      %dma_wait3A_1544 = tpu.memref_slice %arg10[%dma_wait3A_1541, %dma_wait3A_1542, %dma_wait3A_1543] : memref<8x32x128xf32, #tpu.memory_space<vmem>> -> memref<1x32x128xf32, #tpu.memory_space<vmem>>
      %dma_wait3A_1545 = tpu.memref_squeeze %dma_wait3A_1544 : memref<1x32x128xf32, #tpu.memory_space<vmem>> -> memref<32x128xf32, #tpu.memory_space<vmem>>
      %dma_wait3A_1546 = arith.constant 0 : i32
      %dma_wait3A_1547 = tpu.memref_slice %arg5[%dma_wait3A_1546, %multiple_of3A_1540] : memref<32x1000000xf32, #tpu.memory_space<hbm>> -> memref<32x128xf32, #tpu.memory_space<hbm>>
      %dma_wait3A_1548 = arith.constant 0 : i32
      %dma_wait3A_1549 = arith.constant 0 : i32
      %dma_wait3A_1550 = tpu.memref_slice %arg10[%dma_wait3A_1541, %dma_wait3A_1548, %dma_wait3A_1549] : memref<8x32x128xf32, #tpu.memory_space<vmem>> -> memref<1x32x128xf32, #tpu.memory_space<vmem>>
      %dma_wait3A_1551 = tpu.memref_squeeze %dma_wait3A_1550 : memref<1x32x128xf32, #tpu.memory_space<vmem>> -> memref<32x128xf32, #tpu.memory_space<vmem>>
      %dma_wait3A_1552 = arith.constant 0 : i32
      %dma_wait3A_1553 = tpu.memref_slice %arg5[%dma_wait3A_1552, %multiple_of3A_1540] : memref<32x1000000xf32, #tpu.memory_space<hbm>> -> memref<32x128xf32, #tpu.memory_space<hbm>>
      tpu.wait_dma2 semaphore(%arg13 : memref<!tpu.dma_semaphore, #tpu.memory_space<semaphore_mem>>) src(%dma_wait3A_1553 : memref<32x128xf32, #tpu.memory_space<hbm>>) dst(%dma_wait3A_1551 : memref<32x128xf32, #tpu.memory_space<vmem>>)
      %slice3A_1554 = vector.extract_strided_slice %get3A_1451 {offsets = [0], sizes = [1], strides = [1]} : vector<16xi32> to vector<1xi32>
      %squeeze3A_1555 = vector.extract %slice3A_1554[0] : i32 from vector<1xi32>
      %jit3A_1556 = arith.constant 128 : i32
      %eq3A_1557 = arith.constant 0 : i32
      %eq3A_1558 = arith.cmpi eq, %jit3A_1556, %eq3A_1557 : i32
      %jit3A_1559 = arith.constant 1 : i32
      %select_n3A_1560 = arith.select %eq3A_1558, %jit3A_1559, %jit3A_1556 : i32
      %rem3A_1561 = arith.remsi %squeeze3A_1555, %select_n3A_1560 : i32
      %ne3A_1562 = arith.constant 0 : i32
      %ne3A_1563 = arith.cmpi ne, %rem3A_1561, %ne3A_1562 : i32
      %lt3A = arith.constant 0 : i32
      %lt3A_1564 = arith.cmpi slt, %rem3A_1561, %lt3A : i32
      %lt3A_1565 = arith.constant 0 : i32
      %lt3A_1566 = arith.cmpi slt, %select_n3A_1560, %lt3A_1565 : i32
      %ne3A_1567 = arith.xori %lt3A_1564, %lt3A_1566 : i1
      %and3A_1568 = arith.andi %ne3A_1567, %ne3A_1563 : i1
      %add3A_1569 = arith.addi %rem3A_1561, %select_n3A_1560 : i32
      %select_n3A_1570 = arith.select %and3A_1568, %add3A_1569, %rem3A_1561 : i32
      %broadcast_in_dim3A_1571 = vector.broadcast %select_n3A_1570 : i32 to vector<16xi32>
      %slice3A_1572 = vector.extract_strided_slice %get3A_1455 {offsets = [0], sizes = [1], strides = [1]} : vector<16xi32> to vector<1xi32>
      %squeeze3A_1573 = vector.extract %slice3A_1572[0] : i32 from vector<1xi32>
      %jit3A_1574 = arith.constant 128 : i32
      %eq3A_1575 = arith.constant 0 : i32
      %eq3A_1576 = arith.cmpi eq, %jit3A_1574, %eq3A_1575 : i32
      %jit3A_1577 = arith.constant 1 : i32
      %select_n3A_1578 = arith.select %eq3A_1576, %jit3A_1577, %jit3A_1574 : i32
      %rem3A_1579 = arith.remsi %squeeze3A_1573, %select_n3A_1578 : i32
      %ne3A_1580 = arith.constant 0 : i32
      %ne3A_1581 = arith.cmpi ne, %rem3A_1579, %ne3A_1580 : i32
      %lt3A_1582 = arith.constant 0 : i32
      %lt3A_1583 = arith.cmpi slt, %rem3A_1579, %lt3A_1582 : i32
      %lt3A_1584 = arith.constant 0 : i32
      %lt3A_1585 = arith.cmpi slt, %select_n3A_1578, %lt3A_1584 : i32
      %ne3A_1586 = arith.xori %lt3A_1583, %lt3A_1585 : i1
      %and3A_1587 = arith.andi %ne3A_1586, %ne3A_1581 : i1
      %add3A_1588 = arith.addi %rem3A_1579, %select_n3A_1578 : i32
      %select_n3A_1589 = arith.select %and3A_1587, %add3A_1588, %rem3A_1579 : i32
      %broadcast_in_dim3A_1590 = vector.broadcast %select_n3A_1589 : i32 to vector<16xi32>
      %gather3A = arith.constant 0 : i32
      %gather3A_1591 = arith.constant 0 : i32
      %gather3A_1592 = arith.constant 0 : i32
      %gather3A_1593 = tpu.memref_slice %arg9[%gather3A, %gather3A_1591, %gather3A_1592] : memref<8x32x128xf32, #tpu.memory_space<vmem>> -> memref<1x32x128xf32, #tpu.memory_space<vmem>>
      %gather3A_1594 = tpu.memref_squeeze %gather3A_1593 : memref<1x32x128xf32, #tpu.memory_space<vmem>> -> memref<32x128xf32, #tpu.memory_space<vmem>>
      %gather3A_1595 = tpu.vector_load_idx %gather3A_1594[%iota3A, %broadcast_in_dim3A_1571] : memref<32x128xf32, #tpu.memory_space<vmem>>[vector<16xi32>, vector<16xi32>], vector<16xf32>,
      %gather3A_1596 = arith.constant 0 : i32
      %gather3A_1597 = arith.constant 0 : i32
      %gather3A_1598 = arith.constant 0 : i32
      %gather3A_1599 = tpu.memref_slice %arg9[%gather3A_1596, %gather3A_1597, %gather3A_1598] : memref<8x32x128xf32, #tpu.memory_space<vmem>> -> memref<1x32x128xf32, #tpu.memory_space<vmem>>
      %gather3A_1600 = tpu.memref_squeeze %gather3A_1599 : memref<1x32x128xf32, #tpu.memory_space<vmem>> -> memref<32x128xf32, #tpu.memory_space<vmem>>
      %gather3A_1601 = tpu.vector_load_idx %gather3A_1600[%add3A_11, %broadcast_in_dim3A_1571] : memref<32x128xf32, #tpu.memory_space<vmem>>[vector<16xi32>, vector<16xi32>], vector<16xf32>,
      %gather3A_1602 = arith.constant 0 : i32
      %gather3A_1603 = arith.constant 0 : i32
      %gather3A_1604 = arith.constant 0 : i32
      %gather3A_1605 = tpu.memref_slice %arg10[%gather3A_1602, %gather3A_1603, %gather3A_1604] : memref<8x32x128xf32, #tpu.memory_space<vmem>> -> memref<1x32x128xf32, #tpu.memory_space<vmem>>
      %gather3A_1606 = tpu.memref_squeeze %gather3A_1605 : memref<1x32x128xf32, #tpu.memory_space<vmem>> -> memref<32x128xf32, #tpu.memory_space<vmem>>
      %gather3A_1607 = tpu.vector_load_idx %gather3A_1606[%iota3A, %broadcast_in_dim3A_1590] : memref<32x128xf32, #tpu.memory_space<vmem>>[vector<16xi32>, vector<16xi32>], vector<16xf32>,
      %gather3A_1608 = arith.constant 0 : i32
      %gather3A_1609 = arith.constant 0 : i32
      %gather3A_1610 = arith.constant 0 : i32
      %gather3A_1611 = tpu.memref_slice %arg10[%gather3A_1608, %gather3A_1609, %gather3A_1610] : memref<8x32x128xf32, #tpu.memory_space<vmem>> -> memref<1x32x128xf32, #tpu.memory_space<vmem>>
      %gather3A_1612 = tpu.memref_squeeze %gather3A_1611 : memref<1x32x128xf32, #tpu.memory_space<vmem>> -> memref<32x128xf32, #tpu.memory_space<vmem>>
      %gather3A_1613 = tpu.vector_load_idx %gather3A_1612[%add3A_11, %broadcast_in_dim3A_1590] : memref<32x128xf32, #tpu.memory_space<vmem>>[vector<16xi32>, vector<16xi32>], vector<16xf32>,
      %slice3A_1614 = vector.extract_strided_slice %get3A_1461 {offsets = [0], sizes = [1], strides = [1]} : vector<16xi32> to vector<1xi32>
      %squeeze3A_1615 = vector.extract %slice3A_1614[0] : i32 from vector<1xi32>
      %jit3A_1616 = arith.constant 128 : i32
      %div3A_1617 = arith.divsi %squeeze3A_1615, %jit3A_1616 : i32
      %sign3A_1618 = arith.constant 0 : i32
      %sign3A_1619 = arith.cmpi sgt, %squeeze3A_1615, %sign3A_1618 : i32
      %sign3A_1620 = arith.extui %sign3A_1619 : i1 to i32
      %sign3A_1621 = arith.constant 0 : i32
      %sign3A_1622 = arith.cmpi slt, %squeeze3A_1615, %sign3A_1621 : i32
      %sign3A_1623 = arith.extui %sign3A_1622 : i1 to i32
      %sign3A_1624 = arith.subi %sign3A_1620, %sign3A_1623 : i32
      %sign3A_1625 = arith.constant 0 : i32
      %sign3A_1626 = arith.cmpi sgt, %jit3A_1616, %sign3A_1625 : i32
      %sign3A_1627 = arith.extui %sign3A_1626 : i1 to i32
      %sign3A_1628 = arith.constant 0 : i32
      %sign3A_1629 = arith.cmpi slt, %jit3A_1616, %sign3A_1628 : i32
      %sign3A_1630 = arith.extui %sign3A_1629 : i1 to i32
      %sign3A_1631 = arith.subi %sign3A_1627, %sign3A_1630 : i32
      %ne3A_1632 = arith.cmpi ne, %sign3A_1624, %sign3A_1631 : i32
      %rem3A_1633 = arith.remsi %squeeze3A_1615, %jit3A_1616 : i32
      %ne3A_1634 = arith.constant 0 : i32
      %ne3A_1635 = arith.cmpi ne, %rem3A_1633, %ne3A_1634 : i32
      %and3A_1636 = arith.andi %ne3A_1632, %ne3A_1635 : i1
      %sub3A_1637 = arith.constant 1 : i32
      %sub3A_1638 = arith.subi %div3A_1617, %sub3A_1637 : i32
      %select_n3A_1639 = arith.select %and3A_1636, %sub3A_1638, %div3A_1617 : i32
      %mul3A_1640 = arith.constant 128 : i32
      %mul3A_1641 = arith.muli %select_n3A_1639, %mul3A_1640 : i32
      %multiple_of3A_1642 = tpu.assume_multiple %mul3A_1641, 128 : i32
      %dma_start3A_1643 = arith.constant 0 : i32
      %dma_start3A_1644 = arith.constant 0 : i32
      %dma_start3A_1645 = arith.constant 0 : i32
      %dma_start3A_1646 = tpu.memref_slice %arg9[%dma_start3A_1643, %dma_start3A_1644, %dma_start3A_1645] : memref<8x32x128xf32, #tpu.memory_space<vmem>> -> memref<1x32x128xf32, #tpu.memory_space<vmem>>
      %dma_start3A_1647 = tpu.memref_squeeze %dma_start3A_1646 : memref<1x32x128xf32, #tpu.memory_space<vmem>> -> memref<32x128xf32, #tpu.memory_space<vmem>>
      %dma_start3A_1648 = arith.constant 0 : i32
      %dma_start3A_1649 = tpu.memref_slice %arg4[%dma_start3A_1648, %multiple_of3A_1642] : memref<32x1000000xf32, #tpu.memory_space<hbm>> -> memref<32x128xf32, #tpu.memory_space<hbm>>
      %dma_start3A_1650 = arith.constant 0 : i32
      %dma_start3A_1651 = arith.constant 0 : i32
      %dma_start3A_1652 = tpu.memref_slice %arg9[%dma_start3A_1643, %dma_start3A_1650, %dma_start3A_1651] : memref<8x32x128xf32, #tpu.memory_space<vmem>> -> memref<1x32x128xf32, #tpu.memory_space<vmem>>
      %dma_start3A_1653 = tpu.memref_squeeze %dma_start3A_1652 : memref<1x32x128xf32, #tpu.memory_space<vmem>> -> memref<32x128xf32, #tpu.memory_space<vmem>>
      %dma_start3A_1654 = arith.constant 0 : i32
      %dma_start3A_1655 = tpu.memref_slice %arg4[%dma_start3A_1654, %multiple_of3A_1642] : memref<32x1000000xf32, #tpu.memory_space<hbm>> -> memref<32x128xf32, #tpu.memory_space<hbm>>
      tpu.enqueue_dma source(%dma_start3A_1655 : memref<32x128xf32, #tpu.memory_space<hbm>>) target(%dma_start3A_1653 : memref<32x128xf32, #tpu.memory_space<vmem>>) target_semaphore(%arg12 : memref<!tpu.dma_semaphore, #tpu.memory_space<semaphore_mem>>)
      %slice3A_1656 = vector.extract_strided_slice %get3A_1467 {offsets = [0], sizes = [1], strides = [1]} : vector<16xi32> to vector<1xi32>
      %squeeze3A_1657 = vector.extract %slice3A_1656[0] : i32 from vector<1xi32>
      %jit3A_1658 = arith.constant 128 : i32
      %div3A_1659 = arith.divsi %squeeze3A_1657, %jit3A_1658 : i32
      %sign3A_1660 = arith.constant 0 : i32
      %sign3A_1661 = arith.cmpi sgt, %squeeze3A_1657, %sign3A_1660 : i32
      %sign3A_1662 = arith.extui %sign3A_1661 : i1 to i32
      %sign3A_1663 = arith.constant 0 : i32
      %sign3A_1664 = arith.cmpi slt, %squeeze3A_1657, %sign3A_1663 : i32
      %sign3A_1665 = arith.extui %sign3A_1664 : i1 to i32
      %sign3A_1666 = arith.subi %sign3A_1662, %sign3A_1665 : i32
      %sign3A_1667 = arith.constant 0 : i32
      %sign3A_1668 = arith.cmpi sgt, %jit3A_1658, %sign3A_1667 : i32
      %sign3A_1669 = arith.extui %sign3A_1668 : i1 to i32
      %sign3A_1670 = arith.constant 0 : i32
      %sign3A_1671 = arith.cmpi slt, %jit3A_1658, %sign3A_1670 : i32
      %sign3A_1672 = arith.extui %sign3A_1671 : i1 to i32
      %sign3A_1673 = arith.subi %sign3A_1669, %sign3A_1672 : i32
      %ne3A_1674 = arith.cmpi ne, %sign3A_1666, %sign3A_1673 : i32
      %rem3A_1675 = arith.remsi %squeeze3A_1657, %jit3A_1658 : i32
      %ne3A_1676 = arith.constant 0 : i32
      %ne3A_1677 = arith.cmpi ne, %rem3A_1675, %ne3A_1676 : i32
      %and3A_1678 = arith.andi %ne3A_1674, %ne3A_1677 : i1
      %sub3A_1679 = arith.constant 1 : i32
      %sub3A_1680 = arith.subi %div3A_1659, %sub3A_1679 : i32
      %select_n3A_1681 = arith.select %and3A_1678, %sub3A_1680, %div3A_1659 : i32
      %mul3A_1682 = arith.constant 128 : i32
      %mul3A_1683 = arith.muli %select_n3A_1681, %mul3A_1682 : i32
      %multiple_of3A_1684 = tpu.assume_multiple %mul3A_1683, 128 : i32
      %dma_start3A_1685 = arith.constant 0 : i32
      %dma_start3A_1686 = arith.constant 0 : i32
      %dma_start3A_1687 = arith.constant 0 : i32
      %dma_start3A_1688 = tpu.memref_slice %arg10[%dma_start3A_1685, %dma_start3A_1686, %dma_start3A_1687] : memref<8x32x128xf32, #tpu.memory_space<vmem>> -> memref<1x32x128xf32, #tpu.memory_space<vmem>>
      %dma_start3A_1689 = tpu.memref_squeeze %dma_start3A_1688 : memref<1x32x128xf32, #tpu.memory_space<vmem>> -> memref<32x128xf32, #tpu.memory_space<vmem>>
      %dma_start3A_1690 = arith.constant 0 : i32
      %dma_start3A_1691 = tpu.memref_slice %arg5[%dma_start3A_1690, %multiple_of3A_1684] : memref<32x1000000xf32, #tpu.memory_space<hbm>> -> memref<32x128xf32, #tpu.memory_space<hbm>>
      %dma_start3A_1692 = arith.constant 0 : i32
      %dma_start3A_1693 = arith.constant 0 : i32
      %dma_start3A_1694 = tpu.memref_slice %arg10[%dma_start3A_1685, %dma_start3A_1692, %dma_start3A_1693] : memref<8x32x128xf32, #tpu.memory_space<vmem>> -> memref<1x32x128xf32, #tpu.memory_space<vmem>>
      %dma_start3A_1695 = tpu.memref_squeeze %dma_start3A_1694 : memref<1x32x128xf32, #tpu.memory_space<vmem>> -> memref<32x128xf32, #tpu.memory_space<vmem>>
      %dma_start3A_1696 = arith.constant 0 : i32
      %dma_start3A_1697 = tpu.memref_slice %arg5[%dma_start3A_1696, %multiple_of3A_1684] : memref<32x1000000xf32, #tpu.memory_space<hbm>> -> memref<32x128xf32, #tpu.memory_space<hbm>>
      tpu.enqueue_dma source(%dma_start3A_1697 : memref<32x128xf32, #tpu.memory_space<hbm>>) target(%dma_start3A_1695 : memref<32x128xf32, #tpu.memory_space<vmem>>) target_semaphore(%arg13 : memref<!tpu.dma_semaphore, #tpu.memory_space<semaphore_mem>>)
      %mul3A_1698 = arith.mulf %gather3A_1595, %gather3A_1607 : vector<16xf32>
      %mul3A_1699 = arith.mulf %gather3A_1601, %gather3A_1613 : vector<16xf32>
      %add3A_1700 = arith.addf %mul3A_1698, %mul3A_1699 : vector<16xf32>
      %reduce_sum3A = arith.constant true
      %reduce_sum3A_1701 = vector.broadcast %reduce_sum3A : i1 to vector<16xi1>
      %reduce_sum3A_1702 = tpu.scan <sum>, %add3A_1700 masked %reduce_sum3A_1701 : vector<16xf32>, vector<16xi1> -> vector<16xf32>
      %reduce_sum3A_1703 = vector.extract %reduce_sum3A_1702[15] : f32 from vector<16xf32>
      %mul3A_1704 = vector.broadcast %reduce_sum3A_1703 : f32 to vector<16xf32>
      %mul3A_1705 = arith.mulf %mul3A_1704, %convert_element_type3A_678 : vector<16xf32>
      %add3A_1706 = arith.addf %broadcast_in_dim3A_1469, %mul3A_1705 : vector<16xf32>
      %slice3A_1707 = vector.extract_strided_slice %get3A_1451 {offsets = [1], sizes = [1], strides = [1]} : vector<16xi32> to vector<1xi32>
      %squeeze3A_1708 = vector.extract %slice3A_1707[0] : i32 from vector<1xi32>
      %jit3A_1709 = arith.constant 128 : i32
      %div3A_1710 = arith.divsi %squeeze3A_1708, %jit3A_1709 : i32
      %sign3A_1711 = arith.constant 0 : i32
      %sign3A_1712 = arith.cmpi sgt, %squeeze3A_1708, %sign3A_1711 : i32
      %sign3A_1713 = arith.extui %sign3A_1712 : i1 to i32
      %sign3A_1714 = arith.constant 0 : i32
      %sign3A_1715 = arith.cmpi slt, %squeeze3A_1708, %sign3A_1714 : i32
      %sign3A_1716 = arith.extui %sign3A_1715 : i1 to i32
      %sign3A_1717 = arith.subi %sign3A_1713, %sign3A_1716 : i32
      %sign3A_1718 = arith.constant 0 : i32
      %sign3A_1719 = arith.cmpi sgt, %jit3A_1709, %sign3A_1718 : i32
      %sign3A_1720 = arith.extui %sign3A_1719 : i1 to i32
      %sign3A_1721 = arith.constant 0 : i32
      %sign3A_1722 = arith.cmpi slt, %jit3A_1709, %sign3A_1721 : i32
      %sign3A_1723 = arith.extui %sign3A_1722 : i1 to i32
      %sign3A_1724 = arith.subi %sign3A_1720, %sign3A_1723 : i32
      %ne3A_1725 = arith.cmpi ne, %sign3A_1717, %sign3A_1724 : i32
      %rem3A_1726 = arith.remsi %squeeze3A_1708, %jit3A_1709 : i32
      %ne3A_1727 = arith.constant 0 : i32
      %ne3A_1728 = arith.cmpi ne, %rem3A_1726, %ne3A_1727 : i32
      %and3A_1729 = arith.andi %ne3A_1725, %ne3A_1728 : i1
      %sub3A_1730 = arith.constant 1 : i32
      %sub3A_1731 = arith.subi %div3A_1710, %sub3A_1730 : i32
      %select_n3A_1732 = arith.select %and3A_1729, %sub3A_1731, %div3A_1710 : i32
      %mul3A_1733 = arith.constant 128 : i32
      %mul3A_1734 = arith.muli %select_n3A_1732, %mul3A_1733 : i32
      %multiple_of3A_1735 = tpu.assume_multiple %mul3A_1734, 128 : i32
      %dma_wait3A_1736 = arith.constant 1 : i32
      %dma_wait3A_1737 = arith.constant 0 : i32
      %dma_wait3A_1738 = arith.constant 0 : i32
      %dma_wait3A_1739 = tpu.memref_slice %arg9[%dma_wait3A_1736, %dma_wait3A_1737, %dma_wait3A_1738] : memref<8x32x128xf32, #tpu.memory_space<vmem>> -> memref<1x32x128xf32, #tpu.memory_space<vmem>>
      %dma_wait3A_1740 = tpu.memref_squeeze %dma_wait3A_1739 : memref<1x32x128xf32, #tpu.memory_space<vmem>> -> memref<32x128xf32, #tpu.memory_space<vmem>>
      %dma_wait3A_1741 = arith.constant 0 : i32
      %dma_wait3A_1742 = tpu.memref_slice %arg4[%dma_wait3A_1741, %multiple_of3A_1735] : memref<32x1000000xf32, #tpu.memory_space<hbm>> -> memref<32x128xf32, #tpu.memory_space<hbm>>
      %dma_wait3A_1743 = arith.constant 0 : i32
      %dma_wait3A_1744 = arith.constant 0 : i32
      %dma_wait3A_1745 = tpu.memref_slice %arg9[%dma_wait3A_1736, %dma_wait3A_1743, %dma_wait3A_1744] : memref<8x32x128xf32, #tpu.memory_space<vmem>> -> memref<1x32x128xf32, #tpu.memory_space<vmem>>
      %dma_wait3A_1746 = tpu.memref_squeeze %dma_wait3A_1745 : memref<1x32x128xf32, #tpu.memory_space<vmem>> -> memref<32x128xf32, #tpu.memory_space<vmem>>
      %dma_wait3A_1747 = arith.constant 0 : i32
      %dma_wait3A_1748 = tpu.memref_slice %arg4[%dma_wait3A_1747, %multiple_of3A_1735] : memref<32x1000000xf32, #tpu.memory_space<hbm>> -> memref<32x128xf32, #tpu.memory_space<hbm>>
      tpu.wait_dma2 semaphore(%arg12 : memref<!tpu.dma_semaphore, #tpu.memory_space<semaphore_mem>>) src(%dma_wait3A_1748 : memref<32x128xf32, #tpu.memory_space<hbm>>) dst(%dma_wait3A_1746 : memref<32x128xf32, #tpu.memory_space<vmem>>)
      %slice3A_1749 = vector.extract_strided_slice %get3A_1455 {offsets = [1], sizes = [1], strides = [1]} : vector<16xi32> to vector<1xi32>
      %squeeze3A_1750 = vector.extract %slice3A_1749[0] : i32 from vector<1xi32>
      %jit3A_1751 = arith.constant 128 : i32
      %div3A_1752 = arith.divsi %squeeze3A_1750, %jit3A_1751 : i32
      %sign3A_1753 = arith.constant 0 : i32
      %sign3A_1754 = arith.cmpi sgt, %squeeze3A_1750, %sign3A_1753 : i32
      %sign3A_1755 = arith.extui %sign3A_1754 : i1 to i32
      %sign3A_1756 = arith.constant 0 : i32
      %sign3A_1757 = arith.cmpi slt, %squeeze3A_1750, %sign3A_1756 : i32
      %sign3A_1758 = arith.extui %sign3A_1757 : i1 to i32
      %sign3A_1759 = arith.subi %sign3A_1755, %sign3A_1758 : i32
      %sign3A_1760 = arith.constant 0 : i32
      %sign3A_1761 = arith.cmpi sgt, %jit3A_1751, %sign3A_1760 : i32
      %sign3A_1762 = arith.extui %sign3A_1761 : i1 to i32
      %sign3A_1763 = arith.constant 0 : i32
      %sign3A_1764 = arith.cmpi slt, %jit3A_1751, %sign3A_1763 : i32
      %sign3A_1765 = arith.extui %sign3A_1764 : i1 to i32
      %sign3A_1766 = arith.subi %sign3A_1762, %sign3A_1765 : i32
      %ne3A_1767 = arith.cmpi ne, %sign3A_1759, %sign3A_1766 : i32
      %rem3A_1768 = arith.remsi %squeeze3A_1750, %jit3A_1751 : i32
      %ne3A_1769 = arith.constant 0 : i32
      %ne3A_1770 = arith.cmpi ne, %rem3A_1768, %ne3A_1769 : i32
      %and3A_1771 = arith.andi %ne3A_1767, %ne3A_1770 : i1
      %sub3A_1772 = arith.constant 1 : i32
      %sub3A_1773 = arith.subi %div3A_1752, %sub3A_1772 : i32
      %select_n3A_1774 = arith.select %and3A_1771, %sub3A_1773, %div3A_1752 : i32
      %mul3A_1775 = arith.constant 128 : i32
      %mul3A_1776 = arith.muli %select_n3A_1774, %mul3A_1775 : i32
      %multiple_of3A_1777 = tpu.assume_multiple %mul3A_1776, 128 : i32
      %dma_wait3A_1778 = arith.constant 1 : i32
      %dma_wait3A_1779 = arith.constant 0 : i32
      %dma_wait3A_1780 = arith.constant 0 : i32
      %dma_wait3A_1781 = tpu.memref_slice %arg10[%dma_wait3A_1778, %dma_wait3A_1779, %dma_wait3A_1780] : memref<8x32x128xf32, #tpu.memory_space<vmem>> -> memref<1x32x128xf32, #tpu.memory_space<vmem>>
      %dma_wait3A_1782 = tpu.memref_squeeze %dma_wait3A_1781 : memref<1x32x128xf32, #tpu.memory_space<vmem>> -> memref<32x128xf32, #tpu.memory_space<vmem>>
      %dma_wait3A_1783 = arith.constant 0 : i32
      %dma_wait3A_1784 = tpu.memref_slice %arg5[%dma_wait3A_1783, %multiple_of3A_1777] : memref<32x1000000xf32, #tpu.memory_space<hbm>> -> memref<32x128xf32, #tpu.memory_space<hbm>>
      %dma_wait3A_1785 = arith.constant 0 : i32
      %dma_wait3A_1786 = arith.constant 0 : i32
      %dma_wait3A_1787 = tpu.memref_slice %arg10[%dma_wait3A_1778, %dma_wait3A_1785, %dma_wait3A_1786] : memref<8x32x128xf32, #tpu.memory_space<vmem>> -> memref<1x32x128xf32, #tpu.memory_space<vmem>>
      %dma_wait3A_1788 = tpu.memref_squeeze %dma_wait3A_1787 : memref<1x32x128xf32, #tpu.memory_space<vmem>> -> memref<32x128xf32, #tpu.memory_space<vmem>>
      %dma_wait3A_1789 = arith.constant 0 : i32
      %dma_wait3A_1790 = tpu.memref_slice %arg5[%dma_wait3A_1789, %multiple_of3A_1777] : memref<32x1000000xf32, #tpu.memory_space<hbm>> -> memref<32x128xf32, #tpu.memory_space<hbm>>
      tpu.wait_dma2 semaphore(%arg13 : memref<!tpu.dma_semaphore, #tpu.memory_space<semaphore_mem>>) src(%dma_wait3A_1790 : memref<32x128xf32, #tpu.memory_space<hbm>>) dst(%dma_wait3A_1788 : memref<32x128xf32, #tpu.memory_space<vmem>>)
      %slice3A_1791 = vector.extract_strided_slice %get3A_1451 {offsets = [1], sizes = [1], strides = [1]} : vector<16xi32> to vector<1xi32>
      %squeeze3A_1792 = vector.extract %slice3A_1791[0] : i32 from vector<1xi32>
      %jit3A_1793 = arith.constant 128 : i32
      %eq3A_1794 = arith.constant 0 : i32
      %eq3A_1795 = arith.cmpi eq, %jit3A_1793, %eq3A_1794 : i32
      %jit3A_1796 = arith.constant 1 : i32
      %select_n3A_1797 = arith.select %eq3A_1795, %jit3A_1796, %jit3A_1793 : i32
      %rem3A_1798 = arith.remsi %squeeze3A_1792, %select_n3A_1797 : i32
      %ne3A_1799 = arith.constant 0 : i32
      %ne3A_1800 = arith.cmpi ne, %rem3A_1798, %ne3A_1799 : i32
      %lt3A_1801 = arith.constant 0 : i32
      %lt3A_1802 = arith.cmpi slt, %rem3A_1798, %lt3A_1801 : i32
      %lt3A_1803 = arith.constant 0 : i32
      %lt3A_1804 = arith.cmpi slt, %select_n3A_1797, %lt3A_1803 : i32
      %ne3A_1805 = arith.xori %lt3A_1802, %lt3A_1804 : i1
      %and3A_1806 = arith.andi %ne3A_1805, %ne3A_1800 : i1
      %add3A_1807 = arith.addi %rem3A_1798, %select_n3A_1797 : i32
      %select_n3A_1808 = arith.select %and3A_1806, %add3A_1807, %rem3A_1798 : i32
      %broadcast_in_dim3A_1809 = vector.broadcast %select_n3A_1808 : i32 to vector<16xi32>
      %slice3A_1810 = vector.extract_strided_slice %get3A_1455 {offsets = [1], sizes = [1], strides = [1]} : vector<16xi32> to vector<1xi32>
      %squeeze3A_1811 = vector.extract %slice3A_1810[0] : i32 from vector<1xi32>
      %jit3A_1812 = arith.constant 128 : i32
      %eq3A_1813 = arith.constant 0 : i32
      %eq3A_1814 = arith.cmpi eq, %jit3A_1812, %eq3A_1813 : i32
      %jit3A_1815 = arith.constant 1 : i32
      %select_n3A_1816 = arith.select %eq3A_1814, %jit3A_1815, %jit3A_1812 : i32
      %rem3A_1817 = arith.remsi %squeeze3A_1811, %select_n3A_1816 : i32
      %ne3A_1818 = arith.constant 0 : i32
      %ne3A_1819 = arith.cmpi ne, %rem3A_1817, %ne3A_1818 : i32
      %lt3A_1820 = arith.constant 0 : i32
      %lt3A_1821 = arith.cmpi slt, %rem3A_1817, %lt3A_1820 : i32
      %lt3A_1822 = arith.constant 0 : i32
      %lt3A_1823 = arith.cmpi slt, %select_n3A_1816, %lt3A_1822 : i32
      %ne3A_1824 = arith.xori %lt3A_1821, %lt3A_1823 : i1
      %and3A_1825 = arith.andi %ne3A_1824, %ne3A_1819 : i1
      %add3A_1826 = arith.addi %rem3A_1817, %select_n3A_1816 : i32
      %select_n3A_1827 = arith.select %and3A_1825, %add3A_1826, %rem3A_1817 : i32
      %broadcast_in_dim3A_1828 = vector.broadcast %select_n3A_1827 : i32 to vector<16xi32>
      %gather3A_1829 = arith.constant 1 : i32
      %gather3A_1830 = arith.constant 0 : i32
      %gather3A_1831 = arith.constant 0 : i32
      %gather3A_1832 = tpu.memref_slice %arg9[%gather3A_1829, %gather3A_1830, %gather3A_1831] : memref<8x32x128xf32, #tpu.memory_space<vmem>> -> memref<1x32x128xf32, #tpu.memory_space<vmem>>
      %gather3A_1833 = tpu.memref_squeeze %gather3A_1832 : memref<1x32x128xf32, #tpu.memory_space<vmem>> -> memref<32x128xf32, #tpu.memory_space<vmem>>
      %gather3A_1834 = tpu.vector_load_idx %gather3A_1833[%iota3A, %broadcast_in_dim3A_1809] : memref<32x128xf32, #tpu.memory_space<vmem>>[vector<16xi32>, vector<16xi32>], vector<16xf32>,
      %gather3A_1835 = arith.constant 1 : i32
      %gather3A_1836 = arith.constant 0 : i32
      %gather3A_1837 = arith.constant 0 : i32
      %gather3A_1838 = tpu.memref_slice %arg9[%gather3A_1835, %gather3A_1836, %gather3A_1837] : memref<8x32x128xf32, #tpu.memory_space<vmem>> -> memref<1x32x128xf32, #tpu.memory_space<vmem>>
      %gather3A_1839 = tpu.memref_squeeze %gather3A_1838 : memref<1x32x128xf32, #tpu.memory_space<vmem>> -> memref<32x128xf32, #tpu.memory_space<vmem>>
      %gather3A_1840 = tpu.vector_load_idx %gather3A_1839[%add3A_11, %broadcast_in_dim3A_1809] : memref<32x128xf32, #tpu.memory_space<vmem>>[vector<16xi32>, vector<16xi32>], vector<16xf32>,
      %gather3A_1841 = arith.constant 1 : i32
      %gather3A_1842 = arith.constant 0 : i32
      %gather3A_1843 = arith.constant 0 : i32
      %gather3A_1844 = tpu.memref_slice %arg10[%gather3A_1841, %gather3A_1842, %gather3A_1843] : memref<8x32x128xf32, #tpu.memory_space<vmem>> -> memref<1x32x128xf32, #tpu.memory_space<vmem>>
      %gather3A_1845 = tpu.memref_squeeze %gather3A_1844 : memref<1x32x128xf32, #tpu.memory_space<vmem>> -> memref<32x128xf32, #tpu.memory_space<vmem>>
      %gather3A_1846 = tpu.vector_load_idx %gather3A_1845[%iota3A, %broadcast_in_dim3A_1828] : memref<32x128xf32, #tpu.memory_space<vmem>>[vector<16xi32>, vector<16xi32>], vector<16xf32>,
      %gather3A_1847 = arith.constant 1 : i32
      %gather3A_1848 = arith.constant 0 : i32
      %gather3A_1849 = arith.constant 0 : i32
      %gather3A_1850 = tpu.memref_slice %arg10[%gather3A_1847, %gather3A_1848, %gather3A_1849] : memref<8x32x128xf32, #tpu.memory_space<vmem>> -> memref<1x32x128xf32, #tpu.memory_space<vmem>>
      %gather3A_1851 = tpu.memref_squeeze %gather3A_1850 : memref<1x32x128xf32, #tpu.memory_space<vmem>> -> memref<32x128xf32, #tpu.memory_space<vmem>>
      %gather3A_1852 = tpu.vector_load_idx %gather3A_1851[%add3A_11, %broadcast_in_dim3A_1828] : memref<32x128xf32, #tpu.memory_space<vmem>>[vector<16xi32>, vector<16xi32>], vector<16xf32>,
      %slice3A_1853 = vector.extract_strided_slice %get3A_1461 {offsets = [1], sizes = [1], strides = [1]} : vector<16xi32> to vector<1xi32>
      %squeeze3A_1854 = vector.extract %slice3A_1853[0] : i32 from vector<1xi32>
      %jit3A_1855 = arith.constant 128 : i32
      %div3A_1856 = arith.divsi %squeeze3A_1854, %jit3A_1855 : i32
      %sign3A_1857 = arith.constant 0 : i32
      %sign3A_1858 = arith.cmpi sgt, %squeeze3A_1854, %sign3A_1857 : i32
      %sign3A_1859 = arith.extui %sign3A_1858 : i1 to i32
      %sign3A_1860 = arith.constant 0 : i32
      %sign3A_1861 = arith.cmpi slt, %squeeze3A_1854, %sign3A_1860 : i32
      %sign3A_1862 = arith.extui %sign3A_1861 : i1 to i32
      %sign3A_1863 = arith.subi %sign3A_1859, %sign3A_1862 : i32
      %sign3A_1864 = arith.constant 0 : i32
      %sign3A_1865 = arith.cmpi sgt, %jit3A_1855, %sign3A_1864 : i32
      %sign3A_1866 = arith.extui %sign3A_1865 : i1 to i32
      %sign3A_1867 = arith.constant 0 : i32
      %sign3A_1868 = arith.cmpi slt, %jit3A_1855, %sign3A_1867 : i32
      %sign3A_1869 = arith.extui %sign3A_1868 : i1 to i32
      %sign3A_1870 = arith.subi %sign3A_1866, %sign3A_1869 : i32
      %ne3A_1871 = arith.cmpi ne, %sign3A_1863, %sign3A_1870 : i32
      %rem3A_1872 = arith.remsi %squeeze3A_1854, %jit3A_1855 : i32
      %ne3A_1873 = arith.constant 0 : i32
      %ne3A_1874 = arith.cmpi ne, %rem3A_1872, %ne3A_1873 : i32
      %and3A_1875 = arith.andi %ne3A_1871, %ne3A_1874 : i1
      %sub3A_1876 = arith.constant 1 : i32
      %sub3A_1877 = arith.subi %div3A_1856, %sub3A_1876 : i32
      %select_n3A_1878 = arith.select %and3A_1875, %sub3A_1877, %div3A_1856 : i32
      %mul3A_1879 = arith.constant 128 : i32
      %mul3A_1880 = arith.muli %select_n3A_1878, %mul3A_1879 : i32
      %multiple_of3A_1881 = tpu.assume_multiple %mul3A_1880, 128 : i32
      %dma_start3A_1882 = arith.constant 1 : i32
      %dma_start3A_1883 = arith.constant 0 : i32
      %dma_start3A_1884 = arith.constant 0 : i32
      %dma_start3A_1885 = tpu.memref_slice %arg9[%dma_start3A_1882, %dma_start3A_1883, %dma_start3A_1884] : memref<8x32x128xf32, #tpu.memory_space<vmem>> -> memref<1x32x128xf32, #tpu.memory_space<vmem>>
      %dma_start3A_1886 = tpu.memref_squeeze %dma_start3A_1885 : memref<1x32x128xf32, #tpu.memory_space<vmem>> -> memref<32x128xf32, #tpu.memory_space<vmem>>
      %dma_start3A_1887 = arith.constant 0 : i32
      %dma_start3A_1888 = tpu.memref_slice %arg4[%dma_start3A_1887, %multiple_of3A_1881] : memref<32x1000000xf32, #tpu.memory_space<hbm>> -> memref<32x128xf32, #tpu.memory_space<hbm>>
      %dma_start3A_1889 = arith.constant 0 : i32
      %dma_start3A_1890 = arith.constant 0 : i32
      %dma_start3A_1891 = tpu.memref_slice %arg9[%dma_start3A_1882, %dma_start3A_1889, %dma_start3A_1890] : memref<8x32x128xf32, #tpu.memory_space<vmem>> -> memref<1x32x128xf32, #tpu.memory_space<vmem>>
      %dma_start3A_1892 = tpu.memref_squeeze %dma_start3A_1891 : memref<1x32x128xf32, #tpu.memory_space<vmem>> -> memref<32x128xf32, #tpu.memory_space<vmem>>
      %dma_start3A_1893 = arith.constant 0 : i32
      %dma_start3A_1894 = tpu.memref_slice %arg4[%dma_start3A_1893, %multiple_of3A_1881] : memref<32x1000000xf32, #tpu.memory_space<hbm>> -> memref<32x128xf32, #tpu.memory_space<hbm>>
      tpu.enqueue_dma source(%dma_start3A_1894 : memref<32x128xf32, #tpu.memory_space<hbm>>) target(%dma_start3A_1892 : memref<32x128xf32, #tpu.memory_space<vmem>>) target_semaphore(%arg12 : memref<!tpu.dma_semaphore, #tpu.memory_space<semaphore_mem>>)
      %slice3A_1895 = vector.extract_strided_slice %get3A_1467 {offsets = [1], sizes = [1], strides = [1]} : vector<16xi32> to vector<1xi32>
      %squeeze3A_1896 = vector.extract %slice3A_1895[0] : i32 from vector<1xi32>
      %jit3A_1897 = arith.constant 128 : i32
      %div3A_1898 = arith.divsi %squeeze3A_1896, %jit3A_1897 : i32
      %sign3A_1899 = arith.constant 0 : i32
      %sign3A_1900 = arith.cmpi sgt, %squeeze3A_1896, %sign3A_1899 : i32
      %sign3A_1901 = arith.extui %sign3A_1900 : i1 to i32
      %sign3A_1902 = arith.constant 0 : i32
      %sign3A_1903 = arith.cmpi slt, %squeeze3A_1896, %sign3A_1902 : i32
      %sign3A_1904 = arith.extui %sign3A_1903 : i1 to i32
      %sign3A_1905 = arith.subi %sign3A_1901, %sign3A_1904 : i32
      %sign3A_1906 = arith.constant 0 : i32
      %sign3A_1907 = arith.cmpi sgt, %jit3A_1897, %sign3A_1906 : i32
      %sign3A_1908 = arith.extui %sign3A_1907 : i1 to i32
      %sign3A_1909 = arith.constant 0 : i32
      %sign3A_1910 = arith.cmpi slt, %jit3A_1897, %sign3A_1909 : i32
      %sign3A_1911 = arith.extui %sign3A_1910 : i1 to i32
      %sign3A_1912 = arith.subi %sign3A_1908, %sign3A_1911 : i32
      %ne3A_1913 = arith.cmpi ne, %sign3A_1905, %sign3A_1912 : i32
      %rem3A_1914 = arith.remsi %squeeze3A_1896, %jit3A_1897 : i32
      %ne3A_1915 = arith.constant 0 : i32
      %ne3A_1916 = arith.cmpi ne, %rem3A_1914, %ne3A_1915 : i32
      %and3A_1917 = arith.andi %ne3A_1913, %ne3A_1916 : i1
      %sub3A_1918 = arith.constant 1 : i32
      %sub3A_1919 = arith.subi %div3A_1898, %sub3A_1918 : i32
      %select_n3A_1920 = arith.select %and3A_1917, %sub3A_1919, %div3A_1898 : i32
      %mul3A_1921 = arith.constant 128 : i32
      %mul3A_1922 = arith.muli %select_n3A_1920, %mul3A_1921 : i32
      %multiple_of3A_1923 = tpu.assume_multiple %mul3A_1922, 128 : i32
      %dma_start3A_1924 = arith.constant 1 : i32
      %dma_start3A_1925 = arith.constant 0 : i32
      %dma_start3A_1926 = arith.constant 0 : i32
      %dma_start3A_1927 = tpu.memref_slice %arg10[%dma_start3A_1924, %dma_start3A_1925, %dma_start3A_1926] : memref<8x32x128xf32, #tpu.memory_space<vmem>> -> memref<1x32x128xf32, #tpu.memory_space<vmem>>
      %dma_start3A_1928 = tpu.memref_squeeze %dma_start3A_1927 : memref<1x32x128xf32, #tpu.memory_space<vmem>> -> memref<32x128xf32, #tpu.memory_space<vmem>>
      %dma_start3A_1929 = arith.constant 0 : i32
      %dma_start3A_1930 = tpu.memref_slice %arg5[%dma_start3A_1929, %multiple_of3A_1923] : memref<32x1000000xf32, #tpu.memory_space<hbm>> -> memref<32x128xf32, #tpu.memory_space<hbm>>
      %dma_start3A_1931 = arith.constant 0 : i32
      %dma_start3A_1932 = arith.constant 0 : i32
      %dma_start3A_1933 = tpu.memref_slice %arg10[%dma_start3A_1924, %dma_start3A_1931, %dma_start3A_1932] : memref<8x32x128xf32, #tpu.memory_space<vmem>> -> memref<1x32x128xf32, #tpu.memory_space<vmem>>
      %dma_start3A_1934 = tpu.memref_squeeze %dma_start3A_1933 : memref<1x32x128xf32, #tpu.memory_space<vmem>> -> memref<32x128xf32, #tpu.memory_space<vmem>>
      %dma_start3A_1935 = arith.constant 0 : i32
      %dma_start3A_1936 = tpu.memref_slice %arg5[%dma_start3A_1935, %multiple_of3A_1923] : memref<32x1000000xf32, #tpu.memory_space<hbm>> -> memref<32x128xf32, #tpu.memory_space<hbm>>
      tpu.enqueue_dma source(%dma_start3A_1936 : memref<32x128xf32, #tpu.memory_space<hbm>>) target(%dma_start3A_1934 : memref<32x128xf32, #tpu.memory_space<vmem>>) target_semaphore(%arg13 : memref<!tpu.dma_semaphore, #tpu.memory_space<semaphore_mem>>)
      %mul3A_1937 = arith.mulf %gather3A_1834, %gather3A_1846 : vector<16xf32>
      %mul3A_1938 = arith.mulf %gather3A_1840, %gather3A_1852 : vector<16xf32>
      %add3A_1939 = arith.addf %mul3A_1937, %mul3A_1938 : vector<16xf32>
      %reduce_sum3A_1940 = arith.constant true
      %reduce_sum3A_1941 = vector.broadcast %reduce_sum3A_1940 : i1 to vector<16xi1>
      %reduce_sum3A_1942 = tpu.scan <sum>, %add3A_1939 masked %reduce_sum3A_1941 : vector<16xf32>, vector<16xi1> -> vector<16xf32>
      %reduce_sum3A_1943 = vector.extract %reduce_sum3A_1942[15] : f32 from vector<16xf32>
      %mul3A_1944 = vector.broadcast %reduce_sum3A_1943 : f32 to vector<16xf32>
      %mul3A_1945 = arith.mulf %mul3A_1944, %convert_element_type3A_684 : vector<16xf32>
      %add3A_1946 = arith.addf %add3A_1706, %mul3A_1945 : vector<16xf32>
      %slice3A_1947 = vector.extract_strided_slice %get3A_1451 {offsets = [2], sizes = [1], strides = [1]} : vector<16xi32> to vector<1xi32>
      %squeeze3A_1948 = vector.extract %slice3A_1947[0] : i32 from vector<1xi32>
      %jit3A_1949 = arith.constant 128 : i32
      %div3A_1950 = arith.divsi %squeeze3A_1948, %jit3A_1949 : i32
      %sign3A_1951 = arith.constant 0 : i32
      %sign3A_1952 = arith.cmpi sgt, %squeeze3A_1948, %sign3A_1951 : i32
      %sign3A_1953 = arith.extui %sign3A_1952 : i1 to i32
      %sign3A_1954 = arith.constant 0 : i32
      %sign3A_1955 = arith.cmpi slt, %squeeze3A_1948, %sign3A_1954 : i32
      %sign3A_1956 = arith.extui %sign3A_1955 : i1 to i32
      %sign3A_1957 = arith.subi %sign3A_1953, %sign3A_1956 : i32
      %sign3A_1958 = arith.constant 0 : i32
      %sign3A_1959 = arith.cmpi sgt, %jit3A_1949, %sign3A_1958 : i32
      %sign3A_1960 = arith.extui %sign3A_1959 : i1 to i32
      %sign3A_1961 = arith.constant 0 : i32
      %sign3A_1962 = arith.cmpi slt, %jit3A_1949, %sign3A_1961 : i32
      %sign3A_1963 = arith.extui %sign3A_1962 : i1 to i32
      %sign3A_1964 = arith.subi %sign3A_1960, %sign3A_1963 : i32
      %ne3A_1965 = arith.cmpi ne, %sign3A_1957, %sign3A_1964 : i32
      %rem3A_1966 = arith.remsi %squeeze3A_1948, %jit3A_1949 : i32
      %ne3A_1967 = arith.constant 0 : i32
      %ne3A_1968 = arith.cmpi ne, %rem3A_1966, %ne3A_1967 : i32
      %and3A_1969 = arith.andi %ne3A_1965, %ne3A_1968 : i1
      %sub3A_1970 = arith.constant 1 : i32
      %sub3A_1971 = arith.subi %div3A_1950, %sub3A_1970 : i32
      %select_n3A_1972 = arith.select %and3A_1969, %sub3A_1971, %div3A_1950 : i32
      %mul3A_1973 = arith.constant 128 : i32
      %mul3A_1974 = arith.muli %select_n3A_1972, %mul3A_1973 : i32
      %multiple_of3A_1975 = tpu.assume_multiple %mul3A_1974, 128 : i32
      %dma_wait3A_1976 = arith.constant 2 : i32
      %dma_wait3A_1977 = arith.constant 0 : i32
      %dma_wait3A_1978 = arith.constant 0 : i32
      %dma_wait3A_1979 = tpu.memref_slice %arg9[%dma_wait3A_1976, %dma_wait3A_1977, %dma_wait3A_1978] : memref<8x32x128xf32, #tpu.memory_space<vmem>> -> memref<1x32x128xf32, #tpu.memory_space<vmem>>
      %dma_wait3A_1980 = tpu.memref_squeeze %dma_wait3A_1979 : memref<1x32x128xf32, #tpu.memory_space<vmem>> -> memref<32x128xf32, #tpu.memory_space<vmem>>
      %dma_wait3A_1981 = arith.constant 0 : i32
      %dma_wait3A_1982 = tpu.memref_slice %arg4[%dma_wait3A_1981, %multiple_of3A_1975] : memref<32x1000000xf32, #tpu.memory_space<hbm>> -> memref<32x128xf32, #tpu.memory_space<hbm>>
      %dma_wait3A_1983 = arith.constant 0 : i32
      %dma_wait3A_1984 = arith.constant 0 : i32
      %dma_wait3A_1985 = tpu.memref_slice %arg9[%dma_wait3A_1976, %dma_wait3A_1983, %dma_wait3A_1984] : memref<8x32x128xf32, #tpu.memory_space<vmem>> -> memref<1x32x128xf32, #tpu.memory_space<vmem>>
      %dma_wait3A_1986 = tpu.memref_squeeze %dma_wait3A_1985 : memref<1x32x128xf32, #tpu.memory_space<vmem>> -> memref<32x128xf32, #tpu.memory_space<vmem>>
      %dma_wait3A_1987 = arith.constant 0 : i32
      %dma_wait3A_1988 = tpu.memref_slice %arg4[%dma_wait3A_1987, %multiple_of3A_1975] : memref<32x1000000xf32, #tpu.memory_space<hbm>> -> memref<32x128xf32, #tpu.memory_space<hbm>>
      tpu.wait_dma2 semaphore(%arg12 : memref<!tpu.dma_semaphore, #tpu.memory_space<semaphore_mem>>) src(%dma_wait3A_1988 : memref<32x128xf32, #tpu.memory_space<hbm>>) dst(%dma_wait3A_1986 : memref<32x128xf32, #tpu.memory_space<vmem>>)
      %slice3A_1989 = vector.extract_strided_slice %get3A_1455 {offsets = [2], sizes = [1], strides = [1]} : vector<16xi32> to vector<1xi32>
      %squeeze3A_1990 = vector.extract %slice3A_1989[0] : i32 from vector<1xi32>
      %jit3A_1991 = arith.constant 128 : i32
      %div3A_1992 = arith.divsi %squeeze3A_1990, %jit3A_1991 : i32
      %sign3A_1993 = arith.constant 0 : i32
      %sign3A_1994 = arith.cmpi sgt, %squeeze3A_1990, %sign3A_1993 : i32
      %sign3A_1995 = arith.extui %sign3A_1994 : i1 to i32
      %sign3A_1996 = arith.constant 0 : i32
      %sign3A_1997 = arith.cmpi slt, %squeeze3A_1990, %sign3A_1996 : i32
      %sign3A_1998 = arith.extui %sign3A_1997 : i1 to i32
      %sign3A_1999 = arith.subi %sign3A_1995, %sign3A_1998 : i32
      %sign3A_2000 = arith.constant 0 : i32
      %sign3A_2001 = arith.cmpi sgt, %jit3A_1991, %sign3A_2000 : i32
      %sign3A_2002 = arith.extui %sign3A_2001 : i1 to i32
      %sign3A_2003 = arith.constant 0 : i32
      %sign3A_2004 = arith.cmpi slt, %jit3A_1991, %sign3A_2003 : i32
      %sign3A_2005 = arith.extui %sign3A_2004 : i1 to i32
      %sign3A_2006 = arith.subi %sign3A_2002, %sign3A_2005 : i32
      %ne3A_2007 = arith.cmpi ne, %sign3A_1999, %sign3A_2006 : i32
      %rem3A_2008 = arith.remsi %squeeze3A_1990, %jit3A_1991 : i32
      %ne3A_2009 = arith.constant 0 : i32
      %ne3A_2010 = arith.cmpi ne, %rem3A_2008, %ne3A_2009 : i32
      %and3A_2011 = arith.andi %ne3A_2007, %ne3A_2010 : i1
      %sub3A_2012 = arith.constant 1 : i32
      %sub3A_2013 = arith.subi %div3A_1992, %sub3A_2012 : i32
      %select_n3A_2014 = arith.select %and3A_2011, %sub3A_2013, %div3A_1992 : i32
      %mul3A_2015 = arith.constant 128 : i32
      %mul3A_2016 = arith.muli %select_n3A_2014, %mul3A_2015 : i32
      %multiple_of3A_2017 = tpu.assume_multiple %mul3A_2016, 128 : i32
      %dma_wait3A_2018 = arith.constant 2 : i32
      %dma_wait3A_2019 = arith.constant 0 : i32
      %dma_wait3A_2020 = arith.constant 0 : i32
      %dma_wait3A_2021 = tpu.memref_slice %arg10[%dma_wait3A_2018, %dma_wait3A_2019, %dma_wait3A_2020] : memref<8x32x128xf32, #tpu.memory_space<vmem>> -> memref<1x32x128xf32, #tpu.memory_space<vmem>>
      %dma_wait3A_2022 = tpu.memref_squeeze %dma_wait3A_2021 : memref<1x32x128xf32, #tpu.memory_space<vmem>> -> memref<32x128xf32, #tpu.memory_space<vmem>>
      %dma_wait3A_2023 = arith.constant 0 : i32
      %dma_wait3A_2024 = tpu.memref_slice %arg5[%dma_wait3A_2023, %multiple_of3A_2017] : memref<32x1000000xf32, #tpu.memory_space<hbm>> -> memref<32x128xf32, #tpu.memory_space<hbm>>
      %dma_wait3A_2025 = arith.constant 0 : i32
      %dma_wait3A_2026 = arith.constant 0 : i32
      %dma_wait3A_2027 = tpu.memref_slice %arg10[%dma_wait3A_2018, %dma_wait3A_2025, %dma_wait3A_2026] : memref<8x32x128xf32, #tpu.memory_space<vmem>> -> memref<1x32x128xf32, #tpu.memory_space<vmem>>
      %dma_wait3A_2028 = tpu.memref_squeeze %dma_wait3A_2027 : memref<1x32x128xf32, #tpu.memory_space<vmem>> -> memref<32x128xf32, #tpu.memory_space<vmem>>
      %dma_wait3A_2029 = arith.constant 0 : i32
      %dma_wait3A_2030 = tpu.memref_slice %arg5[%dma_wait3A_2029, %multiple_of3A_2017] : memref<32x1000000xf32, #tpu.memory_space<hbm>> -> memref<32x128xf32, #tpu.memory_space<hbm>>
      tpu.wait_dma2 semaphore(%arg13 : memref<!tpu.dma_semaphore, #tpu.memory_space<semaphore_mem>>) src(%dma_wait3A_2030 : memref<32x128xf32, #tpu.memory_space<hbm>>) dst(%dma_wait3A_2028 : memref<32x128xf32, #tpu.memory_space<vmem>>)
      %slice3A_2031 = vector.extract_strided_slice %get3A_1451 {offsets = [2], sizes = [1], strides = [1]} : vector<16xi32> to vector<1xi32>
      %squeeze3A_2032 = vector.extract %slice3A_2031[0] : i32 from vector<1xi32>
      %jit3A_2033 = arith.constant 128 : i32
      %eq3A_2034 = arith.constant 0 : i32
      %eq3A_2035 = arith.cmpi eq, %jit3A_2033, %eq3A_2034 : i32
      %jit3A_2036 = arith.constant 1 : i32
      %select_n3A_2037 = arith.select %eq3A_2035, %jit3A_2036, %jit3A_2033 : i32
      %rem3A_2038 = arith.remsi %squeeze3A_2032, %select_n3A_2037 : i32
      %ne3A_2039 = arith.constant 0 : i32
      %ne3A_2040 = arith.cmpi ne, %rem3A_2038, %ne3A_2039 : i32
      %lt3A_2041 = arith.constant 0 : i32
      %lt3A_2042 = arith.cmpi slt, %rem3A_2038, %lt3A_2041 : i32
      %lt3A_2043 = arith.constant 0 : i32
      %lt3A_2044 = arith.cmpi slt, %select_n3A_2037, %lt3A_2043 : i32
      %ne3A_2045 = arith.xori %lt3A_2042, %lt3A_2044 : i1
      %and3A_2046 = arith.andi %ne3A_2045, %ne3A_2040 : i1
      %add3A_2047 = arith.addi %rem3A_2038, %select_n3A_2037 : i32
      %select_n3A_2048 = arith.select %and3A_2046, %add3A_2047, %rem3A_2038 : i32
      %broadcast_in_dim3A_2049 = vector.broadcast %select_n3A_2048 : i32 to vector<16xi32>
      %slice3A_2050 = vector.extract_strided_slice %get3A_1455 {offsets = [2], sizes = [1], strides = [1]} : vector<16xi32> to vector<1xi32>
      %squeeze3A_2051 = vector.extract %slice3A_2050[0] : i32 from vector<1xi32>
      %jit3A_2052 = arith.constant 128 : i32
      %eq3A_2053 = arith.constant 0 : i32
      %eq3A_2054 = arith.cmpi eq, %jit3A_2052, %eq3A_2053 : i32
      %jit3A_2055 = arith.constant 1 : i32
      %select_n3A_2056 = arith.select %eq3A_2054, %jit3A_2055, %jit3A_2052 : i32
      %rem3A_2057 = arith.remsi %squeeze3A_2051, %select_n3A_2056 : i32
      %ne3A_2058 = arith.constant 0 : i32
      %ne3A_2059 = arith.cmpi ne, %rem3A_2057, %ne3A_2058 : i32
      %lt3A_2060 = arith.constant 0 : i32
      %lt3A_2061 = arith.cmpi slt, %rem3A_2057, %lt3A_2060 : i32
      %lt3A_2062 = arith.constant 0 : i32
      %lt3A_2063 = arith.cmpi slt, %select_n3A_2056, %lt3A_2062 : i32
      %ne3A_2064 = arith.xori %lt3A_2061, %lt3A_2063 : i1
      %and3A_2065 = arith.andi %ne3A_2064, %ne3A_2059 : i1
      %add3A_2066 = arith.addi %rem3A_2057, %select_n3A_2056 : i32
      %select_n3A_2067 = arith.select %and3A_2065, %add3A_2066, %rem3A_2057 : i32
      %broadcast_in_dim3A_2068 = vector.broadcast %select_n3A_2067 : i32 to vector<16xi32>
      %gather3A_2069 = arith.constant 2 : i32
      %gather3A_2070 = arith.constant 0 : i32
      %gather3A_2071 = arith.constant 0 : i32
      %gather3A_2072 = tpu.memref_slice %arg9[%gather3A_2069, %gather3A_2070, %gather3A_2071] : memref<8x32x128xf32, #tpu.memory_space<vmem>> -> memref<1x32x128xf32, #tpu.memory_space<vmem>>
      %gather3A_2073 = tpu.memref_squeeze %gather3A_2072 : memref<1x32x128xf32, #tpu.memory_space<vmem>> -> memref<32x128xf32, #tpu.memory_space<vmem>>
      %gather3A_2074 = tpu.vector_load_idx %gather3A_2073[%iota3A, %broadcast_in_dim3A_2049] : memref<32x128xf32, #tpu.memory_space<vmem>>[vector<16xi32>, vector<16xi32>], vector<16xf32>,
      %gather3A_2075 = arith.constant 2 : i32
      %gather3A_2076 = arith.constant 0 : i32
      %gather3A_2077 = arith.constant 0 : i32
      %gather3A_2078 = tpu.memref_slice %arg9[%gather3A_2075, %gather3A_2076, %gather3A_2077] : memref<8x32x128xf32, #tpu.memory_space<vmem>> -> memref<1x32x128xf32, #tpu.memory_space<vmem>>
      %gather3A_2079 = tpu.memref_squeeze %gather3A_2078 : memref<1x32x128xf32, #tpu.memory_space<vmem>> -> memref<32x128xf32, #tpu.memory_space<vmem>>
      %gather3A_2080 = tpu.vector_load_idx %gather3A_2079[%add3A_11, %broadcast_in_dim3A_2049] : memref<32x128xf32, #tpu.memory_space<vmem>>[vector<16xi32>, vector<16xi32>], vector<16xf32>,
      %gather3A_2081 = arith.constant 2 : i32
      %gather3A_2082 = arith.constant 0 : i32
      %gather3A_2083 = arith.constant 0 : i32
      %gather3A_2084 = tpu.memref_slice %arg10[%gather3A_2081, %gather3A_2082, %gather3A_2083] : memref<8x32x128xf32, #tpu.memory_space<vmem>> -> memref<1x32x128xf32, #tpu.memory_space<vmem>>
      %gather3A_2085 = tpu.memref_squeeze %gather3A_2084 : memref<1x32x128xf32, #tpu.memory_space<vmem>> -> memref<32x128xf32, #tpu.memory_space<vmem>>
      %gather3A_2086 = tpu.vector_load_idx %gather3A_2085[%iota3A, %broadcast_in_dim3A_2068] : memref<32x128xf32, #tpu.memory_space<vmem>>[vector<16xi32>, vector<16xi32>], vector<16xf32>,
      %gather3A_2087 = arith.constant 2 : i32
      %gather3A_2088 = arith.constant 0 : i32
      %gather3A_2089 = arith.constant 0 : i32
      %gather3A_2090 = tpu.memref_slice %arg10[%gather3A_2087, %gather3A_2088, %gather3A_2089] : memref<8x32x128xf32, #tpu.memory_space<vmem>> -> memref<1x32x128xf32, #tpu.memory_space<vmem>>
      %gather3A_2091 = tpu.memref_squeeze %gather3A_2090 : memref<1x32x128xf32, #tpu.memory_space<vmem>> -> memref<32x128xf32, #tpu.memory_space<vmem>>
      %gather3A_2092 = tpu.vector_load_idx %gather3A_2091[%add3A_11, %broadcast_in_dim3A_2068] : memref<32x128xf32, #tpu.memory_space<vmem>>[vector<16xi32>, vector<16xi32>], vector<16xf32>,
      %slice3A_2093 = vector.extract_strided_slice %get3A_1461 {offsets = [2], sizes = [1], strides = [1]} : vector<16xi32> to vector<1xi32>
      %squeeze3A_2094 = vector.extract %slice3A_2093[0] : i32 from vector<1xi32>
      %jit3A_2095 = arith.constant 128 : i32
      %div3A_2096 = arith.divsi %squeeze3A_2094, %jit3A_2095 : i32
      %sign3A_2097 = arith.constant 0 : i32
      %sign3A_2098 = arith.cmpi sgt, %squeeze3A_2094, %sign3A_2097 : i32
      %sign3A_2099 = arith.extui %sign3A_2098 : i1 to i32
      %sign3A_2100 = arith.constant 0 : i32
      %sign3A_2101 = arith.cmpi slt, %squeeze3A_2094, %sign3A_2100 : i32
      %sign3A_2102 = arith.extui %sign3A_2101 : i1 to i32
      %sign3A_2103 = arith.subi %sign3A_2099, %sign3A_2102 : i32
      %sign3A_2104 = arith.constant 0 : i32
      %sign3A_2105 = arith.cmpi sgt, %jit3A_2095, %sign3A_2104 : i32
      %sign3A_2106 = arith.extui %sign3A_2105 : i1 to i32
      %sign3A_2107 = arith.constant 0 : i32
      %sign3A_2108 = arith.cmpi slt, %jit3A_2095, %sign3A_2107 : i32
      %sign3A_2109 = arith.extui %sign3A_2108 : i1 to i32
      %sign3A_2110 = arith.subi %sign3A_2106, %sign3A_2109 : i32
      %ne3A_2111 = arith.cmpi ne, %sign3A_2103, %sign3A_2110 : i32
      %rem3A_2112 = arith.remsi %squeeze3A_2094, %jit3A_2095 : i32
      %ne3A_2113 = arith.constant 0 : i32
      %ne3A_2114 = arith.cmpi ne, %rem3A_2112, %ne3A_2113 : i32
      %and3A_2115 = arith.andi %ne3A_2111, %ne3A_2114 : i1
      %sub3A_2116 = arith.constant 1 : i32
      %sub3A_2117 = arith.subi %div3A_2096, %sub3A_2116 : i32
      %select_n3A_2118 = arith.select %and3A_2115, %sub3A_2117, %div3A_2096 : i32
      %mul3A_2119 = arith.constant 128 : i32
      %mul3A_2120 = arith.muli %select_n3A_2118, %mul3A_2119 : i32
      %multiple_of3A_2121 = tpu.assume_multiple %mul3A_2120, 128 : i32
      %dma_start3A_2122 = arith.constant 2 : i32
      %dma_start3A_2123 = arith.constant 0 : i32
      %dma_start3A_2124 = arith.constant 0 : i32
      %dma_start3A_2125 = tpu.memref_slice %arg9[%dma_start3A_2122, %dma_start3A_2123, %dma_start3A_2124] : memref<8x32x128xf32, #tpu.memory_space<vmem>> -> memref<1x32x128xf32, #tpu.memory_space<vmem>>
      %dma_start3A_2126 = tpu.memref_squeeze %dma_start3A_2125 : memref<1x32x128xf32, #tpu.memory_space<vmem>> -> memref<32x128xf32, #tpu.memory_space<vmem>>
      %dma_start3A_2127 = arith.constant 0 : i32
      %dma_start3A_2128 = tpu.memref_slice %arg4[%dma_start3A_2127, %multiple_of3A_2121] : memref<32x1000000xf32, #tpu.memory_space<hbm>> -> memref<32x128xf32, #tpu.memory_space<hbm>>
      %dma_start3A_2129 = arith.constant 0 : i32
      %dma_start3A_2130 = arith.constant 0 : i32
      %dma_start3A_2131 = tpu.memref_slice %arg9[%dma_start3A_2122, %dma_start3A_2129, %dma_start3A_2130] : memref<8x32x128xf32, #tpu.memory_space<vmem>> -> memref<1x32x128xf32, #tpu.memory_space<vmem>>
      %dma_start3A_2132 = tpu.memref_squeeze %dma_start3A_2131 : memref<1x32x128xf32, #tpu.memory_space<vmem>> -> memref<32x128xf32, #tpu.memory_space<vmem>>
      %dma_start3A_2133 = arith.constant 0 : i32
      %dma_start3A_2134 = tpu.memref_slice %arg4[%dma_start3A_2133, %multiple_of3A_2121] : memref<32x1000000xf32, #tpu.memory_space<hbm>> -> memref<32x128xf32, #tpu.memory_space<hbm>>
      tpu.enqueue_dma source(%dma_start3A_2134 : memref<32x128xf32, #tpu.memory_space<hbm>>) target(%dma_start3A_2132 : memref<32x128xf32, #tpu.memory_space<vmem>>) target_semaphore(%arg12 : memref<!tpu.dma_semaphore, #tpu.memory_space<semaphore_mem>>)
      %slice3A_2135 = vector.extract_strided_slice %get3A_1467 {offsets = [2], sizes = [1], strides = [1]} : vector<16xi32> to vector<1xi32>
      %squeeze3A_2136 = vector.extract %slice3A_2135[0] : i32 from vector<1xi32>
      %jit3A_2137 = arith.constant 128 : i32
      %div3A_2138 = arith.divsi %squeeze3A_2136, %jit3A_2137 : i32
      %sign3A_2139 = arith.constant 0 : i32
      %sign3A_2140 = arith.cmpi sgt, %squeeze3A_2136, %sign3A_2139 : i32
      %sign3A_2141 = arith.extui %sign3A_2140 : i1 to i32
      %sign3A_2142 = arith.constant 0 : i32
      %sign3A_2143 = arith.cmpi slt, %squeeze3A_2136, %sign3A_2142 : i32
      %sign3A_2144 = arith.extui %sign3A_2143 : i1 to i32
      %sign3A_2145 = arith.subi %sign3A_2141, %sign3A_2144 : i32
      %sign3A_2146 = arith.constant 0 : i32
      %sign3A_2147 = arith.cmpi sgt, %jit3A_2137, %sign3A_2146 : i32
      %sign3A_2148 = arith.extui %sign3A_2147 : i1 to i32
      %sign3A_2149 = arith.constant 0 : i32
      %sign3A_2150 = arith.cmpi slt, %jit3A_2137, %sign3A_2149 : i32
      %sign3A_2151 = arith.extui %sign3A_2150 : i1 to i32
      %sign3A_2152 = arith.subi %sign3A_2148, %sign3A_2151 : i32
      %ne3A_2153 = arith.cmpi ne, %sign3A_2145, %sign3A_2152 : i32
      %rem3A_2154 = arith.remsi %squeeze3A_2136, %jit3A_2137 : i32
      %ne3A_2155 = arith.constant 0 : i32
      %ne3A_2156 = arith.cmpi ne, %rem3A_2154, %ne3A_2155 : i32
      %and3A_2157 = arith.andi %ne3A_2153, %ne3A_2156 : i1
      %sub3A_2158 = arith.constant 1 : i32
      %sub3A_2159 = arith.subi %div3A_2138, %sub3A_2158 : i32
      %select_n3A_2160 = arith.select %and3A_2157, %sub3A_2159, %div3A_2138 : i32
      %mul3A_2161 = arith.constant 128 : i32
      %mul3A_2162 = arith.muli %select_n3A_2160, %mul3A_2161 : i32
      %multiple_of3A_2163 = tpu.assume_multiple %mul3A_2162, 128 : i32
      %dma_start3A_2164 = arith.constant 2 : i32
      %dma_start3A_2165 = arith.constant 0 : i32
      %dma_start3A_2166 = arith.constant 0 : i32
      %dma_start3A_2167 = tpu.memref_slice %arg10[%dma_start3A_2164, %dma_start3A_2165, %dma_start3A_2166] : memref<8x32x128xf32, #tpu.memory_space<vmem>> -> memref<1x32x128xf32, #tpu.memory_space<vmem>>
      %dma_start3A_2168 = tpu.memref_squeeze %dma_start3A_2167 : memref<1x32x128xf32, #tpu.memory_space<vmem>> -> memref<32x128xf32, #tpu.memory_space<vmem>>
      %dma_start3A_2169 = arith.constant 0 : i32
      %dma_start3A_2170 = tpu.memref_slice %arg5[%dma_start3A_2169, %multiple_of3A_2163] : memref<32x1000000xf32, #tpu.memory_space<hbm>> -> memref<32x128xf32, #tpu.memory_space<hbm>>
      %dma_start3A_2171 = arith.constant 0 : i32
      %dma_start3A_2172 = arith.constant 0 : i32
      %dma_start3A_2173 = tpu.memref_slice %arg10[%dma_start3A_2164, %dma_start3A_2171, %dma_start3A_2172] : memref<8x32x128xf32, #tpu.memory_space<vmem>> -> memref<1x32x128xf32, #tpu.memory_space<vmem>>
      %dma_start3A_2174 = tpu.memref_squeeze %dma_start3A_2173 : memref<1x32x128xf32, #tpu.memory_space<vmem>> -> memref<32x128xf32, #tpu.memory_space<vmem>>
      %dma_start3A_2175 = arith.constant 0 : i32
      %dma_start3A_2176 = tpu.memref_slice %arg5[%dma_start3A_2175, %multiple_of3A_2163] : memref<32x1000000xf32, #tpu.memory_space<hbm>> -> memref<32x128xf32, #tpu.memory_space<hbm>>
      tpu.enqueue_dma source(%dma_start3A_2176 : memref<32x128xf32, #tpu.memory_space<hbm>>) target(%dma_start3A_2174 : memref<32x128xf32, #tpu.memory_space<vmem>>) target_semaphore(%arg13 : memref<!tpu.dma_semaphore, #tpu.memory_space<semaphore_mem>>)
      %mul3A_2177 = arith.mulf %gather3A_2074, %gather3A_2086 : vector<16xf32>
      %mul3A_2178 = arith.mulf %gather3A_2080, %gather3A_2092 : vector<16xf32>
      %add3A_2179 = arith.addf %mul3A_2177, %mul3A_2178 : vector<16xf32>
      %reduce_sum3A_2180 = arith.constant true
      %reduce_sum3A_2181 = vector.broadcast %reduce_sum3A_2180 : i1 to vector<16xi1>
      %reduce_sum3A_2182 = tpu.scan <sum>, %add3A_2179 masked %reduce_sum3A_2181 : vector<16xf32>, vector<16xi1> -> vector<16xf32>
      %reduce_sum3A_2183 = vector.extract %reduce_sum3A_2182[15] : f32 from vector<16xf32>
      %mul3A_2184 = vector.broadcast %reduce_sum3A_2183 : f32 to vector<16xf32>
      %mul3A_2185 = arith.mulf %mul3A_2184, %convert_element_type3A_690 : vector<16xf32>
      %add3A_2186 = arith.addf %add3A_1946, %mul3A_2185 : vector<16xf32>
      %slice3A_2187 = vector.extract_strided_slice %get3A_1451 {offsets = [3], sizes = [1], strides = [1]} : vector<16xi32> to vector<1xi32>
      %squeeze3A_2188 = vector.extract %slice3A_2187[0] : i32 from vector<1xi32>
      %jit3A_2189 = arith.constant 128 : i32
      %div3A_2190 = arith.divsi %squeeze3A_2188, %jit3A_2189 : i32
      %sign3A_2191 = arith.constant 0 : i32
      %sign3A_2192 = arith.cmpi sgt, %squeeze3A_2188, %sign3A_2191 : i32
      %sign3A_2193 = arith.extui %sign3A_2192 : i1 to i32
      %sign3A_2194 = arith.constant 0 : i32
      %sign3A_2195 = arith.cmpi slt, %squeeze3A_2188, %sign3A_2194 : i32
      %sign3A_2196 = arith.extui %sign3A_2195 : i1 to i32
      %sign3A_2197 = arith.subi %sign3A_2193, %sign3A_2196 : i32
      %sign3A_2198 = arith.constant 0 : i32
      %sign3A_2199 = arith.cmpi sgt, %jit3A_2189, %sign3A_2198 : i32
      %sign3A_2200 = arith.extui %sign3A_2199 : i1 to i32
      %sign3A_2201 = arith.constant 0 : i32
      %sign3A_2202 = arith.cmpi slt, %jit3A_2189, %sign3A_2201 : i32
      %sign3A_2203 = arith.extui %sign3A_2202 : i1 to i32
      %sign3A_2204 = arith.subi %sign3A_2200, %sign3A_2203 : i32
      %ne3A_2205 = arith.cmpi ne, %sign3A_2197, %sign3A_2204 : i32
      %rem3A_2206 = arith.remsi %squeeze3A_2188, %jit3A_2189 : i32
      %ne3A_2207 = arith.constant 0 : i32
      %ne3A_2208 = arith.cmpi ne, %rem3A_2206, %ne3A_2207 : i32
      %and3A_2209 = arith.andi %ne3A_2205, %ne3A_2208 : i1
      %sub3A_2210 = arith.constant 1 : i32
      %sub3A_2211 = arith.subi %div3A_2190, %sub3A_2210 : i32
      %select_n3A_2212 = arith.select %and3A_2209, %sub3A_2211, %div3A_2190 : i32
      %mul3A_2213 = arith.constant 128 : i32
      %mul3A_2214 = arith.muli %select_n3A_2212, %mul3A_2213 : i32
      %multiple_of3A_2215 = tpu.assume_multiple %mul3A_2214, 128 : i32
      %dma_wait3A_2216 = arith.constant 3 : i32
      %dma_wait3A_2217 = arith.constant 0 : i32
      %dma_wait3A_2218 = arith.constant 0 : i32
      %dma_wait3A_2219 = tpu.memref_slice %arg9[%dma_wait3A_2216, %dma_wait3A_2217, %dma_wait3A_2218] : memref<8x32x128xf32, #tpu.memory_space<vmem>> -> memref<1x32x128xf32, #tpu.memory_space<vmem>>
      %dma_wait3A_2220 = tpu.memref_squeeze %dma_wait3A_2219 : memref<1x32x128xf32, #tpu.memory_space<vmem>> -> memref<32x128xf32, #tpu.memory_space<vmem>>
      %dma_wait3A_2221 = arith.constant 0 : i32
      %dma_wait3A_2222 = tpu.memref_slice %arg4[%dma_wait3A_2221, %multiple_of3A_2215] : memref<32x1000000xf32, #tpu.memory_space<hbm>> -> memref<32x128xf32, #tpu.memory_space<hbm>>
      %dma_wait3A_2223 = arith.constant 0 : i32
      %dma_wait3A_2224 = arith.constant 0 : i32
      %dma_wait3A_2225 = tpu.memref_slice %arg9[%dma_wait3A_2216, %dma_wait3A_2223, %dma_wait3A_2224] : memref<8x32x128xf32, #tpu.memory_space<vmem>> -> memref<1x32x128xf32, #tpu.memory_space<vmem>>
      %dma_wait3A_2226 = tpu.memref_squeeze %dma_wait3A_2225 : memref<1x32x128xf32, #tpu.memory_space<vmem>> -> memref<32x128xf32, #tpu.memory_space<vmem>>
      %dma_wait3A_2227 = arith.constant 0 : i32
      %dma_wait3A_2228 = tpu.memref_slice %arg4[%dma_wait3A_2227, %multiple_of3A_2215] : memref<32x1000000xf32, #tpu.memory_space<hbm>> -> memref<32x128xf32, #tpu.memory_space<hbm>>
      tpu.wait_dma2 semaphore(%arg12 : memref<!tpu.dma_semaphore, #tpu.memory_space<semaphore_mem>>) src(%dma_wait3A_2228 : memref<32x128xf32, #tpu.memory_space<hbm>>) dst(%dma_wait3A_2226 : memref<32x128xf32, #tpu.memory_space<vmem>>)
      %slice3A_2229 = vector.extract_strided_slice %get3A_1455 {offsets = [3], sizes = [1], strides = [1]} : vector<16xi32> to vector<1xi32>
      %squeeze3A_2230 = vector.extract %slice3A_2229[0] : i32 from vector<1xi32>
      %jit3A_2231 = arith.constant 128 : i32
      %div3A_2232 = arith.divsi %squeeze3A_2230, %jit3A_2231 : i32
      %sign3A_2233 = arith.constant 0 : i32
      %sign3A_2234 = arith.cmpi sgt, %squeeze3A_2230, %sign3A_2233 : i32
      %sign3A_2235 = arith.extui %sign3A_2234 : i1 to i32
      %sign3A_2236 = arith.constant 0 : i32
      %sign3A_2237 = arith.cmpi slt, %squeeze3A_2230, %sign3A_2236 : i32
      %sign3A_2238 = arith.extui %sign3A_2237 : i1 to i32
      %sign3A_2239 = arith.subi %sign3A_2235, %sign3A_2238 : i32
      %sign3A_2240 = arith.constant 0 : i32
      %sign3A_2241 = arith.cmpi sgt, %jit3A_2231, %sign3A_2240 : i32
      %sign3A_2242 = arith.extui %sign3A_2241 : i1 to i32
      %sign3A_2243 = arith.constant 0 : i32
      %sign3A_2244 = arith.cmpi slt, %jit3A_2231, %sign3A_2243 : i32
      %sign3A_2245 = arith.extui %sign3A_2244 : i1 to i32
      %sign3A_2246 = arith.subi %sign3A_2242, %sign3A_2245 : i32
      %ne3A_2247 = arith.cmpi ne, %sign3A_2239, %sign3A_2246 : i32
      %rem3A_2248 = arith.remsi %squeeze3A_2230, %jit3A_2231 : i32
      %ne3A_2249 = arith.constant 0 : i32
      %ne3A_2250 = arith.cmpi ne, %rem3A_2248, %ne3A_2249 : i32
      %and3A_2251 = arith.andi %ne3A_2247, %ne3A_2250 : i1
      %sub3A_2252 = arith.constant 1 : i32
      %sub3A_2253 = arith.subi %div3A_2232, %sub3A_2252 : i32
      %select_n3A_2254 = arith.select %and3A_2251, %sub3A_2253, %div3A_2232 : i32
      %mul3A_2255 = arith.constant 128 : i32
      %mul3A_2256 = arith.muli %select_n3A_2254, %mul3A_2255 : i32
      %multiple_of3A_2257 = tpu.assume_multiple %mul3A_2256, 128 : i32
      %dma_wait3A_2258 = arith.constant 3 : i32
      %dma_wait3A_2259 = arith.constant 0 : i32
      %dma_wait3A_2260 = arith.constant 0 : i32
      %dma_wait3A_2261 = tpu.memref_slice %arg10[%dma_wait3A_2258, %dma_wait3A_2259, %dma_wait3A_2260] : memref<8x32x128xf32, #tpu.memory_space<vmem>> -> memref<1x32x128xf32, #tpu.memory_space<vmem>>
      %dma_wait3A_2262 = tpu.memref_squeeze %dma_wait3A_2261 : memref<1x32x128xf32, #tpu.memory_space<vmem>> -> memref<32x128xf32, #tpu.memory_space<vmem>>
      %dma_wait3A_2263 = arith.constant 0 : i32
      %dma_wait3A_2264 = tpu.memref_slice %arg5[%dma_wait3A_2263, %multiple_of3A_2257] : memref<32x1000000xf32, #tpu.memory_space<hbm>> -> memref<32x128xf32, #tpu.memory_space<hbm>>
      %dma_wait3A_2265 = arith.constant 0 : i32
      %dma_wait3A_2266 = arith.constant 0 : i32
      %dma_wait3A_2267 = tpu.memref_slice %arg10[%dma_wait3A_2258, %dma_wait3A_2265, %dma_wait3A_2266] : memref<8x32x128xf32, #tpu.memory_space<vmem>> -> memref<1x32x128xf32, #tpu.memory_space<vmem>>
      %dma_wait3A_2268 = tpu.memref_squeeze %dma_wait3A_2267 : memref<1x32x128xf32, #tpu.memory_space<vmem>> -> memref<32x128xf32, #tpu.memory_space<vmem>>
      %dma_wait3A_2269 = arith.constant 0 : i32
      %dma_wait3A_2270 = tpu.memref_slice %arg5[%dma_wait3A_2269, %multiple_of3A_2257] : memref<32x1000000xf32, #tpu.memory_space<hbm>> -> memref<32x128xf32, #tpu.memory_space<hbm>>
      tpu.wait_dma2 semaphore(%arg13 : memref<!tpu.dma_semaphore, #tpu.memory_space<semaphore_mem>>) src(%dma_wait3A_2270 : memref<32x128xf32, #tpu.memory_space<hbm>>) dst(%dma_wait3A_2268 : memref<32x128xf32, #tpu.memory_space<vmem>>)
      %slice3A_2271 = vector.extract_strided_slice %get3A_1451 {offsets = [3], sizes = [1], strides = [1]} : vector<16xi32> to vector<1xi32>
      %squeeze3A_2272 = vector.extract %slice3A_2271[0] : i32 from vector<1xi32>
      %jit3A_2273 = arith.constant 128 : i32
      %eq3A_2274 = arith.constant 0 : i32
      %eq3A_2275 = arith.cmpi eq, %jit3A_2273, %eq3A_2274 : i32
      %jit3A_2276 = arith.constant 1 : i32
      %select_n3A_2277 = arith.select %eq3A_2275, %jit3A_2276, %jit3A_2273 : i32
      %rem3A_2278 = arith.remsi %squeeze3A_2272, %select_n3A_2277 : i32
      %ne3A_2279 = arith.constant 0 : i32
      %ne3A_2280 = arith.cmpi ne, %rem3A_2278, %ne3A_2279 : i32
      %lt3A_2281 = arith.constant 0 : i32
      %lt3A_2282 = arith.cmpi slt, %rem3A_2278, %lt3A_2281 : i32
      %lt3A_2283 = arith.constant 0 : i32
      %lt3A_2284 = arith.cmpi slt, %select_n3A_2277, %lt3A_2283 : i32
      %ne3A_2285 = arith.xori %lt3A_2282, %lt3A_2284 : i1
      %and3A_2286 = arith.andi %ne3A_2285, %ne3A_2280 : i1
      %add3A_2287 = arith.addi %rem3A_2278, %select_n3A_2277 : i32
      %select_n3A_2288 = arith.select %and3A_2286, %add3A_2287, %rem3A_2278 : i32
      %broadcast_in_dim3A_2289 = vector.broadcast %select_n3A_2288 : i32 to vector<16xi32>
      %slice3A_2290 = vector.extract_strided_slice %get3A_1455 {offsets = [3], sizes = [1], strides = [1]} : vector<16xi32> to vector<1xi32>
      %squeeze3A_2291 = vector.extract %slice3A_2290[0] : i32 from vector<1xi32>
      %jit3A_2292 = arith.constant 128 : i32
      %eq3A_2293 = arith.constant 0 : i32
      %eq3A_2294 = arith.cmpi eq, %jit3A_2292, %eq3A_2293 : i32
      %jit3A_2295 = arith.constant 1 : i32
      %select_n3A_2296 = arith.select %eq3A_2294, %jit3A_2295, %jit3A_2292 : i32
      %rem3A_2297 = arith.remsi %squeeze3A_2291, %select_n3A_2296 : i32
      %ne3A_2298 = arith.constant 0 : i32
      %ne3A_2299 = arith.cmpi ne, %rem3A_2297, %ne3A_2298 : i32
      %lt3A_2300 = arith.constant 0 : i32
      %lt3A_2301 = arith.cmpi slt, %rem3A_2297, %lt3A_2300 : i32
      %lt3A_2302 = arith.constant 0 : i32
      %lt3A_2303 = arith.cmpi slt, %select_n3A_2296, %lt3A_2302 : i32
      %ne3A_2304 = arith.xori %lt3A_2301, %lt3A_2303 : i1
      %and3A_2305 = arith.andi %ne3A_2304, %ne3A_2299 : i1
      %add3A_2306 = arith.addi %rem3A_2297, %select_n3A_2296 : i32
      %select_n3A_2307 = arith.select %and3A_2305, %add3A_2306, %rem3A_2297 : i32
      %broadcast_in_dim3A_2308 = vector.broadcast %select_n3A_2307 : i32 to vector<16xi32>
      %gather3A_2309 = arith.constant 3 : i32
      %gather3A_2310 = arith.constant 0 : i32
      %gather3A_2311 = arith.constant 0 : i32
      %gather3A_2312 = tpu.memref_slice %arg9[%gather3A_2309, %gather3A_2310, %gather3A_2311] : memref<8x32x128xf32, #tpu.memory_space<vmem>> -> memref<1x32x128xf32, #tpu.memory_space<vmem>>
      %gather3A_2313 = tpu.memref_squeeze %gather3A_2312 : memref<1x32x128xf32, #tpu.memory_space<vmem>> -> memref<32x128xf32, #tpu.memory_space<vmem>>
      %gather3A_2314 = tpu.vector_load_idx %gather3A_2313[%iota3A, %broadcast_in_dim3A_2289] : memref<32x128xf32, #tpu.memory_space<vmem>>[vector<16xi32>, vector<16xi32>], vector<16xf32>,
      %gather3A_2315 = arith.constant 3 : i32
      %gather3A_2316 = arith.constant 0 : i32
      %gather3A_2317 = arith.constant 0 : i32
      %gather3A_2318 = tpu.memref_slice %arg9[%gather3A_2315, %gather3A_2316, %gather3A_2317] : memref<8x32x128xf32, #tpu.memory_space<vmem>> -> memref<1x32x128xf32, #tpu.memory_space<vmem>>
      %gather3A_2319 = tpu.memref_squeeze %gather3A_2318 : memref<1x32x128xf32, #tpu.memory_space<vmem>> -> memref<32x128xf32, #tpu.memory_space<vmem>>
      %gather3A_2320 = tpu.vector_load_idx %gather3A_2319[%add3A_11, %broadcast_in_dim3A_2289] : memref<32x128xf32, #tpu.memory_space<vmem>>[vector<16xi32>, vector<16xi32>], vector<16xf32>,
      %gather3A_2321 = arith.constant 3 : i32
      %gather3A_2322 = arith.constant 0 : i32
      %gather3A_2323 = arith.constant 0 : i32
      %gather3A_2324 = tpu.memref_slice %arg10[%gather3A_2321, %gather3A_2322, %gather3A_2323] : memref<8x32x128xf32, #tpu.memory_space<vmem>> -> memref<1x32x128xf32, #tpu.memory_space<vmem>>
      %gather3A_2325 = tpu.memref_squeeze %gather3A_2324 : memref<1x32x128xf32, #tpu.memory_space<vmem>> -> memref<32x128xf32, #tpu.memory_space<vmem>>
      %gather3A_2326 = tpu.vector_load_idx %gather3A_2325[%iota3A, %broadcast_in_dim3A_2308] : memref<32x128xf32, #tpu.memory_space<vmem>>[vector<16xi32>, vector<16xi32>], vector<16xf32>,
      %gather3A_2327 = arith.constant 3 : i32
      %gather3A_2328 = arith.constant 0 : i32
      %gather3A_2329 = arith.constant 0 : i32
      %gather3A_2330 = tpu.memref_slice %arg10[%gather3A_2327, %gather3A_2328, %gather3A_2329] : memref<8x32x128xf32, #tpu.memory_space<vmem>> -> memref<1x32x128xf32, #tpu.memory_space<vmem>>
      %gather3A_2331 = tpu.memref_squeeze %gather3A_2330 : memref<1x32x128xf32, #tpu.memory_space<vmem>> -> memref<32x128xf32, #tpu.memory_space<vmem>>
      %gather3A_2332 = tpu.vector_load_idx %gather3A_2331[%add3A_11, %broadcast_in_dim3A_2308] : memref<32x128xf32, #tpu.memory_space<vmem>>[vector<16xi32>, vector<16xi32>], vector<16xf32>,
      %slice3A_2333 = vector.extract_strided_slice %get3A_1461 {offsets = [3], sizes = [1], strides = [1]} : vector<16xi32> to vector<1xi32>
      %squeeze3A_2334 = vector.extract %slice3A_2333[0] : i32 from vector<1xi32>
      %jit3A_2335 = arith.constant 128 : i32
      %div3A_2336 = arith.divsi %squeeze3A_2334, %jit3A_2335 : i32
      %sign3A_2337 = arith.constant 0 : i32
      %sign3A_2338 = arith.cmpi sgt, %squeeze3A_2334, %sign3A_2337 : i32
      %sign3A_2339 = arith.extui %sign3A_2338 : i1 to i32
      %sign3A_2340 = arith.constant 0 : i32
      %sign3A_2341 = arith.cmpi slt, %squeeze3A_2334, %sign3A_2340 : i32
      %sign3A_2342 = arith.extui %sign3A_2341 : i1 to i32
      %sign3A_2343 = arith.subi %sign3A_2339, %sign3A_2342 : i32
      %sign3A_2344 = arith.constant 0 : i32
      %sign3A_2345 = arith.cmpi sgt, %jit3A_2335, %sign3A_2344 : i32
      %sign3A_2346 = arith.extui %sign3A_2345 : i1 to i32
      %sign3A_2347 = arith.constant 0 : i32
      %sign3A_2348 = arith.cmpi slt, %jit3A_2335, %sign3A_2347 : i32
      %sign3A_2349 = arith.extui %sign3A_2348 : i1 to i32
      %sign3A_2350 = arith.subi %sign3A_2346, %sign3A_2349 : i32
      %ne3A_2351 = arith.cmpi ne, %sign3A_2343, %sign3A_2350 : i32
      %rem3A_2352 = arith.remsi %squeeze3A_2334, %jit3A_2335 : i32
      %ne3A_2353 = arith.constant 0 : i32
      %ne3A_2354 = arith.cmpi ne, %rem3A_2352, %ne3A_2353 : i32
      %and3A_2355 = arith.andi %ne3A_2351, %ne3A_2354 : i1
      %sub3A_2356 = arith.constant 1 : i32
      %sub3A_2357 = arith.subi %div3A_2336, %sub3A_2356 : i32
      %select_n3A_2358 = arith.select %and3A_2355, %sub3A_2357, %div3A_2336 : i32
      %mul3A_2359 = arith.constant 128 : i32
      %mul3A_2360 = arith.muli %select_n3A_2358, %mul3A_2359 : i32
      %multiple_of3A_2361 = tpu.assume_multiple %mul3A_2360, 128 : i32
      %dma_start3A_2362 = arith.constant 3 : i32
      %dma_start3A_2363 = arith.constant 0 : i32
      %dma_start3A_2364 = arith.constant 0 : i32
      %dma_start3A_2365 = tpu.memref_slice %arg9[%dma_start3A_2362, %dma_start3A_2363, %dma_start3A_2364] : memref<8x32x128xf32, #tpu.memory_space<vmem>> -> memref<1x32x128xf32, #tpu.memory_space<vmem>>
      %dma_start3A_2366 = tpu.memref_squeeze %dma_start3A_2365 : memref<1x32x128xf32, #tpu.memory_space<vmem>> -> memref<32x128xf32, #tpu.memory_space<vmem>>
      %dma_start3A_2367 = arith.constant 0 : i32
      %dma_start3A_2368 = tpu.memref_slice %arg4[%dma_start3A_2367, %multiple_of3A_2361] : memref<32x1000000xf32, #tpu.memory_space<hbm>> -> memref<32x128xf32, #tpu.memory_space<hbm>>
      %dma_start3A_2369 = arith.constant 0 : i32
      %dma_start3A_2370 = arith.constant 0 : i32
      %dma_start3A_2371 = tpu.memref_slice %arg9[%dma_start3A_2362, %dma_start3A_2369, %dma_start3A_2370] : memref<8x32x128xf32, #tpu.memory_space<vmem>> -> memref<1x32x128xf32, #tpu.memory_space<vmem>>
      %dma_start3A_2372 = tpu.memref_squeeze %dma_start3A_2371 : memref<1x32x128xf32, #tpu.memory_space<vmem>> -> memref<32x128xf32, #tpu.memory_space<vmem>>
      %dma_start3A_2373 = arith.constant 0 : i32
      %dma_start3A_2374 = tpu.memref_slice %arg4[%dma_start3A_2373, %multiple_of3A_2361] : memref<32x1000000xf32, #tpu.memory_space<hbm>> -> memref<32x128xf32, #tpu.memory_space<hbm>>
      tpu.enqueue_dma source(%dma_start3A_2374 : memref<32x128xf32, #tpu.memory_space<hbm>>) target(%dma_start3A_2372 : memref<32x128xf32, #tpu.memory_space<vmem>>) target_semaphore(%arg12 : memref<!tpu.dma_semaphore, #tpu.memory_space<semaphore_mem>>)
      %slice3A_2375 = vector.extract_strided_slice %get3A_1467 {offsets = [3], sizes = [1], strides = [1]} : vector<16xi32> to vector<1xi32>
      %squeeze3A_2376 = vector.extract %slice3A_2375[0] : i32 from vector<1xi32>
      %jit3A_2377 = arith.constant 128 : i32
      %div3A_2378 = arith.divsi %squeeze3A_2376, %jit3A_2377 : i32
      %sign3A_2379 = arith.constant 0 : i32
      %sign3A_2380 = arith.cmpi sgt, %squeeze3A_2376, %sign3A_2379 : i32
      %sign3A_2381 = arith.extui %sign3A_2380 : i1 to i32
      %sign3A_2382 = arith.constant 0 : i32
      %sign3A_2383 = arith.cmpi slt, %squeeze3A_2376, %sign3A_2382 : i32
      %sign3A_2384 = arith.extui %sign3A_2383 : i1 to i32
      %sign3A_2385 = arith.subi %sign3A_2381, %sign3A_2384 : i32
      %sign3A_2386 = arith.constant 0 : i32
      %sign3A_2387 = arith.cmpi sgt, %jit3A_2377, %sign3A_2386 : i32
      %sign3A_2388 = arith.extui %sign3A_2387 : i1 to i32
      %sign3A_2389 = arith.constant 0 : i32
      %sign3A_2390 = arith.cmpi slt, %jit3A_2377, %sign3A_2389 : i32
      %sign3A_2391 = arith.extui %sign3A_2390 : i1 to i32
      %sign3A_2392 = arith.subi %sign3A_2388, %sign3A_2391 : i32
      %ne3A_2393 = arith.cmpi ne, %sign3A_2385, %sign3A_2392 : i32
      %rem3A_2394 = arith.remsi %squeeze3A_2376, %jit3A_2377 : i32
      %ne3A_2395 = arith.constant 0 : i32
      %ne3A_2396 = arith.cmpi ne, %rem3A_2394, %ne3A_2395 : i32
      %and3A_2397 = arith.andi %ne3A_2393, %ne3A_2396 : i1
      %sub3A_2398 = arith.constant 1 : i32
      %sub3A_2399 = arith.subi %div3A_2378, %sub3A_2398 : i32
      %select_n3A_2400 = arith.select %and3A_2397, %sub3A_2399, %div3A_2378 : i32
      %mul3A_2401 = arith.constant 128 : i32
      %mul3A_2402 = arith.muli %select_n3A_2400, %mul3A_2401 : i32
      %multiple_of3A_2403 = tpu.assume_multiple %mul3A_2402, 128 : i32
      %dma_start3A_2404 = arith.constant 3 : i32
      %dma_start3A_2405 = arith.constant 0 : i32
      %dma_start3A_2406 = arith.constant 0 : i32
      %dma_start3A_2407 = tpu.memref_slice %arg10[%dma_start3A_2404, %dma_start3A_2405, %dma_start3A_2406] : memref<8x32x128xf32, #tpu.memory_space<vmem>> -> memref<1x32x128xf32, #tpu.memory_space<vmem>>
      %dma_start3A_2408 = tpu.memref_squeeze %dma_start3A_2407 : memref<1x32x128xf32, #tpu.memory_space<vmem>> -> memref<32x128xf32, #tpu.memory_space<vmem>>
      %dma_start3A_2409 = arith.constant 0 : i32
      %dma_start3A_2410 = tpu.memref_slice %arg5[%dma_start3A_2409, %multiple_of3A_2403] : memref<32x1000000xf32, #tpu.memory_space<hbm>> -> memref<32x128xf32, #tpu.memory_space<hbm>>
      %dma_start3A_2411 = arith.constant 0 : i32
      %dma_start3A_2412 = arith.constant 0 : i32
      %dma_start3A_2413 = tpu.memref_slice %arg10[%dma_start3A_2404, %dma_start3A_2411, %dma_start3A_2412] : memref<8x32x128xf32, #tpu.memory_space<vmem>> -> memref<1x32x128xf32, #tpu.memory_space<vmem>>
      %dma_start3A_2414 = tpu.memref_squeeze %dma_start3A_2413 : memref<1x32x128xf32, #tpu.memory_space<vmem>> -> memref<32x128xf32, #tpu.memory_space<vmem>>
      %dma_start3A_2415 = arith.constant 0 : i32
      %dma_start3A_2416 = tpu.memref_slice %arg5[%dma_start3A_2415, %multiple_of3A_2403] : memref<32x1000000xf32, #tpu.memory_space<hbm>> -> memref<32x128xf32, #tpu.memory_space<hbm>>
      tpu.enqueue_dma source(%dma_start3A_2416 : memref<32x128xf32, #tpu.memory_space<hbm>>) target(%dma_start3A_2414 : memref<32x128xf32, #tpu.memory_space<vmem>>) target_semaphore(%arg13 : memref<!tpu.dma_semaphore, #tpu.memory_space<semaphore_mem>>)
      %mul3A_2417 = arith.mulf %gather3A_2314, %gather3A_2326 : vector<16xf32>
      %mul3A_2418 = arith.mulf %gather3A_2320, %gather3A_2332 : vector<16xf32>
      %add3A_2419 = arith.addf %mul3A_2417, %mul3A_2418 : vector<16xf32>
      %reduce_sum3A_2420 = arith.constant true
      %reduce_sum3A_2421 = vector.broadcast %reduce_sum3A_2420 : i1 to vector<16xi1>
      %reduce_sum3A_2422 = tpu.scan <sum>, %add3A_2419 masked %reduce_sum3A_2421 : vector<16xf32>, vector<16xi1> -> vector<16xf32>
      %reduce_sum3A_2423 = vector.extract %reduce_sum3A_2422[15] : f32 from vector<16xf32>
      %mul3A_2424 = vector.broadcast %reduce_sum3A_2423 : f32 to vector<16xf32>
      %mul3A_2425 = arith.mulf %mul3A_2424, %convert_element_type3A_696 : vector<16xf32>
      %add3A_2426 = arith.addf %add3A_2186, %mul3A_2425 : vector<16xf32>
      %slice3A_2427 = vector.extract_strided_slice %get3A_1451 {offsets = [4], sizes = [1], strides = [1]} : vector<16xi32> to vector<1xi32>
      %squeeze3A_2428 = vector.extract %slice3A_2427[0] : i32 from vector<1xi32>
      %jit3A_2429 = arith.constant 128 : i32
      %div3A_2430 = arith.divsi %squeeze3A_2428, %jit3A_2429 : i32
      %sign3A_2431 = arith.constant 0 : i32
      %sign3A_2432 = arith.cmpi sgt, %squeeze3A_2428, %sign3A_2431 : i32
      %sign3A_2433 = arith.extui %sign3A_2432 : i1 to i32
      %sign3A_2434 = arith.constant 0 : i32
      %sign3A_2435 = arith.cmpi slt, %squeeze3A_2428, %sign3A_2434 : i32
      %sign3A_2436 = arith.extui %sign3A_2435 : i1 to i32
      %sign3A_2437 = arith.subi %sign3A_2433, %sign3A_2436 : i32
      %sign3A_2438 = arith.constant 0 : i32
      %sign3A_2439 = arith.cmpi sgt, %jit3A_2429, %sign3A_2438 : i32
      %sign3A_2440 = arith.extui %sign3A_2439 : i1 to i32
      %sign3A_2441 = arith.constant 0 : i32
      %sign3A_2442 = arith.cmpi slt, %jit3A_2429, %sign3A_2441 : i32
      %sign3A_2443 = arith.extui %sign3A_2442 : i1 to i32
      %sign3A_2444 = arith.subi %sign3A_2440, %sign3A_2443 : i32
      %ne3A_2445 = arith.cmpi ne, %sign3A_2437, %sign3A_2444 : i32
      %rem3A_2446 = arith.remsi %squeeze3A_2428, %jit3A_2429 : i32
      %ne3A_2447 = arith.constant 0 : i32
      %ne3A_2448 = arith.cmpi ne, %rem3A_2446, %ne3A_2447 : i32
      %and3A_2449 = arith.andi %ne3A_2445, %ne3A_2448 : i1
      %sub3A_2450 = arith.constant 1 : i32
      %sub3A_2451 = arith.subi %div3A_2430, %sub3A_2450 : i32
      %select_n3A_2452 = arith.select %and3A_2449, %sub3A_2451, %div3A_2430 : i32
      %mul3A_2453 = arith.constant 128 : i32
      %mul3A_2454 = arith.muli %select_n3A_2452, %mul3A_2453 : i32
      %multiple_of3A_2455 = tpu.assume_multiple %mul3A_2454, 128 : i32
      %dma_wait3A_2456 = arith.constant 4 : i32
      %dma_wait3A_2457 = arith.constant 0 : i32
      %dma_wait3A_2458 = arith.constant 0 : i32
      %dma_wait3A_2459 = tpu.memref_slice %arg9[%dma_wait3A_2456, %dma_wait3A_2457, %dma_wait3A_2458] : memref<8x32x128xf32, #tpu.memory_space<vmem>> -> memref<1x32x128xf32, #tpu.memory_space<vmem>>
      %dma_wait3A_2460 = tpu.memref_squeeze %dma_wait3A_2459 : memref<1x32x128xf32, #tpu.memory_space<vmem>> -> memref<32x128xf32, #tpu.memory_space<vmem>>
      %dma_wait3A_2461 = arith.constant 0 : i32
      %dma_wait3A_2462 = tpu.memref_slice %arg4[%dma_wait3A_2461, %multiple_of3A_2455] : memref<32x1000000xf32, #tpu.memory_space<hbm>> -> memref<32x128xf32, #tpu.memory_space<hbm>>
      %dma_wait3A_2463 = arith.constant 0 : i32
      %dma_wait3A_2464 = arith.constant 0 : i32
      %dma_wait3A_2465 = tpu.memref_slice %arg9[%dma_wait3A_2456, %dma_wait3A_2463, %dma_wait3A_2464] : memref<8x32x128xf32, #tpu.memory_space<vmem>> -> memref<1x32x128xf32, #tpu.memory_space<vmem>>
      %dma_wait3A_2466 = tpu.memref_squeeze %dma_wait3A_2465 : memref<1x32x128xf32, #tpu.memory_space<vmem>> -> memref<32x128xf32, #tpu.memory_space<vmem>>
      %dma_wait3A_2467 = arith.constant 0 : i32
      %dma_wait3A_2468 = tpu.memref_slice %arg4[%dma_wait3A_2467, %multiple_of3A_2455] : memref<32x1000000xf32, #tpu.memory_space<hbm>> -> memref<32x128xf32, #tpu.memory_space<hbm>>
      tpu.wait_dma2 semaphore(%arg12 : memref<!tpu.dma_semaphore, #tpu.memory_space<semaphore_mem>>) src(%dma_wait3A_2468 : memref<32x128xf32, #tpu.memory_space<hbm>>) dst(%dma_wait3A_2466 : memref<32x128xf32, #tpu.memory_space<vmem>>)
      %slice3A_2469 = vector.extract_strided_slice %get3A_1455 {offsets = [4], sizes = [1], strides = [1]} : vector<16xi32> to vector<1xi32>
      %squeeze3A_2470 = vector.extract %slice3A_2469[0] : i32 from vector<1xi32>
      %jit3A_2471 = arith.constant 128 : i32
      %div3A_2472 = arith.divsi %squeeze3A_2470, %jit3A_2471 : i32
      %sign3A_2473 = arith.constant 0 : i32
      %sign3A_2474 = arith.cmpi sgt, %squeeze3A_2470, %sign3A_2473 : i32
      %sign3A_2475 = arith.extui %sign3A_2474 : i1 to i32
      %sign3A_2476 = arith.constant 0 : i32
      %sign3A_2477 = arith.cmpi slt, %squeeze3A_2470, %sign3A_2476 : i32
      %sign3A_2478 = arith.extui %sign3A_2477 : i1 to i32
      %sign3A_2479 = arith.subi %sign3A_2475, %sign3A_2478 : i32
      %sign3A_2480 = arith.constant 0 : i32
      %sign3A_2481 = arith.cmpi sgt, %jit3A_2471, %sign3A_2480 : i32
      %sign3A_2482 = arith.extui %sign3A_2481 : i1 to i32
      %sign3A_2483 = arith.constant 0 : i32
      %sign3A_2484 = arith.cmpi slt, %jit3A_2471, %sign3A_2483 : i32
      %sign3A_2485 = arith.extui %sign3A_2484 : i1 to i32
      %sign3A_2486 = arith.subi %sign3A_2482, %sign3A_2485 : i32
      %ne3A_2487 = arith.cmpi ne, %sign3A_2479, %sign3A_2486 : i32
      %rem3A_2488 = arith.remsi %squeeze3A_2470, %jit3A_2471 : i32
      %ne3A_2489 = arith.constant 0 : i32
      %ne3A_2490 = arith.cmpi ne, %rem3A_2488, %ne3A_2489 : i32
      %and3A_2491 = arith.andi %ne3A_2487, %ne3A_2490 : i1
      %sub3A_2492 = arith.constant 1 : i32
      %sub3A_2493 = arith.subi %div3A_2472, %sub3A_2492 : i32
      %select_n3A_2494 = arith.select %and3A_2491, %sub3A_2493, %div3A_2472 : i32
      %mul3A_2495 = arith.constant 128 : i32
      %mul3A_2496 = arith.muli %select_n3A_2494, %mul3A_2495 : i32
      %multiple_of3A_2497 = tpu.assume_multiple %mul3A_2496, 128 : i32
      %dma_wait3A_2498 = arith.constant 4 : i32
      %dma_wait3A_2499 = arith.constant 0 : i32
      %dma_wait3A_2500 = arith.constant 0 : i32
      %dma_wait3A_2501 = tpu.memref_slice %arg10[%dma_wait3A_2498, %dma_wait3A_2499, %dma_wait3A_2500] : memref<8x32x128xf32, #tpu.memory_space<vmem>> -> memref<1x32x128xf32, #tpu.memory_space<vmem>>
      %dma_wait3A_2502 = tpu.memref_squeeze %dma_wait3A_2501 : memref<1x32x128xf32, #tpu.memory_space<vmem>> -> memref<32x128xf32, #tpu.memory_space<vmem>>
      %dma_wait3A_2503 = arith.constant 0 : i32
      %dma_wait3A_2504 = tpu.memref_slice %arg5[%dma_wait3A_2503, %multiple_of3A_2497] : memref<32x1000000xf32, #tpu.memory_space<hbm>> -> memref<32x128xf32, #tpu.memory_space<hbm>>
      %dma_wait3A_2505 = arith.constant 0 : i32
      %dma_wait3A_2506 = arith.constant 0 : i32
      %dma_wait3A_2507 = tpu.memref_slice %arg10[%dma_wait3A_2498, %dma_wait3A_2505, %dma_wait3A_2506] : memref<8x32x128xf32, #tpu.memory_space<vmem>> -> memref<1x32x128xf32, #tpu.memory_space<vmem>>
      %dma_wait3A_2508 = tpu.memref_squeeze %dma_wait3A_2507 : memref<1x32x128xf32, #tpu.memory_space<vmem>> -> memref<32x128xf32, #tpu.memory_space<vmem>>
      %dma_wait3A_2509 = arith.constant 0 : i32
      %dma_wait3A_2510 = tpu.memref_slice %arg5[%dma_wait3A_2509, %multiple_of3A_2497] : memref<32x1000000xf32, #tpu.memory_space<hbm>> -> memref<32x128xf32, #tpu.memory_space<hbm>>
      tpu.wait_dma2 semaphore(%arg13 : memref<!tpu.dma_semaphore, #tpu.memory_space<semaphore_mem>>) src(%dma_wait3A_2510 : memref<32x128xf32, #tpu.memory_space<hbm>>) dst(%dma_wait3A_2508 : memref<32x128xf32, #tpu.memory_space<vmem>>)
      %slice3A_2511 = vector.extract_strided_slice %get3A_1451 {offsets = [4], sizes = [1], strides = [1]} : vector<16xi32> to vector<1xi32>
      %squeeze3A_2512 = vector.extract %slice3A_2511[0] : i32 from vector<1xi32>
      %jit3A_2513 = arith.constant 128 : i32
      %eq3A_2514 = arith.constant 0 : i32
      %eq3A_2515 = arith.cmpi eq, %jit3A_2513, %eq3A_2514 : i32
      %jit3A_2516 = arith.constant 1 : i32
      %select_n3A_2517 = arith.select %eq3A_2515, %jit3A_2516, %jit3A_2513 : i32
      %rem3A_2518 = arith.remsi %squeeze3A_2512, %select_n3A_2517 : i32
      %ne3A_2519 = arith.constant 0 : i32
      %ne3A_2520 = arith.cmpi ne, %rem3A_2518, %ne3A_2519 : i32
      %lt3A_2521 = arith.constant 0 : i32
      %lt3A_2522 = arith.cmpi slt, %rem3A_2518, %lt3A_2521 : i32
      %lt3A_2523 = arith.constant 0 : i32
      %lt3A_2524 = arith.cmpi slt, %select_n3A_2517, %lt3A_2523 : i32
      %ne3A_2525 = arith.xori %lt3A_2522, %lt3A_2524 : i1
      %and3A_2526 = arith.andi %ne3A_2525, %ne3A_2520 : i1
      %add3A_2527 = arith.addi %rem3A_2518, %select_n3A_2517 : i32
      %select_n3A_2528 = arith.select %and3A_2526, %add3A_2527, %rem3A_2518 : i32
      %broadcast_in_dim3A_2529 = vector.broadcast %select_n3A_2528 : i32 to vector<16xi32>
      %slice3A_2530 = vector.extract_strided_slice %get3A_1455 {offsets = [4], sizes = [1], strides = [1]} : vector<16xi32> to vector<1xi32>
      %squeeze3A_2531 = vector.extract %slice3A_2530[0] : i32 from vector<1xi32>
      %jit3A_2532 = arith.constant 128 : i32
      %eq3A_2533 = arith.constant 0 : i32
      %eq3A_2534 = arith.cmpi eq, %jit3A_2532, %eq3A_2533 : i32
      %jit3A_2535 = arith.constant 1 : i32
      %select_n3A_2536 = arith.select %eq3A_2534, %jit3A_2535, %jit3A_2532 : i32
      %rem3A_2537 = arith.remsi %squeeze3A_2531, %select_n3A_2536 : i32
      %ne3A_2538 = arith.constant 0 : i32
      %ne3A_2539 = arith.cmpi ne, %rem3A_2537, %ne3A_2538 : i32
      %lt3A_2540 = arith.constant 0 : i32
      %lt3A_2541 = arith.cmpi slt, %rem3A_2537, %lt3A_2540 : i32
      %lt3A_2542 = arith.constant 0 : i32
      %lt3A_2543 = arith.cmpi slt, %select_n3A_2536, %lt3A_2542 : i32
      %ne3A_2544 = arith.xori %lt3A_2541, %lt3A_2543 : i1
      %and3A_2545 = arith.andi %ne3A_2544, %ne3A_2539 : i1
      %add3A_2546 = arith.addi %rem3A_2537, %select_n3A_2536 : i32
      %select_n3A_2547 = arith.select %and3A_2545, %add3A_2546, %rem3A_2537 : i32
      %broadcast_in_dim3A_2548 = vector.broadcast %select_n3A_2547 : i32 to vector<16xi32>
      %gather3A_2549 = arith.constant 4 : i32
      %gather3A_2550 = arith.constant 0 : i32
      %gather3A_2551 = arith.constant 0 : i32
      %gather3A_2552 = tpu.memref_slice %arg9[%gather3A_2549, %gather3A_2550, %gather3A_2551] : memref<8x32x128xf32, #tpu.memory_space<vmem>> -> memref<1x32x128xf32, #tpu.memory_space<vmem>>
      %gather3A_2553 = tpu.memref_squeeze %gather3A_2552 : memref<1x32x128xf32, #tpu.memory_space<vmem>> -> memref<32x128xf32, #tpu.memory_space<vmem>>
      %gather3A_2554 = tpu.vector_load_idx %gather3A_2553[%iota3A, %broadcast_in_dim3A_2529] : memref<32x128xf32, #tpu.memory_space<vmem>>[vector<16xi32>, vector<16xi32>], vector<16xf32>,
      %gather3A_2555 = arith.constant 4 : i32
      %gather3A_2556 = arith.constant 0 : i32
      %gather3A_2557 = arith.constant 0 : i32
      %gather3A_2558 = tpu.memref_slice %arg9[%gather3A_2555, %gather3A_2556, %gather3A_2557] : memref<8x32x128xf32, #tpu.memory_space<vmem>> -> memref<1x32x128xf32, #tpu.memory_space<vmem>>
      %gather3A_2559 = tpu.memref_squeeze %gather3A_2558 : memref<1x32x128xf32, #tpu.memory_space<vmem>> -> memref<32x128xf32, #tpu.memory_space<vmem>>
      %gather3A_2560 = tpu.vector_load_idx %gather3A_2559[%add3A_11, %broadcast_in_dim3A_2529] : memref<32x128xf32, #tpu.memory_space<vmem>>[vector<16xi32>, vector<16xi32>], vector<16xf32>,
      %gather3A_2561 = arith.constant 4 : i32
      %gather3A_2562 = arith.constant 0 : i32
      %gather3A_2563 = arith.constant 0 : i32
      %gather3A_2564 = tpu.memref_slice %arg10[%gather3A_2561, %gather3A_2562, %gather3A_2563] : memref<8x32x128xf32, #tpu.memory_space<vmem>> -> memref<1x32x128xf32, #tpu.memory_space<vmem>>
      %gather3A_2565 = tpu.memref_squeeze %gather3A_2564 : memref<1x32x128xf32, #tpu.memory_space<vmem>> -> memref<32x128xf32, #tpu.memory_space<vmem>>
      %gather3A_2566 = tpu.vector_load_idx %gather3A_2565[%iota3A, %broadcast_in_dim3A_2548] : memref<32x128xf32, #tpu.memory_space<vmem>>[vector<16xi32>, vector<16xi32>], vector<16xf32>,
      %gather3A_2567 = arith.constant 4 : i32
      %gather3A_2568 = arith.constant 0 : i32
      %gather3A_2569 = arith.constant 0 : i32
      %gather3A_2570 = tpu.memref_slice %arg10[%gather3A_2567, %gather3A_2568, %gather3A_2569] : memref<8x32x128xf32, #tpu.memory_space<vmem>> -> memref<1x32x128xf32, #tpu.memory_space<vmem>>
      %gather3A_2571 = tpu.memref_squeeze %gather3A_2570 : memref<1x32x128xf32, #tpu.memory_space<vmem>> -> memref<32x128xf32, #tpu.memory_space<vmem>>
      %gather3A_2572 = tpu.vector_load_idx %gather3A_2571[%add3A_11, %broadcast_in_dim3A_2548] : memref<32x128xf32, #tpu.memory_space<vmem>>[vector<16xi32>, vector<16xi32>], vector<16xf32>,
      %slice3A_2573 = vector.extract_strided_slice %get3A_1461 {offsets = [4], sizes = [1], strides = [1]} : vector<16xi32> to vector<1xi32>
      %squeeze3A_2574 = vector.extract %slice3A_2573[0] : i32 from vector<1xi32>
      %jit3A_2575 = arith.constant 128 : i32
      %div3A_2576 = arith.divsi %squeeze3A_2574, %jit3A_2575 : i32
      %sign3A_2577 = arith.constant 0 : i32
      %sign3A_2578 = arith.cmpi sgt, %squeeze3A_2574, %sign3A_2577 : i32
      %sign3A_2579 = arith.extui %sign3A_2578 : i1 to i32
      %sign3A_2580 = arith.constant 0 : i32
      %sign3A_2581 = arith.cmpi slt, %squeeze3A_2574, %sign3A_2580 : i32
      %sign3A_2582 = arith.extui %sign3A_2581 : i1 to i32
      %sign3A_2583 = arith.subi %sign3A_2579, %sign3A_2582 : i32
      %sign3A_2584 = arith.constant 0 : i32
      %sign3A_2585 = arith.cmpi sgt, %jit3A_2575, %sign3A_2584 : i32
      %sign3A_2586 = arith.extui %sign3A_2585 : i1 to i32
      %sign3A_2587 = arith.constant 0 : i32
      %sign3A_2588 = arith.cmpi slt, %jit3A_2575, %sign3A_2587 : i32
      %sign3A_2589 = arith.extui %sign3A_2588 : i1 to i32
      %sign3A_2590 = arith.subi %sign3A_2586, %sign3A_2589 : i32
      %ne3A_2591 = arith.cmpi ne, %sign3A_2583, %sign3A_2590 : i32
      %rem3A_2592 = arith.remsi %squeeze3A_2574, %jit3A_2575 : i32
      %ne3A_2593 = arith.constant 0 : i32
      %ne3A_2594 = arith.cmpi ne, %rem3A_2592, %ne3A_2593 : i32
      %and3A_2595 = arith.andi %ne3A_2591, %ne3A_2594 : i1
      %sub3A_2596 = arith.constant 1 : i32
      %sub3A_2597 = arith.subi %div3A_2576, %sub3A_2596 : i32
      %select_n3A_2598 = arith.select %and3A_2595, %sub3A_2597, %div3A_2576 : i32
      %mul3A_2599 = arith.constant 128 : i32
      %mul3A_2600 = arith.muli %select_n3A_2598, %mul3A_2599 : i32
      %multiple_of3A_2601 = tpu.assume_multiple %mul3A_2600, 128 : i32
      %dma_start3A_2602 = arith.constant 4 : i32
      %dma_start3A_2603 = arith.constant 0 : i32
      %dma_start3A_2604 = arith.constant 0 : i32
      %dma_start3A_2605 = tpu.memref_slice %arg9[%dma_start3A_2602, %dma_start3A_2603, %dma_start3A_2604] : memref<8x32x128xf32, #tpu.memory_space<vmem>> -> memref<1x32x128xf32, #tpu.memory_space<vmem>>
      %dma_start3A_2606 = tpu.memref_squeeze %dma_start3A_2605 : memref<1x32x128xf32, #tpu.memory_space<vmem>> -> memref<32x128xf32, #tpu.memory_space<vmem>>
      %dma_start3A_2607 = arith.constant 0 : i32
      %dma_start3A_2608 = tpu.memref_slice %arg4[%dma_start3A_2607, %multiple_of3A_2601] : memref<32x1000000xf32, #tpu.memory_space<hbm>> -> memref<32x128xf32, #tpu.memory_space<hbm>>
      %dma_start3A_2609 = arith.constant 0 : i32
      %dma_start3A_2610 = arith.constant 0 : i32
      %dma_start3A_2611 = tpu.memref_slice %arg9[%dma_start3A_2602, %dma_start3A_2609, %dma_start3A_2610] : memref<8x32x128xf32, #tpu.memory_space<vmem>> -> memref<1x32x128xf32, #tpu.memory_space<vmem>>
      %dma_start3A_2612 = tpu.memref_squeeze %dma_start3A_2611 : memref<1x32x128xf32, #tpu.memory_space<vmem>> -> memref<32x128xf32, #tpu.memory_space<vmem>>
      %dma_start3A_2613 = arith.constant 0 : i32
      %dma_start3A_2614 = tpu.memref_slice %arg4[%dma_start3A_2613, %multiple_of3A_2601] : memref<32x1000000xf32, #tpu.memory_space<hbm>> -> memref<32x128xf32, #tpu.memory_space<hbm>>
      tpu.enqueue_dma source(%dma_start3A_2614 : memref<32x128xf32, #tpu.memory_space<hbm>>) target(%dma_start3A_2612 : memref<32x128xf32, #tpu.memory_space<vmem>>) target_semaphore(%arg12 : memref<!tpu.dma_semaphore, #tpu.memory_space<semaphore_mem>>)
      %slice3A_2615 = vector.extract_strided_slice %get3A_1467 {offsets = [4], sizes = [1], strides = [1]} : vector<16xi32> to vector<1xi32>
      %squeeze3A_2616 = vector.extract %slice3A_2615[0] : i32 from vector<1xi32>
      %jit3A_2617 = arith.constant 128 : i32
      %div3A_2618 = arith.divsi %squeeze3A_2616, %jit3A_2617 : i32
      %sign3A_2619 = arith.constant 0 : i32
      %sign3A_2620 = arith.cmpi sgt, %squeeze3A_2616, %sign3A_2619 : i32
      %sign3A_2621 = arith.extui %sign3A_2620 : i1 to i32
      %sign3A_2622 = arith.constant 0 : i32
      %sign3A_2623 = arith.cmpi slt, %squeeze3A_2616, %sign3A_2622 : i32
      %sign3A_2624 = arith.extui %sign3A_2623 : i1 to i32
      %sign3A_2625 = arith.subi %sign3A_2621, %sign3A_2624 : i32
      %sign3A_2626 = arith.constant 0 : i32
      %sign3A_2627 = arith.cmpi sgt, %jit3A_2617, %sign3A_2626 : i32
      %sign3A_2628 = arith.extui %sign3A_2627 : i1 to i32
      %sign3A_2629 = arith.constant 0 : i32
      %sign3A_2630 = arith.cmpi slt, %jit3A_2617, %sign3A_2629 : i32
      %sign3A_2631 = arith.extui %sign3A_2630 : i1 to i32
      %sign3A_2632 = arith.subi %sign3A_2628, %sign3A_2631 : i32
      %ne3A_2633 = arith.cmpi ne, %sign3A_2625, %sign3A_2632 : i32
      %rem3A_2634 = arith.remsi %squeeze3A_2616, %jit3A_2617 : i32
      %ne3A_2635 = arith.constant 0 : i32
      %ne3A_2636 = arith.cmpi ne, %rem3A_2634, %ne3A_2635 : i32
      %and3A_2637 = arith.andi %ne3A_2633, %ne3A_2636 : i1
      %sub3A_2638 = arith.constant 1 : i32
      %sub3A_2639 = arith.subi %div3A_2618, %sub3A_2638 : i32
      %select_n3A_2640 = arith.select %and3A_2637, %sub3A_2639, %div3A_2618 : i32
      %mul3A_2641 = arith.constant 128 : i32
      %mul3A_2642 = arith.muli %select_n3A_2640, %mul3A_2641 : i32
      %multiple_of3A_2643 = tpu.assume_multiple %mul3A_2642, 128 : i32
      %dma_start3A_2644 = arith.constant 4 : i32
      %dma_start3A_2645 = arith.constant 0 : i32
      %dma_start3A_2646 = arith.constant 0 : i32
      %dma_start3A_2647 = tpu.memref_slice %arg10[%dma_start3A_2644, %dma_start3A_2645, %dma_start3A_2646] : memref<8x32x128xf32, #tpu.memory_space<vmem>> -> memref<1x32x128xf32, #tpu.memory_space<vmem>>
      %dma_start3A_2648 = tpu.memref_squeeze %dma_start3A_2647 : memref<1x32x128xf32, #tpu.memory_space<vmem>> -> memref<32x128xf32, #tpu.memory_space<vmem>>
      %dma_start3A_2649 = arith.constant 0 : i32
      %dma_start3A_2650 = tpu.memref_slice %arg5[%dma_start3A_2649, %multiple_of3A_2643] : memref<32x1000000xf32, #tpu.memory_space<hbm>> -> memref<32x128xf32, #tpu.memory_space<hbm>>
      %dma_start3A_2651 = arith.constant 0 : i32
      %dma_start3A_2652 = arith.constant 0 : i32
      %dma_start3A_2653 = tpu.memref_slice %arg10[%dma_start3A_2644, %dma_start3A_2651, %dma_start3A_2652] : memref<8x32x128xf32, #tpu.memory_space<vmem>> -> memref<1x32x128xf32, #tpu.memory_space<vmem>>
      %dma_start3A_2654 = tpu.memref_squeeze %dma_start3A_2653 : memref<1x32x128xf32, #tpu.memory_space<vmem>> -> memref<32x128xf32, #tpu.memory_space<vmem>>
      %dma_start3A_2655 = arith.constant 0 : i32
      %dma_start3A_2656 = tpu.memref_slice %arg5[%dma_start3A_2655, %multiple_of3A_2643] : memref<32x1000000xf32, #tpu.memory_space<hbm>> -> memref<32x128xf32, #tpu.memory_space<hbm>>
      tpu.enqueue_dma source(%dma_start3A_2656 : memref<32x128xf32, #tpu.memory_space<hbm>>) target(%dma_start3A_2654 : memref<32x128xf32, #tpu.memory_space<vmem>>) target_semaphore(%arg13 : memref<!tpu.dma_semaphore, #tpu.memory_space<semaphore_mem>>)
      %mul3A_2657 = arith.mulf %gather3A_2554, %gather3A_2566 : vector<16xf32>
      %mul3A_2658 = arith.mulf %gather3A_2560, %gather3A_2572 : vector<16xf32>
      %add3A_2659 = arith.addf %mul3A_2657, %mul3A_2658 : vector<16xf32>
      %reduce_sum3A_2660 = arith.constant true
      %reduce_sum3A_2661 = vector.broadcast %reduce_sum3A_2660 : i1 to vector<16xi1>
      %reduce_sum3A_2662 = tpu.scan <sum>, %add3A_2659 masked %reduce_sum3A_2661 : vector<16xf32>, vector<16xi1> -> vector<16xf32>
      %reduce_sum3A_2663 = vector.extract %reduce_sum3A_2662[15] : f32 from vector<16xf32>
      %mul3A_2664 = vector.broadcast %reduce_sum3A_2663 : f32 to vector<16xf32>
      %mul3A_2665 = arith.mulf %mul3A_2664, %convert_element_type3A_702 : vector<16xf32>
      %add3A_2666 = arith.addf %add3A_2426, %mul3A_2665 : vector<16xf32>
      %slice3A_2667 = vector.extract_strided_slice %get3A_1451 {offsets = [5], sizes = [1], strides = [1]} : vector<16xi32> to vector<1xi32>
      %squeeze3A_2668 = vector.extract %slice3A_2667[0] : i32 from vector<1xi32>
      %jit3A_2669 = arith.constant 128 : i32
      %div3A_2670 = arith.divsi %squeeze3A_2668, %jit3A_2669 : i32
      %sign3A_2671 = arith.constant 0 : i32
      %sign3A_2672 = arith.cmpi sgt, %squeeze3A_2668, %sign3A_2671 : i32
      %sign3A_2673 = arith.extui %sign3A_2672 : i1 to i32
      %sign3A_2674 = arith.constant 0 : i32
      %sign3A_2675 = arith.cmpi slt, %squeeze3A_2668, %sign3A_2674 : i32
      %sign3A_2676 = arith.extui %sign3A_2675 : i1 to i32
      %sign3A_2677 = arith.subi %sign3A_2673, %sign3A_2676 : i32
      %sign3A_2678 = arith.constant 0 : i32
      %sign3A_2679 = arith.cmpi sgt, %jit3A_2669, %sign3A_2678 : i32
      %sign3A_2680 = arith.extui %sign3A_2679 : i1 to i32
      %sign3A_2681 = arith.constant 0 : i32
      %sign3A_2682 = arith.cmpi slt, %jit3A_2669, %sign3A_2681 : i32
      %sign3A_2683 = arith.extui %sign3A_2682 : i1 to i32
      %sign3A_2684 = arith.subi %sign3A_2680, %sign3A_2683 : i32
      %ne3A_2685 = arith.cmpi ne, %sign3A_2677, %sign3A_2684 : i32
      %rem3A_2686 = arith.remsi %squeeze3A_2668, %jit3A_2669 : i32
      %ne3A_2687 = arith.constant 0 : i32
      %ne3A_2688 = arith.cmpi ne, %rem3A_2686, %ne3A_2687 : i32
      %and3A_2689 = arith.andi %ne3A_2685, %ne3A_2688 : i1
      %sub3A_2690 = arith.constant 1 : i32
      %sub3A_2691 = arith.subi %div3A_2670, %sub3A_2690 : i32
      %select_n3A_2692 = arith.select %and3A_2689, %sub3A_2691, %div3A_2670 : i32
      %mul3A_2693 = arith.constant 128 : i32
      %mul3A_2694 = arith.muli %select_n3A_2692, %mul3A_2693 : i32
      %multiple_of3A_2695 = tpu.assume_multiple %mul3A_2694, 128 : i32
      %dma_wait3A_2696 = arith.constant 5 : i32
      %dma_wait3A_2697 = arith.constant 0 : i32
      %dma_wait3A_2698 = arith.constant 0 : i32
      %dma_wait3A_2699 = tpu.memref_slice %arg9[%dma_wait3A_2696, %dma_wait3A_2697, %dma_wait3A_2698] : memref<8x32x128xf32, #tpu.memory_space<vmem>> -> memref<1x32x128xf32, #tpu.memory_space<vmem>>
      %dma_wait3A_2700 = tpu.memref_squeeze %dma_wait3A_2699 : memref<1x32x128xf32, #tpu.memory_space<vmem>> -> memref<32x128xf32, #tpu.memory_space<vmem>>
      %dma_wait3A_2701 = arith.constant 0 : i32
      %dma_wait3A_2702 = tpu.memref_slice %arg4[%dma_wait3A_2701, %multiple_of3A_2695] : memref<32x1000000xf32, #tpu.memory_space<hbm>> -> memref<32x128xf32, #tpu.memory_space<hbm>>
      %dma_wait3A_2703 = arith.constant 0 : i32
      %dma_wait3A_2704 = arith.constant 0 : i32
      %dma_wait3A_2705 = tpu.memref_slice %arg9[%dma_wait3A_2696, %dma_wait3A_2703, %dma_wait3A_2704] : memref<8x32x128xf32, #tpu.memory_space<vmem>> -> memref<1x32x128xf32, #tpu.memory_space<vmem>>
      %dma_wait3A_2706 = tpu.memref_squeeze %dma_wait3A_2705 : memref<1x32x128xf32, #tpu.memory_space<vmem>> -> memref<32x128xf32, #tpu.memory_space<vmem>>
      %dma_wait3A_2707 = arith.constant 0 : i32
      %dma_wait3A_2708 = tpu.memref_slice %arg4[%dma_wait3A_2707, %multiple_of3A_2695] : memref<32x1000000xf32, #tpu.memory_space<hbm>> -> memref<32x128xf32, #tpu.memory_space<hbm>>
      tpu.wait_dma2 semaphore(%arg12 : memref<!tpu.dma_semaphore, #tpu.memory_space<semaphore_mem>>) src(%dma_wait3A_2708 : memref<32x128xf32, #tpu.memory_space<hbm>>) dst(%dma_wait3A_2706 : memref<32x128xf32, #tpu.memory_space<vmem>>)
      %slice3A_2709 = vector.extract_strided_slice %get3A_1455 {offsets = [5], sizes = [1], strides = [1]} : vector<16xi32> to vector<1xi32>
      %squeeze3A_2710 = vector.extract %slice3A_2709[0] : i32 from vector<1xi32>
      %jit3A_2711 = arith.constant 128 : i32
      %div3A_2712 = arith.divsi %squeeze3A_2710, %jit3A_2711 : i32
      %sign3A_2713 = arith.constant 0 : i32
      %sign3A_2714 = arith.cmpi sgt, %squeeze3A_2710, %sign3A_2713 : i32
      %sign3A_2715 = arith.extui %sign3A_2714 : i1 to i32
      %sign3A_2716 = arith.constant 0 : i32
      %sign3A_2717 = arith.cmpi slt, %squeeze3A_2710, %sign3A_2716 : i32
      %sign3A_2718 = arith.extui %sign3A_2717 : i1 to i32
      %sign3A_2719 = arith.subi %sign3A_2715, %sign3A_2718 : i32
      %sign3A_2720 = arith.constant 0 : i32
      %sign3A_2721 = arith.cmpi sgt, %jit3A_2711, %sign3A_2720 : i32
      %sign3A_2722 = arith.extui %sign3A_2721 : i1 to i32
      %sign3A_2723 = arith.constant 0 : i32
      %sign3A_2724 = arith.cmpi slt, %jit3A_2711, %sign3A_2723 : i32
      %sign3A_2725 = arith.extui %sign3A_2724 : i1 to i32
      %sign3A_2726 = arith.subi %sign3A_2722, %sign3A_2725 : i32
      %ne3A_2727 = arith.cmpi ne, %sign3A_2719, %sign3A_2726 : i32
      %rem3A_2728 = arith.remsi %squeeze3A_2710, %jit3A_2711 : i32
      %ne3A_2729 = arith.constant 0 : i32
      %ne3A_2730 = arith.cmpi ne, %rem3A_2728, %ne3A_2729 : i32
      %and3A_2731 = arith.andi %ne3A_2727, %ne3A_2730 : i1
      %sub3A_2732 = arith.constant 1 : i32
      %sub3A_2733 = arith.subi %div3A_2712, %sub3A_2732 : i32
      %select_n3A_2734 = arith.select %and3A_2731, %sub3A_2733, %div3A_2712 : i32
      %mul3A_2735 = arith.constant 128 : i32
      %mul3A_2736 = arith.muli %select_n3A_2734, %mul3A_2735 : i32
      %multiple_of3A_2737 = tpu.assume_multiple %mul3A_2736, 128 : i32
      %dma_wait3A_2738 = arith.constant 5 : i32
      %dma_wait3A_2739 = arith.constant 0 : i32
      %dma_wait3A_2740 = arith.constant 0 : i32
      %dma_wait3A_2741 = tpu.memref_slice %arg10[%dma_wait3A_2738, %dma_wait3A_2739, %dma_wait3A_2740] : memref<8x32x128xf32, #tpu.memory_space<vmem>> -> memref<1x32x128xf32, #tpu.memory_space<vmem>>
      %dma_wait3A_2742 = tpu.memref_squeeze %dma_wait3A_2741 : memref<1x32x128xf32, #tpu.memory_space<vmem>> -> memref<32x128xf32, #tpu.memory_space<vmem>>
      %dma_wait3A_2743 = arith.constant 0 : i32
      %dma_wait3A_2744 = tpu.memref_slice %arg5[%dma_wait3A_2743, %multiple_of3A_2737] : memref<32x1000000xf32, #tpu.memory_space<hbm>> -> memref<32x128xf32, #tpu.memory_space<hbm>>
      %dma_wait3A_2745 = arith.constant 0 : i32
      %dma_wait3A_2746 = arith.constant 0 : i32
      %dma_wait3A_2747 = tpu.memref_slice %arg10[%dma_wait3A_2738, %dma_wait3A_2745, %dma_wait3A_2746] : memref<8x32x128xf32, #tpu.memory_space<vmem>> -> memref<1x32x128xf32, #tpu.memory_space<vmem>>
      %dma_wait3A_2748 = tpu.memref_squeeze %dma_wait3A_2747 : memref<1x32x128xf32, #tpu.memory_space<vmem>> -> memref<32x128xf32, #tpu.memory_space<vmem>>
      %dma_wait3A_2749 = arith.constant 0 : i32
      %dma_wait3A_2750 = tpu.memref_slice %arg5[%dma_wait3A_2749, %multiple_of3A_2737] : memref<32x1000000xf32, #tpu.memory_space<hbm>> -> memref<32x128xf32, #tpu.memory_space<hbm>>
      tpu.wait_dma2 semaphore(%arg13 : memref<!tpu.dma_semaphore, #tpu.memory_space<semaphore_mem>>) src(%dma_wait3A_2750 : memref<32x128xf32, #tpu.memory_space<hbm>>) dst(%dma_wait3A_2748 : memref<32x128xf32, #tpu.memory_space<vmem>>)
      %slice3A_2751 = vector.extract_strided_slice %get3A_1451 {offsets = [5], sizes = [1], strides = [1]} : vector<16xi32> to vector<1xi32>
      %squeeze3A_2752 = vector.extract %slice3A_2751[0] : i32 from vector<1xi32>
      %jit3A_2753 = arith.constant 128 : i32
      %eq3A_2754 = arith.constant 0 : i32
      %eq3A_2755 = arith.cmpi eq, %jit3A_2753, %eq3A_2754 : i32
      %jit3A_2756 = arith.constant 1 : i32
      %select_n3A_2757 = arith.select %eq3A_2755, %jit3A_2756, %jit3A_2753 : i32
      %rem3A_2758 = arith.remsi %squeeze3A_2752, %select_n3A_2757 : i32
      %ne3A_2759 = arith.constant 0 : i32
      %ne3A_2760 = arith.cmpi ne, %rem3A_2758, %ne3A_2759 : i32
      %lt3A_2761 = arith.constant 0 : i32
      %lt3A_2762 = arith.cmpi slt, %rem3A_2758, %lt3A_2761 : i32
      %lt3A_2763 = arith.constant 0 : i32
      %lt3A_2764 = arith.cmpi slt, %select_n3A_2757, %lt3A_2763 : i32
      %ne3A_2765 = arith.xori %lt3A_2762, %lt3A_2764 : i1
      %and3A_2766 = arith.andi %ne3A_2765, %ne3A_2760 : i1
      %add3A_2767 = arith.addi %rem3A_2758, %select_n3A_2757 : i32
      %select_n3A_2768 = arith.select %and3A_2766, %add3A_2767, %rem3A_2758 : i32
      %broadcast_in_dim3A_2769 = vector.broadcast %select_n3A_2768 : i32 to vector<16xi32>
      %slice3A_2770 = vector.extract_strided_slice %get3A_1455 {offsets = [5], sizes = [1], strides = [1]} : vector<16xi32> to vector<1xi32>
      %squeeze3A_2771 = vector.extract %slice3A_2770[0] : i32 from vector<1xi32>
      %jit3A_2772 = arith.constant 128 : i32
      %eq3A_2773 = arith.constant 0 : i32
      %eq3A_2774 = arith.cmpi eq, %jit3A_2772, %eq3A_2773 : i32
      %jit3A_2775 = arith.constant 1 : i32
      %select_n3A_2776 = arith.select %eq3A_2774, %jit3A_2775, %jit3A_2772 : i32
      %rem3A_2777 = arith.remsi %squeeze3A_2771, %select_n3A_2776 : i32
      %ne3A_2778 = arith.constant 0 : i32
      %ne3A_2779 = arith.cmpi ne, %rem3A_2777, %ne3A_2778 : i32
      %lt3A_2780 = arith.constant 0 : i32
      %lt3A_2781 = arith.cmpi slt, %rem3A_2777, %lt3A_2780 : i32
      %lt3A_2782 = arith.constant 0 : i32
      %lt3A_2783 = arith.cmpi slt, %select_n3A_2776, %lt3A_2782 : i32
      %ne3A_2784 = arith.xori %lt3A_2781, %lt3A_2783 : i1
      %and3A_2785 = arith.andi %ne3A_2784, %ne3A_2779 : i1
      %add3A_2786 = arith.addi %rem3A_2777, %select_n3A_2776 : i32
      %select_n3A_2787 = arith.select %and3A_2785, %add3A_2786, %rem3A_2777 : i32
      %broadcast_in_dim3A_2788 = vector.broadcast %select_n3A_2787 : i32 to vector<16xi32>
      %gather3A_2789 = arith.constant 5 : i32
      %gather3A_2790 = arith.constant 0 : i32
      %gather3A_2791 = arith.constant 0 : i32
      %gather3A_2792 = tpu.memref_slice %arg9[%gather3A_2789, %gather3A_2790, %gather3A_2791] : memref<8x32x128xf32, #tpu.memory_space<vmem>> -> memref<1x32x128xf32, #tpu.memory_space<vmem>>
      %gather3A_2793 = tpu.memref_squeeze %gather3A_2792 : memref<1x32x128xf32, #tpu.memory_space<vmem>> -> memref<32x128xf32, #tpu.memory_space<vmem>>
      %gather3A_2794 = tpu.vector_load_idx %gather3A_2793[%iota3A, %broadcast_in_dim3A_2769] : memref<32x128xf32, #tpu.memory_space<vmem>>[vector<16xi32>, vector<16xi32>], vector<16xf32>,
      %gather3A_2795 = arith.constant 5 : i32
      %gather3A_2796 = arith.constant 0 : i32
      %gather3A_2797 = arith.constant 0 : i32
      %gather3A_2798 = tpu.memref_slice %arg9[%gather3A_2795, %gather3A_2796, %gather3A_2797] : memref<8x32x128xf32, #tpu.memory_space<vmem>> -> memref<1x32x128xf32, #tpu.memory_space<vmem>>
      %gather3A_2799 = tpu.memref_squeeze %gather3A_2798 : memref<1x32x128xf32, #tpu.memory_space<vmem>> -> memref<32x128xf32, #tpu.memory_space<vmem>>
      %gather3A_2800 = tpu.vector_load_idx %gather3A_2799[%add3A_11, %broadcast_in_dim3A_2769] : memref<32x128xf32, #tpu.memory_space<vmem>>[vector<16xi32>, vector<16xi32>], vector<16xf32>,
      %gather3A_2801 = arith.constant 5 : i32
      %gather3A_2802 = arith.constant 0 : i32
      %gather3A_2803 = arith.constant 0 : i32
      %gather3A_2804 = tpu.memref_slice %arg10[%gather3A_2801, %gather3A_2802, %gather3A_2803] : memref<8x32x128xf32, #tpu.memory_space<vmem>> -> memref<1x32x128xf32, #tpu.memory_space<vmem>>
      %gather3A_2805 = tpu.memref_squeeze %gather3A_2804 : memref<1x32x128xf32, #tpu.memory_space<vmem>> -> memref<32x128xf32, #tpu.memory_space<vmem>>
      %gather3A_2806 = tpu.vector_load_idx %gather3A_2805[%iota3A, %broadcast_in_dim3A_2788] : memref<32x128xf32, #tpu.memory_space<vmem>>[vector<16xi32>, vector<16xi32>], vector<16xf32>,
      %gather3A_2807 = arith.constant 5 : i32
      %gather3A_2808 = arith.constant 0 : i32
      %gather3A_2809 = arith.constant 0 : i32
      %gather3A_2810 = tpu.memref_slice %arg10[%gather3A_2807, %gather3A_2808, %gather3A_2809] : memref<8x32x128xf32, #tpu.memory_space<vmem>> -> memref<1x32x128xf32, #tpu.memory_space<vmem>>
      %gather3A_2811 = tpu.memref_squeeze %gather3A_2810 : memref<1x32x128xf32, #tpu.memory_space<vmem>> -> memref<32x128xf32, #tpu.memory_space<vmem>>
      %gather3A_2812 = tpu.vector_load_idx %gather3A_2811[%add3A_11, %broadcast_in_dim3A_2788] : memref<32x128xf32, #tpu.memory_space<vmem>>[vector<16xi32>, vector<16xi32>], vector<16xf32>,
      %slice3A_2813 = vector.extract_strided_slice %get3A_1461 {offsets = [5], sizes = [1], strides = [1]} : vector<16xi32> to vector<1xi32>
      %squeeze3A_2814 = vector.extract %slice3A_2813[0] : i32 from vector<1xi32>
      %jit3A_2815 = arith.constant 128 : i32
      %div3A_2816 = arith.divsi %squeeze3A_2814, %jit3A_2815 : i32
      %sign3A_2817 = arith.constant 0 : i32
      %sign3A_2818 = arith.cmpi sgt, %squeeze3A_2814, %sign3A_2817 : i32
      %sign3A_2819 = arith.extui %sign3A_2818 : i1 to i32
      %sign3A_2820 = arith.constant 0 : i32
      %sign3A_2821 = arith.cmpi slt, %squeeze3A_2814, %sign3A_2820 : i32
      %sign3A_2822 = arith.extui %sign3A_2821 : i1 to i32
      %sign3A_2823 = arith.subi %sign3A_2819, %sign3A_2822 : i32
      %sign3A_2824 = arith.constant 0 : i32
      %sign3A_2825 = arith.cmpi sgt, %jit3A_2815, %sign3A_2824 : i32
      %sign3A_2826 = arith.extui %sign3A_2825 : i1 to i32
      %sign3A_2827 = arith.constant 0 : i32
      %sign3A_2828 = arith.cmpi slt, %jit3A_2815, %sign3A_2827 : i32
      %sign3A_2829 = arith.extui %sign3A_2828 : i1 to i32
      %sign3A_2830 = arith.subi %sign3A_2826, %sign3A_2829 : i32
      %ne3A_2831 = arith.cmpi ne, %sign3A_2823, %sign3A_2830 : i32
      %rem3A_2832 = arith.remsi %squeeze3A_2814, %jit3A_2815 : i32
      %ne3A_2833 = arith.constant 0 : i32
      %ne3A_2834 = arith.cmpi ne, %rem3A_2832, %ne3A_2833 : i32
      %and3A_2835 = arith.andi %ne3A_2831, %ne3A_2834 : i1
      %sub3A_2836 = arith.constant 1 : i32
      %sub3A_2837 = arith.subi %div3A_2816, %sub3A_2836 : i32
      %select_n3A_2838 = arith.select %and3A_2835, %sub3A_2837, %div3A_2816 : i32
      %mul3A_2839 = arith.constant 128 : i32
      %mul3A_2840 = arith.muli %select_n3A_2838, %mul3A_2839 : i32
      %multiple_of3A_2841 = tpu.assume_multiple %mul3A_2840, 128 : i32
      %dma_start3A_2842 = arith.constant 5 : i32
      %dma_start3A_2843 = arith.constant 0 : i32
      %dma_start3A_2844 = arith.constant 0 : i32
      %dma_start3A_2845 = tpu.memref_slice %arg9[%dma_start3A_2842, %dma_start3A_2843, %dma_start3A_2844] : memref<8x32x128xf32, #tpu.memory_space<vmem>> -> memref<1x32x128xf32, #tpu.memory_space<vmem>>
      %dma_start3A_2846 = tpu.memref_squeeze %dma_start3A_2845 : memref<1x32x128xf32, #tpu.memory_space<vmem>> -> memref<32x128xf32, #tpu.memory_space<vmem>>
      %dma_start3A_2847 = arith.constant 0 : i32
      %dma_start3A_2848 = tpu.memref_slice %arg4[%dma_start3A_2847, %multiple_of3A_2841] : memref<32x1000000xf32, #tpu.memory_space<hbm>> -> memref<32x128xf32, #tpu.memory_space<hbm>>
      %dma_start3A_2849 = arith.constant 0 : i32
      %dma_start3A_2850 = arith.constant 0 : i32
      %dma_start3A_2851 = tpu.memref_slice %arg9[%dma_start3A_2842, %dma_start3A_2849, %dma_start3A_2850] : memref<8x32x128xf32, #tpu.memory_space<vmem>> -> memref<1x32x128xf32, #tpu.memory_space<vmem>>
      %dma_start3A_2852 = tpu.memref_squeeze %dma_start3A_2851 : memref<1x32x128xf32, #tpu.memory_space<vmem>> -> memref<32x128xf32, #tpu.memory_space<vmem>>
      %dma_start3A_2853 = arith.constant 0 : i32
      %dma_start3A_2854 = tpu.memref_slice %arg4[%dma_start3A_2853, %multiple_of3A_2841] : memref<32x1000000xf32, #tpu.memory_space<hbm>> -> memref<32x128xf32, #tpu.memory_space<hbm>>
      tpu.enqueue_dma source(%dma_start3A_2854 : memref<32x128xf32, #tpu.memory_space<hbm>>) target(%dma_start3A_2852 : memref<32x128xf32, #tpu.memory_space<vmem>>) target_semaphore(%arg12 : memref<!tpu.dma_semaphore, #tpu.memory_space<semaphore_mem>>)
      %slice3A_2855 = vector.extract_strided_slice %get3A_1467 {offsets = [5], sizes = [1], strides = [1]} : vector<16xi32> to vector<1xi32>
      %squeeze3A_2856 = vector.extract %slice3A_2855[0] : i32 from vector<1xi32>
      %jit3A_2857 = arith.constant 128 : i32
      %div3A_2858 = arith.divsi %squeeze3A_2856, %jit3A_2857 : i32
      %sign3A_2859 = arith.constant 0 : i32
      %sign3A_2860 = arith.cmpi sgt, %squeeze3A_2856, %sign3A_2859 : i32
      %sign3A_2861 = arith.extui %sign3A_2860 : i1 to i32
      %sign3A_2862 = arith.constant 0 : i32
      %sign3A_2863 = arith.cmpi slt, %squeeze3A_2856, %sign3A_2862 : i32
      %sign3A_2864 = arith.extui %sign3A_2863 : i1 to i32
      %sign3A_2865 = arith.subi %sign3A_2861, %sign3A_2864 : i32
      %sign3A_2866 = arith.constant 0 : i32
      %sign3A_2867 = arith.cmpi sgt, %jit3A_2857, %sign3A_2866 : i32
      %sign3A_2868 = arith.extui %sign3A_2867 : i1 to i32
      %sign3A_2869 = arith.constant 0 : i32
      %sign3A_2870 = arith.cmpi slt, %jit3A_2857, %sign3A_2869 : i32
      %sign3A_2871 = arith.extui %sign3A_2870 : i1 to i32
      %sign3A_2872 = arith.subi %sign3A_2868, %sign3A_2871 : i32
      %ne3A_2873 = arith.cmpi ne, %sign3A_2865, %sign3A_2872 : i32
      %rem3A_2874 = arith.remsi %squeeze3A_2856, %jit3A_2857 : i32
      %ne3A_2875 = arith.constant 0 : i32
      %ne3A_2876 = arith.cmpi ne, %rem3A_2874, %ne3A_2875 : i32
      %and3A_2877 = arith.andi %ne3A_2873, %ne3A_2876 : i1
      %sub3A_2878 = arith.constant 1 : i32
      %sub3A_2879 = arith.subi %div3A_2858, %sub3A_2878 : i32
      %select_n3A_2880 = arith.select %and3A_2877, %sub3A_2879, %div3A_2858 : i32
      %mul3A_2881 = arith.constant 128 : i32
      %mul3A_2882 = arith.muli %select_n3A_2880, %mul3A_2881 : i32
      %multiple_of3A_2883 = tpu.assume_multiple %mul3A_2882, 128 : i32
      %dma_start3A_2884 = arith.constant 5 : i32
      %dma_start3A_2885 = arith.constant 0 : i32
      %dma_start3A_2886 = arith.constant 0 : i32
      %dma_start3A_2887 = tpu.memref_slice %arg10[%dma_start3A_2884, %dma_start3A_2885, %dma_start3A_2886] : memref<8x32x128xf32, #tpu.memory_space<vmem>> -> memref<1x32x128xf32, #tpu.memory_space<vmem>>
      %dma_start3A_2888 = tpu.memref_squeeze %dma_start3A_2887 : memref<1x32x128xf32, #tpu.memory_space<vmem>> -> memref<32x128xf32, #tpu.memory_space<vmem>>
      %dma_start3A_2889 = arith.constant 0 : i32
      %dma_start3A_2890 = tpu.memref_slice %arg5[%dma_start3A_2889, %multiple_of3A_2883] : memref<32x1000000xf32, #tpu.memory_space<hbm>> -> memref<32x128xf32, #tpu.memory_space<hbm>>
      %dma_start3A_2891 = arith.constant 0 : i32
      %dma_start3A_2892 = arith.constant 0 : i32
      %dma_start3A_2893 = tpu.memref_slice %arg10[%dma_start3A_2884, %dma_start3A_2891, %dma_start3A_2892] : memref<8x32x128xf32, #tpu.memory_space<vmem>> -> memref<1x32x128xf32, #tpu.memory_space<vmem>>
      %dma_start3A_2894 = tpu.memref_squeeze %dma_start3A_2893 : memref<1x32x128xf32, #tpu.memory_space<vmem>> -> memref<32x128xf32, #tpu.memory_space<vmem>>
      %dma_start3A_2895 = arith.constant 0 : i32
      %dma_start3A_2896 = tpu.memref_slice %arg5[%dma_start3A_2895, %multiple_of3A_2883] : memref<32x1000000xf32, #tpu.memory_space<hbm>> -> memref<32x128xf32, #tpu.memory_space<hbm>>
      tpu.enqueue_dma source(%dma_start3A_2896 : memref<32x128xf32, #tpu.memory_space<hbm>>) target(%dma_start3A_2894 : memref<32x128xf32, #tpu.memory_space<vmem>>) target_semaphore(%arg13 : memref<!tpu.dma_semaphore, #tpu.memory_space<semaphore_mem>>)
      %mul3A_2897 = arith.mulf %gather3A_2794, %gather3A_2806 : vector<16xf32>
      %mul3A_2898 = arith.mulf %gather3A_2800, %gather3A_2812 : vector<16xf32>
      %add3A_2899 = arith.addf %mul3A_2897, %mul3A_2898 : vector<16xf32>
      %reduce_sum3A_2900 = arith.constant true
      %reduce_sum3A_2901 = vector.broadcast %reduce_sum3A_2900 : i1 to vector<16xi1>
      %reduce_sum3A_2902 = tpu.scan <sum>, %add3A_2899 masked %reduce_sum3A_2901 : vector<16xf32>, vector<16xi1> -> vector<16xf32>
      %reduce_sum3A_2903 = vector.extract %reduce_sum3A_2902[15] : f32 from vector<16xf32>
      %mul3A_2904 = vector.broadcast %reduce_sum3A_2903 : f32 to vector<16xf32>
      %mul3A_2905 = arith.mulf %mul3A_2904, %convert_element_type3A_708 : vector<16xf32>
      %add3A_2906 = arith.addf %add3A_2666, %mul3A_2905 : vector<16xf32>
      %slice3A_2907 = vector.extract_strided_slice %get3A_1451 {offsets = [6], sizes = [1], strides = [1]} : vector<16xi32> to vector<1xi32>
      %squeeze3A_2908 = vector.extract %slice3A_2907[0] : i32 from vector<1xi32>
      %jit3A_2909 = arith.constant 128 : i32
      %div3A_2910 = arith.divsi %squeeze3A_2908, %jit3A_2909 : i32
      %sign3A_2911 = arith.constant 0 : i32
      %sign3A_2912 = arith.cmpi sgt, %squeeze3A_2908, %sign3A_2911 : i32
      %sign3A_2913 = arith.extui %sign3A_2912 : i1 to i32
      %sign3A_2914 = arith.constant 0 : i32
      %sign3A_2915 = arith.cmpi slt, %squeeze3A_2908, %sign3A_2914 : i32
      %sign3A_2916 = arith.extui %sign3A_2915 : i1 to i32
      %sign3A_2917 = arith.subi %sign3A_2913, %sign3A_2916 : i32
      %sign3A_2918 = arith.constant 0 : i32
      %sign3A_2919 = arith.cmpi sgt, %jit3A_2909, %sign3A_2918 : i32
      %sign3A_2920 = arith.extui %sign3A_2919 : i1 to i32
      %sign3A_2921 = arith.constant 0 : i32
      %sign3A_2922 = arith.cmpi slt, %jit3A_2909, %sign3A_2921 : i32
      %sign3A_2923 = arith.extui %sign3A_2922 : i1 to i32
      %sign3A_2924 = arith.subi %sign3A_2920, %sign3A_2923 : i32
      %ne3A_2925 = arith.cmpi ne, %sign3A_2917, %sign3A_2924 : i32
      %rem3A_2926 = arith.remsi %squeeze3A_2908, %jit3A_2909 : i32
      %ne3A_2927 = arith.constant 0 : i32
      %ne3A_2928 = arith.cmpi ne, %rem3A_2926, %ne3A_2927 : i32
      %and3A_2929 = arith.andi %ne3A_2925, %ne3A_2928 : i1
      %sub3A_2930 = arith.constant 1 : i32
      %sub3A_2931 = arith.subi %div3A_2910, %sub3A_2930 : i32
      %select_n3A_2932 = arith.select %and3A_2929, %sub3A_2931, %div3A_2910 : i32
      %mul3A_2933 = arith.constant 128 : i32
      %mul3A_2934 = arith.muli %select_n3A_2932, %mul3A_2933 : i32
      %multiple_of3A_2935 = tpu.assume_multiple %mul3A_2934, 128 : i32
      %dma_wait3A_2936 = arith.constant 6 : i32
      %dma_wait3A_2937 = arith.constant 0 : i32
      %dma_wait3A_2938 = arith.constant 0 : i32
      %dma_wait3A_2939 = tpu.memref_slice %arg9[%dma_wait3A_2936, %dma_wait3A_2937, %dma_wait3A_2938] : memref<8x32x128xf32, #tpu.memory_space<vmem>> -> memref<1x32x128xf32, #tpu.memory_space<vmem>>
      %dma_wait3A_2940 = tpu.memref_squeeze %dma_wait3A_2939 : memref<1x32x128xf32, #tpu.memory_space<vmem>> -> memref<32x128xf32, #tpu.memory_space<vmem>>
      %dma_wait3A_2941 = arith.constant 0 : i32
      %dma_wait3A_2942 = tpu.memref_slice %arg4[%dma_wait3A_2941, %multiple_of3A_2935] : memref<32x1000000xf32, #tpu.memory_space<hbm>> -> memref<32x128xf32, #tpu.memory_space<hbm>>
      %dma_wait3A_2943 = arith.constant 0 : i32
      %dma_wait3A_2944 = arith.constant 0 : i32
      %dma_wait3A_2945 = tpu.memref_slice %arg9[%dma_wait3A_2936, %dma_wait3A_2943, %dma_wait3A_2944] : memref<8x32x128xf32, #tpu.memory_space<vmem>> -> memref<1x32x128xf32, #tpu.memory_space<vmem>>
      %dma_wait3A_2946 = tpu.memref_squeeze %dma_wait3A_2945 : memref<1x32x128xf32, #tpu.memory_space<vmem>> -> memref<32x128xf32, #tpu.memory_space<vmem>>
      %dma_wait3A_2947 = arith.constant 0 : i32
      %dma_wait3A_2948 = tpu.memref_slice %arg4[%dma_wait3A_2947, %multiple_of3A_2935] : memref<32x1000000xf32, #tpu.memory_space<hbm>> -> memref<32x128xf32, #tpu.memory_space<hbm>>
      tpu.wait_dma2 semaphore(%arg12 : memref<!tpu.dma_semaphore, #tpu.memory_space<semaphore_mem>>) src(%dma_wait3A_2948 : memref<32x128xf32, #tpu.memory_space<hbm>>) dst(%dma_wait3A_2946 : memref<32x128xf32, #tpu.memory_space<vmem>>)
      %slice3A_2949 = vector.extract_strided_slice %get3A_1455 {offsets = [6], sizes = [1], strides = [1]} : vector<16xi32> to vector<1xi32>
      %squeeze3A_2950 = vector.extract %slice3A_2949[0] : i32 from vector<1xi32>
      %jit3A_2951 = arith.constant 128 : i32
      %div3A_2952 = arith.divsi %squeeze3A_2950, %jit3A_2951 : i32
      %sign3A_2953 = arith.constant 0 : i32
      %sign3A_2954 = arith.cmpi sgt, %squeeze3A_2950, %sign3A_2953 : i32
      %sign3A_2955 = arith.extui %sign3A_2954 : i1 to i32
      %sign3A_2956 = arith.constant 0 : i32
      %sign3A_2957 = arith.cmpi slt, %squeeze3A_2950, %sign3A_2956 : i32
      %sign3A_2958 = arith.extui %sign3A_2957 : i1 to i32
      %sign3A_2959 = arith.subi %sign3A_2955, %sign3A_2958 : i32
      %sign3A_2960 = arith.constant 0 : i32
      %sign3A_2961 = arith.cmpi sgt, %jit3A_2951, %sign3A_2960 : i32
      %sign3A_2962 = arith.extui %sign3A_2961 : i1 to i32
      %sign3A_2963 = arith.constant 0 : i32
      %sign3A_2964 = arith.cmpi slt, %jit3A_2951, %sign3A_2963 : i32
      %sign3A_2965 = arith.extui %sign3A_2964 : i1 to i32
      %sign3A_2966 = arith.subi %sign3A_2962, %sign3A_2965 : i32
      %ne3A_2967 = arith.cmpi ne, %sign3A_2959, %sign3A_2966 : i32
      %rem3A_2968 = arith.remsi %squeeze3A_2950, %jit3A_2951 : i32
      %ne3A_2969 = arith.constant 0 : i32
      %ne3A_2970 = arith.cmpi ne, %rem3A_2968, %ne3A_2969 : i32
      %and3A_2971 = arith.andi %ne3A_2967, %ne3A_2970 : i1
      %sub3A_2972 = arith.constant 1 : i32
      %sub3A_2973 = arith.subi %div3A_2952, %sub3A_2972 : i32
      %select_n3A_2974 = arith.select %and3A_2971, %sub3A_2973, %div3A_2952 : i32
      %mul3A_2975 = arith.constant 128 : i32
      %mul3A_2976 = arith.muli %select_n3A_2974, %mul3A_2975 : i32
      %multiple_of3A_2977 = tpu.assume_multiple %mul3A_2976, 128 : i32
      %dma_wait3A_2978 = arith.constant 6 : i32
      %dma_wait3A_2979 = arith.constant 0 : i32
      %dma_wait3A_2980 = arith.constant 0 : i32
      %dma_wait3A_2981 = tpu.memref_slice %arg10[%dma_wait3A_2978, %dma_wait3A_2979, %dma_wait3A_2980] : memref<8x32x128xf32, #tpu.memory_space<vmem>> -> memref<1x32x128xf32, #tpu.memory_space<vmem>>
      %dma_wait3A_2982 = tpu.memref_squeeze %dma_wait3A_2981 : memref<1x32x128xf32, #tpu.memory_space<vmem>> -> memref<32x128xf32, #tpu.memory_space<vmem>>
      %dma_wait3A_2983 = arith.constant 0 : i32
      %dma_wait3A_2984 = tpu.memref_slice %arg5[%dma_wait3A_2983, %multiple_of3A_2977] : memref<32x1000000xf32, #tpu.memory_space<hbm>> -> memref<32x128xf32, #tpu.memory_space<hbm>>
      %dma_wait3A_2985 = arith.constant 0 : i32
      %dma_wait3A_2986 = arith.constant 0 : i32
      %dma_wait3A_2987 = tpu.memref_slice %arg10[%dma_wait3A_2978, %dma_wait3A_2985, %dma_wait3A_2986] : memref<8x32x128xf32, #tpu.memory_space<vmem>> -> memref<1x32x128xf32, #tpu.memory_space<vmem>>
      %dma_wait3A_2988 = tpu.memref_squeeze %dma_wait3A_2987 : memref<1x32x128xf32, #tpu.memory_space<vmem>> -> memref<32x128xf32, #tpu.memory_space<vmem>>
      %dma_wait3A_2989 = arith.constant 0 : i32
      %dma_wait3A_2990 = tpu.memref_slice %arg5[%dma_wait3A_2989, %multiple_of3A_2977] : memref<32x1000000xf32, #tpu.memory_space<hbm>> -> memref<32x128xf32, #tpu.memory_space<hbm>>
      tpu.wait_dma2 semaphore(%arg13 : memref<!tpu.dma_semaphore, #tpu.memory_space<semaphore_mem>>) src(%dma_wait3A_2990 : memref<32x128xf32, #tpu.memory_space<hbm>>) dst(%dma_wait3A_2988 : memref<32x128xf32, #tpu.memory_space<vmem>>)
      %slice3A_2991 = vector.extract_strided_slice %get3A_1451 {offsets = [6], sizes = [1], strides = [1]} : vector<16xi32> to vector<1xi32>
      %squeeze3A_2992 = vector.extract %slice3A_2991[0] : i32 from vector<1xi32>
      %jit3A_2993 = arith.constant 128 : i32
      %eq3A_2994 = arith.constant 0 : i32
      %eq3A_2995 = arith.cmpi eq, %jit3A_2993, %eq3A_2994 : i32
      %jit3A_2996 = arith.constant 1 : i32
      %select_n3A_2997 = arith.select %eq3A_2995, %jit3A_2996, %jit3A_2993 : i32
      %rem3A_2998 = arith.remsi %squeeze3A_2992, %select_n3A_2997 : i32
      %ne3A_2999 = arith.constant 0 : i32
      %ne3A_3000 = arith.cmpi ne, %rem3A_2998, %ne3A_2999 : i32
      %lt3A_3001 = arith.constant 0 : i32
      %lt3A_3002 = arith.cmpi slt, %rem3A_2998, %lt3A_3001 : i32
      %lt3A_3003 = arith.constant 0 : i32
      %lt3A_3004 = arith.cmpi slt, %select_n3A_2997, %lt3A_3003 : i32
      %ne3A_3005 = arith.xori %lt3A_3002, %lt3A_3004 : i1
      %and3A_3006 = arith.andi %ne3A_3005, %ne3A_3000 : i1
      %add3A_3007 = arith.addi %rem3A_2998, %select_n3A_2997 : i32
      %select_n3A_3008 = arith.select %and3A_3006, %add3A_3007, %rem3A_2998 : i32
      %broadcast_in_dim3A_3009 = vector.broadcast %select_n3A_3008 : i32 to vector<16xi32>
      %slice3A_3010 = vector.extract_strided_slice %get3A_1455 {offsets = [6], sizes = [1], strides = [1]} : vector<16xi32> to vector<1xi32>
      %squeeze3A_3011 = vector.extract %slice3A_3010[0] : i32 from vector<1xi32>
      %jit3A_3012 = arith.constant 128 : i32
      %eq3A_3013 = arith.constant 0 : i32
      %eq3A_3014 = arith.cmpi eq, %jit3A_3012, %eq3A_3013 : i32
      %jit3A_3015 = arith.constant 1 : i32
      %select_n3A_3016 = arith.select %eq3A_3014, %jit3A_3015, %jit3A_3012 : i32
      %rem3A_3017 = arith.remsi %squeeze3A_3011, %select_n3A_3016 : i32
      %ne3A_3018 = arith.constant 0 : i32
      %ne3A_3019 = arith.cmpi ne, %rem3A_3017, %ne3A_3018 : i32
      %lt3A_3020 = arith.constant 0 : i32
      %lt3A_3021 = arith.cmpi slt, %rem3A_3017, %lt3A_3020 : i32
      %lt3A_3022 = arith.constant 0 : i32
      %lt3A_3023 = arith.cmpi slt, %select_n3A_3016, %lt3A_3022 : i32
      %ne3A_3024 = arith.xori %lt3A_3021, %lt3A_3023 : i1
      %and3A_3025 = arith.andi %ne3A_3024, %ne3A_3019 : i1
      %add3A_3026 = arith.addi %rem3A_3017, %select_n3A_3016 : i32
      %select_n3A_3027 = arith.select %and3A_3025, %add3A_3026, %rem3A_3017 : i32
      %broadcast_in_dim3A_3028 = vector.broadcast %select_n3A_3027 : i32 to vector<16xi32>
      %gather3A_3029 = arith.constant 6 : i32
      %gather3A_3030 = arith.constant 0 : i32
      %gather3A_3031 = arith.constant 0 : i32
      %gather3A_3032 = tpu.memref_slice %arg9[%gather3A_3029, %gather3A_3030, %gather3A_3031] : memref<8x32x128xf32, #tpu.memory_space<vmem>> -> memref<1x32x128xf32, #tpu.memory_space<vmem>>
      %gather3A_3033 = tpu.memref_squeeze %gather3A_3032 : memref<1x32x128xf32, #tpu.memory_space<vmem>> -> memref<32x128xf32, #tpu.memory_space<vmem>>
      %gather3A_3034 = tpu.vector_load_idx %gather3A_3033[%iota3A, %broadcast_in_dim3A_3009] : memref<32x128xf32, #tpu.memory_space<vmem>>[vector<16xi32>, vector<16xi32>], vector<16xf32>,
      %gather3A_3035 = arith.constant 6 : i32
      %gather3A_3036 = arith.constant 0 : i32
      %gather3A_3037 = arith.constant 0 : i32
      %gather3A_3038 = tpu.memref_slice %arg9[%gather3A_3035, %gather3A_3036, %gather3A_3037] : memref<8x32x128xf32, #tpu.memory_space<vmem>> -> memref<1x32x128xf32, #tpu.memory_space<vmem>>
      %gather3A_3039 = tpu.memref_squeeze %gather3A_3038 : memref<1x32x128xf32, #tpu.memory_space<vmem>> -> memref<32x128xf32, #tpu.memory_space<vmem>>
      %gather3A_3040 = tpu.vector_load_idx %gather3A_3039[%add3A_11, %broadcast_in_dim3A_3009] : memref<32x128xf32, #tpu.memory_space<vmem>>[vector<16xi32>, vector<16xi32>], vector<16xf32>,
      %gather3A_3041 = arith.constant 6 : i32
      %gather3A_3042 = arith.constant 0 : i32
      %gather3A_3043 = arith.constant 0 : i32
      %gather3A_3044 = tpu.memref_slice %arg10[%gather3A_3041, %gather3A_3042, %gather3A_3043] : memref<8x32x128xf32, #tpu.memory_space<vmem>> -> memref<1x32x128xf32, #tpu.memory_space<vmem>>
      %gather3A_3045 = tpu.memref_squeeze %gather3A_3044 : memref<1x32x128xf32, #tpu.memory_space<vmem>> -> memref<32x128xf32, #tpu.memory_space<vmem>>
      %gather3A_3046 = tpu.vector_load_idx %gather3A_3045[%iota3A, %broadcast_in_dim3A_3028] : memref<32x128xf32, #tpu.memory_space<vmem>>[vector<16xi32>, vector<16xi32>], vector<16xf32>,
      %gather3A_3047 = arith.constant 6 : i32
      %gather3A_3048 = arith.constant 0 : i32
      %gather3A_3049 = arith.constant 0 : i32
      %gather3A_3050 = tpu.memref_slice %arg10[%gather3A_3047, %gather3A_3048, %gather3A_3049] : memref<8x32x128xf32, #tpu.memory_space<vmem>> -> memref<1x32x128xf32, #tpu.memory_space<vmem>>
      %gather3A_3051 = tpu.memref_squeeze %gather3A_3050 : memref<1x32x128xf32, #tpu.memory_space<vmem>> -> memref<32x128xf32, #tpu.memory_space<vmem>>
      %gather3A_3052 = tpu.vector_load_idx %gather3A_3051[%add3A_11, %broadcast_in_dim3A_3028] : memref<32x128xf32, #tpu.memory_space<vmem>>[vector<16xi32>, vector<16xi32>], vector<16xf32>,
      %slice3A_3053 = vector.extract_strided_slice %get3A_1461 {offsets = [6], sizes = [1], strides = [1]} : vector<16xi32> to vector<1xi32>
      %squeeze3A_3054 = vector.extract %slice3A_3053[0] : i32 from vector<1xi32>
      %jit3A_3055 = arith.constant 128 : i32
      %div3A_3056 = arith.divsi %squeeze3A_3054, %jit3A_3055 : i32
      %sign3A_3057 = arith.constant 0 : i32
      %sign3A_3058 = arith.cmpi sgt, %squeeze3A_3054, %sign3A_3057 : i32
      %sign3A_3059 = arith.extui %sign3A_3058 : i1 to i32
      %sign3A_3060 = arith.constant 0 : i32
      %sign3A_3061 = arith.cmpi slt, %squeeze3A_3054, %sign3A_3060 : i32
      %sign3A_3062 = arith.extui %sign3A_3061 : i1 to i32
      %sign3A_3063 = arith.subi %sign3A_3059, %sign3A_3062 : i32
      %sign3A_3064 = arith.constant 0 : i32
      %sign3A_3065 = arith.cmpi sgt, %jit3A_3055, %sign3A_3064 : i32
      %sign3A_3066 = arith.extui %sign3A_3065 : i1 to i32
      %sign3A_3067 = arith.constant 0 : i32
      %sign3A_3068 = arith.cmpi slt, %jit3A_3055, %sign3A_3067 : i32
      %sign3A_3069 = arith.extui %sign3A_3068 : i1 to i32
      %sign3A_3070 = arith.subi %sign3A_3066, %sign3A_3069 : i32
      %ne3A_3071 = arith.cmpi ne, %sign3A_3063, %sign3A_3070 : i32
      %rem3A_3072 = arith.remsi %squeeze3A_3054, %jit3A_3055 : i32
      %ne3A_3073 = arith.constant 0 : i32
      %ne3A_3074 = arith.cmpi ne, %rem3A_3072, %ne3A_3073 : i32
      %and3A_3075 = arith.andi %ne3A_3071, %ne3A_3074 : i1
      %sub3A_3076 = arith.constant 1 : i32
      %sub3A_3077 = arith.subi %div3A_3056, %sub3A_3076 : i32
      %select_n3A_3078 = arith.select %and3A_3075, %sub3A_3077, %div3A_3056 : i32
      %mul3A_3079 = arith.constant 128 : i32
      %mul3A_3080 = arith.muli %select_n3A_3078, %mul3A_3079 : i32
      %multiple_of3A_3081 = tpu.assume_multiple %mul3A_3080, 128 : i32
      %dma_start3A_3082 = arith.constant 6 : i32
      %dma_start3A_3083 = arith.constant 0 : i32
      %dma_start3A_3084 = arith.constant 0 : i32
      %dma_start3A_3085 = tpu.memref_slice %arg9[%dma_start3A_3082, %dma_start3A_3083, %dma_start3A_3084] : memref<8x32x128xf32, #tpu.memory_space<vmem>> -> memref<1x32x128xf32, #tpu.memory_space<vmem>>
      %dma_start3A_3086 = tpu.memref_squeeze %dma_start3A_3085 : memref<1x32x128xf32, #tpu.memory_space<vmem>> -> memref<32x128xf32, #tpu.memory_space<vmem>>
      %dma_start3A_3087 = arith.constant 0 : i32
      %dma_start3A_3088 = tpu.memref_slice %arg4[%dma_start3A_3087, %multiple_of3A_3081] : memref<32x1000000xf32, #tpu.memory_space<hbm>> -> memref<32x128xf32, #tpu.memory_space<hbm>>
      %dma_start3A_3089 = arith.constant 0 : i32
      %dma_start3A_3090 = arith.constant 0 : i32
      %dma_start3A_3091 = tpu.memref_slice %arg9[%dma_start3A_3082, %dma_start3A_3089, %dma_start3A_3090] : memref<8x32x128xf32, #tpu.memory_space<vmem>> -> memref<1x32x128xf32, #tpu.memory_space<vmem>>
      %dma_start3A_3092 = tpu.memref_squeeze %dma_start3A_3091 : memref<1x32x128xf32, #tpu.memory_space<vmem>> -> memref<32x128xf32, #tpu.memory_space<vmem>>
      %dma_start3A_3093 = arith.constant 0 : i32
      %dma_start3A_3094 = tpu.memref_slice %arg4[%dma_start3A_3093, %multiple_of3A_3081] : memref<32x1000000xf32, #tpu.memory_space<hbm>> -> memref<32x128xf32, #tpu.memory_space<hbm>>
      tpu.enqueue_dma source(%dma_start3A_3094 : memref<32x128xf32, #tpu.memory_space<hbm>>) target(%dma_start3A_3092 : memref<32x128xf32, #tpu.memory_space<vmem>>) target_semaphore(%arg12 : memref<!tpu.dma_semaphore, #tpu.memory_space<semaphore_mem>>)
      %slice3A_3095 = vector.extract_strided_slice %get3A_1467 {offsets = [6], sizes = [1], strides = [1]} : vector<16xi32> to vector<1xi32>
      %squeeze3A_3096 = vector.extract %slice3A_3095[0] : i32 from vector<1xi32>
      %jit3A_3097 = arith.constant 128 : i32
      %div3A_3098 = arith.divsi %squeeze3A_3096, %jit3A_3097 : i32
      %sign3A_3099 = arith.constant 0 : i32
      %sign3A_3100 = arith.cmpi sgt, %squeeze3A_3096, %sign3A_3099 : i32
      %sign3A_3101 = arith.extui %sign3A_3100 : i1 to i32
      %sign3A_3102 = arith.constant 0 : i32
      %sign3A_3103 = arith.cmpi slt, %squeeze3A_3096, %sign3A_3102 : i32
      %sign3A_3104 = arith.extui %sign3A_3103 : i1 to i32
      %sign3A_3105 = arith.subi %sign3A_3101, %sign3A_3104 : i32
      %sign3A_3106 = arith.constant 0 : i32
      %sign3A_3107 = arith.cmpi sgt, %jit3A_3097, %sign3A_3106 : i32
      %sign3A_3108 = arith.extui %sign3A_3107 : i1 to i32
      %sign3A_3109 = arith.constant 0 : i32
      %sign3A_3110 = arith.cmpi slt, %jit3A_3097, %sign3A_3109 : i32
      %sign3A_3111 = arith.extui %sign3A_3110 : i1 to i32
      %sign3A_3112 = arith.subi %sign3A_3108, %sign3A_3111 : i32
      %ne3A_3113 = arith.cmpi ne, %sign3A_3105, %sign3A_3112 : i32
      %rem3A_3114 = arith.remsi %squeeze3A_3096, %jit3A_3097 : i32
      %ne3A_3115 = arith.constant 0 : i32
      %ne3A_3116 = arith.cmpi ne, %rem3A_3114, %ne3A_3115 : i32
      %and3A_3117 = arith.andi %ne3A_3113, %ne3A_3116 : i1
      %sub3A_3118 = arith.constant 1 : i32
      %sub3A_3119 = arith.subi %div3A_3098, %sub3A_3118 : i32
      %select_n3A_3120 = arith.select %and3A_3117, %sub3A_3119, %div3A_3098 : i32
      %mul3A_3121 = arith.constant 128 : i32
      %mul3A_3122 = arith.muli %select_n3A_3120, %mul3A_3121 : i32
      %multiple_of3A_3123 = tpu.assume_multiple %mul3A_3122, 128 : i32
      %dma_start3A_3124 = arith.constant 6 : i32
      %dma_start3A_3125 = arith.constant 0 : i32
      %dma_start3A_3126 = arith.constant 0 : i32
      %dma_start3A_3127 = tpu.memref_slice %arg10[%dma_start3A_3124, %dma_start3A_3125, %dma_start3A_3126] : memref<8x32x128xf32, #tpu.memory_space<vmem>> -> memref<1x32x128xf32, #tpu.memory_space<vmem>>
      %dma_start3A_3128 = tpu.memref_squeeze %dma_start3A_3127 : memref<1x32x128xf32, #tpu.memory_space<vmem>> -> memref<32x128xf32, #tpu.memory_space<vmem>>
      %dma_start3A_3129 = arith.constant 0 : i32
      %dma_start3A_3130 = tpu.memref_slice %arg5[%dma_start3A_3129, %multiple_of3A_3123] : memref<32x1000000xf32, #tpu.memory_space<hbm>> -> memref<32x128xf32, #tpu.memory_space<hbm>>
      %dma_start3A_3131 = arith.constant 0 : i32
      %dma_start3A_3132 = arith.constant 0 : i32
      %dma_start3A_3133 = tpu.memref_slice %arg10[%dma_start3A_3124, %dma_start3A_3131, %dma_start3A_3132] : memref<8x32x128xf32, #tpu.memory_space<vmem>> -> memref<1x32x128xf32, #tpu.memory_space<vmem>>
      %dma_start3A_3134 = tpu.memref_squeeze %dma_start3A_3133 : memref<1x32x128xf32, #tpu.memory_space<vmem>> -> memref<32x128xf32, #tpu.memory_space<vmem>>
      %dma_start3A_3135 = arith.constant 0 : i32
      %dma_start3A_3136 = tpu.memref_slice %arg5[%dma_start3A_3135, %multiple_of3A_3123] : memref<32x1000000xf32, #tpu.memory_space<hbm>> -> memref<32x128xf32, #tpu.memory_space<hbm>>
      tpu.enqueue_dma source(%dma_start3A_3136 : memref<32x128xf32, #tpu.memory_space<hbm>>) target(%dma_start3A_3134 : memref<32x128xf32, #tpu.memory_space<vmem>>) target_semaphore(%arg13 : memref<!tpu.dma_semaphore, #tpu.memory_space<semaphore_mem>>)
      %mul3A_3137 = arith.mulf %gather3A_3034, %gather3A_3046 : vector<16xf32>
      %mul3A_3138 = arith.mulf %gather3A_3040, %gather3A_3052 : vector<16xf32>
      %add3A_3139 = arith.addf %mul3A_3137, %mul3A_3138 : vector<16xf32>
      %reduce_sum3A_3140 = arith.constant true
      %reduce_sum3A_3141 = vector.broadcast %reduce_sum3A_3140 : i1 to vector<16xi1>
      %reduce_sum3A_3142 = tpu.scan <sum>, %add3A_3139 masked %reduce_sum3A_3141 : vector<16xf32>, vector<16xi1> -> vector<16xf32>
      %reduce_sum3A_3143 = vector.extract %reduce_sum3A_3142[15] : f32 from vector<16xf32>
      %mul3A_3144 = vector.broadcast %reduce_sum3A_3143 : f32 to vector<16xf32>
      %mul3A_3145 = arith.mulf %mul3A_3144, %convert_element_type3A_714 : vector<16xf32>
      %add3A_3146 = arith.addf %add3A_2906, %mul3A_3145 : vector<16xf32>
      %slice3A_3147 = vector.extract_strided_slice %get3A_1451 {offsets = [7], sizes = [1], strides = [1]} : vector<16xi32> to vector<1xi32>
      %squeeze3A_3148 = vector.extract %slice3A_3147[0] : i32 from vector<1xi32>
      %jit3A_3149 = arith.constant 128 : i32
      %div3A_3150 = arith.divsi %squeeze3A_3148, %jit3A_3149 : i32
      %sign3A_3151 = arith.constant 0 : i32
      %sign3A_3152 = arith.cmpi sgt, %squeeze3A_3148, %sign3A_3151 : i32
      %sign3A_3153 = arith.extui %sign3A_3152 : i1 to i32
      %sign3A_3154 = arith.constant 0 : i32
      %sign3A_3155 = arith.cmpi slt, %squeeze3A_3148, %sign3A_3154 : i32
      %sign3A_3156 = arith.extui %sign3A_3155 : i1 to i32
      %sign3A_3157 = arith.subi %sign3A_3153, %sign3A_3156 : i32
      %sign3A_3158 = arith.constant 0 : i32
      %sign3A_3159 = arith.cmpi sgt, %jit3A_3149, %sign3A_3158 : i32
      %sign3A_3160 = arith.extui %sign3A_3159 : i1 to i32
      %sign3A_3161 = arith.constant 0 : i32
      %sign3A_3162 = arith.cmpi slt, %jit3A_3149, %sign3A_3161 : i32
      %sign3A_3163 = arith.extui %sign3A_3162 : i1 to i32
      %sign3A_3164 = arith.subi %sign3A_3160, %sign3A_3163 : i32
      %ne3A_3165 = arith.cmpi ne, %sign3A_3157, %sign3A_3164 : i32
      %rem3A_3166 = arith.remsi %squeeze3A_3148, %jit3A_3149 : i32
      %ne3A_3167 = arith.constant 0 : i32
      %ne3A_3168 = arith.cmpi ne, %rem3A_3166, %ne3A_3167 : i32
      %and3A_3169 = arith.andi %ne3A_3165, %ne3A_3168 : i1
      %sub3A_3170 = arith.constant 1 : i32
      %sub3A_3171 = arith.subi %div3A_3150, %sub3A_3170 : i32
      %select_n3A_3172 = arith.select %and3A_3169, %sub3A_3171, %div3A_3150 : i32
      %mul3A_3173 = arith.constant 128 : i32
      %mul3A_3174 = arith.muli %select_n3A_3172, %mul3A_3173 : i32
      %multiple_of3A_3175 = tpu.assume_multiple %mul3A_3174, 128 : i32
      %dma_wait3A_3176 = arith.constant 7 : i32
      %dma_wait3A_3177 = arith.constant 0 : i32
      %dma_wait3A_3178 = arith.constant 0 : i32
      %dma_wait3A_3179 = tpu.memref_slice %arg9[%dma_wait3A_3176, %dma_wait3A_3177, %dma_wait3A_3178] : memref<8x32x128xf32, #tpu.memory_space<vmem>> -> memref<1x32x128xf32, #tpu.memory_space<vmem>>
      %dma_wait3A_3180 = tpu.memref_squeeze %dma_wait3A_3179 : memref<1x32x128xf32, #tpu.memory_space<vmem>> -> memref<32x128xf32, #tpu.memory_space<vmem>>
      %dma_wait3A_3181 = arith.constant 0 : i32
      %dma_wait3A_3182 = tpu.memref_slice %arg4[%dma_wait3A_3181, %multiple_of3A_3175] : memref<32x1000000xf32, #tpu.memory_space<hbm>> -> memref<32x128xf32, #tpu.memory_space<hbm>>
      %dma_wait3A_3183 = arith.constant 0 : i32
      %dma_wait3A_3184 = arith.constant 0 : i32
      %dma_wait3A_3185 = tpu.memref_slice %arg9[%dma_wait3A_3176, %dma_wait3A_3183, %dma_wait3A_3184] : memref<8x32x128xf32, #tpu.memory_space<vmem>> -> memref<1x32x128xf32, #tpu.memory_space<vmem>>
      %dma_wait3A_3186 = tpu.memref_squeeze %dma_wait3A_3185 : memref<1x32x128xf32, #tpu.memory_space<vmem>> -> memref<32x128xf32, #tpu.memory_space<vmem>>
      %dma_wait3A_3187 = arith.constant 0 : i32
      %dma_wait3A_3188 = tpu.memref_slice %arg4[%dma_wait3A_3187, %multiple_of3A_3175] : memref<32x1000000xf32, #tpu.memory_space<hbm>> -> memref<32x128xf32, #tpu.memory_space<hbm>>
      tpu.wait_dma2 semaphore(%arg12 : memref<!tpu.dma_semaphore, #tpu.memory_space<semaphore_mem>>) src(%dma_wait3A_3188 : memref<32x128xf32, #tpu.memory_space<hbm>>) dst(%dma_wait3A_3186 : memref<32x128xf32, #tpu.memory_space<vmem>>)
      %slice3A_3189 = vector.extract_strided_slice %get3A_1455 {offsets = [7], sizes = [1], strides = [1]} : vector<16xi32> to vector<1xi32>
      %squeeze3A_3190 = vector.extract %slice3A_3189[0] : i32 from vector<1xi32>
      %jit3A_3191 = arith.constant 128 : i32
      %div3A_3192 = arith.divsi %squeeze3A_3190, %jit3A_3191 : i32
      %sign3A_3193 = arith.constant 0 : i32
      %sign3A_3194 = arith.cmpi sgt, %squeeze3A_3190, %sign3A_3193 : i32
      %sign3A_3195 = arith.extui %sign3A_3194 : i1 to i32
      %sign3A_3196 = arith.constant 0 : i32
      %sign3A_3197 = arith.cmpi slt, %squeeze3A_3190, %sign3A_3196 : i32
      %sign3A_3198 = arith.extui %sign3A_3197 : i1 to i32
      %sign3A_3199 = arith.subi %sign3A_3195, %sign3A_3198 : i32
      %sign3A_3200 = arith.constant 0 : i32
      %sign3A_3201 = arith.cmpi sgt, %jit3A_3191, %sign3A_3200 : i32
      %sign3A_3202 = arith.extui %sign3A_3201 : i1 to i32
      %sign3A_3203 = arith.constant 0 : i32
      %sign3A_3204 = arith.cmpi slt, %jit3A_3191, %sign3A_3203 : i32
      %sign3A_3205 = arith.extui %sign3A_3204 : i1 to i32
      %sign3A_3206 = arith.subi %sign3A_3202, %sign3A_3205 : i32
      %ne3A_3207 = arith.cmpi ne, %sign3A_3199, %sign3A_3206 : i32
      %rem3A_3208 = arith.remsi %squeeze3A_3190, %jit3A_3191 : i32
      %ne3A_3209 = arith.constant 0 : i32
      %ne3A_3210 = arith.cmpi ne, %rem3A_3208, %ne3A_3209 : i32
      %and3A_3211 = arith.andi %ne3A_3207, %ne3A_3210 : i1
      %sub3A_3212 = arith.constant 1 : i32
      %sub3A_3213 = arith.subi %div3A_3192, %sub3A_3212 : i32
      %select_n3A_3214 = arith.select %and3A_3211, %sub3A_3213, %div3A_3192 : i32
      %mul3A_3215 = arith.constant 128 : i32
      %mul3A_3216 = arith.muli %select_n3A_3214, %mul3A_3215 : i32
      %multiple_of3A_3217 = tpu.assume_multiple %mul3A_3216, 128 : i32
      %dma_wait3A_3218 = arith.constant 7 : i32
      %dma_wait3A_3219 = arith.constant 0 : i32
      %dma_wait3A_3220 = arith.constant 0 : i32
      %dma_wait3A_3221 = tpu.memref_slice %arg10[%dma_wait3A_3218, %dma_wait3A_3219, %dma_wait3A_3220] : memref<8x32x128xf32, #tpu.memory_space<vmem>> -> memref<1x32x128xf32, #tpu.memory_space<vmem>>
      %dma_wait3A_3222 = tpu.memref_squeeze %dma_wait3A_3221 : memref<1x32x128xf32, #tpu.memory_space<vmem>> -> memref<32x128xf32, #tpu.memory_space<vmem>>
      %dma_wait3A_3223 = arith.constant 0 : i32
      %dma_wait3A_3224 = tpu.memref_slice %arg5[%dma_wait3A_3223, %multiple_of3A_3217] : memref<32x1000000xf32, #tpu.memory_space<hbm>> -> memref<32x128xf32, #tpu.memory_space<hbm>>
      %dma_wait3A_3225 = arith.constant 0 : i32
      %dma_wait3A_3226 = arith.constant 0 : i32
      %dma_wait3A_3227 = tpu.memref_slice %arg10[%dma_wait3A_3218, %dma_wait3A_3225, %dma_wait3A_3226] : memref<8x32x128xf32, #tpu.memory_space<vmem>> -> memref<1x32x128xf32, #tpu.memory_space<vmem>>
      %dma_wait3A_3228 = tpu.memref_squeeze %dma_wait3A_3227 : memref<1x32x128xf32, #tpu.memory_space<vmem>> -> memref<32x128xf32, #tpu.memory_space<vmem>>
      %dma_wait3A_3229 = arith.constant 0 : i32
      %dma_wait3A_3230 = tpu.memref_slice %arg5[%dma_wait3A_3229, %multiple_of3A_3217] : memref<32x1000000xf32, #tpu.memory_space<hbm>> -> memref<32x128xf32, #tpu.memory_space<hbm>>
      tpu.wait_dma2 semaphore(%arg13 : memref<!tpu.dma_semaphore, #tpu.memory_space<semaphore_mem>>) src(%dma_wait3A_3230 : memref<32x128xf32, #tpu.memory_space<hbm>>) dst(%dma_wait3A_3228 : memref<32x128xf32, #tpu.memory_space<vmem>>)
      %slice3A_3231 = vector.extract_strided_slice %get3A_1451 {offsets = [7], sizes = [1], strides = [1]} : vector<16xi32> to vector<1xi32>
      %squeeze3A_3232 = vector.extract %slice3A_3231[0] : i32 from vector<1xi32>
      %jit3A_3233 = arith.constant 128 : i32
      %eq3A_3234 = arith.constant 0 : i32
      %eq3A_3235 = arith.cmpi eq, %jit3A_3233, %eq3A_3234 : i32
      %jit3A_3236 = arith.constant 1 : i32
      %select_n3A_3237 = arith.select %eq3A_3235, %jit3A_3236, %jit3A_3233 : i32
      %rem3A_3238 = arith.remsi %squeeze3A_3232, %select_n3A_3237 : i32
      %ne3A_3239 = arith.constant 0 : i32
      %ne3A_3240 = arith.cmpi ne, %rem3A_3238, %ne3A_3239 : i32
      %lt3A_3241 = arith.constant 0 : i32
      %lt3A_3242 = arith.cmpi slt, %rem3A_3238, %lt3A_3241 : i32
      %lt3A_3243 = arith.constant 0 : i32
      %lt3A_3244 = arith.cmpi slt, %select_n3A_3237, %lt3A_3243 : i32
      %ne3A_3245 = arith.xori %lt3A_3242, %lt3A_3244 : i1
      %and3A_3246 = arith.andi %ne3A_3245, %ne3A_3240 : i1
      %add3A_3247 = arith.addi %rem3A_3238, %select_n3A_3237 : i32
      %select_n3A_3248 = arith.select %and3A_3246, %add3A_3247, %rem3A_3238 : i32
      %broadcast_in_dim3A_3249 = vector.broadcast %select_n3A_3248 : i32 to vector<16xi32>
      %slice3A_3250 = vector.extract_strided_slice %get3A_1455 {offsets = [7], sizes = [1], strides = [1]} : vector<16xi32> to vector<1xi32>
      %squeeze3A_3251 = vector.extract %slice3A_3250[0] : i32 from vector<1xi32>
      %jit3A_3252 = arith.constant 128 : i32
      %eq3A_3253 = arith.constant 0 : i32
      %eq3A_3254 = arith.cmpi eq, %jit3A_3252, %eq3A_3253 : i32
      %jit3A_3255 = arith.constant 1 : i32
      %select_n3A_3256 = arith.select %eq3A_3254, %jit3A_3255, %jit3A_3252 : i32
      %rem3A_3257 = arith.remsi %squeeze3A_3251, %select_n3A_3256 : i32
      %ne3A_3258 = arith.constant 0 : i32
      %ne3A_3259 = arith.cmpi ne, %rem3A_3257, %ne3A_3258 : i32
      %lt3A_3260 = arith.constant 0 : i32
      %lt3A_3261 = arith.cmpi slt, %rem3A_3257, %lt3A_3260 : i32
      %lt3A_3262 = arith.constant 0 : i32
      %lt3A_3263 = arith.cmpi slt, %select_n3A_3256, %lt3A_3262 : i32
      %ne3A_3264 = arith.xori %lt3A_3261, %lt3A_3263 : i1
      %and3A_3265 = arith.andi %ne3A_3264, %ne3A_3259 : i1
      %add3A_3266 = arith.addi %rem3A_3257, %select_n3A_3256 : i32
      %select_n3A_3267 = arith.select %and3A_3265, %add3A_3266, %rem3A_3257 : i32
      %broadcast_in_dim3A_3268 = vector.broadcast %select_n3A_3267 : i32 to vector<16xi32>
      %gather3A_3269 = arith.constant 7 : i32
      %gather3A_3270 = arith.constant 0 : i32
      %gather3A_3271 = arith.constant 0 : i32
      %gather3A_3272 = tpu.memref_slice %arg9[%gather3A_3269, %gather3A_3270, %gather3A_3271] : memref<8x32x128xf32, #tpu.memory_space<vmem>> -> memref<1x32x128xf32, #tpu.memory_space<vmem>>
      %gather3A_3273 = tpu.memref_squeeze %gather3A_3272 : memref<1x32x128xf32, #tpu.memory_space<vmem>> -> memref<32x128xf32, #tpu.memory_space<vmem>>
      %gather3A_3274 = tpu.vector_load_idx %gather3A_3273[%iota3A, %broadcast_in_dim3A_3249] : memref<32x128xf32, #tpu.memory_space<vmem>>[vector<16xi32>, vector<16xi32>], vector<16xf32>,
      %gather3A_3275 = arith.constant 7 : i32
      %gather3A_3276 = arith.constant 0 : i32
      %gather3A_3277 = arith.constant 0 : i32
      %gather3A_3278 = tpu.memref_slice %arg9[%gather3A_3275, %gather3A_3276, %gather3A_3277] : memref<8x32x128xf32, #tpu.memory_space<vmem>> -> memref<1x32x128xf32, #tpu.memory_space<vmem>>
      %gather3A_3279 = tpu.memref_squeeze %gather3A_3278 : memref<1x32x128xf32, #tpu.memory_space<vmem>> -> memref<32x128xf32, #tpu.memory_space<vmem>>
      %gather3A_3280 = tpu.vector_load_idx %gather3A_3279[%add3A_11, %broadcast_in_dim3A_3249] : memref<32x128xf32, #tpu.memory_space<vmem>>[vector<16xi32>, vector<16xi32>], vector<16xf32>,
      %gather3A_3281 = arith.constant 7 : i32
      %gather3A_3282 = arith.constant 0 : i32
      %gather3A_3283 = arith.constant 0 : i32
      %gather3A_3284 = tpu.memref_slice %arg10[%gather3A_3281, %gather3A_3282, %gather3A_3283] : memref<8x32x128xf32, #tpu.memory_space<vmem>> -> memref<1x32x128xf32, #tpu.memory_space<vmem>>
      %gather3A_3285 = tpu.memref_squeeze %gather3A_3284 : memref<1x32x128xf32, #tpu.memory_space<vmem>> -> memref<32x128xf32, #tpu.memory_space<vmem>>
      %gather3A_3286 = tpu.vector_load_idx %gather3A_3285[%iota3A, %broadcast_in_dim3A_3268] : memref<32x128xf32, #tpu.memory_space<vmem>>[vector<16xi32>, vector<16xi32>], vector<16xf32>,
      %gather3A_3287 = arith.constant 7 : i32
      %gather3A_3288 = arith.constant 0 : i32
      %gather3A_3289 = arith.constant 0 : i32
      %gather3A_3290 = tpu.memref_slice %arg10[%gather3A_3287, %gather3A_3288, %gather3A_3289] : memref<8x32x128xf32, #tpu.memory_space<vmem>> -> memref<1x32x128xf32, #tpu.memory_space<vmem>>
      %gather3A_3291 = tpu.memref_squeeze %gather3A_3290 : memref<1x32x128xf32, #tpu.memory_space<vmem>> -> memref<32x128xf32, #tpu.memory_space<vmem>>
      %gather3A_3292 = tpu.vector_load_idx %gather3A_3291[%add3A_11, %broadcast_in_dim3A_3268] : memref<32x128xf32, #tpu.memory_space<vmem>>[vector<16xi32>, vector<16xi32>], vector<16xf32>,
      %slice3A_3293 = vector.extract_strided_slice %get3A_1461 {offsets = [7], sizes = [1], strides = [1]} : vector<16xi32> to vector<1xi32>
      %squeeze3A_3294 = vector.extract %slice3A_3293[0] : i32 from vector<1xi32>
      %jit3A_3295 = arith.constant 128 : i32
      %div3A_3296 = arith.divsi %squeeze3A_3294, %jit3A_3295 : i32
      %sign3A_3297 = arith.constant 0 : i32
      %sign3A_3298 = arith.cmpi sgt, %squeeze3A_3294, %sign3A_3297 : i32
      %sign3A_3299 = arith.extui %sign3A_3298 : i1 to i32
      %sign3A_3300 = arith.constant 0 : i32
      %sign3A_3301 = arith.cmpi slt, %squeeze3A_3294, %sign3A_3300 : i32
      %sign3A_3302 = arith.extui %sign3A_3301 : i1 to i32
      %sign3A_3303 = arith.subi %sign3A_3299, %sign3A_3302 : i32
      %sign3A_3304 = arith.constant 0 : i32
      %sign3A_3305 = arith.cmpi sgt, %jit3A_3295, %sign3A_3304 : i32
      %sign3A_3306 = arith.extui %sign3A_3305 : i1 to i32
      %sign3A_3307 = arith.constant 0 : i32
      %sign3A_3308 = arith.cmpi slt, %jit3A_3295, %sign3A_3307 : i32
      %sign3A_3309 = arith.extui %sign3A_3308 : i1 to i32
      %sign3A_3310 = arith.subi %sign3A_3306, %sign3A_3309 : i32
      %ne3A_3311 = arith.cmpi ne, %sign3A_3303, %sign3A_3310 : i32
      %rem3A_3312 = arith.remsi %squeeze3A_3294, %jit3A_3295 : i32
      %ne3A_3313 = arith.constant 0 : i32
      %ne3A_3314 = arith.cmpi ne, %rem3A_3312, %ne3A_3313 : i32
      %and3A_3315 = arith.andi %ne3A_3311, %ne3A_3314 : i1
      %sub3A_3316 = arith.constant 1 : i32
      %sub3A_3317 = arith.subi %div3A_3296, %sub3A_3316 : i32
      %select_n3A_3318 = arith.select %and3A_3315, %sub3A_3317, %div3A_3296 : i32
      %mul3A_3319 = arith.constant 128 : i32
      %mul3A_3320 = arith.muli %select_n3A_3318, %mul3A_3319 : i32
      %multiple_of3A_3321 = tpu.assume_multiple %mul3A_3320, 128 : i32
      %dma_start3A_3322 = arith.constant 7 : i32
      %dma_start3A_3323 = arith.constant 0 : i32
      %dma_start3A_3324 = arith.constant 0 : i32
      %dma_start3A_3325 = tpu.memref_slice %arg9[%dma_start3A_3322, %dma_start3A_3323, %dma_start3A_3324] : memref<8x32x128xf32, #tpu.memory_space<vmem>> -> memref<1x32x128xf32, #tpu.memory_space<vmem>>
      %dma_start3A_3326 = tpu.memref_squeeze %dma_start3A_3325 : memref<1x32x128xf32, #tpu.memory_space<vmem>> -> memref<32x128xf32, #tpu.memory_space<vmem>>
      %dma_start3A_3327 = arith.constant 0 : i32
      %dma_start3A_3328 = tpu.memref_slice %arg4[%dma_start3A_3327, %multiple_of3A_3321] : memref<32x1000000xf32, #tpu.memory_space<hbm>> -> memref<32x128xf32, #tpu.memory_space<hbm>>
      %dma_start3A_3329 = arith.constant 0 : i32
      %dma_start3A_3330 = arith.constant 0 : i32
      %dma_start3A_3331 = tpu.memref_slice %arg9[%dma_start3A_3322, %dma_start3A_3329, %dma_start3A_3330] : memref<8x32x128xf32, #tpu.memory_space<vmem>> -> memref<1x32x128xf32, #tpu.memory_space<vmem>>
      %dma_start3A_3332 = tpu.memref_squeeze %dma_start3A_3331 : memref<1x32x128xf32, #tpu.memory_space<vmem>> -> memref<32x128xf32, #tpu.memory_space<vmem>>
      %dma_start3A_3333 = arith.constant 0 : i32
      %dma_start3A_3334 = tpu.memref_slice %arg4[%dma_start3A_3333, %multiple_of3A_3321] : memref<32x1000000xf32, #tpu.memory_space<hbm>> -> memref<32x128xf32, #tpu.memory_space<hbm>>
      tpu.enqueue_dma source(%dma_start3A_3334 : memref<32x128xf32, #tpu.memory_space<hbm>>) target(%dma_start3A_3332 : memref<32x128xf32, #tpu.memory_space<vmem>>) target_semaphore(%arg12 : memref<!tpu.dma_semaphore, #tpu.memory_space<semaphore_mem>>)
      %slice3A_3335 = vector.extract_strided_slice %get3A_1467 {offsets = [7], sizes = [1], strides = [1]} : vector<16xi32> to vector<1xi32>
      %squeeze3A_3336 = vector.extract %slice3A_3335[0] : i32 from vector<1xi32>
      %jit3A_3337 = arith.constant 128 : i32
      %div3A_3338 = arith.divsi %squeeze3A_3336, %jit3A_3337 : i32
      %sign3A_3339 = arith.constant 0 : i32
      %sign3A_3340 = arith.cmpi sgt, %squeeze3A_3336, %sign3A_3339 : i32
      %sign3A_3341 = arith.extui %sign3A_3340 : i1 to i32
      %sign3A_3342 = arith.constant 0 : i32
      %sign3A_3343 = arith.cmpi slt, %squeeze3A_3336, %sign3A_3342 : i32
      %sign3A_3344 = arith.extui %sign3A_3343 : i1 to i32
      %sign3A_3345 = arith.subi %sign3A_3341, %sign3A_3344 : i32
      %sign3A_3346 = arith.constant 0 : i32
      %sign3A_3347 = arith.cmpi sgt, %jit3A_3337, %sign3A_3346 : i32
      %sign3A_3348 = arith.extui %sign3A_3347 : i1 to i32
      %sign3A_3349 = arith.constant 0 : i32
      %sign3A_3350 = arith.cmpi slt, %jit3A_3337, %sign3A_3349 : i32
      %sign3A_3351 = arith.extui %sign3A_3350 : i1 to i32
      %sign3A_3352 = arith.subi %sign3A_3348, %sign3A_3351 : i32
      %ne3A_3353 = arith.cmpi ne, %sign3A_3345, %sign3A_3352 : i32
      %rem3A_3354 = arith.remsi %squeeze3A_3336, %jit3A_3337 : i32
      %ne3A_3355 = arith.constant 0 : i32
      %ne3A_3356 = arith.cmpi ne, %rem3A_3354, %ne3A_3355 : i32
      %and3A_3357 = arith.andi %ne3A_3353, %ne3A_3356 : i1
      %sub3A_3358 = arith.constant 1 : i32
      %sub3A_3359 = arith.subi %div3A_3338, %sub3A_3358 : i32
      %select_n3A_3360 = arith.select %and3A_3357, %sub3A_3359, %div3A_3338 : i32
      %mul3A_3361 = arith.constant 128 : i32
      %mul3A_3362 = arith.muli %select_n3A_3360, %mul3A_3361 : i32
      %multiple_of3A_3363 = tpu.assume_multiple %mul3A_3362, 128 : i32
      %dma_start3A_3364 = arith.constant 7 : i32
      %dma_start3A_3365 = arith.constant 0 : i32
      %dma_start3A_3366 = arith.constant 0 : i32
      %dma_start3A_3367 = tpu.memref_slice %arg10[%dma_start3A_3364, %dma_start3A_3365, %dma_start3A_3366] : memref<8x32x128xf32, #tpu.memory_space<vmem>> -> memref<1x32x128xf32, #tpu.memory_space<vmem>>
      %dma_start3A_3368 = tpu.memref_squeeze %dma_start3A_3367 : memref<1x32x128xf32, #tpu.memory_space<vmem>> -> memref<32x128xf32, #tpu.memory_space<vmem>>
      %dma_start3A_3369 = arith.constant 0 : i32
      %dma_start3A_3370 = tpu.memref_slice %arg5[%dma_start3A_3369, %multiple_of3A_3363] : memref<32x1000000xf32, #tpu.memory_space<hbm>> -> memref<32x128xf32, #tpu.memory_space<hbm>>
      %dma_start3A_3371 = arith.constant 0 : i32
      %dma_start3A_3372 = arith.constant 0 : i32
      %dma_start3A_3373 = tpu.memref_slice %arg10[%dma_start3A_3364, %dma_start3A_3371, %dma_start3A_3372] : memref<8x32x128xf32, #tpu.memory_space<vmem>> -> memref<1x32x128xf32, #tpu.memory_space<vmem>>
      %dma_start3A_3374 = tpu.memref_squeeze %dma_start3A_3373 : memref<1x32x128xf32, #tpu.memory_space<vmem>> -> memref<32x128xf32, #tpu.memory_space<vmem>>
      %dma_start3A_3375 = arith.constant 0 : i32
      %dma_start3A_3376 = tpu.memref_slice %arg5[%dma_start3A_3375, %multiple_of3A_3363] : memref<32x1000000xf32, #tpu.memory_space<hbm>> -> memref<32x128xf32, #tpu.memory_space<hbm>>
      tpu.enqueue_dma source(%dma_start3A_3376 : memref<32x128xf32, #tpu.memory_space<hbm>>) target(%dma_start3A_3374 : memref<32x128xf32, #tpu.memory_space<vmem>>) target_semaphore(%arg13 : memref<!tpu.dma_semaphore, #tpu.memory_space<semaphore_mem>>)
      %mul3A_3377 = arith.mulf %gather3A_3274, %gather3A_3286 : vector<16xf32>
      %mul3A_3378 = arith.mulf %gather3A_3280, %gather3A_3292 : vector<16xf32>
      %add3A_3379 = arith.addf %mul3A_3377, %mul3A_3378 : vector<16xf32>
      %reduce_sum3A_3380 = arith.constant true
      %reduce_sum3A_3381 = vector.broadcast %reduce_sum3A_3380 : i1 to vector<16xi1>
      %reduce_sum3A_3382 = tpu.scan <sum>, %add3A_3379 masked %reduce_sum3A_3381 : vector<16xf32>, vector<16xi1> -> vector<16xf32>
      %reduce_sum3A_3383 = vector.extract %reduce_sum3A_3382[15] : f32 from vector<16xf32>
      %mul3A_3384 = vector.broadcast %reduce_sum3A_3383 : f32 to vector<16xf32>
      %mul3A_3385 = arith.mulf %mul3A_3384, %convert_element_type3A_720 : vector<16xf32>
      %add3A_3386 = arith.addf %add3A_3146, %mul3A_3385 : vector<16xf32>
      %slice3A_3387 = vector.extract_strided_slice %get3A_1451 {offsets = [8], sizes = [1], strides = [1]} : vector<16xi32> to vector<1xi32>
      %squeeze3A_3388 = vector.extract %slice3A_3387[0] : i32 from vector<1xi32>
      %jit3A_3389 = arith.constant 128 : i32
      %div3A_3390 = arith.divsi %squeeze3A_3388, %jit3A_3389 : i32
      %sign3A_3391 = arith.constant 0 : i32
      %sign3A_3392 = arith.cmpi sgt, %squeeze3A_3388, %sign3A_3391 : i32
      %sign3A_3393 = arith.extui %sign3A_3392 : i1 to i32
      %sign3A_3394 = arith.constant 0 : i32
      %sign3A_3395 = arith.cmpi slt, %squeeze3A_3388, %sign3A_3394 : i32
      %sign3A_3396 = arith.extui %sign3A_3395 : i1 to i32
      %sign3A_3397 = arith.subi %sign3A_3393, %sign3A_3396 : i32
      %sign3A_3398 = arith.constant 0 : i32
      %sign3A_3399 = arith.cmpi sgt, %jit3A_3389, %sign3A_3398 : i32
      %sign3A_3400 = arith.extui %sign3A_3399 : i1 to i32
      %sign3A_3401 = arith.constant 0 : i32
      %sign3A_3402 = arith.cmpi slt, %jit3A_3389, %sign3A_3401 : i32
      %sign3A_3403 = arith.extui %sign3A_3402 : i1 to i32
      %sign3A_3404 = arith.subi %sign3A_3400, %sign3A_3403 : i32
      %ne3A_3405 = arith.cmpi ne, %sign3A_3397, %sign3A_3404 : i32
      %rem3A_3406 = arith.remsi %squeeze3A_3388, %jit3A_3389 : i32
      %ne3A_3407 = arith.constant 0 : i32
      %ne3A_3408 = arith.cmpi ne, %rem3A_3406, %ne3A_3407 : i32
      %and3A_3409 = arith.andi %ne3A_3405, %ne3A_3408 : i1
      %sub3A_3410 = arith.constant 1 : i32
      %sub3A_3411 = arith.subi %div3A_3390, %sub3A_3410 : i32
      %select_n3A_3412 = arith.select %and3A_3409, %sub3A_3411, %div3A_3390 : i32
      %mul3A_3413 = arith.constant 128 : i32
      %mul3A_3414 = arith.muli %select_n3A_3412, %mul3A_3413 : i32
      %multiple_of3A_3415 = tpu.assume_multiple %mul3A_3414, 128 : i32
      %dma_wait3A_3416 = arith.constant 0 : i32
      %dma_wait3A_3417 = arith.constant 0 : i32
      %dma_wait3A_3418 = arith.constant 0 : i32
      %dma_wait3A_3419 = tpu.memref_slice %arg9[%dma_wait3A_3416, %dma_wait3A_3417, %dma_wait3A_3418] : memref<8x32x128xf32, #tpu.memory_space<vmem>> -> memref<1x32x128xf32, #tpu.memory_space<vmem>>
      %dma_wait3A_3420 = tpu.memref_squeeze %dma_wait3A_3419 : memref<1x32x128xf32, #tpu.memory_space<vmem>> -> memref<32x128xf32, #tpu.memory_space<vmem>>
      %dma_wait3A_3421 = arith.constant 0 : i32
      %dma_wait3A_3422 = tpu.memref_slice %arg4[%dma_wait3A_3421, %multiple_of3A_3415] : memref<32x1000000xf32, #tpu.memory_space<hbm>> -> memref<32x128xf32, #tpu.memory_space<hbm>>
      %dma_wait3A_3423 = arith.constant 0 : i32
      %dma_wait3A_3424 = arith.constant 0 : i32
      %dma_wait3A_3425 = tpu.memref_slice %arg9[%dma_wait3A_3416, %dma_wait3A_3423, %dma_wait3A_3424] : memref<8x32x128xf32, #tpu.memory_space<vmem>> -> memref<1x32x128xf32, #tpu.memory_space<vmem>>
      %dma_wait3A_3426 = tpu.memref_squeeze %dma_wait3A_3425 : memref<1x32x128xf32, #tpu.memory_space<vmem>> -> memref<32x128xf32, #tpu.memory_space<vmem>>
      %dma_wait3A_3427 = arith.constant 0 : i32
      %dma_wait3A_3428 = tpu.memref_slice %arg4[%dma_wait3A_3427, %multiple_of3A_3415] : memref<32x1000000xf32, #tpu.memory_space<hbm>> -> memref<32x128xf32, #tpu.memory_space<hbm>>
      tpu.wait_dma2 semaphore(%arg12 : memref<!tpu.dma_semaphore, #tpu.memory_space<semaphore_mem>>) src(%dma_wait3A_3428 : memref<32x128xf32, #tpu.memory_space<hbm>>) dst(%dma_wait3A_3426 : memref<32x128xf32, #tpu.memory_space<vmem>>)
      %slice3A_3429 = vector.extract_strided_slice %get3A_1455 {offsets = [8], sizes = [1], strides = [1]} : vector<16xi32> to vector<1xi32>
      %squeeze3A_3430 = vector.extract %slice3A_3429[0] : i32 from vector<1xi32>
      %jit3A_3431 = arith.constant 128 : i32
      %div3A_3432 = arith.divsi %squeeze3A_3430, %jit3A_3431 : i32
      %sign3A_3433 = arith.constant 0 : i32
      %sign3A_3434 = arith.cmpi sgt, %squeeze3A_3430, %sign3A_3433 : i32
      %sign3A_3435 = arith.extui %sign3A_3434 : i1 to i32
      %sign3A_3436 = arith.constant 0 : i32
      %sign3A_3437 = arith.cmpi slt, %squeeze3A_3430, %sign3A_3436 : i32
      %sign3A_3438 = arith.extui %sign3A_3437 : i1 to i32
      %sign3A_3439 = arith.subi %sign3A_3435, %sign3A_3438 : i32
      %sign3A_3440 = arith.constant 0 : i32
      %sign3A_3441 = arith.cmpi sgt, %jit3A_3431, %sign3A_3440 : i32
      %sign3A_3442 = arith.extui %sign3A_3441 : i1 to i32
      %sign3A_3443 = arith.constant 0 : i32
      %sign3A_3444 = arith.cmpi slt, %jit3A_3431, %sign3A_3443 : i32
      %sign3A_3445 = arith.extui %sign3A_3444 : i1 to i32
      %sign3A_3446 = arith.subi %sign3A_3442, %sign3A_3445 : i32
      %ne3A_3447 = arith.cmpi ne, %sign3A_3439, %sign3A_3446 : i32
      %rem3A_3448 = arith.remsi %squeeze3A_3430, %jit3A_3431 : i32
      %ne3A_3449 = arith.constant 0 : i32
      %ne3A_3450 = arith.cmpi ne, %rem3A_3448, %ne3A_3449 : i32
      %and3A_3451 = arith.andi %ne3A_3447, %ne3A_3450 : i1
      %sub3A_3452 = arith.constant 1 : i32
      %sub3A_3453 = arith.subi %div3A_3432, %sub3A_3452 : i32
      %select_n3A_3454 = arith.select %and3A_3451, %sub3A_3453, %div3A_3432 : i32
      %mul3A_3455 = arith.constant 128 : i32
      %mul3A_3456 = arith.muli %select_n3A_3454, %mul3A_3455 : i32
      %multiple_of3A_3457 = tpu.assume_multiple %mul3A_3456, 128 : i32
      %dma_wait3A_3458 = arith.constant 0 : i32
      %dma_wait3A_3459 = arith.constant 0 : i32
      %dma_wait3A_3460 = arith.constant 0 : i32
      %dma_wait3A_3461 = tpu.memref_slice %arg10[%dma_wait3A_3458, %dma_wait3A_3459, %dma_wait3A_3460] : memref<8x32x128xf32, #tpu.memory_space<vmem>> -> memref<1x32x128xf32, #tpu.memory_space<vmem>>
      %dma_wait3A_3462 = tpu.memref_squeeze %dma_wait3A_3461 : memref<1x32x128xf32, #tpu.memory_space<vmem>> -> memref<32x128xf32, #tpu.memory_space<vmem>>
      %dma_wait3A_3463 = arith.constant 0 : i32
      %dma_wait3A_3464 = tpu.memref_slice %arg5[%dma_wait3A_3463, %multiple_of3A_3457] : memref<32x1000000xf32, #tpu.memory_space<hbm>> -> memref<32x128xf32, #tpu.memory_space<hbm>>
      %dma_wait3A_3465 = arith.constant 0 : i32
      %dma_wait3A_3466 = arith.constant 0 : i32
      %dma_wait3A_3467 = tpu.memref_slice %arg10[%dma_wait3A_3458, %dma_wait3A_3465, %dma_wait3A_3466] : memref<8x32x128xf32, #tpu.memory_space<vmem>> -> memref<1x32x128xf32, #tpu.memory_space<vmem>>
      %dma_wait3A_3468 = tpu.memref_squeeze %dma_wait3A_3467 : memref<1x32x128xf32, #tpu.memory_space<vmem>> -> memref<32x128xf32, #tpu.memory_space<vmem>>
      %dma_wait3A_3469 = arith.constant 0 : i32
      %dma_wait3A_3470 = tpu.memref_slice %arg5[%dma_wait3A_3469, %multiple_of3A_3457] : memref<32x1000000xf32, #tpu.memory_space<hbm>> -> memref<32x128xf32, #tpu.memory_space<hbm>>
      tpu.wait_dma2 semaphore(%arg13 : memref<!tpu.dma_semaphore, #tpu.memory_space<semaphore_mem>>) src(%dma_wait3A_3470 : memref<32x128xf32, #tpu.memory_space<hbm>>) dst(%dma_wait3A_3468 : memref<32x128xf32, #tpu.memory_space<vmem>>)
      %slice3A_3471 = vector.extract_strided_slice %get3A_1451 {offsets = [8], sizes = [1], strides = [1]} : vector<16xi32> to vector<1xi32>
      %squeeze3A_3472 = vector.extract %slice3A_3471[0] : i32 from vector<1xi32>
      %jit3A_3473 = arith.constant 128 : i32
      %eq3A_3474 = arith.constant 0 : i32
      %eq3A_3475 = arith.cmpi eq, %jit3A_3473, %eq3A_3474 : i32
      %jit3A_3476 = arith.constant 1 : i32
      %select_n3A_3477 = arith.select %eq3A_3475, %jit3A_3476, %jit3A_3473 : i32
      %rem3A_3478 = arith.remsi %squeeze3A_3472, %select_n3A_3477 : i32
      %ne3A_3479 = arith.constant 0 : i32
      %ne3A_3480 = arith.cmpi ne, %rem3A_3478, %ne3A_3479 : i32
      %lt3A_3481 = arith.constant 0 : i32
      %lt3A_3482 = arith.cmpi slt, %rem3A_3478, %lt3A_3481 : i32
      %lt3A_3483 = arith.constant 0 : i32
      %lt3A_3484 = arith.cmpi slt, %select_n3A_3477, %lt3A_3483 : i32
      %ne3A_3485 = arith.xori %lt3A_3482, %lt3A_3484 : i1
      %and3A_3486 = arith.andi %ne3A_3485, %ne3A_3480 : i1
      %add3A_3487 = arith.addi %rem3A_3478, %select_n3A_3477 : i32
      %select_n3A_3488 = arith.select %and3A_3486, %add3A_3487, %rem3A_3478 : i32
      %broadcast_in_dim3A_3489 = vector.broadcast %select_n3A_3488 : i32 to vector<16xi32>
      %slice3A_3490 = vector.extract_strided_slice %get3A_1455 {offsets = [8], sizes = [1], strides = [1]} : vector<16xi32> to vector<1xi32>
      %squeeze3A_3491 = vector.extract %slice3A_3490[0] : i32 from vector<1xi32>
      %jit3A_3492 = arith.constant 128 : i32
      %eq3A_3493 = arith.constant 0 : i32
      %eq3A_3494 = arith.cmpi eq, %jit3A_3492, %eq3A_3493 : i32
      %jit3A_3495 = arith.constant 1 : i32
      %select_n3A_3496 = arith.select %eq3A_3494, %jit3A_3495, %jit3A_3492 : i32
      %rem3A_3497 = arith.remsi %squeeze3A_3491, %select_n3A_3496 : i32
      %ne3A_3498 = arith.constant 0 : i32
      %ne3A_3499 = arith.cmpi ne, %rem3A_3497, %ne3A_3498 : i32
      %lt3A_3500 = arith.constant 0 : i32
      %lt3A_3501 = arith.cmpi slt, %rem3A_3497, %lt3A_3500 : i32
      %lt3A_3502 = arith.constant 0 : i32
      %lt3A_3503 = arith.cmpi slt, %select_n3A_3496, %lt3A_3502 : i32
      %ne3A_3504 = arith.xori %lt3A_3501, %lt3A_3503 : i1
      %and3A_3505 = arith.andi %ne3A_3504, %ne3A_3499 : i1
      %add3A_3506 = arith.addi %rem3A_3497, %select_n3A_3496 : i32
      %select_n3A_3507 = arith.select %and3A_3505, %add3A_3506, %rem3A_3497 : i32
      %broadcast_in_dim3A_3508 = vector.broadcast %select_n3A_3507 : i32 to vector<16xi32>
      %gather3A_3509 = arith.constant 0 : i32
      %gather3A_3510 = arith.constant 0 : i32
      %gather3A_3511 = arith.constant 0 : i32
      %gather3A_3512 = tpu.memref_slice %arg9[%gather3A_3509, %gather3A_3510, %gather3A_3511] : memref<8x32x128xf32, #tpu.memory_space<vmem>> -> memref<1x32x128xf32, #tpu.memory_space<vmem>>
      %gather3A_3513 = tpu.memref_squeeze %gather3A_3512 : memref<1x32x128xf32, #tpu.memory_space<vmem>> -> memref<32x128xf32, #tpu.memory_space<vmem>>
      %gather3A_3514 = tpu.vector_load_idx %gather3A_3513[%iota3A, %broadcast_in_dim3A_3489] : memref<32x128xf32, #tpu.memory_space<vmem>>[vector<16xi32>, vector<16xi32>], vector<16xf32>,
      %gather3A_3515 = arith.constant 0 : i32
      %gather3A_3516 = arith.constant 0 : i32
      %gather3A_3517 = arith.constant 0 : i32
      %gather3A_3518 = tpu.memref_slice %arg9[%gather3A_3515, %gather3A_3516, %gather3A_3517] : memref<8x32x128xf32, #tpu.memory_space<vmem>> -> memref<1x32x128xf32, #tpu.memory_space<vmem>>
      %gather3A_3519 = tpu.memref_squeeze %gather3A_3518 : memref<1x32x128xf32, #tpu.memory_space<vmem>> -> memref<32x128xf32, #tpu.memory_space<vmem>>
      %gather3A_3520 = tpu.vector_load_idx %gather3A_3519[%add3A_11, %broadcast_in_dim3A_3489] : memref<32x128xf32, #tpu.memory_space<vmem>>[vector<16xi32>, vector<16xi32>], vector<16xf32>,
      %gather3A_3521 = arith.constant 0 : i32
      %gather3A_3522 = arith.constant 0 : i32
      %gather3A_3523 = arith.constant 0 : i32
      %gather3A_3524 = tpu.memref_slice %arg10[%gather3A_3521, %gather3A_3522, %gather3A_3523] : memref<8x32x128xf32, #tpu.memory_space<vmem>> -> memref<1x32x128xf32, #tpu.memory_space<vmem>>
      %gather3A_3525 = tpu.memref_squeeze %gather3A_3524 : memref<1x32x128xf32, #tpu.memory_space<vmem>> -> memref<32x128xf32, #tpu.memory_space<vmem>>
      %gather3A_3526 = tpu.vector_load_idx %gather3A_3525[%iota3A, %broadcast_in_dim3A_3508] : memref<32x128xf32, #tpu.memory_space<vmem>>[vector<16xi32>, vector<16xi32>], vector<16xf32>,
      %gather3A_3527 = arith.constant 0 : i32
      %gather3A_3528 = arith.constant 0 : i32
      %gather3A_3529 = arith.constant 0 : i32
      %gather3A_3530 = tpu.memref_slice %arg10[%gather3A_3527, %gather3A_3528, %gather3A_3529] : memref<8x32x128xf32, #tpu.memory_space<vmem>> -> memref<1x32x128xf32, #tpu.memory_space<vmem>>
      %gather3A_3531 = tpu.memref_squeeze %gather3A_3530 : memref<1x32x128xf32, #tpu.memory_space<vmem>> -> memref<32x128xf32, #tpu.memory_space<vmem>>
      %gather3A_3532 = tpu.vector_load_idx %gather3A_3531[%add3A_11, %broadcast_in_dim3A_3508] : memref<32x128xf32, #tpu.memory_space<vmem>>[vector<16xi32>, vector<16xi32>], vector<16xf32>,
      %slice3A_3533 = vector.extract_strided_slice %get3A_1461 {offsets = [8], sizes = [1], strides = [1]} : vector<16xi32> to vector<1xi32>
      %squeeze3A_3534 = vector.extract %slice3A_3533[0] : i32 from vector<1xi32>
      %jit3A_3535 = arith.constant 128 : i32
      %div3A_3536 = arith.divsi %squeeze3A_3534, %jit3A_3535 : i32
      %sign3A_3537 = arith.constant 0 : i32
      %sign3A_3538 = arith.cmpi sgt, %squeeze3A_3534, %sign3A_3537 : i32
      %sign3A_3539 = arith.extui %sign3A_3538 : i1 to i32
      %sign3A_3540 = arith.constant 0 : i32
      %sign3A_3541 = arith.cmpi slt, %squeeze3A_3534, %sign3A_3540 : i32
      %sign3A_3542 = arith.extui %sign3A_3541 : i1 to i32
      %sign3A_3543 = arith.subi %sign3A_3539, %sign3A_3542 : i32
      %sign3A_3544 = arith.constant 0 : i32
      %sign3A_3545 = arith.cmpi sgt, %jit3A_3535, %sign3A_3544 : i32
      %sign3A_3546 = arith.extui %sign3A_3545 : i1 to i32
      %sign3A_3547 = arith.constant 0 : i32
      %sign3A_3548 = arith.cmpi slt, %jit3A_3535, %sign3A_3547 : i32
      %sign3A_3549 = arith.extui %sign3A_3548 : i1 to i32
      %sign3A_3550 = arith.subi %sign3A_3546, %sign3A_3549 : i32
      %ne3A_3551 = arith.cmpi ne, %sign3A_3543, %sign3A_3550 : i32
      %rem3A_3552 = arith.remsi %squeeze3A_3534, %jit3A_3535 : i32
      %ne3A_3553 = arith.constant 0 : i32
      %ne3A_3554 = arith.cmpi ne, %rem3A_3552, %ne3A_3553 : i32
      %and3A_3555 = arith.andi %ne3A_3551, %ne3A_3554 : i1
      %sub3A_3556 = arith.constant 1 : i32
      %sub3A_3557 = arith.subi %div3A_3536, %sub3A_3556 : i32
      %select_n3A_3558 = arith.select %and3A_3555, %sub3A_3557, %div3A_3536 : i32
      %mul3A_3559 = arith.constant 128 : i32
      %mul3A_3560 = arith.muli %select_n3A_3558, %mul3A_3559 : i32
      %multiple_of3A_3561 = tpu.assume_multiple %mul3A_3560, 128 : i32
      %dma_start3A_3562 = arith.constant 0 : i32
      %dma_start3A_3563 = arith.constant 0 : i32
      %dma_start3A_3564 = arith.constant 0 : i32
      %dma_start3A_3565 = tpu.memref_slice %arg9[%dma_start3A_3562, %dma_start3A_3563, %dma_start3A_3564] : memref<8x32x128xf32, #tpu.memory_space<vmem>> -> memref<1x32x128xf32, #tpu.memory_space<vmem>>
      %dma_start3A_3566 = tpu.memref_squeeze %dma_start3A_3565 : memref<1x32x128xf32, #tpu.memory_space<vmem>> -> memref<32x128xf32, #tpu.memory_space<vmem>>
      %dma_start3A_3567 = arith.constant 0 : i32
      %dma_start3A_3568 = tpu.memref_slice %arg4[%dma_start3A_3567, %multiple_of3A_3561] : memref<32x1000000xf32, #tpu.memory_space<hbm>> -> memref<32x128xf32, #tpu.memory_space<hbm>>
      %dma_start3A_3569 = arith.constant 0 : i32
      %dma_start3A_3570 = arith.constant 0 : i32
      %dma_start3A_3571 = tpu.memref_slice %arg9[%dma_start3A_3562, %dma_start3A_3569, %dma_start3A_3570] : memref<8x32x128xf32, #tpu.memory_space<vmem>> -> memref<1x32x128xf32, #tpu.memory_space<vmem>>
      %dma_start3A_3572 = tpu.memref_squeeze %dma_start3A_3571 : memref<1x32x128xf32, #tpu.memory_space<vmem>> -> memref<32x128xf32, #tpu.memory_space<vmem>>
      %dma_start3A_3573 = arith.constant 0 : i32
      %dma_start3A_3574 = tpu.memref_slice %arg4[%dma_start3A_3573, %multiple_of3A_3561] : memref<32x1000000xf32, #tpu.memory_space<hbm>> -> memref<32x128xf32, #tpu.memory_space<hbm>>
      tpu.enqueue_dma source(%dma_start3A_3574 : memref<32x128xf32, #tpu.memory_space<hbm>>) target(%dma_start3A_3572 : memref<32x128xf32, #tpu.memory_space<vmem>>) target_semaphore(%arg12 : memref<!tpu.dma_semaphore, #tpu.memory_space<semaphore_mem>>)
      %slice3A_3575 = vector.extract_strided_slice %get3A_1467 {offsets = [8], sizes = [1], strides = [1]} : vector<16xi32> to vector<1xi32>
      %squeeze3A_3576 = vector.extract %slice3A_3575[0] : i32 from vector<1xi32>
      %jit3A_3577 = arith.constant 128 : i32
      %div3A_3578 = arith.divsi %squeeze3A_3576, %jit3A_3577 : i32
      %sign3A_3579 = arith.constant 0 : i32
      %sign3A_3580 = arith.cmpi sgt, %squeeze3A_3576, %sign3A_3579 : i32
      %sign3A_3581 = arith.extui %sign3A_3580 : i1 to i32
      %sign3A_3582 = arith.constant 0 : i32
      %sign3A_3583 = arith.cmpi slt, %squeeze3A_3576, %sign3A_3582 : i32
      %sign3A_3584 = arith.extui %sign3A_3583 : i1 to i32
      %sign3A_3585 = arith.subi %sign3A_3581, %sign3A_3584 : i32
      %sign3A_3586 = arith.constant 0 : i32
      %sign3A_3587 = arith.cmpi sgt, %jit3A_3577, %sign3A_3586 : i32
      %sign3A_3588 = arith.extui %sign3A_3587 : i1 to i32
      %sign3A_3589 = arith.constant 0 : i32
      %sign3A_3590 = arith.cmpi slt, %jit3A_3577, %sign3A_3589 : i32
      %sign3A_3591 = arith.extui %sign3A_3590 : i1 to i32
      %sign3A_3592 = arith.subi %sign3A_3588, %sign3A_3591 : i32
      %ne3A_3593 = arith.cmpi ne, %sign3A_3585, %sign3A_3592 : i32
      %rem3A_3594 = arith.remsi %squeeze3A_3576, %jit3A_3577 : i32
      %ne3A_3595 = arith.constant 0 : i32
      %ne3A_3596 = arith.cmpi ne, %rem3A_3594, %ne3A_3595 : i32
      %and3A_3597 = arith.andi %ne3A_3593, %ne3A_3596 : i1
      %sub3A_3598 = arith.constant 1 : i32
      %sub3A_3599 = arith.subi %div3A_3578, %sub3A_3598 : i32
      %select_n3A_3600 = arith.select %and3A_3597, %sub3A_3599, %div3A_3578 : i32
      %mul3A_3601 = arith.constant 128 : i32
      %mul3A_3602 = arith.muli %select_n3A_3600, %mul3A_3601 : i32
      %multiple_of3A_3603 = tpu.assume_multiple %mul3A_3602, 128 : i32
      %dma_start3A_3604 = arith.constant 0 : i32
      %dma_start3A_3605 = arith.constant 0 : i32
      %dma_start3A_3606 = arith.constant 0 : i32
      %dma_start3A_3607 = tpu.memref_slice %arg10[%dma_start3A_3604, %dma_start3A_3605, %dma_start3A_3606] : memref<8x32x128xf32, #tpu.memory_space<vmem>> -> memref<1x32x128xf32, #tpu.memory_space<vmem>>
      %dma_start3A_3608 = tpu.memref_squeeze %dma_start3A_3607 : memref<1x32x128xf32, #tpu.memory_space<vmem>> -> memref<32x128xf32, #tpu.memory_space<vmem>>
      %dma_start3A_3609 = arith.constant 0 : i32
      %dma_start3A_3610 = tpu.memref_slice %arg5[%dma_start3A_3609, %multiple_of3A_3603] : memref<32x1000000xf32, #tpu.memory_space<hbm>> -> memref<32x128xf32, #tpu.memory_space<hbm>>
      %dma_start3A_3611 = arith.constant 0 : i32
      %dma_start3A_3612 = arith.constant 0 : i32
      %dma_start3A_3613 = tpu.memref_slice %arg10[%dma_start3A_3604, %dma_start3A_3611, %dma_start3A_3612] : memref<8x32x128xf32, #tpu.memory_space<vmem>> -> memref<1x32x128xf32, #tpu.memory_space<vmem>>
      %dma_start3A_3614 = tpu.memref_squeeze %dma_start3A_3613 : memref<1x32x128xf32, #tpu.memory_space<vmem>> -> memref<32x128xf32, #tpu.memory_space<vmem>>
      %dma_start3A_3615 = arith.constant 0 : i32
      %dma_start3A_3616 = tpu.memref_slice %arg5[%dma_start3A_3615, %multiple_of3A_3603] : memref<32x1000000xf32, #tpu.memory_space<hbm>> -> memref<32x128xf32, #tpu.memory_space<hbm>>
      tpu.enqueue_dma source(%dma_start3A_3616 : memref<32x128xf32, #tpu.memory_space<hbm>>) target(%dma_start3A_3614 : memref<32x128xf32, #tpu.memory_space<vmem>>) target_semaphore(%arg13 : memref<!tpu.dma_semaphore, #tpu.memory_space<semaphore_mem>>)
      %mul3A_3617 = arith.mulf %gather3A_3514, %gather3A_3526 : vector<16xf32>
      %mul3A_3618 = arith.mulf %gather3A_3520, %gather3A_3532 : vector<16xf32>
      %add3A_3619 = arith.addf %mul3A_3617, %mul3A_3618 : vector<16xf32>
      %reduce_sum3A_3620 = arith.constant true
      %reduce_sum3A_3621 = vector.broadcast %reduce_sum3A_3620 : i1 to vector<16xi1>
      %reduce_sum3A_3622 = tpu.scan <sum>, %add3A_3619 masked %reduce_sum3A_3621 : vector<16xf32>, vector<16xi1> -> vector<16xf32>
      %reduce_sum3A_3623 = vector.extract %reduce_sum3A_3622[15] : f32 from vector<16xf32>
      %mul3A_3624 = vector.broadcast %reduce_sum3A_3623 : f32 to vector<16xf32>
      %mul3A_3625 = arith.mulf %mul3A_3624, %convert_element_type3A_726 : vector<16xf32>
      %add3A_3626 = arith.addf %add3A_3386, %mul3A_3625 : vector<16xf32>
      %slice3A_3627 = vector.extract_strided_slice %get3A_1451 {offsets = [9], sizes = [1], strides = [1]} : vector<16xi32> to vector<1xi32>
      %squeeze3A_3628 = vector.extract %slice3A_3627[0] : i32 from vector<1xi32>
      %jit3A_3629 = arith.constant 128 : i32
      %div3A_3630 = arith.divsi %squeeze3A_3628, %jit3A_3629 : i32
      %sign3A_3631 = arith.constant 0 : i32
      %sign3A_3632 = arith.cmpi sgt, %squeeze3A_3628, %sign3A_3631 : i32
      %sign3A_3633 = arith.extui %sign3A_3632 : i1 to i32
      %sign3A_3634 = arith.constant 0 : i32
      %sign3A_3635 = arith.cmpi slt, %squeeze3A_3628, %sign3A_3634 : i32
      %sign3A_3636 = arith.extui %sign3A_3635 : i1 to i32
      %sign3A_3637 = arith.subi %sign3A_3633, %sign3A_3636 : i32
      %sign3A_3638 = arith.constant 0 : i32
      %sign3A_3639 = arith.cmpi sgt, %jit3A_3629, %sign3A_3638 : i32
      %sign3A_3640 = arith.extui %sign3A_3639 : i1 to i32
      %sign3A_3641 = arith.constant 0 : i32
      %sign3A_3642 = arith.cmpi slt, %jit3A_3629, %sign3A_3641 : i32
      %sign3A_3643 = arith.extui %sign3A_3642 : i1 to i32
      %sign3A_3644 = arith.subi %sign3A_3640, %sign3A_3643 : i32
      %ne3A_3645 = arith.cmpi ne, %sign3A_3637, %sign3A_3644 : i32
      %rem3A_3646 = arith.remsi %squeeze3A_3628, %jit3A_3629 : i32
      %ne3A_3647 = arith.constant 0 : i32
      %ne3A_3648 = arith.cmpi ne, %rem3A_3646, %ne3A_3647 : i32
      %and3A_3649 = arith.andi %ne3A_3645, %ne3A_3648 : i1
      %sub3A_3650 = arith.constant 1 : i32
      %sub3A_3651 = arith.subi %div3A_3630, %sub3A_3650 : i32
      %select_n3A_3652 = arith.select %and3A_3649, %sub3A_3651, %div3A_3630 : i32
      %mul3A_3653 = arith.constant 128 : i32
      %mul3A_3654 = arith.muli %select_n3A_3652, %mul3A_3653 : i32
      %multiple_of3A_3655 = tpu.assume_multiple %mul3A_3654, 128 : i32
      %dma_wait3A_3656 = arith.constant 1 : i32
      %dma_wait3A_3657 = arith.constant 0 : i32
      %dma_wait3A_3658 = arith.constant 0 : i32
      %dma_wait3A_3659 = tpu.memref_slice %arg9[%dma_wait3A_3656, %dma_wait3A_3657, %dma_wait3A_3658] : memref<8x32x128xf32, #tpu.memory_space<vmem>> -> memref<1x32x128xf32, #tpu.memory_space<vmem>>
      %dma_wait3A_3660 = tpu.memref_squeeze %dma_wait3A_3659 : memref<1x32x128xf32, #tpu.memory_space<vmem>> -> memref<32x128xf32, #tpu.memory_space<vmem>>
      %dma_wait3A_3661 = arith.constant 0 : i32
      %dma_wait3A_3662 = tpu.memref_slice %arg4[%dma_wait3A_3661, %multiple_of3A_3655] : memref<32x1000000xf32, #tpu.memory_space<hbm>> -> memref<32x128xf32, #tpu.memory_space<hbm>>
      %dma_wait3A_3663 = arith.constant 0 : i32
      %dma_wait3A_3664 = arith.constant 0 : i32
      %dma_wait3A_3665 = tpu.memref_slice %arg9[%dma_wait3A_3656, %dma_wait3A_3663, %dma_wait3A_3664] : memref<8x32x128xf32, #tpu.memory_space<vmem>> -> memref<1x32x128xf32, #tpu.memory_space<vmem>>
      %dma_wait3A_3666 = tpu.memref_squeeze %dma_wait3A_3665 : memref<1x32x128xf32, #tpu.memory_space<vmem>> -> memref<32x128xf32, #tpu.memory_space<vmem>>
      %dma_wait3A_3667 = arith.constant 0 : i32
      %dma_wait3A_3668 = tpu.memref_slice %arg4[%dma_wait3A_3667, %multiple_of3A_3655] : memref<32x1000000xf32, #tpu.memory_space<hbm>> -> memref<32x128xf32, #tpu.memory_space<hbm>>
      tpu.wait_dma2 semaphore(%arg12 : memref<!tpu.dma_semaphore, #tpu.memory_space<semaphore_mem>>) src(%dma_wait3A_3668 : memref<32x128xf32, #tpu.memory_space<hbm>>) dst(%dma_wait3A_3666 : memref<32x128xf32, #tpu.memory_space<vmem>>)
      %slice3A_3669 = vector.extract_strided_slice %get3A_1455 {offsets = [9], sizes = [1], strides = [1]} : vector<16xi32> to vector<1xi32>
      %squeeze3A_3670 = vector.extract %slice3A_3669[0] : i32 from vector<1xi32>
      %jit3A_3671 = arith.constant 128 : i32
      %div3A_3672 = arith.divsi %squeeze3A_3670, %jit3A_3671 : i32
      %sign3A_3673 = arith.constant 0 : i32
      %sign3A_3674 = arith.cmpi sgt, %squeeze3A_3670, %sign3A_3673 : i32
      %sign3A_3675 = arith.extui %sign3A_3674 : i1 to i32
      %sign3A_3676 = arith.constant 0 : i32
      %sign3A_3677 = arith.cmpi slt, %squeeze3A_3670, %sign3A_3676 : i32
      %sign3A_3678 = arith.extui %sign3A_3677 : i1 to i32
      %sign3A_3679 = arith.subi %sign3A_3675, %sign3A_3678 : i32
      %sign3A_3680 = arith.constant 0 : i32
      %sign3A_3681 = arith.cmpi sgt, %jit3A_3671, %sign3A_3680 : i32
      %sign3A_3682 = arith.extui %sign3A_3681 : i1 to i32
      %sign3A_3683 = arith.constant 0 : i32
      %sign3A_3684 = arith.cmpi slt, %jit3A_3671, %sign3A_3683 : i32
      %sign3A_3685 = arith.extui %sign3A_3684 : i1 to i32
      %sign3A_3686 = arith.subi %sign3A_3682, %sign3A_3685 : i32
      %ne3A_3687 = arith.cmpi ne, %sign3A_3679, %sign3A_3686 : i32
      %rem3A_3688 = arith.remsi %squeeze3A_3670, %jit3A_3671 : i32
      %ne3A_3689 = arith.constant 0 : i32
      %ne3A_3690 = arith.cmpi ne, %rem3A_3688, %ne3A_3689 : i32
      %and3A_3691 = arith.andi %ne3A_3687, %ne3A_3690 : i1
      %sub3A_3692 = arith.constant 1 : i32
      %sub3A_3693 = arith.subi %div3A_3672, %sub3A_3692 : i32
      %select_n3A_3694 = arith.select %and3A_3691, %sub3A_3693, %div3A_3672 : i32
      %mul3A_3695 = arith.constant 128 : i32
      %mul3A_3696 = arith.muli %select_n3A_3694, %mul3A_3695 : i32
      %multiple_of3A_3697 = tpu.assume_multiple %mul3A_3696, 128 : i32
      %dma_wait3A_3698 = arith.constant 1 : i32
      %dma_wait3A_3699 = arith.constant 0 : i32
      %dma_wait3A_3700 = arith.constant 0 : i32
      %dma_wait3A_3701 = tpu.memref_slice %arg10[%dma_wait3A_3698, %dma_wait3A_3699, %dma_wait3A_3700] : memref<8x32x128xf32, #tpu.memory_space<vmem>> -> memref<1x32x128xf32, #tpu.memory_space<vmem>>
      %dma_wait3A_3702 = tpu.memref_squeeze %dma_wait3A_3701 : memref<1x32x128xf32, #tpu.memory_space<vmem>> -> memref<32x128xf32, #tpu.memory_space<vmem>>
      %dma_wait3A_3703 = arith.constant 0 : i32
      %dma_wait3A_3704 = tpu.memref_slice %arg5[%dma_wait3A_3703, %multiple_of3A_3697] : memref<32x1000000xf32, #tpu.memory_space<hbm>> -> memref<32x128xf32, #tpu.memory_space<hbm>>
      %dma_wait3A_3705 = arith.constant 0 : i32
      %dma_wait3A_3706 = arith.constant 0 : i32
      %dma_wait3A_3707 = tpu.memref_slice %arg10[%dma_wait3A_3698, %dma_wait3A_3705, %dma_wait3A_3706] : memref<8x32x128xf32, #tpu.memory_space<vmem>> -> memref<1x32x128xf32, #tpu.memory_space<vmem>>
      %dma_wait3A_3708 = tpu.memref_squeeze %dma_wait3A_3707 : memref<1x32x128xf32, #tpu.memory_space<vmem>> -> memref<32x128xf32, #tpu.memory_space<vmem>>
      %dma_wait3A_3709 = arith.constant 0 : i32
      %dma_wait3A_3710 = tpu.memref_slice %arg5[%dma_wait3A_3709, %multiple_of3A_3697] : memref<32x1000000xf32, #tpu.memory_space<hbm>> -> memref<32x128xf32, #tpu.memory_space<hbm>>
      tpu.wait_dma2 semaphore(%arg13 : memref<!tpu.dma_semaphore, #tpu.memory_space<semaphore_mem>>) src(%dma_wait3A_3710 : memref<32x128xf32, #tpu.memory_space<hbm>>) dst(%dma_wait3A_3708 : memref<32x128xf32, #tpu.memory_space<vmem>>)
      %slice3A_3711 = vector.extract_strided_slice %get3A_1451 {offsets = [9], sizes = [1], strides = [1]} : vector<16xi32> to vector<1xi32>
      %squeeze3A_3712 = vector.extract %slice3A_3711[0] : i32 from vector<1xi32>
      %jit3A_3713 = arith.constant 128 : i32
      %eq3A_3714 = arith.constant 0 : i32
      %eq3A_3715 = arith.cmpi eq, %jit3A_3713, %eq3A_3714 : i32
      %jit3A_3716 = arith.constant 1 : i32
      %select_n3A_3717 = arith.select %eq3A_3715, %jit3A_3716, %jit3A_3713 : i32
      %rem3A_3718 = arith.remsi %squeeze3A_3712, %select_n3A_3717 : i32
      %ne3A_3719 = arith.constant 0 : i32
      %ne3A_3720 = arith.cmpi ne, %rem3A_3718, %ne3A_3719 : i32
      %lt3A_3721 = arith.constant 0 : i32
      %lt3A_3722 = arith.cmpi slt, %rem3A_3718, %lt3A_3721 : i32
      %lt3A_3723 = arith.constant 0 : i32
      %lt3A_3724 = arith.cmpi slt, %select_n3A_3717, %lt3A_3723 : i32
      %ne3A_3725 = arith.xori %lt3A_3722, %lt3A_3724 : i1
      %and3A_3726 = arith.andi %ne3A_3725, %ne3A_3720 : i1
      %add3A_3727 = arith.addi %rem3A_3718, %select_n3A_3717 : i32
      %select_n3A_3728 = arith.select %and3A_3726, %add3A_3727, %rem3A_3718 : i32
      %broadcast_in_dim3A_3729 = vector.broadcast %select_n3A_3728 : i32 to vector<16xi32>
      %slice3A_3730 = vector.extract_strided_slice %get3A_1455 {offsets = [9], sizes = [1], strides = [1]} : vector<16xi32> to vector<1xi32>
      %squeeze3A_3731 = vector.extract %slice3A_3730[0] : i32 from vector<1xi32>
      %jit3A_3732 = arith.constant 128 : i32
      %eq3A_3733 = arith.constant 0 : i32
      %eq3A_3734 = arith.cmpi eq, %jit3A_3732, %eq3A_3733 : i32
      %jit3A_3735 = arith.constant 1 : i32
      %select_n3A_3736 = arith.select %eq3A_3734, %jit3A_3735, %jit3A_3732 : i32
      %rem3A_3737 = arith.remsi %squeeze3A_3731, %select_n3A_3736 : i32
      %ne3A_3738 = arith.constant 0 : i32
      %ne3A_3739 = arith.cmpi ne, %rem3A_3737, %ne3A_3738 : i32
      %lt3A_3740 = arith.constant 0 : i32
      %lt3A_3741 = arith.cmpi slt, %rem3A_3737, %lt3A_3740 : i32
      %lt3A_3742 = arith.constant 0 : i32
      %lt3A_3743 = arith.cmpi slt, %select_n3A_3736, %lt3A_3742 : i32
      %ne3A_3744 = arith.xori %lt3A_3741, %lt3A_3743 : i1
      %and3A_3745 = arith.andi %ne3A_3744, %ne3A_3739 : i1
      %add3A_3746 = arith.addi %rem3A_3737, %select_n3A_3736 : i32
      %select_n3A_3747 = arith.select %and3A_3745, %add3A_3746, %rem3A_3737 : i32
      %broadcast_in_dim3A_3748 = vector.broadcast %select_n3A_3747 : i32 to vector<16xi32>
      %gather3A_3749 = arith.constant 1 : i32
      %gather3A_3750 = arith.constant 0 : i32
      %gather3A_3751 = arith.constant 0 : i32
      %gather3A_3752 = tpu.memref_slice %arg9[%gather3A_3749, %gather3A_3750, %gather3A_3751] : memref<8x32x128xf32, #tpu.memory_space<vmem>> -> memref<1x32x128xf32, #tpu.memory_space<vmem>>
      %gather3A_3753 = tpu.memref_squeeze %gather3A_3752 : memref<1x32x128xf32, #tpu.memory_space<vmem>> -> memref<32x128xf32, #tpu.memory_space<vmem>>
      %gather3A_3754 = tpu.vector_load_idx %gather3A_3753[%iota3A, %broadcast_in_dim3A_3729] : memref<32x128xf32, #tpu.memory_space<vmem>>[vector<16xi32>, vector<16xi32>], vector<16xf32>,
      %gather3A_3755 = arith.constant 1 : i32
      %gather3A_3756 = arith.constant 0 : i32
      %gather3A_3757 = arith.constant 0 : i32
      %gather3A_3758 = tpu.memref_slice %arg9[%gather3A_3755, %gather3A_3756, %gather3A_3757] : memref<8x32x128xf32, #tpu.memory_space<vmem>> -> memref<1x32x128xf32, #tpu.memory_space<vmem>>
      %gather3A_3759 = tpu.memref_squeeze %gather3A_3758 : memref<1x32x128xf32, #tpu.memory_space<vmem>> -> memref<32x128xf32, #tpu.memory_space<vmem>>
      %gather3A_3760 = tpu.vector_load_idx %gather3A_3759[%add3A_11, %broadcast_in_dim3A_3729] : memref<32x128xf32, #tpu.memory_space<vmem>>[vector<16xi32>, vector<16xi32>], vector<16xf32>,
      %gather3A_3761 = arith.constant 1 : i32
      %gather3A_3762 = arith.constant 0 : i32
      %gather3A_3763 = arith.constant 0 : i32
      %gather3A_3764 = tpu.memref_slice %arg10[%gather3A_3761, %gather3A_3762, %gather3A_3763] : memref<8x32x128xf32, #tpu.memory_space<vmem>> -> memref<1x32x128xf32, #tpu.memory_space<vmem>>
      %gather3A_3765 = tpu.memref_squeeze %gather3A_3764 : memref<1x32x128xf32, #tpu.memory_space<vmem>> -> memref<32x128xf32, #tpu.memory_space<vmem>>
      %gather3A_3766 = tpu.vector_load_idx %gather3A_3765[%iota3A, %broadcast_in_dim3A_3748] : memref<32x128xf32, #tpu.memory_space<vmem>>[vector<16xi32>, vector<16xi32>], vector<16xf32>,
      %gather3A_3767 = arith.constant 1 : i32
      %gather3A_3768 = arith.constant 0 : i32
      %gather3A_3769 = arith.constant 0 : i32
      %gather3A_3770 = tpu.memref_slice %arg10[%gather3A_3767, %gather3A_3768, %gather3A_3769] : memref<8x32x128xf32, #tpu.memory_space<vmem>> -> memref<1x32x128xf32, #tpu.memory_space<vmem>>
      %gather3A_3771 = tpu.memref_squeeze %gather3A_3770 : memref<1x32x128xf32, #tpu.memory_space<vmem>> -> memref<32x128xf32, #tpu.memory_space<vmem>>
      %gather3A_3772 = tpu.vector_load_idx %gather3A_3771[%add3A_11, %broadcast_in_dim3A_3748] : memref<32x128xf32, #tpu.memory_space<vmem>>[vector<16xi32>, vector<16xi32>], vector<16xf32>,
      %slice3A_3773 = vector.extract_strided_slice %get3A_1461 {offsets = [9], sizes = [1], strides = [1]} : vector<16xi32> to vector<1xi32>
      %squeeze3A_3774 = vector.extract %slice3A_3773[0] : i32 from vector<1xi32>
      %jit3A_3775 = arith.constant 128 : i32
      %div3A_3776 = arith.divsi %squeeze3A_3774, %jit3A_3775 : i32
      %sign3A_3777 = arith.constant 0 : i32
      %sign3A_3778 = arith.cmpi sgt, %squeeze3A_3774, %sign3A_3777 : i32
      %sign3A_3779 = arith.extui %sign3A_3778 : i1 to i32
      %sign3A_3780 = arith.constant 0 : i32
      %sign3A_3781 = arith.cmpi slt, %squeeze3A_3774, %sign3A_3780 : i32
      %sign3A_3782 = arith.extui %sign3A_3781 : i1 to i32
      %sign3A_3783 = arith.subi %sign3A_3779, %sign3A_3782 : i32
      %sign3A_3784 = arith.constant 0 : i32
      %sign3A_3785 = arith.cmpi sgt, %jit3A_3775, %sign3A_3784 : i32
      %sign3A_3786 = arith.extui %sign3A_3785 : i1 to i32
      %sign3A_3787 = arith.constant 0 : i32
      %sign3A_3788 = arith.cmpi slt, %jit3A_3775, %sign3A_3787 : i32
      %sign3A_3789 = arith.extui %sign3A_3788 : i1 to i32
      %sign3A_3790 = arith.subi %sign3A_3786, %sign3A_3789 : i32
      %ne3A_3791 = arith.cmpi ne, %sign3A_3783, %sign3A_3790 : i32
      %rem3A_3792 = arith.remsi %squeeze3A_3774, %jit3A_3775 : i32
      %ne3A_3793 = arith.constant 0 : i32
      %ne3A_3794 = arith.cmpi ne, %rem3A_3792, %ne3A_3793 : i32
      %and3A_3795 = arith.andi %ne3A_3791, %ne3A_3794 : i1
      %sub3A_3796 = arith.constant 1 : i32
      %sub3A_3797 = arith.subi %div3A_3776, %sub3A_3796 : i32
      %select_n3A_3798 = arith.select %and3A_3795, %sub3A_3797, %div3A_3776 : i32
      %mul3A_3799 = arith.constant 128 : i32
      %mul3A_3800 = arith.muli %select_n3A_3798, %mul3A_3799 : i32
      %multiple_of3A_3801 = tpu.assume_multiple %mul3A_3800, 128 : i32
      %dma_start3A_3802 = arith.constant 1 : i32
      %dma_start3A_3803 = arith.constant 0 : i32
      %dma_start3A_3804 = arith.constant 0 : i32
      %dma_start3A_3805 = tpu.memref_slice %arg9[%dma_start3A_3802, %dma_start3A_3803, %dma_start3A_3804] : memref<8x32x128xf32, #tpu.memory_space<vmem>> -> memref<1x32x128xf32, #tpu.memory_space<vmem>>
      %dma_start3A_3806 = tpu.memref_squeeze %dma_start3A_3805 : memref<1x32x128xf32, #tpu.memory_space<vmem>> -> memref<32x128xf32, #tpu.memory_space<vmem>>
      %dma_start3A_3807 = arith.constant 0 : i32
      %dma_start3A_3808 = tpu.memref_slice %arg4[%dma_start3A_3807, %multiple_of3A_3801] : memref<32x1000000xf32, #tpu.memory_space<hbm>> -> memref<32x128xf32, #tpu.memory_space<hbm>>
      %dma_start3A_3809 = arith.constant 0 : i32
      %dma_start3A_3810 = arith.constant 0 : i32
      %dma_start3A_3811 = tpu.memref_slice %arg9[%dma_start3A_3802, %dma_start3A_3809, %dma_start3A_3810] : memref<8x32x128xf32, #tpu.memory_space<vmem>> -> memref<1x32x128xf32, #tpu.memory_space<vmem>>
      %dma_start3A_3812 = tpu.memref_squeeze %dma_start3A_3811 : memref<1x32x128xf32, #tpu.memory_space<vmem>> -> memref<32x128xf32, #tpu.memory_space<vmem>>
      %dma_start3A_3813 = arith.constant 0 : i32
      %dma_start3A_3814 = tpu.memref_slice %arg4[%dma_start3A_3813, %multiple_of3A_3801] : memref<32x1000000xf32, #tpu.memory_space<hbm>> -> memref<32x128xf32, #tpu.memory_space<hbm>>
      tpu.enqueue_dma source(%dma_start3A_3814 : memref<32x128xf32, #tpu.memory_space<hbm>>) target(%dma_start3A_3812 : memref<32x128xf32, #tpu.memory_space<vmem>>) target_semaphore(%arg12 : memref<!tpu.dma_semaphore, #tpu.memory_space<semaphore_mem>>)
      %slice3A_3815 = vector.extract_strided_slice %get3A_1467 {offsets = [9], sizes = [1], strides = [1]} : vector<16xi32> to vector<1xi32>
      %squeeze3A_3816 = vector.extract %slice3A_3815[0] : i32 from vector<1xi32>
      %jit3A_3817 = arith.constant 128 : i32
      %div3A_3818 = arith.divsi %squeeze3A_3816, %jit3A_3817 : i32
      %sign3A_3819 = arith.constant 0 : i32
      %sign3A_3820 = arith.cmpi sgt, %squeeze3A_3816, %sign3A_3819 : i32
      %sign3A_3821 = arith.extui %sign3A_3820 : i1 to i32
      %sign3A_3822 = arith.constant 0 : i32
      %sign3A_3823 = arith.cmpi slt, %squeeze3A_3816, %sign3A_3822 : i32
      %sign3A_3824 = arith.extui %sign3A_3823 : i1 to i32
      %sign3A_3825 = arith.subi %sign3A_3821, %sign3A_3824 : i32
      %sign3A_3826 = arith.constant 0 : i32
      %sign3A_3827 = arith.cmpi sgt, %jit3A_3817, %sign3A_3826 : i32
      %sign3A_3828 = arith.extui %sign3A_3827 : i1 to i32
      %sign3A_3829 = arith.constant 0 : i32
      %sign3A_3830 = arith.cmpi slt, %jit3A_3817, %sign3A_3829 : i32
      %sign3A_3831 = arith.extui %sign3A_3830 : i1 to i32
      %sign3A_3832 = arith.subi %sign3A_3828, %sign3A_3831 : i32
      %ne3A_3833 = arith.cmpi ne, %sign3A_3825, %sign3A_3832 : i32
      %rem3A_3834 = arith.remsi %squeeze3A_3816, %jit3A_3817 : i32
      %ne3A_3835 = arith.constant 0 : i32
      %ne3A_3836 = arith.cmpi ne, %rem3A_3834, %ne3A_3835 : i32
      %and3A_3837 = arith.andi %ne3A_3833, %ne3A_3836 : i1
      %sub3A_3838 = arith.constant 1 : i32
      %sub3A_3839 = arith.subi %div3A_3818, %sub3A_3838 : i32
      %select_n3A_3840 = arith.select %and3A_3837, %sub3A_3839, %div3A_3818 : i32
      %mul3A_3841 = arith.constant 128 : i32
      %mul3A_3842 = arith.muli %select_n3A_3840, %mul3A_3841 : i32
      %multiple_of3A_3843 = tpu.assume_multiple %mul3A_3842, 128 : i32
      %dma_start3A_3844 = arith.constant 1 : i32
      %dma_start3A_3845 = arith.constant 0 : i32
      %dma_start3A_3846 = arith.constant 0 : i32
      %dma_start3A_3847 = tpu.memref_slice %arg10[%dma_start3A_3844, %dma_start3A_3845, %dma_start3A_3846] : memref<8x32x128xf32, #tpu.memory_space<vmem>> -> memref<1x32x128xf32, #tpu.memory_space<vmem>>
      %dma_start3A_3848 = tpu.memref_squeeze %dma_start3A_3847 : memref<1x32x128xf32, #tpu.memory_space<vmem>> -> memref<32x128xf32, #tpu.memory_space<vmem>>
      %dma_start3A_3849 = arith.constant 0 : i32
      %dma_start3A_3850 = tpu.memref_slice %arg5[%dma_start3A_3849, %multiple_of3A_3843] : memref<32x1000000xf32, #tpu.memory_space<hbm>> -> memref<32x128xf32, #tpu.memory_space<hbm>>
      %dma_start3A_3851 = arith.constant 0 : i32
      %dma_start3A_3852 = arith.constant 0 : i32
      %dma_start3A_3853 = tpu.memref_slice %arg10[%dma_start3A_3844, %dma_start3A_3851, %dma_start3A_3852] : memref<8x32x128xf32, #tpu.memory_space<vmem>> -> memref<1x32x128xf32, #tpu.memory_space<vmem>>
      %dma_start3A_3854 = tpu.memref_squeeze %dma_start3A_3853 : memref<1x32x128xf32, #tpu.memory_space<vmem>> -> memref<32x128xf32, #tpu.memory_space<vmem>>
      %dma_start3A_3855 = arith.constant 0 : i32
      %dma_start3A_3856 = tpu.memref_slice %arg5[%dma_start3A_3855, %multiple_of3A_3843] : memref<32x1000000xf32, #tpu.memory_space<hbm>> -> memref<32x128xf32, #tpu.memory_space<hbm>>
      tpu.enqueue_dma source(%dma_start3A_3856 : memref<32x128xf32, #tpu.memory_space<hbm>>) target(%dma_start3A_3854 : memref<32x128xf32, #tpu.memory_space<vmem>>) target_semaphore(%arg13 : memref<!tpu.dma_semaphore, #tpu.memory_space<semaphore_mem>>)
      %mul3A_3857 = arith.mulf %gather3A_3754, %gather3A_3766 : vector<16xf32>
      %mul3A_3858 = arith.mulf %gather3A_3760, %gather3A_3772 : vector<16xf32>
      %add3A_3859 = arith.addf %mul3A_3857, %mul3A_3858 : vector<16xf32>
      %reduce_sum3A_3860 = arith.constant true
      %reduce_sum3A_3861 = vector.broadcast %reduce_sum3A_3860 : i1 to vector<16xi1>
      %reduce_sum3A_3862 = tpu.scan <sum>, %add3A_3859 masked %reduce_sum3A_3861 : vector<16xf32>, vector<16xi1> -> vector<16xf32>
      %reduce_sum3A_3863 = vector.extract %reduce_sum3A_3862[15] : f32 from vector<16xf32>
      %mul3A_3864 = vector.broadcast %reduce_sum3A_3863 : f32 to vector<16xf32>
      %mul3A_3865 = arith.mulf %mul3A_3864, %convert_element_type3A_732 : vector<16xf32>
      %add3A_3866 = arith.addf %add3A_3626, %mul3A_3865 : vector<16xf32>
      %slice3A_3867 = vector.extract_strided_slice %get3A_1451 {offsets = [10], sizes = [1], strides = [1]} : vector<16xi32> to vector<1xi32>
      %squeeze3A_3868 = vector.extract %slice3A_3867[0] : i32 from vector<1xi32>
      %jit3A_3869 = arith.constant 128 : i32
      %div3A_3870 = arith.divsi %squeeze3A_3868, %jit3A_3869 : i32
      %sign3A_3871 = arith.constant 0 : i32
      %sign3A_3872 = arith.cmpi sgt, %squeeze3A_3868, %sign3A_3871 : i32
      %sign3A_3873 = arith.extui %sign3A_3872 : i1 to i32
      %sign3A_3874 = arith.constant 0 : i32
      %sign3A_3875 = arith.cmpi slt, %squeeze3A_3868, %sign3A_3874 : i32
      %sign3A_3876 = arith.extui %sign3A_3875 : i1 to i32
      %sign3A_3877 = arith.subi %sign3A_3873, %sign3A_3876 : i32
      %sign3A_3878 = arith.constant 0 : i32
      %sign3A_3879 = arith.cmpi sgt, %jit3A_3869, %sign3A_3878 : i32
      %sign3A_3880 = arith.extui %sign3A_3879 : i1 to i32
      %sign3A_3881 = arith.constant 0 : i32
      %sign3A_3882 = arith.cmpi slt, %jit3A_3869, %sign3A_3881 : i32
      %sign3A_3883 = arith.extui %sign3A_3882 : i1 to i32
      %sign3A_3884 = arith.subi %sign3A_3880, %sign3A_3883 : i32
      %ne3A_3885 = arith.cmpi ne, %sign3A_3877, %sign3A_3884 : i32
      %rem3A_3886 = arith.remsi %squeeze3A_3868, %jit3A_3869 : i32
      %ne3A_3887 = arith.constant 0 : i32
      %ne3A_3888 = arith.cmpi ne, %rem3A_3886, %ne3A_3887 : i32
      %and3A_3889 = arith.andi %ne3A_3885, %ne3A_3888 : i1
      %sub3A_3890 = arith.constant 1 : i32
      %sub3A_3891 = arith.subi %div3A_3870, %sub3A_3890 : i32
      %select_n3A_3892 = arith.select %and3A_3889, %sub3A_3891, %div3A_3870 : i32
      %mul3A_3893 = arith.constant 128 : i32
      %mul3A_3894 = arith.muli %select_n3A_3892, %mul3A_3893 : i32
      %multiple_of3A_3895 = tpu.assume_multiple %mul3A_3894, 128 : i32
      %dma_wait3A_3896 = arith.constant 2 : i32
      %dma_wait3A_3897 = arith.constant 0 : i32
      %dma_wait3A_3898 = arith.constant 0 : i32
      %dma_wait3A_3899 = tpu.memref_slice %arg9[%dma_wait3A_3896, %dma_wait3A_3897, %dma_wait3A_3898] : memref<8x32x128xf32, #tpu.memory_space<vmem>> -> memref<1x32x128xf32, #tpu.memory_space<vmem>>
      %dma_wait3A_3900 = tpu.memref_squeeze %dma_wait3A_3899 : memref<1x32x128xf32, #tpu.memory_space<vmem>> -> memref<32x128xf32, #tpu.memory_space<vmem>>
      %dma_wait3A_3901 = arith.constant 0 : i32
      %dma_wait3A_3902 = tpu.memref_slice %arg4[%dma_wait3A_3901, %multiple_of3A_3895] : memref<32x1000000xf32, #tpu.memory_space<hbm>> -> memref<32x128xf32, #tpu.memory_space<hbm>>
      %dma_wait3A_3903 = arith.constant 0 : i32
      %dma_wait3A_3904 = arith.constant 0 : i32
      %dma_wait3A_3905 = tpu.memref_slice %arg9[%dma_wait3A_3896, %dma_wait3A_3903, %dma_wait3A_3904] : memref<8x32x128xf32, #tpu.memory_space<vmem>> -> memref<1x32x128xf32, #tpu.memory_space<vmem>>
      %dma_wait3A_3906 = tpu.memref_squeeze %dma_wait3A_3905 : memref<1x32x128xf32, #tpu.memory_space<vmem>> -> memref<32x128xf32, #tpu.memory_space<vmem>>
      %dma_wait3A_3907 = arith.constant 0 : i32
      %dma_wait3A_3908 = tpu.memref_slice %arg4[%dma_wait3A_3907, %multiple_of3A_3895] : memref<32x1000000xf32, #tpu.memory_space<hbm>> -> memref<32x128xf32, #tpu.memory_space<hbm>>
      tpu.wait_dma2 semaphore(%arg12 : memref<!tpu.dma_semaphore, #tpu.memory_space<semaphore_mem>>) src(%dma_wait3A_3908 : memref<32x128xf32, #tpu.memory_space<hbm>>) dst(%dma_wait3A_3906 : memref<32x128xf32, #tpu.memory_space<vmem>>)
      %slice3A_3909 = vector.extract_strided_slice %get3A_1455 {offsets = [10], sizes = [1], strides = [1]} : vector<16xi32> to vector<1xi32>
      %squeeze3A_3910 = vector.extract %slice3A_3909[0] : i32 from vector<1xi32>
      %jit3A_3911 = arith.constant 128 : i32
      %div3A_3912 = arith.divsi %squeeze3A_3910, %jit3A_3911 : i32
      %sign3A_3913 = arith.constant 0 : i32
      %sign3A_3914 = arith.cmpi sgt, %squeeze3A_3910, %sign3A_3913 : i32
      %sign3A_3915 = arith.extui %sign3A_3914 : i1 to i32
      %sign3A_3916 = arith.constant 0 : i32
      %sign3A_3917 = arith.cmpi slt, %squeeze3A_3910, %sign3A_3916 : i32
      %sign3A_3918 = arith.extui %sign3A_3917 : i1 to i32
      %sign3A_3919 = arith.subi %sign3A_3915, %sign3A_3918 : i32
      %sign3A_3920 = arith.constant 0 : i32
      %sign3A_3921 = arith.cmpi sgt, %jit3A_3911, %sign3A_3920 : i32
      %sign3A_3922 = arith.extui %sign3A_3921 : i1 to i32
      %sign3A_3923 = arith.constant 0 : i32
      %sign3A_3924 = arith.cmpi slt, %jit3A_3911, %sign3A_3923 : i32
      %sign3A_3925 = arith.extui %sign3A_3924 : i1 to i32
      %sign3A_3926 = arith.subi %sign3A_3922, %sign3A_3925 : i32
      %ne3A_3927 = arith.cmpi ne, %sign3A_3919, %sign3A_3926 : i32
      %rem3A_3928 = arith.remsi %squeeze3A_3910, %jit3A_3911 : i32
      %ne3A_3929 = arith.constant 0 : i32
      %ne3A_3930 = arith.cmpi ne, %rem3A_3928, %ne3A_3929 : i32
      %and3A_3931 = arith.andi %ne3A_3927, %ne3A_3930 : i1
      %sub3A_3932 = arith.constant 1 : i32
      %sub3A_3933 = arith.subi %div3A_3912, %sub3A_3932 : i32
      %select_n3A_3934 = arith.select %and3A_3931, %sub3A_3933, %div3A_3912 : i32
      %mul3A_3935 = arith.constant 128 : i32
      %mul3A_3936 = arith.muli %select_n3A_3934, %mul3A_3935 : i32
      %multiple_of3A_3937 = tpu.assume_multiple %mul3A_3936, 128 : i32
      %dma_wait3A_3938 = arith.constant 2 : i32
      %dma_wait3A_3939 = arith.constant 0 : i32
      %dma_wait3A_3940 = arith.constant 0 : i32
      %dma_wait3A_3941 = tpu.memref_slice %arg10[%dma_wait3A_3938, %dma_wait3A_3939, %dma_wait3A_3940] : memref<8x32x128xf32, #tpu.memory_space<vmem>> -> memref<1x32x128xf32, #tpu.memory_space<vmem>>
      %dma_wait3A_3942 = tpu.memref_squeeze %dma_wait3A_3941 : memref<1x32x128xf32, #tpu.memory_space<vmem>> -> memref<32x128xf32, #tpu.memory_space<vmem>>
      %dma_wait3A_3943 = arith.constant 0 : i32
      %dma_wait3A_3944 = tpu.memref_slice %arg5[%dma_wait3A_3943, %multiple_of3A_3937] : memref<32x1000000xf32, #tpu.memory_space<hbm>> -> memref<32x128xf32, #tpu.memory_space<hbm>>
      %dma_wait3A_3945 = arith.constant 0 : i32
      %dma_wait3A_3946 = arith.constant 0 : i32
      %dma_wait3A_3947 = tpu.memref_slice %arg10[%dma_wait3A_3938, %dma_wait3A_3945, %dma_wait3A_3946] : memref<8x32x128xf32, #tpu.memory_space<vmem>> -> memref<1x32x128xf32, #tpu.memory_space<vmem>>
      %dma_wait3A_3948 = tpu.memref_squeeze %dma_wait3A_3947 : memref<1x32x128xf32, #tpu.memory_space<vmem>> -> memref<32x128xf32, #tpu.memory_space<vmem>>
      %dma_wait3A_3949 = arith.constant 0 : i32
      %dma_wait3A_3950 = tpu.memref_slice %arg5[%dma_wait3A_3949, %multiple_of3A_3937] : memref<32x1000000xf32, #tpu.memory_space<hbm>> -> memref<32x128xf32, #tpu.memory_space<hbm>>
      tpu.wait_dma2 semaphore(%arg13 : memref<!tpu.dma_semaphore, #tpu.memory_space<semaphore_mem>>) src(%dma_wait3A_3950 : memref<32x128xf32, #tpu.memory_space<hbm>>) dst(%dma_wait3A_3948 : memref<32x128xf32, #tpu.memory_space<vmem>>)
      %slice3A_3951 = vector.extract_strided_slice %get3A_1451 {offsets = [10], sizes = [1], strides = [1]} : vector<16xi32> to vector<1xi32>
      %squeeze3A_3952 = vector.extract %slice3A_3951[0] : i32 from vector<1xi32>
      %jit3A_3953 = arith.constant 128 : i32
      %eq3A_3954 = arith.constant 0 : i32
      %eq3A_3955 = arith.cmpi eq, %jit3A_3953, %eq3A_3954 : i32
      %jit3A_3956 = arith.constant 1 : i32
      %select_n3A_3957 = arith.select %eq3A_3955, %jit3A_3956, %jit3A_3953 : i32
      %rem3A_3958 = arith.remsi %squeeze3A_3952, %select_n3A_3957 : i32
      %ne3A_3959 = arith.constant 0 : i32
      %ne3A_3960 = arith.cmpi ne, %rem3A_3958, %ne3A_3959 : i32
      %lt3A_3961 = arith.constant 0 : i32
      %lt3A_3962 = arith.cmpi slt, %rem3A_3958, %lt3A_3961 : i32
      %lt3A_3963 = arith.constant 0 : i32
      %lt3A_3964 = arith.cmpi slt, %select_n3A_3957, %lt3A_3963 : i32
      %ne3A_3965 = arith.xori %lt3A_3962, %lt3A_3964 : i1
      %and3A_3966 = arith.andi %ne3A_3965, %ne3A_3960 : i1
      %add3A_3967 = arith.addi %rem3A_3958, %select_n3A_3957 : i32
      %select_n3A_3968 = arith.select %and3A_3966, %add3A_3967, %rem3A_3958 : i32
      %broadcast_in_dim3A_3969 = vector.broadcast %select_n3A_3968 : i32 to vector<16xi32>
      %slice3A_3970 = vector.extract_strided_slice %get3A_1455 {offsets = [10], sizes = [1], strides = [1]} : vector<16xi32> to vector<1xi32>
      %squeeze3A_3971 = vector.extract %slice3A_3970[0] : i32 from vector<1xi32>
      %jit3A_3972 = arith.constant 128 : i32
      %eq3A_3973 = arith.constant 0 : i32
      %eq3A_3974 = arith.cmpi eq, %jit3A_3972, %eq3A_3973 : i32
      %jit3A_3975 = arith.constant 1 : i32
      %select_n3A_3976 = arith.select %eq3A_3974, %jit3A_3975, %jit3A_3972 : i32
      %rem3A_3977 = arith.remsi %squeeze3A_3971, %select_n3A_3976 : i32
      %ne3A_3978 = arith.constant 0 : i32
      %ne3A_3979 = arith.cmpi ne, %rem3A_3977, %ne3A_3978 : i32
      %lt3A_3980 = arith.constant 0 : i32
      %lt3A_3981 = arith.cmpi slt, %rem3A_3977, %lt3A_3980 : i32
      %lt3A_3982 = arith.constant 0 : i32
      %lt3A_3983 = arith.cmpi slt, %select_n3A_3976, %lt3A_3982 : i32
      %ne3A_3984 = arith.xori %lt3A_3981, %lt3A_3983 : i1
      %and3A_3985 = arith.andi %ne3A_3984, %ne3A_3979 : i1
      %add3A_3986 = arith.addi %rem3A_3977, %select_n3A_3976 : i32
      %select_n3A_3987 = arith.select %and3A_3985, %add3A_3986, %rem3A_3977 : i32
      %broadcast_in_dim3A_3988 = vector.broadcast %select_n3A_3987 : i32 to vector<16xi32>
      %gather3A_3989 = arith.constant 2 : i32
      %gather3A_3990 = arith.constant 0 : i32
      %gather3A_3991 = arith.constant 0 : i32
      %gather3A_3992 = tpu.memref_slice %arg9[%gather3A_3989, %gather3A_3990, %gather3A_3991] : memref<8x32x128xf32, #tpu.memory_space<vmem>> -> memref<1x32x128xf32, #tpu.memory_space<vmem>>
      %gather3A_3993 = tpu.memref_squeeze %gather3A_3992 : memref<1x32x128xf32, #tpu.memory_space<vmem>> -> memref<32x128xf32, #tpu.memory_space<vmem>>
      %gather3A_3994 = tpu.vector_load_idx %gather3A_3993[%iota3A, %broadcast_in_dim3A_3969] : memref<32x128xf32, #tpu.memory_space<vmem>>[vector<16xi32>, vector<16xi32>], vector<16xf32>,
      %gather3A_3995 = arith.constant 2 : i32
      %gather3A_3996 = arith.constant 0 : i32
      %gather3A_3997 = arith.constant 0 : i32
      %gather3A_3998 = tpu.memref_slice %arg9[%gather3A_3995, %gather3A_3996, %gather3A_3997] : memref<8x32x128xf32, #tpu.memory_space<vmem>> -> memref<1x32x128xf32, #tpu.memory_space<vmem>>
      %gather3A_3999 = tpu.memref_squeeze %gather3A_3998 : memref<1x32x128xf32, #tpu.memory_space<vmem>> -> memref<32x128xf32, #tpu.memory_space<vmem>>
      %gather3A_4000 = tpu.vector_load_idx %gather3A_3999[%add3A_11, %broadcast_in_dim3A_3969] : memref<32x128xf32, #tpu.memory_space<vmem>>[vector<16xi32>, vector<16xi32>], vector<16xf32>,
      %gather3A_4001 = arith.constant 2 : i32
      %gather3A_4002 = arith.constant 0 : i32
      %gather3A_4003 = arith.constant 0 : i32
      %gather3A_4004 = tpu.memref_slice %arg10[%gather3A_4001, %gather3A_4002, %gather3A_4003] : memref<8x32x128xf32, #tpu.memory_space<vmem>> -> memref<1x32x128xf32, #tpu.memory_space<vmem>>
      %gather3A_4005 = tpu.memref_squeeze %gather3A_4004 : memref<1x32x128xf32, #tpu.memory_space<vmem>> -> memref<32x128xf32, #tpu.memory_space<vmem>>
      %gather3A_4006 = tpu.vector_load_idx %gather3A_4005[%iota3A, %broadcast_in_dim3A_3988] : memref<32x128xf32, #tpu.memory_space<vmem>>[vector<16xi32>, vector<16xi32>], vector<16xf32>,
      %gather3A_4007 = arith.constant 2 : i32
      %gather3A_4008 = arith.constant 0 : i32
      %gather3A_4009 = arith.constant 0 : i32
      %gather3A_4010 = tpu.memref_slice %arg10[%gather3A_4007, %gather3A_4008, %gather3A_4009] : memref<8x32x128xf32, #tpu.memory_space<vmem>> -> memref<1x32x128xf32, #tpu.memory_space<vmem>>
      %gather3A_4011 = tpu.memref_squeeze %gather3A_4010 : memref<1x32x128xf32, #tpu.memory_space<vmem>> -> memref<32x128xf32, #tpu.memory_space<vmem>>
      %gather3A_4012 = tpu.vector_load_idx %gather3A_4011[%add3A_11, %broadcast_in_dim3A_3988] : memref<32x128xf32, #tpu.memory_space<vmem>>[vector<16xi32>, vector<16xi32>], vector<16xf32>,
      %slice3A_4013 = vector.extract_strided_slice %get3A_1461 {offsets = [10], sizes = [1], strides = [1]} : vector<16xi32> to vector<1xi32>
      %squeeze3A_4014 = vector.extract %slice3A_4013[0] : i32 from vector<1xi32>
      %jit3A_4015 = arith.constant 128 : i32
      %div3A_4016 = arith.divsi %squeeze3A_4014, %jit3A_4015 : i32
      %sign3A_4017 = arith.constant 0 : i32
      %sign3A_4018 = arith.cmpi sgt, %squeeze3A_4014, %sign3A_4017 : i32
      %sign3A_4019 = arith.extui %sign3A_4018 : i1 to i32
      %sign3A_4020 = arith.constant 0 : i32
      %sign3A_4021 = arith.cmpi slt, %squeeze3A_4014, %sign3A_4020 : i32
      %sign3A_4022 = arith.extui %sign3A_4021 : i1 to i32
      %sign3A_4023 = arith.subi %sign3A_4019, %sign3A_4022 : i32
      %sign3A_4024 = arith.constant 0 : i32
      %sign3A_4025 = arith.cmpi sgt, %jit3A_4015, %sign3A_4024 : i32
      %sign3A_4026 = arith.extui %sign3A_4025 : i1 to i32
      %sign3A_4027 = arith.constant 0 : i32
      %sign3A_4028 = arith.cmpi slt, %jit3A_4015, %sign3A_4027 : i32
      %sign3A_4029 = arith.extui %sign3A_4028 : i1 to i32
      %sign3A_4030 = arith.subi %sign3A_4026, %sign3A_4029 : i32
      %ne3A_4031 = arith.cmpi ne, %sign3A_4023, %sign3A_4030 : i32
      %rem3A_4032 = arith.remsi %squeeze3A_4014, %jit3A_4015 : i32
      %ne3A_4033 = arith.constant 0 : i32
      %ne3A_4034 = arith.cmpi ne, %rem3A_4032, %ne3A_4033 : i32
      %and3A_4035 = arith.andi %ne3A_4031, %ne3A_4034 : i1
      %sub3A_4036 = arith.constant 1 : i32
      %sub3A_4037 = arith.subi %div3A_4016, %sub3A_4036 : i32
      %select_n3A_4038 = arith.select %and3A_4035, %sub3A_4037, %div3A_4016 : i32
      %mul3A_4039 = arith.constant 128 : i32
      %mul3A_4040 = arith.muli %select_n3A_4038, %mul3A_4039 : i32
      %multiple_of3A_4041 = tpu.assume_multiple %mul3A_4040, 128 : i32
      %dma_start3A_4042 = arith.constant 2 : i32
      %dma_start3A_4043 = arith.constant 0 : i32
      %dma_start3A_4044 = arith.constant 0 : i32
      %dma_start3A_4045 = tpu.memref_slice %arg9[%dma_start3A_4042, %dma_start3A_4043, %dma_start3A_4044] : memref<8x32x128xf32, #tpu.memory_space<vmem>> -> memref<1x32x128xf32, #tpu.memory_space<vmem>>
      %dma_start3A_4046 = tpu.memref_squeeze %dma_start3A_4045 : memref<1x32x128xf32, #tpu.memory_space<vmem>> -> memref<32x128xf32, #tpu.memory_space<vmem>>
      %dma_start3A_4047 = arith.constant 0 : i32
      %dma_start3A_4048 = tpu.memref_slice %arg4[%dma_start3A_4047, %multiple_of3A_4041] : memref<32x1000000xf32, #tpu.memory_space<hbm>> -> memref<32x128xf32, #tpu.memory_space<hbm>>
      %dma_start3A_4049 = arith.constant 0 : i32
      %dma_start3A_4050 = arith.constant 0 : i32
      %dma_start3A_4051 = tpu.memref_slice %arg9[%dma_start3A_4042, %dma_start3A_4049, %dma_start3A_4050] : memref<8x32x128xf32, #tpu.memory_space<vmem>> -> memref<1x32x128xf32, #tpu.memory_space<vmem>>
      %dma_start3A_4052 = tpu.memref_squeeze %dma_start3A_4051 : memref<1x32x128xf32, #tpu.memory_space<vmem>> -> memref<32x128xf32, #tpu.memory_space<vmem>>
      %dma_start3A_4053 = arith.constant 0 : i32
      %dma_start3A_4054 = tpu.memref_slice %arg4[%dma_start3A_4053, %multiple_of3A_4041] : memref<32x1000000xf32, #tpu.memory_space<hbm>> -> memref<32x128xf32, #tpu.memory_space<hbm>>
      tpu.enqueue_dma source(%dma_start3A_4054 : memref<32x128xf32, #tpu.memory_space<hbm>>) target(%dma_start3A_4052 : memref<32x128xf32, #tpu.memory_space<vmem>>) target_semaphore(%arg12 : memref<!tpu.dma_semaphore, #tpu.memory_space<semaphore_mem>>)
      %slice3A_4055 = vector.extract_strided_slice %get3A_1467 {offsets = [10], sizes = [1], strides = [1]} : vector<16xi32> to vector<1xi32>
      %squeeze3A_4056 = vector.extract %slice3A_4055[0] : i32 from vector<1xi32>
      %jit3A_4057 = arith.constant 128 : i32
      %div3A_4058 = arith.divsi %squeeze3A_4056, %jit3A_4057 : i32
      %sign3A_4059 = arith.constant 0 : i32
      %sign3A_4060 = arith.cmpi sgt, %squeeze3A_4056, %sign3A_4059 : i32
      %sign3A_4061 = arith.extui %sign3A_4060 : i1 to i32
      %sign3A_4062 = arith.constant 0 : i32
      %sign3A_4063 = arith.cmpi slt, %squeeze3A_4056, %sign3A_4062 : i32
      %sign3A_4064 = arith.extui %sign3A_4063 : i1 to i32
      %sign3A_4065 = arith.subi %sign3A_4061, %sign3A_4064 : i32
      %sign3A_4066 = arith.constant 0 : i32
      %sign3A_4067 = arith.cmpi sgt, %jit3A_4057, %sign3A_4066 : i32
      %sign3A_4068 = arith.extui %sign3A_4067 : i1 to i32
      %sign3A_4069 = arith.constant 0 : i32
      %sign3A_4070 = arith.cmpi slt, %jit3A_4057, %sign3A_4069 : i32
      %sign3A_4071 = arith.extui %sign3A_4070 : i1 to i32
      %sign3A_4072 = arith.subi %sign3A_4068, %sign3A_4071 : i32
      %ne3A_4073 = arith.cmpi ne, %sign3A_4065, %sign3A_4072 : i32
      %rem3A_4074 = arith.remsi %squeeze3A_4056, %jit3A_4057 : i32
      %ne3A_4075 = arith.constant 0 : i32
      %ne3A_4076 = arith.cmpi ne, %rem3A_4074, %ne3A_4075 : i32
      %and3A_4077 = arith.andi %ne3A_4073, %ne3A_4076 : i1
      %sub3A_4078 = arith.constant 1 : i32
      %sub3A_4079 = arith.subi %div3A_4058, %sub3A_4078 : i32
      %select_n3A_4080 = arith.select %and3A_4077, %sub3A_4079, %div3A_4058 : i32
      %mul3A_4081 = arith.constant 128 : i32
      %mul3A_4082 = arith.muli %select_n3A_4080, %mul3A_4081 : i32
      %multiple_of3A_4083 = tpu.assume_multiple %mul3A_4082, 128 : i32
      %dma_start3A_4084 = arith.constant 2 : i32
      %dma_start3A_4085 = arith.constant 0 : i32
      %dma_start3A_4086 = arith.constant 0 : i32
      %dma_start3A_4087 = tpu.memref_slice %arg10[%dma_start3A_4084, %dma_start3A_4085, %dma_start3A_4086] : memref<8x32x128xf32, #tpu.memory_space<vmem>> -> memref<1x32x128xf32, #tpu.memory_space<vmem>>
      %dma_start3A_4088 = tpu.memref_squeeze %dma_start3A_4087 : memref<1x32x128xf32, #tpu.memory_space<vmem>> -> memref<32x128xf32, #tpu.memory_space<vmem>>
      %dma_start3A_4089 = arith.constant 0 : i32
      %dma_start3A_4090 = tpu.memref_slice %arg5[%dma_start3A_4089, %multiple_of3A_4083] : memref<32x1000000xf32, #tpu.memory_space<hbm>> -> memref<32x128xf32, #tpu.memory_space<hbm>>
      %dma_start3A_4091 = arith.constant 0 : i32
      %dma_start3A_4092 = arith.constant 0 : i32
      %dma_start3A_4093 = tpu.memref_slice %arg10[%dma_start3A_4084, %dma_start3A_4091, %dma_start3A_4092] : memref<8x32x128xf32, #tpu.memory_space<vmem>> -> memref<1x32x128xf32, #tpu.memory_space<vmem>>
      %dma_start3A_4094 = tpu.memref_squeeze %dma_start3A_4093 : memref<1x32x128xf32, #tpu.memory_space<vmem>> -> memref<32x128xf32, #tpu.memory_space<vmem>>
      %dma_start3A_4095 = arith.constant 0 : i32
      %dma_start3A_4096 = tpu.memref_slice %arg5[%dma_start3A_4095, %multiple_of3A_4083] : memref<32x1000000xf32, #tpu.memory_space<hbm>> -> memref<32x128xf32, #tpu.memory_space<hbm>>
      tpu.enqueue_dma source(%dma_start3A_4096 : memref<32x128xf32, #tpu.memory_space<hbm>>) target(%dma_start3A_4094 : memref<32x128xf32, #tpu.memory_space<vmem>>) target_semaphore(%arg13 : memref<!tpu.dma_semaphore, #tpu.memory_space<semaphore_mem>>)
      %mul3A_4097 = arith.mulf %gather3A_3994, %gather3A_4006 : vector<16xf32>
      %mul3A_4098 = arith.mulf %gather3A_4000, %gather3A_4012 : vector<16xf32>
      %add3A_4099 = arith.addf %mul3A_4097, %mul3A_4098 : vector<16xf32>
      %reduce_sum3A_4100 = arith.constant true
      %reduce_sum3A_4101 = vector.broadcast %reduce_sum3A_4100 : i1 to vector<16xi1>
      %reduce_sum3A_4102 = tpu.scan <sum>, %add3A_4099 masked %reduce_sum3A_4101 : vector<16xf32>, vector<16xi1> -> vector<16xf32>
      %reduce_sum3A_4103 = vector.extract %reduce_sum3A_4102[15] : f32 from vector<16xf32>
      %mul3A_4104 = vector.broadcast %reduce_sum3A_4103 : f32 to vector<16xf32>
      %mul3A_4105 = arith.mulf %mul3A_4104, %convert_element_type3A_738 : vector<16xf32>
      %add3A_4106 = arith.addf %add3A_3866, %mul3A_4105 : vector<16xf32>
      %slice3A_4107 = vector.extract_strided_slice %get3A_1451 {offsets = [11], sizes = [1], strides = [1]} : vector<16xi32> to vector<1xi32>
      %squeeze3A_4108 = vector.extract %slice3A_4107[0] : i32 from vector<1xi32>
      %jit3A_4109 = arith.constant 128 : i32
      %div3A_4110 = arith.divsi %squeeze3A_4108, %jit3A_4109 : i32
      %sign3A_4111 = arith.constant 0 : i32
      %sign3A_4112 = arith.cmpi sgt, %squeeze3A_4108, %sign3A_4111 : i32
      %sign3A_4113 = arith.extui %sign3A_4112 : i1 to i32
      %sign3A_4114 = arith.constant 0 : i32
      %sign3A_4115 = arith.cmpi slt, %squeeze3A_4108, %sign3A_4114 : i32
      %sign3A_4116 = arith.extui %sign3A_4115 : i1 to i32
      %sign3A_4117 = arith.subi %sign3A_4113, %sign3A_4116 : i32
      %sign3A_4118 = arith.constant 0 : i32
      %sign3A_4119 = arith.cmpi sgt, %jit3A_4109, %sign3A_4118 : i32
      %sign3A_4120 = arith.extui %sign3A_4119 : i1 to i32
      %sign3A_4121 = arith.constant 0 : i32
      %sign3A_4122 = arith.cmpi slt, %jit3A_4109, %sign3A_4121 : i32
      %sign3A_4123 = arith.extui %sign3A_4122 : i1 to i32
      %sign3A_4124 = arith.subi %sign3A_4120, %sign3A_4123 : i32
      %ne3A_4125 = arith.cmpi ne, %sign3A_4117, %sign3A_4124 : i32
      %rem3A_4126 = arith.remsi %squeeze3A_4108, %jit3A_4109 : i32
      %ne3A_4127 = arith.constant 0 : i32
      %ne3A_4128 = arith.cmpi ne, %rem3A_4126, %ne3A_4127 : i32
      %and3A_4129 = arith.andi %ne3A_4125, %ne3A_4128 : i1
      %sub3A_4130 = arith.constant 1 : i32
      %sub3A_4131 = arith.subi %div3A_4110, %sub3A_4130 : i32
      %select_n3A_4132 = arith.select %and3A_4129, %sub3A_4131, %div3A_4110 : i32
      %mul3A_4133 = arith.constant 128 : i32
      %mul3A_4134 = arith.muli %select_n3A_4132, %mul3A_4133 : i32
      %multiple_of3A_4135 = tpu.assume_multiple %mul3A_4134, 128 : i32
      %dma_wait3A_4136 = arith.constant 3 : i32
      %dma_wait3A_4137 = arith.constant 0 : i32
      %dma_wait3A_4138 = arith.constant 0 : i32
      %dma_wait3A_4139 = tpu.memref_slice %arg9[%dma_wait3A_4136, %dma_wait3A_4137, %dma_wait3A_4138] : memref<8x32x128xf32, #tpu.memory_space<vmem>> -> memref<1x32x128xf32, #tpu.memory_space<vmem>>
      %dma_wait3A_4140 = tpu.memref_squeeze %dma_wait3A_4139 : memref<1x32x128xf32, #tpu.memory_space<vmem>> -> memref<32x128xf32, #tpu.memory_space<vmem>>
      %dma_wait3A_4141 = arith.constant 0 : i32
      %dma_wait3A_4142 = tpu.memref_slice %arg4[%dma_wait3A_4141, %multiple_of3A_4135] : memref<32x1000000xf32, #tpu.memory_space<hbm>> -> memref<32x128xf32, #tpu.memory_space<hbm>>
      %dma_wait3A_4143 = arith.constant 0 : i32
      %dma_wait3A_4144 = arith.constant 0 : i32
      %dma_wait3A_4145 = tpu.memref_slice %arg9[%dma_wait3A_4136, %dma_wait3A_4143, %dma_wait3A_4144] : memref<8x32x128xf32, #tpu.memory_space<vmem>> -> memref<1x32x128xf32, #tpu.memory_space<vmem>>
      %dma_wait3A_4146 = tpu.memref_squeeze %dma_wait3A_4145 : memref<1x32x128xf32, #tpu.memory_space<vmem>> -> memref<32x128xf32, #tpu.memory_space<vmem>>
      %dma_wait3A_4147 = arith.constant 0 : i32
      %dma_wait3A_4148 = tpu.memref_slice %arg4[%dma_wait3A_4147, %multiple_of3A_4135] : memref<32x1000000xf32, #tpu.memory_space<hbm>> -> memref<32x128xf32, #tpu.memory_space<hbm>>
      tpu.wait_dma2 semaphore(%arg12 : memref<!tpu.dma_semaphore, #tpu.memory_space<semaphore_mem>>) src(%dma_wait3A_4148 : memref<32x128xf32, #tpu.memory_space<hbm>>) dst(%dma_wait3A_4146 : memref<32x128xf32, #tpu.memory_space<vmem>>)
      %slice3A_4149 = vector.extract_strided_slice %get3A_1455 {offsets = [11], sizes = [1], strides = [1]} : vector<16xi32> to vector<1xi32>
      %squeeze3A_4150 = vector.extract %slice3A_4149[0] : i32 from vector<1xi32>
      %jit3A_4151 = arith.constant 128 : i32
      %div3A_4152 = arith.divsi %squeeze3A_4150, %jit3A_4151 : i32
      %sign3A_4153 = arith.constant 0 : i32
      %sign3A_4154 = arith.cmpi sgt, %squeeze3A_4150, %sign3A_4153 : i32
      %sign3A_4155 = arith.extui %sign3A_4154 : i1 to i32
      %sign3A_4156 = arith.constant 0 : i32
      %sign3A_4157 = arith.cmpi slt, %squeeze3A_4150, %sign3A_4156 : i32
      %sign3A_4158 = arith.extui %sign3A_4157 : i1 to i32
      %sign3A_4159 = arith.subi %sign3A_4155, %sign3A_4158 : i32
      %sign3A_4160 = arith.constant 0 : i32
      %sign3A_4161 = arith.cmpi sgt, %jit3A_4151, %sign3A_4160 : i32
      %sign3A_4162 = arith.extui %sign3A_4161 : i1 to i32
      %sign3A_4163 = arith.constant 0 : i32
      %sign3A_4164 = arith.cmpi slt, %jit3A_4151, %sign3A_4163 : i32
      %sign3A_4165 = arith.extui %sign3A_4164 : i1 to i32
      %sign3A_4166 = arith.subi %sign3A_4162, %sign3A_4165 : i32
      %ne3A_4167 = arith.cmpi ne, %sign3A_4159, %sign3A_4166 : i32
      %rem3A_4168 = arith.remsi %squeeze3A_4150, %jit3A_4151 : i32
      %ne3A_4169 = arith.constant 0 : i32
      %ne3A_4170 = arith.cmpi ne, %rem3A_4168, %ne3A_4169 : i32
      %and3A_4171 = arith.andi %ne3A_4167, %ne3A_4170 : i1
      %sub3A_4172 = arith.constant 1 : i32
      %sub3A_4173 = arith.subi %div3A_4152, %sub3A_4172 : i32
      %select_n3A_4174 = arith.select %and3A_4171, %sub3A_4173, %div3A_4152 : i32
      %mul3A_4175 = arith.constant 128 : i32
      %mul3A_4176 = arith.muli %select_n3A_4174, %mul3A_4175 : i32
      %multiple_of3A_4177 = tpu.assume_multiple %mul3A_4176, 128 : i32
      %dma_wait3A_4178 = arith.constant 3 : i32
      %dma_wait3A_4179 = arith.constant 0 : i32
      %dma_wait3A_4180 = arith.constant 0 : i32
      %dma_wait3A_4181 = tpu.memref_slice %arg10[%dma_wait3A_4178, %dma_wait3A_4179, %dma_wait3A_4180] : memref<8x32x128xf32, #tpu.memory_space<vmem>> -> memref<1x32x128xf32, #tpu.memory_space<vmem>>
      %dma_wait3A_4182 = tpu.memref_squeeze %dma_wait3A_4181 : memref<1x32x128xf32, #tpu.memory_space<vmem>> -> memref<32x128xf32, #tpu.memory_space<vmem>>
      %dma_wait3A_4183 = arith.constant 0 : i32
      %dma_wait3A_4184 = tpu.memref_slice %arg5[%dma_wait3A_4183, %multiple_of3A_4177] : memref<32x1000000xf32, #tpu.memory_space<hbm>> -> memref<32x128xf32, #tpu.memory_space<hbm>>
      %dma_wait3A_4185 = arith.constant 0 : i32
      %dma_wait3A_4186 = arith.constant 0 : i32
      %dma_wait3A_4187 = tpu.memref_slice %arg10[%dma_wait3A_4178, %dma_wait3A_4185, %dma_wait3A_4186] : memref<8x32x128xf32, #tpu.memory_space<vmem>> -> memref<1x32x128xf32, #tpu.memory_space<vmem>>
      %dma_wait3A_4188 = tpu.memref_squeeze %dma_wait3A_4187 : memref<1x32x128xf32, #tpu.memory_space<vmem>> -> memref<32x128xf32, #tpu.memory_space<vmem>>
      %dma_wait3A_4189 = arith.constant 0 : i32
      %dma_wait3A_4190 = tpu.memref_slice %arg5[%dma_wait3A_4189, %multiple_of3A_4177] : memref<32x1000000xf32, #tpu.memory_space<hbm>> -> memref<32x128xf32, #tpu.memory_space<hbm>>
      tpu.wait_dma2 semaphore(%arg13 : memref<!tpu.dma_semaphore, #tpu.memory_space<semaphore_mem>>) src(%dma_wait3A_4190 : memref<32x128xf32, #tpu.memory_space<hbm>>) dst(%dma_wait3A_4188 : memref<32x128xf32, #tpu.memory_space<vmem>>)
      %slice3A_4191 = vector.extract_strided_slice %get3A_1451 {offsets = [11], sizes = [1], strides = [1]} : vector<16xi32> to vector<1xi32>
      %squeeze3A_4192 = vector.extract %slice3A_4191[0] : i32 from vector<1xi32>
      %jit3A_4193 = arith.constant 128 : i32
      %eq3A_4194 = arith.constant 0 : i32
      %eq3A_4195 = arith.cmpi eq, %jit3A_4193, %eq3A_4194 : i32
      %jit3A_4196 = arith.constant 1 : i32
      %select_n3A_4197 = arith.select %eq3A_4195, %jit3A_4196, %jit3A_4193 : i32
      %rem3A_4198 = arith.remsi %squeeze3A_4192, %select_n3A_4197 : i32
      %ne3A_4199 = arith.constant 0 : i32
      %ne3A_4200 = arith.cmpi ne, %rem3A_4198, %ne3A_4199 : i32
      %lt3A_4201 = arith.constant 0 : i32
      %lt3A_4202 = arith.cmpi slt, %rem3A_4198, %lt3A_4201 : i32
      %lt3A_4203 = arith.constant 0 : i32
      %lt3A_4204 = arith.cmpi slt, %select_n3A_4197, %lt3A_4203 : i32
      %ne3A_4205 = arith.xori %lt3A_4202, %lt3A_4204 : i1
      %and3A_4206 = arith.andi %ne3A_4205, %ne3A_4200 : i1
      %add3A_4207 = arith.addi %rem3A_4198, %select_n3A_4197 : i32
      %select_n3A_4208 = arith.select %and3A_4206, %add3A_4207, %rem3A_4198 : i32
      %broadcast_in_dim3A_4209 = vector.broadcast %select_n3A_4208 : i32 to vector<16xi32>
      %slice3A_4210 = vector.extract_strided_slice %get3A_1455 {offsets = [11], sizes = [1], strides = [1]} : vector<16xi32> to vector<1xi32>
      %squeeze3A_4211 = vector.extract %slice3A_4210[0] : i32 from vector<1xi32>
      %jit3A_4212 = arith.constant 128 : i32
      %eq3A_4213 = arith.constant 0 : i32
      %eq3A_4214 = arith.cmpi eq, %jit3A_4212, %eq3A_4213 : i32
      %jit3A_4215 = arith.constant 1 : i32
      %select_n3A_4216 = arith.select %eq3A_4214, %jit3A_4215, %jit3A_4212 : i32
      %rem3A_4217 = arith.remsi %squeeze3A_4211, %select_n3A_4216 : i32
      %ne3A_4218 = arith.constant 0 : i32
      %ne3A_4219 = arith.cmpi ne, %rem3A_4217, %ne3A_4218 : i32
      %lt3A_4220 = arith.constant 0 : i32
      %lt3A_4221 = arith.cmpi slt, %rem3A_4217, %lt3A_4220 : i32
      %lt3A_4222 = arith.constant 0 : i32
      %lt3A_4223 = arith.cmpi slt, %select_n3A_4216, %lt3A_4222 : i32
      %ne3A_4224 = arith.xori %lt3A_4221, %lt3A_4223 : i1
      %and3A_4225 = arith.andi %ne3A_4224, %ne3A_4219 : i1
      %add3A_4226 = arith.addi %rem3A_4217, %select_n3A_4216 : i32
      %select_n3A_4227 = arith.select %and3A_4225, %add3A_4226, %rem3A_4217 : i32
      %broadcast_in_dim3A_4228 = vector.broadcast %select_n3A_4227 : i32 to vector<16xi32>
      %gather3A_4229 = arith.constant 3 : i32
      %gather3A_4230 = arith.constant 0 : i32
      %gather3A_4231 = arith.constant 0 : i32
      %gather3A_4232 = tpu.memref_slice %arg9[%gather3A_4229, %gather3A_4230, %gather3A_4231] : memref<8x32x128xf32, #tpu.memory_space<vmem>> -> memref<1x32x128xf32, #tpu.memory_space<vmem>>
      %gather3A_4233 = tpu.memref_squeeze %gather3A_4232 : memref<1x32x128xf32, #tpu.memory_space<vmem>> -> memref<32x128xf32, #tpu.memory_space<vmem>>
      %gather3A_4234 = tpu.vector_load_idx %gather3A_4233[%iota3A, %broadcast_in_dim3A_4209] : memref<32x128xf32, #tpu.memory_space<vmem>>[vector<16xi32>, vector<16xi32>], vector<16xf32>,
      %gather3A_4235 = arith.constant 3 : i32
      %gather3A_4236 = arith.constant 0 : i32
      %gather3A_4237 = arith.constant 0 : i32
      %gather3A_4238 = tpu.memref_slice %arg9[%gather3A_4235, %gather3A_4236, %gather3A_4237] : memref<8x32x128xf32, #tpu.memory_space<vmem>> -> memref<1x32x128xf32, #tpu.memory_space<vmem>>
      %gather3A_4239 = tpu.memref_squeeze %gather3A_4238 : memref<1x32x128xf32, #tpu.memory_space<vmem>> -> memref<32x128xf32, #tpu.memory_space<vmem>>
      %gather3A_4240 = tpu.vector_load_idx %gather3A_4239[%add3A_11, %broadcast_in_dim3A_4209] : memref<32x128xf32, #tpu.memory_space<vmem>>[vector<16xi32>, vector<16xi32>], vector<16xf32>,
      %gather3A_4241 = arith.constant 3 : i32
      %gather3A_4242 = arith.constant 0 : i32
      %gather3A_4243 = arith.constant 0 : i32
      %gather3A_4244 = tpu.memref_slice %arg10[%gather3A_4241, %gather3A_4242, %gather3A_4243] : memref<8x32x128xf32, #tpu.memory_space<vmem>> -> memref<1x32x128xf32, #tpu.memory_space<vmem>>
      %gather3A_4245 = tpu.memref_squeeze %gather3A_4244 : memref<1x32x128xf32, #tpu.memory_space<vmem>> -> memref<32x128xf32, #tpu.memory_space<vmem>>
      %gather3A_4246 = tpu.vector_load_idx %gather3A_4245[%iota3A, %broadcast_in_dim3A_4228] : memref<32x128xf32, #tpu.memory_space<vmem>>[vector<16xi32>, vector<16xi32>], vector<16xf32>,
      %gather3A_4247 = arith.constant 3 : i32
      %gather3A_4248 = arith.constant 0 : i32
      %gather3A_4249 = arith.constant 0 : i32
      %gather3A_4250 = tpu.memref_slice %arg10[%gather3A_4247, %gather3A_4248, %gather3A_4249] : memref<8x32x128xf32, #tpu.memory_space<vmem>> -> memref<1x32x128xf32, #tpu.memory_space<vmem>>
      %gather3A_4251 = tpu.memref_squeeze %gather3A_4250 : memref<1x32x128xf32, #tpu.memory_space<vmem>> -> memref<32x128xf32, #tpu.memory_space<vmem>>
      %gather3A_4252 = tpu.vector_load_idx %gather3A_4251[%add3A_11, %broadcast_in_dim3A_4228] : memref<32x128xf32, #tpu.memory_space<vmem>>[vector<16xi32>, vector<16xi32>], vector<16xf32>,
      %slice3A_4253 = vector.extract_strided_slice %get3A_1461 {offsets = [11], sizes = [1], strides = [1]} : vector<16xi32> to vector<1xi32>
      %squeeze3A_4254 = vector.extract %slice3A_4253[0] : i32 from vector<1xi32>
      %jit3A_4255 = arith.constant 128 : i32
      %div3A_4256 = arith.divsi %squeeze3A_4254, %jit3A_4255 : i32
      %sign3A_4257 = arith.constant 0 : i32
      %sign3A_4258 = arith.cmpi sgt, %squeeze3A_4254, %sign3A_4257 : i32
      %sign3A_4259 = arith.extui %sign3A_4258 : i1 to i32
      %sign3A_4260 = arith.constant 0 : i32
      %sign3A_4261 = arith.cmpi slt, %squeeze3A_4254, %sign3A_4260 : i32
      %sign3A_4262 = arith.extui %sign3A_4261 : i1 to i32
      %sign3A_4263 = arith.subi %sign3A_4259, %sign3A_4262 : i32
      %sign3A_4264 = arith.constant 0 : i32
      %sign3A_4265 = arith.cmpi sgt, %jit3A_4255, %sign3A_4264 : i32
      %sign3A_4266 = arith.extui %sign3A_4265 : i1 to i32
      %sign3A_4267 = arith.constant 0 : i32
      %sign3A_4268 = arith.cmpi slt, %jit3A_4255, %sign3A_4267 : i32
      %sign3A_4269 = arith.extui %sign3A_4268 : i1 to i32
      %sign3A_4270 = arith.subi %sign3A_4266, %sign3A_4269 : i32
      %ne3A_4271 = arith.cmpi ne, %sign3A_4263, %sign3A_4270 : i32
      %rem3A_4272 = arith.remsi %squeeze3A_4254, %jit3A_4255 : i32
      %ne3A_4273 = arith.constant 0 : i32
      %ne3A_4274 = arith.cmpi ne, %rem3A_4272, %ne3A_4273 : i32
      %and3A_4275 = arith.andi %ne3A_4271, %ne3A_4274 : i1
      %sub3A_4276 = arith.constant 1 : i32
      %sub3A_4277 = arith.subi %div3A_4256, %sub3A_4276 : i32
      %select_n3A_4278 = arith.select %and3A_4275, %sub3A_4277, %div3A_4256 : i32
      %mul3A_4279 = arith.constant 128 : i32
      %mul3A_4280 = arith.muli %select_n3A_4278, %mul3A_4279 : i32
      %multiple_of3A_4281 = tpu.assume_multiple %mul3A_4280, 128 : i32
      %dma_start3A_4282 = arith.constant 3 : i32
      %dma_start3A_4283 = arith.constant 0 : i32
      %dma_start3A_4284 = arith.constant 0 : i32
      %dma_start3A_4285 = tpu.memref_slice %arg9[%dma_start3A_4282, %dma_start3A_4283, %dma_start3A_4284] : memref<8x32x128xf32, #tpu.memory_space<vmem>> -> memref<1x32x128xf32, #tpu.memory_space<vmem>>
      %dma_start3A_4286 = tpu.memref_squeeze %dma_start3A_4285 : memref<1x32x128xf32, #tpu.memory_space<vmem>> -> memref<32x128xf32, #tpu.memory_space<vmem>>
      %dma_start3A_4287 = arith.constant 0 : i32
      %dma_start3A_4288 = tpu.memref_slice %arg4[%dma_start3A_4287, %multiple_of3A_4281] : memref<32x1000000xf32, #tpu.memory_space<hbm>> -> memref<32x128xf32, #tpu.memory_space<hbm>>
      %dma_start3A_4289 = arith.constant 0 : i32
      %dma_start3A_4290 = arith.constant 0 : i32
      %dma_start3A_4291 = tpu.memref_slice %arg9[%dma_start3A_4282, %dma_start3A_4289, %dma_start3A_4290] : memref<8x32x128xf32, #tpu.memory_space<vmem>> -> memref<1x32x128xf32, #tpu.memory_space<vmem>>
      %dma_start3A_4292 = tpu.memref_squeeze %dma_start3A_4291 : memref<1x32x128xf32, #tpu.memory_space<vmem>> -> memref<32x128xf32, #tpu.memory_space<vmem>>
      %dma_start3A_4293 = arith.constant 0 : i32
      %dma_start3A_4294 = tpu.memref_slice %arg4[%dma_start3A_4293, %multiple_of3A_4281] : memref<32x1000000xf32, #tpu.memory_space<hbm>> -> memref<32x128xf32, #tpu.memory_space<hbm>>
      tpu.enqueue_dma source(%dma_start3A_4294 : memref<32x128xf32, #tpu.memory_space<hbm>>) target(%dma_start3A_4292 : memref<32x128xf32, #tpu.memory_space<vmem>>) target_semaphore(%arg12 : memref<!tpu.dma_semaphore, #tpu.memory_space<semaphore_mem>>)
      %slice3A_4295 = vector.extract_strided_slice %get3A_1467 {offsets = [11], sizes = [1], strides = [1]} : vector<16xi32> to vector<1xi32>
      %squeeze3A_4296 = vector.extract %slice3A_4295[0] : i32 from vector<1xi32>
      %jit3A_4297 = arith.constant 128 : i32
      %div3A_4298 = arith.divsi %squeeze3A_4296, %jit3A_4297 : i32
      %sign3A_4299 = arith.constant 0 : i32
      %sign3A_4300 = arith.cmpi sgt, %squeeze3A_4296, %sign3A_4299 : i32
      %sign3A_4301 = arith.extui %sign3A_4300 : i1 to i32
      %sign3A_4302 = arith.constant 0 : i32
      %sign3A_4303 = arith.cmpi slt, %squeeze3A_4296, %sign3A_4302 : i32
      %sign3A_4304 = arith.extui %sign3A_4303 : i1 to i32
      %sign3A_4305 = arith.subi %sign3A_4301, %sign3A_4304 : i32
      %sign3A_4306 = arith.constant 0 : i32
      %sign3A_4307 = arith.cmpi sgt, %jit3A_4297, %sign3A_4306 : i32
      %sign3A_4308 = arith.extui %sign3A_4307 : i1 to i32
      %sign3A_4309 = arith.constant 0 : i32
      %sign3A_4310 = arith.cmpi slt, %jit3A_4297, %sign3A_4309 : i32
      %sign3A_4311 = arith.extui %sign3A_4310 : i1 to i32
      %sign3A_4312 = arith.subi %sign3A_4308, %sign3A_4311 : i32
      %ne3A_4313 = arith.cmpi ne, %sign3A_4305, %sign3A_4312 : i32
      %rem3A_4314 = arith.remsi %squeeze3A_4296, %jit3A_4297 : i32
      %ne3A_4315 = arith.constant 0 : i32
      %ne3A_4316 = arith.cmpi ne, %rem3A_4314, %ne3A_4315 : i32
      %and3A_4317 = arith.andi %ne3A_4313, %ne3A_4316 : i1
      %sub3A_4318 = arith.constant 1 : i32
      %sub3A_4319 = arith.subi %div3A_4298, %sub3A_4318 : i32
      %select_n3A_4320 = arith.select %and3A_4317, %sub3A_4319, %div3A_4298 : i32
      %mul3A_4321 = arith.constant 128 : i32
      %mul3A_4322 = arith.muli %select_n3A_4320, %mul3A_4321 : i32
      %multiple_of3A_4323 = tpu.assume_multiple %mul3A_4322, 128 : i32
      %dma_start3A_4324 = arith.constant 3 : i32
      %dma_start3A_4325 = arith.constant 0 : i32
      %dma_start3A_4326 = arith.constant 0 : i32
      %dma_start3A_4327 = tpu.memref_slice %arg10[%dma_start3A_4324, %dma_start3A_4325, %dma_start3A_4326] : memref<8x32x128xf32, #tpu.memory_space<vmem>> -> memref<1x32x128xf32, #tpu.memory_space<vmem>>
      %dma_start3A_4328 = tpu.memref_squeeze %dma_start3A_4327 : memref<1x32x128xf32, #tpu.memory_space<vmem>> -> memref<32x128xf32, #tpu.memory_space<vmem>>
      %dma_start3A_4329 = arith.constant 0 : i32
      %dma_start3A_4330 = tpu.memref_slice %arg5[%dma_start3A_4329, %multiple_of3A_4323] : memref<32x1000000xf32, #tpu.memory_space<hbm>> -> memref<32x128xf32, #tpu.memory_space<hbm>>
      %dma_start3A_4331 = arith.constant 0 : i32
      %dma_start3A_4332 = arith.constant 0 : i32
      %dma_start3A_4333 = tpu.memref_slice %arg10[%dma_start3A_4324, %dma_start3A_4331, %dma_start3A_4332] : memref<8x32x128xf32, #tpu.memory_space<vmem>> -> memref<1x32x128xf32, #tpu.memory_space<vmem>>
      %dma_start3A_4334 = tpu.memref_squeeze %dma_start3A_4333 : memref<1x32x128xf32, #tpu.memory_space<vmem>> -> memref<32x128xf32, #tpu.memory_space<vmem>>
      %dma_start3A_4335 = arith.constant 0 : i32
      %dma_start3A_4336 = tpu.memref_slice %arg5[%dma_start3A_4335, %multiple_of3A_4323] : memref<32x1000000xf32, #tpu.memory_space<hbm>> -> memref<32x128xf32, #tpu.memory_space<hbm>>
      tpu.enqueue_dma source(%dma_start3A_4336 : memref<32x128xf32, #tpu.memory_space<hbm>>) target(%dma_start3A_4334 : memref<32x128xf32, #tpu.memory_space<vmem>>) target_semaphore(%arg13 : memref<!tpu.dma_semaphore, #tpu.memory_space<semaphore_mem>>)
      %mul3A_4337 = arith.mulf %gather3A_4234, %gather3A_4246 : vector<16xf32>
      %mul3A_4338 = arith.mulf %gather3A_4240, %gather3A_4252 : vector<16xf32>
      %add3A_4339 = arith.addf %mul3A_4337, %mul3A_4338 : vector<16xf32>
      %reduce_sum3A_4340 = arith.constant true
      %reduce_sum3A_4341 = vector.broadcast %reduce_sum3A_4340 : i1 to vector<16xi1>
      %reduce_sum3A_4342 = tpu.scan <sum>, %add3A_4339 masked %reduce_sum3A_4341 : vector<16xf32>, vector<16xi1> -> vector<16xf32>
      %reduce_sum3A_4343 = vector.extract %reduce_sum3A_4342[15] : f32 from vector<16xf32>
      %mul3A_4344 = vector.broadcast %reduce_sum3A_4343 : f32 to vector<16xf32>
      %mul3A_4345 = arith.mulf %mul3A_4344, %convert_element_type3A_744 : vector<16xf32>
      %add3A_4346 = arith.addf %add3A_4106, %mul3A_4345 : vector<16xf32>
      %slice3A_4347 = vector.extract_strided_slice %get3A_1451 {offsets = [12], sizes = [1], strides = [1]} : vector<16xi32> to vector<1xi32>
      %squeeze3A_4348 = vector.extract %slice3A_4347[0] : i32 from vector<1xi32>
      %jit3A_4349 = arith.constant 128 : i32
      %div3A_4350 = arith.divsi %squeeze3A_4348, %jit3A_4349 : i32
      %sign3A_4351 = arith.constant 0 : i32
      %sign3A_4352 = arith.cmpi sgt, %squeeze3A_4348, %sign3A_4351 : i32
      %sign3A_4353 = arith.extui %sign3A_4352 : i1 to i32
      %sign3A_4354 = arith.constant 0 : i32
      %sign3A_4355 = arith.cmpi slt, %squeeze3A_4348, %sign3A_4354 : i32
      %sign3A_4356 = arith.extui %sign3A_4355 : i1 to i32
      %sign3A_4357 = arith.subi %sign3A_4353, %sign3A_4356 : i32
      %sign3A_4358 = arith.constant 0 : i32
      %sign3A_4359 = arith.cmpi sgt, %jit3A_4349, %sign3A_4358 : i32
      %sign3A_4360 = arith.extui %sign3A_4359 : i1 to i32
      %sign3A_4361 = arith.constant 0 : i32
      %sign3A_4362 = arith.cmpi slt, %jit3A_4349, %sign3A_4361 : i32
      %sign3A_4363 = arith.extui %sign3A_4362 : i1 to i32
      %sign3A_4364 = arith.subi %sign3A_4360, %sign3A_4363 : i32
      %ne3A_4365 = arith.cmpi ne, %sign3A_4357, %sign3A_4364 : i32
      %rem3A_4366 = arith.remsi %squeeze3A_4348, %jit3A_4349 : i32
      %ne3A_4367 = arith.constant 0 : i32
      %ne3A_4368 = arith.cmpi ne, %rem3A_4366, %ne3A_4367 : i32
      %and3A_4369 = arith.andi %ne3A_4365, %ne3A_4368 : i1
      %sub3A_4370 = arith.constant 1 : i32
      %sub3A_4371 = arith.subi %div3A_4350, %sub3A_4370 : i32
      %select_n3A_4372 = arith.select %and3A_4369, %sub3A_4371, %div3A_4350 : i32
      %mul3A_4373 = arith.constant 128 : i32
      %mul3A_4374 = arith.muli %select_n3A_4372, %mul3A_4373 : i32
      %multiple_of3A_4375 = tpu.assume_multiple %mul3A_4374, 128 : i32
      %dma_wait3A_4376 = arith.constant 4 : i32
      %dma_wait3A_4377 = arith.constant 0 : i32
      %dma_wait3A_4378 = arith.constant 0 : i32
      %dma_wait3A_4379 = tpu.memref_slice %arg9[%dma_wait3A_4376, %dma_wait3A_4377, %dma_wait3A_4378] : memref<8x32x128xf32, #tpu.memory_space<vmem>> -> memref<1x32x128xf32, #tpu.memory_space<vmem>>
      %dma_wait3A_4380 = tpu.memref_squeeze %dma_wait3A_4379 : memref<1x32x128xf32, #tpu.memory_space<vmem>> -> memref<32x128xf32, #tpu.memory_space<vmem>>
      %dma_wait3A_4381 = arith.constant 0 : i32
      %dma_wait3A_4382 = tpu.memref_slice %arg4[%dma_wait3A_4381, %multiple_of3A_4375] : memref<32x1000000xf32, #tpu.memory_space<hbm>> -> memref<32x128xf32, #tpu.memory_space<hbm>>
      %dma_wait3A_4383 = arith.constant 0 : i32
      %dma_wait3A_4384 = arith.constant 0 : i32
      %dma_wait3A_4385 = tpu.memref_slice %arg9[%dma_wait3A_4376, %dma_wait3A_4383, %dma_wait3A_4384] : memref<8x32x128xf32, #tpu.memory_space<vmem>> -> memref<1x32x128xf32, #tpu.memory_space<vmem>>
      %dma_wait3A_4386 = tpu.memref_squeeze %dma_wait3A_4385 : memref<1x32x128xf32, #tpu.memory_space<vmem>> -> memref<32x128xf32, #tpu.memory_space<vmem>>
      %dma_wait3A_4387 = arith.constant 0 : i32
      %dma_wait3A_4388 = tpu.memref_slice %arg4[%dma_wait3A_4387, %multiple_of3A_4375] : memref<32x1000000xf32, #tpu.memory_space<hbm>> -> memref<32x128xf32, #tpu.memory_space<hbm>>
      tpu.wait_dma2 semaphore(%arg12 : memref<!tpu.dma_semaphore, #tpu.memory_space<semaphore_mem>>) src(%dma_wait3A_4388 : memref<32x128xf32, #tpu.memory_space<hbm>>) dst(%dma_wait3A_4386 : memref<32x128xf32, #tpu.memory_space<vmem>>)
      %slice3A_4389 = vector.extract_strided_slice %get3A_1455 {offsets = [12], sizes = [1], strides = [1]} : vector<16xi32> to vector<1xi32>
      %squeeze3A_4390 = vector.extract %slice3A_4389[0] : i32 from vector<1xi32>
      %jit3A_4391 = arith.constant 128 : i32
      %div3A_4392 = arith.divsi %squeeze3A_4390, %jit3A_4391 : i32
      %sign3A_4393 = arith.constant 0 : i32
      %sign3A_4394 = arith.cmpi sgt, %squeeze3A_4390, %sign3A_4393 : i32
      %sign3A_4395 = arith.extui %sign3A_4394 : i1 to i32
      %sign3A_4396 = arith.constant 0 : i32
      %sign3A_4397 = arith.cmpi slt, %squeeze3A_4390, %sign3A_4396 : i32
      %sign3A_4398 = arith.extui %sign3A_4397 : i1 to i32
      %sign3A_4399 = arith.subi %sign3A_4395, %sign3A_4398 : i32
      %sign3A_4400 = arith.constant 0 : i32
      %sign3A_4401 = arith.cmpi sgt, %jit3A_4391, %sign3A_4400 : i32
      %sign3A_4402 = arith.extui %sign3A_4401 : i1 to i32
      %sign3A_4403 = arith.constant 0 : i32
      %sign3A_4404 = arith.cmpi slt, %jit3A_4391, %sign3A_4403 : i32
      %sign3A_4405 = arith.extui %sign3A_4404 : i1 to i32
      %sign3A_4406 = arith.subi %sign3A_4402, %sign3A_4405 : i32
      %ne3A_4407 = arith.cmpi ne, %sign3A_4399, %sign3A_4406 : i32
      %rem3A_4408 = arith.remsi %squeeze3A_4390, %jit3A_4391 : i32
      %ne3A_4409 = arith.constant 0 : i32
      %ne3A_4410 = arith.cmpi ne, %rem3A_4408, %ne3A_4409 : i32
      %and3A_4411 = arith.andi %ne3A_4407, %ne3A_4410 : i1
      %sub3A_4412 = arith.constant 1 : i32
      %sub3A_4413 = arith.subi %div3A_4392, %sub3A_4412 : i32
      %select_n3A_4414 = arith.select %and3A_4411, %sub3A_4413, %div3A_4392 : i32
      %mul3A_4415 = arith.constant 128 : i32
      %mul3A_4416 = arith.muli %select_n3A_4414, %mul3A_4415 : i32
      %multiple_of3A_4417 = tpu.assume_multiple %mul3A_4416, 128 : i32
      %dma_wait3A_4418 = arith.constant 4 : i32
      %dma_wait3A_4419 = arith.constant 0 : i32
      %dma_wait3A_4420 = arith.constant 0 : i32
      %dma_wait3A_4421 = tpu.memref_slice %arg10[%dma_wait3A_4418, %dma_wait3A_4419, %dma_wait3A_4420] : memref<8x32x128xf32, #tpu.memory_space<vmem>> -> memref<1x32x128xf32, #tpu.memory_space<vmem>>
      %dma_wait3A_4422 = tpu.memref_squeeze %dma_wait3A_4421 : memref<1x32x128xf32, #tpu.memory_space<vmem>> -> memref<32x128xf32, #tpu.memory_space<vmem>>
      %dma_wait3A_4423 = arith.constant 0 : i32
      %dma_wait3A_4424 = tpu.memref_slice %arg5[%dma_wait3A_4423, %multiple_of3A_4417] : memref<32x1000000xf32, #tpu.memory_space<hbm>> -> memref<32x128xf32, #tpu.memory_space<hbm>>
      %dma_wait3A_4425 = arith.constant 0 : i32
      %dma_wait3A_4426 = arith.constant 0 : i32
      %dma_wait3A_4427 = tpu.memref_slice %arg10[%dma_wait3A_4418, %dma_wait3A_4425, %dma_wait3A_4426] : memref<8x32x128xf32, #tpu.memory_space<vmem>> -> memref<1x32x128xf32, #tpu.memory_space<vmem>>
      %dma_wait3A_4428 = tpu.memref_squeeze %dma_wait3A_4427 : memref<1x32x128xf32, #tpu.memory_space<vmem>> -> memref<32x128xf32, #tpu.memory_space<vmem>>
      %dma_wait3A_4429 = arith.constant 0 : i32
      %dma_wait3A_4430 = tpu.memref_slice %arg5[%dma_wait3A_4429, %multiple_of3A_4417] : memref<32x1000000xf32, #tpu.memory_space<hbm>> -> memref<32x128xf32, #tpu.memory_space<hbm>>
      tpu.wait_dma2 semaphore(%arg13 : memref<!tpu.dma_semaphore, #tpu.memory_space<semaphore_mem>>) src(%dma_wait3A_4430 : memref<32x128xf32, #tpu.memory_space<hbm>>) dst(%dma_wait3A_4428 : memref<32x128xf32, #tpu.memory_space<vmem>>)
      %slice3A_4431 = vector.extract_strided_slice %get3A_1451 {offsets = [12], sizes = [1], strides = [1]} : vector<16xi32> to vector<1xi32>
      %squeeze3A_4432 = vector.extract %slice3A_4431[0] : i32 from vector<1xi32>
      %jit3A_4433 = arith.constant 128 : i32
      %eq3A_4434 = arith.constant 0 : i32
      %eq3A_4435 = arith.cmpi eq, %jit3A_4433, %eq3A_4434 : i32
      %jit3A_4436 = arith.constant 1 : i32
      %select_n3A_4437 = arith.select %eq3A_4435, %jit3A_4436, %jit3A_4433 : i32
      %rem3A_4438 = arith.remsi %squeeze3A_4432, %select_n3A_4437 : i32
      %ne3A_4439 = arith.constant 0 : i32
      %ne3A_4440 = arith.cmpi ne, %rem3A_4438, %ne3A_4439 : i32
      %lt3A_4441 = arith.constant 0 : i32
      %lt3A_4442 = arith.cmpi slt, %rem3A_4438, %lt3A_4441 : i32
      %lt3A_4443 = arith.constant 0 : i32
      %lt3A_4444 = arith.cmpi slt, %select_n3A_4437, %lt3A_4443 : i32
      %ne3A_4445 = arith.xori %lt3A_4442, %lt3A_4444 : i1
      %and3A_4446 = arith.andi %ne3A_4445, %ne3A_4440 : i1
      %add3A_4447 = arith.addi %rem3A_4438, %select_n3A_4437 : i32
      %select_n3A_4448 = arith.select %and3A_4446, %add3A_4447, %rem3A_4438 : i32
      %broadcast_in_dim3A_4449 = vector.broadcast %select_n3A_4448 : i32 to vector<16xi32>
      %slice3A_4450 = vector.extract_strided_slice %get3A_1455 {offsets = [12], sizes = [1], strides = [1]} : vector<16xi32> to vector<1xi32>
      %squeeze3A_4451 = vector.extract %slice3A_4450[0] : i32 from vector<1xi32>
      %jit3A_4452 = arith.constant 128 : i32
      %eq3A_4453 = arith.constant 0 : i32
      %eq3A_4454 = arith.cmpi eq, %jit3A_4452, %eq3A_4453 : i32
      %jit3A_4455 = arith.constant 1 : i32
      %select_n3A_4456 = arith.select %eq3A_4454, %jit3A_4455, %jit3A_4452 : i32
      %rem3A_4457 = arith.remsi %squeeze3A_4451, %select_n3A_4456 : i32
      %ne3A_4458 = arith.constant 0 : i32
      %ne3A_4459 = arith.cmpi ne, %rem3A_4457, %ne3A_4458 : i32
      %lt3A_4460 = arith.constant 0 : i32
      %lt3A_4461 = arith.cmpi slt, %rem3A_4457, %lt3A_4460 : i32
      %lt3A_4462 = arith.constant 0 : i32
      %lt3A_4463 = arith.cmpi slt, %select_n3A_4456, %lt3A_4462 : i32
      %ne3A_4464 = arith.xori %lt3A_4461, %lt3A_4463 : i1
      %and3A_4465 = arith.andi %ne3A_4464, %ne3A_4459 : i1
      %add3A_4466 = arith.addi %rem3A_4457, %select_n3A_4456 : i32
      %select_n3A_4467 = arith.select %and3A_4465, %add3A_4466, %rem3A_4457 : i32
      %broadcast_in_dim3A_4468 = vector.broadcast %select_n3A_4467 : i32 to vector<16xi32>
      %gather3A_4469 = arith.constant 4 : i32
      %gather3A_4470 = arith.constant 0 : i32
      %gather3A_4471 = arith.constant 0 : i32
      %gather3A_4472 = tpu.memref_slice %arg9[%gather3A_4469, %gather3A_4470, %gather3A_4471] : memref<8x32x128xf32, #tpu.memory_space<vmem>> -> memref<1x32x128xf32, #tpu.memory_space<vmem>>
      %gather3A_4473 = tpu.memref_squeeze %gather3A_4472 : memref<1x32x128xf32, #tpu.memory_space<vmem>> -> memref<32x128xf32, #tpu.memory_space<vmem>>
      %gather3A_4474 = tpu.vector_load_idx %gather3A_4473[%iota3A, %broadcast_in_dim3A_4449] : memref<32x128xf32, #tpu.memory_space<vmem>>[vector<16xi32>, vector<16xi32>], vector<16xf32>,
      %gather3A_4475 = arith.constant 4 : i32
      %gather3A_4476 = arith.constant 0 : i32
      %gather3A_4477 = arith.constant 0 : i32
      %gather3A_4478 = tpu.memref_slice %arg9[%gather3A_4475, %gather3A_4476, %gather3A_4477] : memref<8x32x128xf32, #tpu.memory_space<vmem>> -> memref<1x32x128xf32, #tpu.memory_space<vmem>>
      %gather3A_4479 = tpu.memref_squeeze %gather3A_4478 : memref<1x32x128xf32, #tpu.memory_space<vmem>> -> memref<32x128xf32, #tpu.memory_space<vmem>>
      %gather3A_4480 = tpu.vector_load_idx %gather3A_4479[%add3A_11, %broadcast_in_dim3A_4449] : memref<32x128xf32, #tpu.memory_space<vmem>>[vector<16xi32>, vector<16xi32>], vector<16xf32>,
      %gather3A_4481 = arith.constant 4 : i32
      %gather3A_4482 = arith.constant 0 : i32
      %gather3A_4483 = arith.constant 0 : i32
      %gather3A_4484 = tpu.memref_slice %arg10[%gather3A_4481, %gather3A_4482, %gather3A_4483] : memref<8x32x128xf32, #tpu.memory_space<vmem>> -> memref<1x32x128xf32, #tpu.memory_space<vmem>>
      %gather3A_4485 = tpu.memref_squeeze %gather3A_4484 : memref<1x32x128xf32, #tpu.memory_space<vmem>> -> memref<32x128xf32, #tpu.memory_space<vmem>>
      %gather3A_4486 = tpu.vector_load_idx %gather3A_4485[%iota3A, %broadcast_in_dim3A_4468] : memref<32x128xf32, #tpu.memory_space<vmem>>[vector<16xi32>, vector<16xi32>], vector<16xf32>,
      %gather3A_4487 = arith.constant 4 : i32
      %gather3A_4488 = arith.constant 0 : i32
      %gather3A_4489 = arith.constant 0 : i32
      %gather3A_4490 = tpu.memref_slice %arg10[%gather3A_4487, %gather3A_4488, %gather3A_4489] : memref<8x32x128xf32, #tpu.memory_space<vmem>> -> memref<1x32x128xf32, #tpu.memory_space<vmem>>
      %gather3A_4491 = tpu.memref_squeeze %gather3A_4490 : memref<1x32x128xf32, #tpu.memory_space<vmem>> -> memref<32x128xf32, #tpu.memory_space<vmem>>
      %gather3A_4492 = tpu.vector_load_idx %gather3A_4491[%add3A_11, %broadcast_in_dim3A_4468] : memref<32x128xf32, #tpu.memory_space<vmem>>[vector<16xi32>, vector<16xi32>], vector<16xf32>,
      %slice3A_4493 = vector.extract_strided_slice %get3A_1461 {offsets = [12], sizes = [1], strides = [1]} : vector<16xi32> to vector<1xi32>
      %squeeze3A_4494 = vector.extract %slice3A_4493[0] : i32 from vector<1xi32>
      %jit3A_4495 = arith.constant 128 : i32
      %div3A_4496 = arith.divsi %squeeze3A_4494, %jit3A_4495 : i32
      %sign3A_4497 = arith.constant 0 : i32
      %sign3A_4498 = arith.cmpi sgt, %squeeze3A_4494, %sign3A_4497 : i32
      %sign3A_4499 = arith.extui %sign3A_4498 : i1 to i32
      %sign3A_4500 = arith.constant 0 : i32
      %sign3A_4501 = arith.cmpi slt, %squeeze3A_4494, %sign3A_4500 : i32
      %sign3A_4502 = arith.extui %sign3A_4501 : i1 to i32
      %sign3A_4503 = arith.subi %sign3A_4499, %sign3A_4502 : i32
      %sign3A_4504 = arith.constant 0 : i32
      %sign3A_4505 = arith.cmpi sgt, %jit3A_4495, %sign3A_4504 : i32
      %sign3A_4506 = arith.extui %sign3A_4505 : i1 to i32
      %sign3A_4507 = arith.constant 0 : i32
      %sign3A_4508 = arith.cmpi slt, %jit3A_4495, %sign3A_4507 : i32
      %sign3A_4509 = arith.extui %sign3A_4508 : i1 to i32
      %sign3A_4510 = arith.subi %sign3A_4506, %sign3A_4509 : i32
      %ne3A_4511 = arith.cmpi ne, %sign3A_4503, %sign3A_4510 : i32
      %rem3A_4512 = arith.remsi %squeeze3A_4494, %jit3A_4495 : i32
      %ne3A_4513 = arith.constant 0 : i32
      %ne3A_4514 = arith.cmpi ne, %rem3A_4512, %ne3A_4513 : i32
      %and3A_4515 = arith.andi %ne3A_4511, %ne3A_4514 : i1
      %sub3A_4516 = arith.constant 1 : i32
      %sub3A_4517 = arith.subi %div3A_4496, %sub3A_4516 : i32
      %select_n3A_4518 = arith.select %and3A_4515, %sub3A_4517, %div3A_4496 : i32
      %mul3A_4519 = arith.constant 128 : i32
      %mul3A_4520 = arith.muli %select_n3A_4518, %mul3A_4519 : i32
      %multiple_of3A_4521 = tpu.assume_multiple %mul3A_4520, 128 : i32
      %dma_start3A_4522 = arith.constant 4 : i32
      %dma_start3A_4523 = arith.constant 0 : i32
      %dma_start3A_4524 = arith.constant 0 : i32
      %dma_start3A_4525 = tpu.memref_slice %arg9[%dma_start3A_4522, %dma_start3A_4523, %dma_start3A_4524] : memref<8x32x128xf32, #tpu.memory_space<vmem>> -> memref<1x32x128xf32, #tpu.memory_space<vmem>>
      %dma_start3A_4526 = tpu.memref_squeeze %dma_start3A_4525 : memref<1x32x128xf32, #tpu.memory_space<vmem>> -> memref<32x128xf32, #tpu.memory_space<vmem>>
      %dma_start3A_4527 = arith.constant 0 : i32
      %dma_start3A_4528 = tpu.memref_slice %arg4[%dma_start3A_4527, %multiple_of3A_4521] : memref<32x1000000xf32, #tpu.memory_space<hbm>> -> memref<32x128xf32, #tpu.memory_space<hbm>>
      %dma_start3A_4529 = arith.constant 0 : i32
      %dma_start3A_4530 = arith.constant 0 : i32
      %dma_start3A_4531 = tpu.memref_slice %arg9[%dma_start3A_4522, %dma_start3A_4529, %dma_start3A_4530] : memref<8x32x128xf32, #tpu.memory_space<vmem>> -> memref<1x32x128xf32, #tpu.memory_space<vmem>>
      %dma_start3A_4532 = tpu.memref_squeeze %dma_start3A_4531 : memref<1x32x128xf32, #tpu.memory_space<vmem>> -> memref<32x128xf32, #tpu.memory_space<vmem>>
      %dma_start3A_4533 = arith.constant 0 : i32
      %dma_start3A_4534 = tpu.memref_slice %arg4[%dma_start3A_4533, %multiple_of3A_4521] : memref<32x1000000xf32, #tpu.memory_space<hbm>> -> memref<32x128xf32, #tpu.memory_space<hbm>>
      tpu.enqueue_dma source(%dma_start3A_4534 : memref<32x128xf32, #tpu.memory_space<hbm>>) target(%dma_start3A_4532 : memref<32x128xf32, #tpu.memory_space<vmem>>) target_semaphore(%arg12 : memref<!tpu.dma_semaphore, #tpu.memory_space<semaphore_mem>>)
      %slice3A_4535 = vector.extract_strided_slice %get3A_1467 {offsets = [12], sizes = [1], strides = [1]} : vector<16xi32> to vector<1xi32>
      %squeeze3A_4536 = vector.extract %slice3A_4535[0] : i32 from vector<1xi32>
      %jit3A_4537 = arith.constant 128 : i32
      %div3A_4538 = arith.divsi %squeeze3A_4536, %jit3A_4537 : i32
      %sign3A_4539 = arith.constant 0 : i32
      %sign3A_4540 = arith.cmpi sgt, %squeeze3A_4536, %sign3A_4539 : i32
      %sign3A_4541 = arith.extui %sign3A_4540 : i1 to i32
      %sign3A_4542 = arith.constant 0 : i32
      %sign3A_4543 = arith.cmpi slt, %squeeze3A_4536, %sign3A_4542 : i32
      %sign3A_4544 = arith.extui %sign3A_4543 : i1 to i32
      %sign3A_4545 = arith.subi %sign3A_4541, %sign3A_4544 : i32
      %sign3A_4546 = arith.constant 0 : i32
      %sign3A_4547 = arith.cmpi sgt, %jit3A_4537, %sign3A_4546 : i32
      %sign3A_4548 = arith.extui %sign3A_4547 : i1 to i32
      %sign3A_4549 = arith.constant 0 : i32
      %sign3A_4550 = arith.cmpi slt, %jit3A_4537, %sign3A_4549 : i32
      %sign3A_4551 = arith.extui %sign3A_4550 : i1 to i32
      %sign3A_4552 = arith.subi %sign3A_4548, %sign3A_4551 : i32
      %ne3A_4553 = arith.cmpi ne, %sign3A_4545, %sign3A_4552 : i32
      %rem3A_4554 = arith.remsi %squeeze3A_4536, %jit3A_4537 : i32
      %ne3A_4555 = arith.constant 0 : i32
      %ne3A_4556 = arith.cmpi ne, %rem3A_4554, %ne3A_4555 : i32
      %and3A_4557 = arith.andi %ne3A_4553, %ne3A_4556 : i1
      %sub3A_4558 = arith.constant 1 : i32
      %sub3A_4559 = arith.subi %div3A_4538, %sub3A_4558 : i32
      %select_n3A_4560 = arith.select %and3A_4557, %sub3A_4559, %div3A_4538 : i32
      %mul3A_4561 = arith.constant 128 : i32
      %mul3A_4562 = arith.muli %select_n3A_4560, %mul3A_4561 : i32
      %multiple_of3A_4563 = tpu.assume_multiple %mul3A_4562, 128 : i32
      %dma_start3A_4564 = arith.constant 4 : i32
      %dma_start3A_4565 = arith.constant 0 : i32
      %dma_start3A_4566 = arith.constant 0 : i32
      %dma_start3A_4567 = tpu.memref_slice %arg10[%dma_start3A_4564, %dma_start3A_4565, %dma_start3A_4566] : memref<8x32x128xf32, #tpu.memory_space<vmem>> -> memref<1x32x128xf32, #tpu.memory_space<vmem>>
      %dma_start3A_4568 = tpu.memref_squeeze %dma_start3A_4567 : memref<1x32x128xf32, #tpu.memory_space<vmem>> -> memref<32x128xf32, #tpu.memory_space<vmem>>
      %dma_start3A_4569 = arith.constant 0 : i32
      %dma_start3A_4570 = tpu.memref_slice %arg5[%dma_start3A_4569, %multiple_of3A_4563] : memref<32x1000000xf32, #tpu.memory_space<hbm>> -> memref<32x128xf32, #tpu.memory_space<hbm>>
      %dma_start3A_4571 = arith.constant 0 : i32
      %dma_start3A_4572 = arith.constant 0 : i32
      %dma_start3A_4573 = tpu.memref_slice %arg10[%dma_start3A_4564, %dma_start3A_4571, %dma_start3A_4572] : memref<8x32x128xf32, #tpu.memory_space<vmem>> -> memref<1x32x128xf32, #tpu.memory_space<vmem>>
      %dma_start3A_4574 = tpu.memref_squeeze %dma_start3A_4573 : memref<1x32x128xf32, #tpu.memory_space<vmem>> -> memref<32x128xf32, #tpu.memory_space<vmem>>
      %dma_start3A_4575 = arith.constant 0 : i32
      %dma_start3A_4576 = tpu.memref_slice %arg5[%dma_start3A_4575, %multiple_of3A_4563] : memref<32x1000000xf32, #tpu.memory_space<hbm>> -> memref<32x128xf32, #tpu.memory_space<hbm>>
      tpu.enqueue_dma source(%dma_start3A_4576 : memref<32x128xf32, #tpu.memory_space<hbm>>) target(%dma_start3A_4574 : memref<32x128xf32, #tpu.memory_space<vmem>>) target_semaphore(%arg13 : memref<!tpu.dma_semaphore, #tpu.memory_space<semaphore_mem>>)
      %mul3A_4577 = arith.mulf %gather3A_4474, %gather3A_4486 : vector<16xf32>
      %mul3A_4578 = arith.mulf %gather3A_4480, %gather3A_4492 : vector<16xf32>
      %add3A_4579 = arith.addf %mul3A_4577, %mul3A_4578 : vector<16xf32>
      %reduce_sum3A_4580 = arith.constant true
      %reduce_sum3A_4581 = vector.broadcast %reduce_sum3A_4580 : i1 to vector<16xi1>
      %reduce_sum3A_4582 = tpu.scan <sum>, %add3A_4579 masked %reduce_sum3A_4581 : vector<16xf32>, vector<16xi1> -> vector<16xf32>
      %reduce_sum3A_4583 = vector.extract %reduce_sum3A_4582[15] : f32 from vector<16xf32>
      %mul3A_4584 = vector.broadcast %reduce_sum3A_4583 : f32 to vector<16xf32>
      %mul3A_4585 = arith.mulf %mul3A_4584, %convert_element_type3A_750 : vector<16xf32>
      %add3A_4586 = arith.addf %add3A_4346, %mul3A_4585 : vector<16xf32>
      %slice3A_4587 = vector.extract_strided_slice %get3A_1451 {offsets = [13], sizes = [1], strides = [1]} : vector<16xi32> to vector<1xi32>
      %squeeze3A_4588 = vector.extract %slice3A_4587[0] : i32 from vector<1xi32>
      %jit3A_4589 = arith.constant 128 : i32
      %div3A_4590 = arith.divsi %squeeze3A_4588, %jit3A_4589 : i32
      %sign3A_4591 = arith.constant 0 : i32
      %sign3A_4592 = arith.cmpi sgt, %squeeze3A_4588, %sign3A_4591 : i32
      %sign3A_4593 = arith.extui %sign3A_4592 : i1 to i32
      %sign3A_4594 = arith.constant 0 : i32
      %sign3A_4595 = arith.cmpi slt, %squeeze3A_4588, %sign3A_4594 : i32
      %sign3A_4596 = arith.extui %sign3A_4595 : i1 to i32
      %sign3A_4597 = arith.subi %sign3A_4593, %sign3A_4596 : i32
      %sign3A_4598 = arith.constant 0 : i32
      %sign3A_4599 = arith.cmpi sgt, %jit3A_4589, %sign3A_4598 : i32
      %sign3A_4600 = arith.extui %sign3A_4599 : i1 to i32
      %sign3A_4601 = arith.constant 0 : i32
      %sign3A_4602 = arith.cmpi slt, %jit3A_4589, %sign3A_4601 : i32
      %sign3A_4603 = arith.extui %sign3A_4602 : i1 to i32
      %sign3A_4604 = arith.subi %sign3A_4600, %sign3A_4603 : i32
      %ne3A_4605 = arith.cmpi ne, %sign3A_4597, %sign3A_4604 : i32
      %rem3A_4606 = arith.remsi %squeeze3A_4588, %jit3A_4589 : i32
      %ne3A_4607 = arith.constant 0 : i32
      %ne3A_4608 = arith.cmpi ne, %rem3A_4606, %ne3A_4607 : i32
      %and3A_4609 = arith.andi %ne3A_4605, %ne3A_4608 : i1
      %sub3A_4610 = arith.constant 1 : i32
      %sub3A_4611 = arith.subi %div3A_4590, %sub3A_4610 : i32
      %select_n3A_4612 = arith.select %and3A_4609, %sub3A_4611, %div3A_4590 : i32
      %mul3A_4613 = arith.constant 128 : i32
      %mul3A_4614 = arith.muli %select_n3A_4612, %mul3A_4613 : i32
      %multiple_of3A_4615 = tpu.assume_multiple %mul3A_4614, 128 : i32
      %dma_wait3A_4616 = arith.constant 5 : i32
      %dma_wait3A_4617 = arith.constant 0 : i32
      %dma_wait3A_4618 = arith.constant 0 : i32
      %dma_wait3A_4619 = tpu.memref_slice %arg9[%dma_wait3A_4616, %dma_wait3A_4617, %dma_wait3A_4618] : memref<8x32x128xf32, #tpu.memory_space<vmem>> -> memref<1x32x128xf32, #tpu.memory_space<vmem>>
      %dma_wait3A_4620 = tpu.memref_squeeze %dma_wait3A_4619 : memref<1x32x128xf32, #tpu.memory_space<vmem>> -> memref<32x128xf32, #tpu.memory_space<vmem>>
      %dma_wait3A_4621 = arith.constant 0 : i32
      %dma_wait3A_4622 = tpu.memref_slice %arg4[%dma_wait3A_4621, %multiple_of3A_4615] : memref<32x1000000xf32, #tpu.memory_space<hbm>> -> memref<32x128xf32, #tpu.memory_space<hbm>>
      %dma_wait3A_4623 = arith.constant 0 : i32
      %dma_wait3A_4624 = arith.constant 0 : i32
      %dma_wait3A_4625 = tpu.memref_slice %arg9[%dma_wait3A_4616, %dma_wait3A_4623, %dma_wait3A_4624] : memref<8x32x128xf32, #tpu.memory_space<vmem>> -> memref<1x32x128xf32, #tpu.memory_space<vmem>>
      %dma_wait3A_4626 = tpu.memref_squeeze %dma_wait3A_4625 : memref<1x32x128xf32, #tpu.memory_space<vmem>> -> memref<32x128xf32, #tpu.memory_space<vmem>>
      %dma_wait3A_4627 = arith.constant 0 : i32
      %dma_wait3A_4628 = tpu.memref_slice %arg4[%dma_wait3A_4627, %multiple_of3A_4615] : memref<32x1000000xf32, #tpu.memory_space<hbm>> -> memref<32x128xf32, #tpu.memory_space<hbm>>
      tpu.wait_dma2 semaphore(%arg12 : memref<!tpu.dma_semaphore, #tpu.memory_space<semaphore_mem>>) src(%dma_wait3A_4628 : memref<32x128xf32, #tpu.memory_space<hbm>>) dst(%dma_wait3A_4626 : memref<32x128xf32, #tpu.memory_space<vmem>>)
      %slice3A_4629 = vector.extract_strided_slice %get3A_1455 {offsets = [13], sizes = [1], strides = [1]} : vector<16xi32> to vector<1xi32>
      %squeeze3A_4630 = vector.extract %slice3A_4629[0] : i32 from vector<1xi32>
      %jit3A_4631 = arith.constant 128 : i32
      %div3A_4632 = arith.divsi %squeeze3A_4630, %jit3A_4631 : i32
      %sign3A_4633 = arith.constant 0 : i32
      %sign3A_4634 = arith.cmpi sgt, %squeeze3A_4630, %sign3A_4633 : i32
      %sign3A_4635 = arith.extui %sign3A_4634 : i1 to i32
      %sign3A_4636 = arith.constant 0 : i32
      %sign3A_4637 = arith.cmpi slt, %squeeze3A_4630, %sign3A_4636 : i32
      %sign3A_4638 = arith.extui %sign3A_4637 : i1 to i32
      %sign3A_4639 = arith.subi %sign3A_4635, %sign3A_4638 : i32
      %sign3A_4640 = arith.constant 0 : i32
      %sign3A_4641 = arith.cmpi sgt, %jit3A_4631, %sign3A_4640 : i32
      %sign3A_4642 = arith.extui %sign3A_4641 : i1 to i32
      %sign3A_4643 = arith.constant 0 : i32
      %sign3A_4644 = arith.cmpi slt, %jit3A_4631, %sign3A_4643 : i32
      %sign3A_4645 = arith.extui %sign3A_4644 : i1 to i32
      %sign3A_4646 = arith.subi %sign3A_4642, %sign3A_4645 : i32
      %ne3A_4647 = arith.cmpi ne, %sign3A_4639, %sign3A_4646 : i32
      %rem3A_4648 = arith.remsi %squeeze3A_4630, %jit3A_4631 : i32
      %ne3A_4649 = arith.constant 0 : i32
      %ne3A_4650 = arith.cmpi ne, %rem3A_4648, %ne3A_4649 : i32
      %and3A_4651 = arith.andi %ne3A_4647, %ne3A_4650 : i1
      %sub3A_4652 = arith.constant 1 : i32
      %sub3A_4653 = arith.subi %div3A_4632, %sub3A_4652 : i32
      %select_n3A_4654 = arith.select %and3A_4651, %sub3A_4653, %div3A_4632 : i32
      %mul3A_4655 = arith.constant 128 : i32
      %mul3A_4656 = arith.muli %select_n3A_4654, %mul3A_4655 : i32
      %multiple_of3A_4657 = tpu.assume_multiple %mul3A_4656, 128 : i32
      %dma_wait3A_4658 = arith.constant 5 : i32
      %dma_wait3A_4659 = arith.constant 0 : i32
      %dma_wait3A_4660 = arith.constant 0 : i32
      %dma_wait3A_4661 = tpu.memref_slice %arg10[%dma_wait3A_4658, %dma_wait3A_4659, %dma_wait3A_4660] : memref<8x32x128xf32, #tpu.memory_space<vmem>> -> memref<1x32x128xf32, #tpu.memory_space<vmem>>
      %dma_wait3A_4662 = tpu.memref_squeeze %dma_wait3A_4661 : memref<1x32x128xf32, #tpu.memory_space<vmem>> -> memref<32x128xf32, #tpu.memory_space<vmem>>
      %dma_wait3A_4663 = arith.constant 0 : i32
      %dma_wait3A_4664 = tpu.memref_slice %arg5[%dma_wait3A_4663, %multiple_of3A_4657] : memref<32x1000000xf32, #tpu.memory_space<hbm>> -> memref<32x128xf32, #tpu.memory_space<hbm>>
      %dma_wait3A_4665 = arith.constant 0 : i32
      %dma_wait3A_4666 = arith.constant 0 : i32
      %dma_wait3A_4667 = tpu.memref_slice %arg10[%dma_wait3A_4658, %dma_wait3A_4665, %dma_wait3A_4666] : memref<8x32x128xf32, #tpu.memory_space<vmem>> -> memref<1x32x128xf32, #tpu.memory_space<vmem>>
      %dma_wait3A_4668 = tpu.memref_squeeze %dma_wait3A_4667 : memref<1x32x128xf32, #tpu.memory_space<vmem>> -> memref<32x128xf32, #tpu.memory_space<vmem>>
      %dma_wait3A_4669 = arith.constant 0 : i32
      %dma_wait3A_4670 = tpu.memref_slice %arg5[%dma_wait3A_4669, %multiple_of3A_4657] : memref<32x1000000xf32, #tpu.memory_space<hbm>> -> memref<32x128xf32, #tpu.memory_space<hbm>>
      tpu.wait_dma2 semaphore(%arg13 : memref<!tpu.dma_semaphore, #tpu.memory_space<semaphore_mem>>) src(%dma_wait3A_4670 : memref<32x128xf32, #tpu.memory_space<hbm>>) dst(%dma_wait3A_4668 : memref<32x128xf32, #tpu.memory_space<vmem>>)
      %slice3A_4671 = vector.extract_strided_slice %get3A_1451 {offsets = [13], sizes = [1], strides = [1]} : vector<16xi32> to vector<1xi32>
      %squeeze3A_4672 = vector.extract %slice3A_4671[0] : i32 from vector<1xi32>
      %jit3A_4673 = arith.constant 128 : i32
      %eq3A_4674 = arith.constant 0 : i32
      %eq3A_4675 = arith.cmpi eq, %jit3A_4673, %eq3A_4674 : i32
      %jit3A_4676 = arith.constant 1 : i32
      %select_n3A_4677 = arith.select %eq3A_4675, %jit3A_4676, %jit3A_4673 : i32
      %rem3A_4678 = arith.remsi %squeeze3A_4672, %select_n3A_4677 : i32
      %ne3A_4679 = arith.constant 0 : i32
      %ne3A_4680 = arith.cmpi ne, %rem3A_4678, %ne3A_4679 : i32
      %lt3A_4681 = arith.constant 0 : i32
      %lt3A_4682 = arith.cmpi slt, %rem3A_4678, %lt3A_4681 : i32
      %lt3A_4683 = arith.constant 0 : i32
      %lt3A_4684 = arith.cmpi slt, %select_n3A_4677, %lt3A_4683 : i32
      %ne3A_4685 = arith.xori %lt3A_4682, %lt3A_4684 : i1
      %and3A_4686 = arith.andi %ne3A_4685, %ne3A_4680 : i1
      %add3A_4687 = arith.addi %rem3A_4678, %select_n3A_4677 : i32
      %select_n3A_4688 = arith.select %and3A_4686, %add3A_4687, %rem3A_4678 : i32
      %broadcast_in_dim3A_4689 = vector.broadcast %select_n3A_4688 : i32 to vector<16xi32>
      %slice3A_4690 = vector.extract_strided_slice %get3A_1455 {offsets = [13], sizes = [1], strides = [1]} : vector<16xi32> to vector<1xi32>
      %squeeze3A_4691 = vector.extract %slice3A_4690[0] : i32 from vector<1xi32>
      %jit3A_4692 = arith.constant 128 : i32
      %eq3A_4693 = arith.constant 0 : i32
      %eq3A_4694 = arith.cmpi eq, %jit3A_4692, %eq3A_4693 : i32
      %jit3A_4695 = arith.constant 1 : i32
      %select_n3A_4696 = arith.select %eq3A_4694, %jit3A_4695, %jit3A_4692 : i32
      %rem3A_4697 = arith.remsi %squeeze3A_4691, %select_n3A_4696 : i32
      %ne3A_4698 = arith.constant 0 : i32
      %ne3A_4699 = arith.cmpi ne, %rem3A_4697, %ne3A_4698 : i32
      %lt3A_4700 = arith.constant 0 : i32
      %lt3A_4701 = arith.cmpi slt, %rem3A_4697, %lt3A_4700 : i32
      %lt3A_4702 = arith.constant 0 : i32
      %lt3A_4703 = arith.cmpi slt, %select_n3A_4696, %lt3A_4702 : i32
      %ne3A_4704 = arith.xori %lt3A_4701, %lt3A_4703 : i1
      %and3A_4705 = arith.andi %ne3A_4704, %ne3A_4699 : i1
      %add3A_4706 = arith.addi %rem3A_4697, %select_n3A_4696 : i32
      %select_n3A_4707 = arith.select %and3A_4705, %add3A_4706, %rem3A_4697 : i32
      %broadcast_in_dim3A_4708 = vector.broadcast %select_n3A_4707 : i32 to vector<16xi32>
      %gather3A_4709 = arith.constant 5 : i32
      %gather3A_4710 = arith.constant 0 : i32
      %gather3A_4711 = arith.constant 0 : i32
      %gather3A_4712 = tpu.memref_slice %arg9[%gather3A_4709, %gather3A_4710, %gather3A_4711] : memref<8x32x128xf32, #tpu.memory_space<vmem>> -> memref<1x32x128xf32, #tpu.memory_space<vmem>>
      %gather3A_4713 = tpu.memref_squeeze %gather3A_4712 : memref<1x32x128xf32, #tpu.memory_space<vmem>> -> memref<32x128xf32, #tpu.memory_space<vmem>>
      %gather3A_4714 = tpu.vector_load_idx %gather3A_4713[%iota3A, %broadcast_in_dim3A_4689] : memref<32x128xf32, #tpu.memory_space<vmem>>[vector<16xi32>, vector<16xi32>], vector<16xf32>,
      %gather3A_4715 = arith.constant 5 : i32
      %gather3A_4716 = arith.constant 0 : i32
      %gather3A_4717 = arith.constant 0 : i32
      %gather3A_4718 = tpu.memref_slice %arg9[%gather3A_4715, %gather3A_4716, %gather3A_4717] : memref<8x32x128xf32, #tpu.memory_space<vmem>> -> memref<1x32x128xf32, #tpu.memory_space<vmem>>
      %gather3A_4719 = tpu.memref_squeeze %gather3A_4718 : memref<1x32x128xf32, #tpu.memory_space<vmem>> -> memref<32x128xf32, #tpu.memory_space<vmem>>
      %gather3A_4720 = tpu.vector_load_idx %gather3A_4719[%add3A_11, %broadcast_in_dim3A_4689] : memref<32x128xf32, #tpu.memory_space<vmem>>[vector<16xi32>, vector<16xi32>], vector<16xf32>,
      %gather3A_4721 = arith.constant 5 : i32
      %gather3A_4722 = arith.constant 0 : i32
      %gather3A_4723 = arith.constant 0 : i32
      %gather3A_4724 = tpu.memref_slice %arg10[%gather3A_4721, %gather3A_4722, %gather3A_4723] : memref<8x32x128xf32, #tpu.memory_space<vmem>> -> memref<1x32x128xf32, #tpu.memory_space<vmem>>
      %gather3A_4725 = tpu.memref_squeeze %gather3A_4724 : memref<1x32x128xf32, #tpu.memory_space<vmem>> -> memref<32x128xf32, #tpu.memory_space<vmem>>
      %gather3A_4726 = tpu.vector_load_idx %gather3A_4725[%iota3A, %broadcast_in_dim3A_4708] : memref<32x128xf32, #tpu.memory_space<vmem>>[vector<16xi32>, vector<16xi32>], vector<16xf32>,
      %gather3A_4727 = arith.constant 5 : i32
      %gather3A_4728 = arith.constant 0 : i32
      %gather3A_4729 = arith.constant 0 : i32
      %gather3A_4730 = tpu.memref_slice %arg10[%gather3A_4727, %gather3A_4728, %gather3A_4729] : memref<8x32x128xf32, #tpu.memory_space<vmem>> -> memref<1x32x128xf32, #tpu.memory_space<vmem>>
      %gather3A_4731 = tpu.memref_squeeze %gather3A_4730 : memref<1x32x128xf32, #tpu.memory_space<vmem>> -> memref<32x128xf32, #tpu.memory_space<vmem>>
      %gather3A_4732 = tpu.vector_load_idx %gather3A_4731[%add3A_11, %broadcast_in_dim3A_4708] : memref<32x128xf32, #tpu.memory_space<vmem>>[vector<16xi32>, vector<16xi32>], vector<16xf32>,
      %slice3A_4733 = vector.extract_strided_slice %get3A_1461 {offsets = [13], sizes = [1], strides = [1]} : vector<16xi32> to vector<1xi32>
      %squeeze3A_4734 = vector.extract %slice3A_4733[0] : i32 from vector<1xi32>
      %jit3A_4735 = arith.constant 128 : i32
      %div3A_4736 = arith.divsi %squeeze3A_4734, %jit3A_4735 : i32
      %sign3A_4737 = arith.constant 0 : i32
      %sign3A_4738 = arith.cmpi sgt, %squeeze3A_4734, %sign3A_4737 : i32
      %sign3A_4739 = arith.extui %sign3A_4738 : i1 to i32
      %sign3A_4740 = arith.constant 0 : i32
      %sign3A_4741 = arith.cmpi slt, %squeeze3A_4734, %sign3A_4740 : i32
      %sign3A_4742 = arith.extui %sign3A_4741 : i1 to i32
      %sign3A_4743 = arith.subi %sign3A_4739, %sign3A_4742 : i32
      %sign3A_4744 = arith.constant 0 : i32
      %sign3A_4745 = arith.cmpi sgt, %jit3A_4735, %sign3A_4744 : i32
      %sign3A_4746 = arith.extui %sign3A_4745 : i1 to i32
      %sign3A_4747 = arith.constant 0 : i32
      %sign3A_4748 = arith.cmpi slt, %jit3A_4735, %sign3A_4747 : i32
      %sign3A_4749 = arith.extui %sign3A_4748 : i1 to i32
      %sign3A_4750 = arith.subi %sign3A_4746, %sign3A_4749 : i32
      %ne3A_4751 = arith.cmpi ne, %sign3A_4743, %sign3A_4750 : i32
      %rem3A_4752 = arith.remsi %squeeze3A_4734, %jit3A_4735 : i32
      %ne3A_4753 = arith.constant 0 : i32
      %ne3A_4754 = arith.cmpi ne, %rem3A_4752, %ne3A_4753 : i32
      %and3A_4755 = arith.andi %ne3A_4751, %ne3A_4754 : i1
      %sub3A_4756 = arith.constant 1 : i32
      %sub3A_4757 = arith.subi %div3A_4736, %sub3A_4756 : i32
      %select_n3A_4758 = arith.select %and3A_4755, %sub3A_4757, %div3A_4736 : i32
      %mul3A_4759 = arith.constant 128 : i32
      %mul3A_4760 = arith.muli %select_n3A_4758, %mul3A_4759 : i32
      %multiple_of3A_4761 = tpu.assume_multiple %mul3A_4760, 128 : i32
      %dma_start3A_4762 = arith.constant 5 : i32
      %dma_start3A_4763 = arith.constant 0 : i32
      %dma_start3A_4764 = arith.constant 0 : i32
      %dma_start3A_4765 = tpu.memref_slice %arg9[%dma_start3A_4762, %dma_start3A_4763, %dma_start3A_4764] : memref<8x32x128xf32, #tpu.memory_space<vmem>> -> memref<1x32x128xf32, #tpu.memory_space<vmem>>
      %dma_start3A_4766 = tpu.memref_squeeze %dma_start3A_4765 : memref<1x32x128xf32, #tpu.memory_space<vmem>> -> memref<32x128xf32, #tpu.memory_space<vmem>>
      %dma_start3A_4767 = arith.constant 0 : i32
      %dma_start3A_4768 = tpu.memref_slice %arg4[%dma_start3A_4767, %multiple_of3A_4761] : memref<32x1000000xf32, #tpu.memory_space<hbm>> -> memref<32x128xf32, #tpu.memory_space<hbm>>
      %dma_start3A_4769 = arith.constant 0 : i32
      %dma_start3A_4770 = arith.constant 0 : i32
      %dma_start3A_4771 = tpu.memref_slice %arg9[%dma_start3A_4762, %dma_start3A_4769, %dma_start3A_4770] : memref<8x32x128xf32, #tpu.memory_space<vmem>> -> memref<1x32x128xf32, #tpu.memory_space<vmem>>
      %dma_start3A_4772 = tpu.memref_squeeze %dma_start3A_4771 : memref<1x32x128xf32, #tpu.memory_space<vmem>> -> memref<32x128xf32, #tpu.memory_space<vmem>>
      %dma_start3A_4773 = arith.constant 0 : i32
      %dma_start3A_4774 = tpu.memref_slice %arg4[%dma_start3A_4773, %multiple_of3A_4761] : memref<32x1000000xf32, #tpu.memory_space<hbm>> -> memref<32x128xf32, #tpu.memory_space<hbm>>
      tpu.enqueue_dma source(%dma_start3A_4774 : memref<32x128xf32, #tpu.memory_space<hbm>>) target(%dma_start3A_4772 : memref<32x128xf32, #tpu.memory_space<vmem>>) target_semaphore(%arg12 : memref<!tpu.dma_semaphore, #tpu.memory_space<semaphore_mem>>)
      %slice3A_4775 = vector.extract_strided_slice %get3A_1467 {offsets = [13], sizes = [1], strides = [1]} : vector<16xi32> to vector<1xi32>
      %squeeze3A_4776 = vector.extract %slice3A_4775[0] : i32 from vector<1xi32>
      %jit3A_4777 = arith.constant 128 : i32
      %div3A_4778 = arith.divsi %squeeze3A_4776, %jit3A_4777 : i32
      %sign3A_4779 = arith.constant 0 : i32
      %sign3A_4780 = arith.cmpi sgt, %squeeze3A_4776, %sign3A_4779 : i32
      %sign3A_4781 = arith.extui %sign3A_4780 : i1 to i32
      %sign3A_4782 = arith.constant 0 : i32
      %sign3A_4783 = arith.cmpi slt, %squeeze3A_4776, %sign3A_4782 : i32
      %sign3A_4784 = arith.extui %sign3A_4783 : i1 to i32
      %sign3A_4785 = arith.subi %sign3A_4781, %sign3A_4784 : i32
      %sign3A_4786 = arith.constant 0 : i32
      %sign3A_4787 = arith.cmpi sgt, %jit3A_4777, %sign3A_4786 : i32
      %sign3A_4788 = arith.extui %sign3A_4787 : i1 to i32
      %sign3A_4789 = arith.constant 0 : i32
      %sign3A_4790 = arith.cmpi slt, %jit3A_4777, %sign3A_4789 : i32
      %sign3A_4791 = arith.extui %sign3A_4790 : i1 to i32
      %sign3A_4792 = arith.subi %sign3A_4788, %sign3A_4791 : i32
      %ne3A_4793 = arith.cmpi ne, %sign3A_4785, %sign3A_4792 : i32
      %rem3A_4794 = arith.remsi %squeeze3A_4776, %jit3A_4777 : i32
      %ne3A_4795 = arith.constant 0 : i32
      %ne3A_4796 = arith.cmpi ne, %rem3A_4794, %ne3A_4795 : i32
      %and3A_4797 = arith.andi %ne3A_4793, %ne3A_4796 : i1
      %sub3A_4798 = arith.constant 1 : i32
      %sub3A_4799 = arith.subi %div3A_4778, %sub3A_4798 : i32
      %select_n3A_4800 = arith.select %and3A_4797, %sub3A_4799, %div3A_4778 : i32
      %mul3A_4801 = arith.constant 128 : i32
      %mul3A_4802 = arith.muli %select_n3A_4800, %mul3A_4801 : i32
      %multiple_of3A_4803 = tpu.assume_multiple %mul3A_4802, 128 : i32
      %dma_start3A_4804 = arith.constant 5 : i32
      %dma_start3A_4805 = arith.constant 0 : i32
      %dma_start3A_4806 = arith.constant 0 : i32
      %dma_start3A_4807 = tpu.memref_slice %arg10[%dma_start3A_4804, %dma_start3A_4805, %dma_start3A_4806] : memref<8x32x128xf32, #tpu.memory_space<vmem>> -> memref<1x32x128xf32, #tpu.memory_space<vmem>>
      %dma_start3A_4808 = tpu.memref_squeeze %dma_start3A_4807 : memref<1x32x128xf32, #tpu.memory_space<vmem>> -> memref<32x128xf32, #tpu.memory_space<vmem>>
      %dma_start3A_4809 = arith.constant 0 : i32
      %dma_start3A_4810 = tpu.memref_slice %arg5[%dma_start3A_4809, %multiple_of3A_4803] : memref<32x1000000xf32, #tpu.memory_space<hbm>> -> memref<32x128xf32, #tpu.memory_space<hbm>>
      %dma_start3A_4811 = arith.constant 0 : i32
      %dma_start3A_4812 = arith.constant 0 : i32
      %dma_start3A_4813 = tpu.memref_slice %arg10[%dma_start3A_4804, %dma_start3A_4811, %dma_start3A_4812] : memref<8x32x128xf32, #tpu.memory_space<vmem>> -> memref<1x32x128xf32, #tpu.memory_space<vmem>>
      %dma_start3A_4814 = tpu.memref_squeeze %dma_start3A_4813 : memref<1x32x128xf32, #tpu.memory_space<vmem>> -> memref<32x128xf32, #tpu.memory_space<vmem>>
      %dma_start3A_4815 = arith.constant 0 : i32
      %dma_start3A_4816 = tpu.memref_slice %arg5[%dma_start3A_4815, %multiple_of3A_4803] : memref<32x1000000xf32, #tpu.memory_space<hbm>> -> memref<32x128xf32, #tpu.memory_space<hbm>>
      tpu.enqueue_dma source(%dma_start3A_4816 : memref<32x128xf32, #tpu.memory_space<hbm>>) target(%dma_start3A_4814 : memref<32x128xf32, #tpu.memory_space<vmem>>) target_semaphore(%arg13 : memref<!tpu.dma_semaphore, #tpu.memory_space<semaphore_mem>>)
      %mul3A_4817 = arith.mulf %gather3A_4714, %gather3A_4726 : vector<16xf32>
      %mul3A_4818 = arith.mulf %gather3A_4720, %gather3A_4732 : vector<16xf32>
      %add3A_4819 = arith.addf %mul3A_4817, %mul3A_4818 : vector<16xf32>
      %reduce_sum3A_4820 = arith.constant true
      %reduce_sum3A_4821 = vector.broadcast %reduce_sum3A_4820 : i1 to vector<16xi1>
      %reduce_sum3A_4822 = tpu.scan <sum>, %add3A_4819 masked %reduce_sum3A_4821 : vector<16xf32>, vector<16xi1> -> vector<16xf32>
      %reduce_sum3A_4823 = vector.extract %reduce_sum3A_4822[15] : f32 from vector<16xf32>
      %mul3A_4824 = vector.broadcast %reduce_sum3A_4823 : f32 to vector<16xf32>
      %mul3A_4825 = arith.mulf %mul3A_4824, %convert_element_type3A_756 : vector<16xf32>
      %add3A_4826 = arith.addf %add3A_4586, %mul3A_4825 : vector<16xf32>
      %slice3A_4827 = vector.extract_strided_slice %get3A_1451 {offsets = [14], sizes = [1], strides = [1]} : vector<16xi32> to vector<1xi32>
      %squeeze3A_4828 = vector.extract %slice3A_4827[0] : i32 from vector<1xi32>
      %jit3A_4829 = arith.constant 128 : i32
      %div3A_4830 = arith.divsi %squeeze3A_4828, %jit3A_4829 : i32
      %sign3A_4831 = arith.constant 0 : i32
      %sign3A_4832 = arith.cmpi sgt, %squeeze3A_4828, %sign3A_4831 : i32
      %sign3A_4833 = arith.extui %sign3A_4832 : i1 to i32
      %sign3A_4834 = arith.constant 0 : i32
      %sign3A_4835 = arith.cmpi slt, %squeeze3A_4828, %sign3A_4834 : i32
      %sign3A_4836 = arith.extui %sign3A_4835 : i1 to i32
      %sign3A_4837 = arith.subi %sign3A_4833, %sign3A_4836 : i32
      %sign3A_4838 = arith.constant 0 : i32
      %sign3A_4839 = arith.cmpi sgt, %jit3A_4829, %sign3A_4838 : i32
      %sign3A_4840 = arith.extui %sign3A_4839 : i1 to i32
      %sign3A_4841 = arith.constant 0 : i32
      %sign3A_4842 = arith.cmpi slt, %jit3A_4829, %sign3A_4841 : i32
      %sign3A_4843 = arith.extui %sign3A_4842 : i1 to i32
      %sign3A_4844 = arith.subi %sign3A_4840, %sign3A_4843 : i32
      %ne3A_4845 = arith.cmpi ne, %sign3A_4837, %sign3A_4844 : i32
      %rem3A_4846 = arith.remsi %squeeze3A_4828, %jit3A_4829 : i32
      %ne3A_4847 = arith.constant 0 : i32
      %ne3A_4848 = arith.cmpi ne, %rem3A_4846, %ne3A_4847 : i32
      %and3A_4849 = arith.andi %ne3A_4845, %ne3A_4848 : i1
      %sub3A_4850 = arith.constant 1 : i32
      %sub3A_4851 = arith.subi %div3A_4830, %sub3A_4850 : i32
      %select_n3A_4852 = arith.select %and3A_4849, %sub3A_4851, %div3A_4830 : i32
      %mul3A_4853 = arith.constant 128 : i32
      %mul3A_4854 = arith.muli %select_n3A_4852, %mul3A_4853 : i32
      %multiple_of3A_4855 = tpu.assume_multiple %mul3A_4854, 128 : i32
      %dma_wait3A_4856 = arith.constant 6 : i32
      %dma_wait3A_4857 = arith.constant 0 : i32
      %dma_wait3A_4858 = arith.constant 0 : i32
      %dma_wait3A_4859 = tpu.memref_slice %arg9[%dma_wait3A_4856, %dma_wait3A_4857, %dma_wait3A_4858] : memref<8x32x128xf32, #tpu.memory_space<vmem>> -> memref<1x32x128xf32, #tpu.memory_space<vmem>>
      %dma_wait3A_4860 = tpu.memref_squeeze %dma_wait3A_4859 : memref<1x32x128xf32, #tpu.memory_space<vmem>> -> memref<32x128xf32, #tpu.memory_space<vmem>>
      %dma_wait3A_4861 = arith.constant 0 : i32
      %dma_wait3A_4862 = tpu.memref_slice %arg4[%dma_wait3A_4861, %multiple_of3A_4855] : memref<32x1000000xf32, #tpu.memory_space<hbm>> -> memref<32x128xf32, #tpu.memory_space<hbm>>
      %dma_wait3A_4863 = arith.constant 0 : i32
      %dma_wait3A_4864 = arith.constant 0 : i32
      %dma_wait3A_4865 = tpu.memref_slice %arg9[%dma_wait3A_4856, %dma_wait3A_4863, %dma_wait3A_4864] : memref<8x32x128xf32, #tpu.memory_space<vmem>> -> memref<1x32x128xf32, #tpu.memory_space<vmem>>
      %dma_wait3A_4866 = tpu.memref_squeeze %dma_wait3A_4865 : memref<1x32x128xf32, #tpu.memory_space<vmem>> -> memref<32x128xf32, #tpu.memory_space<vmem>>
      %dma_wait3A_4867 = arith.constant 0 : i32
      %dma_wait3A_4868 = tpu.memref_slice %arg4[%dma_wait3A_4867, %multiple_of3A_4855] : memref<32x1000000xf32, #tpu.memory_space<hbm>> -> memref<32x128xf32, #tpu.memory_space<hbm>>
      tpu.wait_dma2 semaphore(%arg12 : memref<!tpu.dma_semaphore, #tpu.memory_space<semaphore_mem>>) src(%dma_wait3A_4868 : memref<32x128xf32, #tpu.memory_space<hbm>>) dst(%dma_wait3A_4866 : memref<32x128xf32, #tpu.memory_space<vmem>>)
      %slice3A_4869 = vector.extract_strided_slice %get3A_1455 {offsets = [14], sizes = [1], strides = [1]} : vector<16xi32> to vector<1xi32>
      %squeeze3A_4870 = vector.extract %slice3A_4869[0] : i32 from vector<1xi32>
      %jit3A_4871 = arith.constant 128 : i32
      %div3A_4872 = arith.divsi %squeeze3A_4870, %jit3A_4871 : i32
      %sign3A_4873 = arith.constant 0 : i32
      %sign3A_4874 = arith.cmpi sgt, %squeeze3A_4870, %sign3A_4873 : i32
      %sign3A_4875 = arith.extui %sign3A_4874 : i1 to i32
      %sign3A_4876 = arith.constant 0 : i32
      %sign3A_4877 = arith.cmpi slt, %squeeze3A_4870, %sign3A_4876 : i32
      %sign3A_4878 = arith.extui %sign3A_4877 : i1 to i32
      %sign3A_4879 = arith.subi %sign3A_4875, %sign3A_4878 : i32
      %sign3A_4880 = arith.constant 0 : i32
      %sign3A_4881 = arith.cmpi sgt, %jit3A_4871, %sign3A_4880 : i32
      %sign3A_4882 = arith.extui %sign3A_4881 : i1 to i32
      %sign3A_4883 = arith.constant 0 : i32
      %sign3A_4884 = arith.cmpi slt, %jit3A_4871, %sign3A_4883 : i32
      %sign3A_4885 = arith.extui %sign3A_4884 : i1 to i32
      %sign3A_4886 = arith.subi %sign3A_4882, %sign3A_4885 : i32
      %ne3A_4887 = arith.cmpi ne, %sign3A_4879, %sign3A_4886 : i32
      %rem3A_4888 = arith.remsi %squeeze3A_4870, %jit3A_4871 : i32
      %ne3A_4889 = arith.constant 0 : i32
      %ne3A_4890 = arith.cmpi ne, %rem3A_4888, %ne3A_4889 : i32
      %and3A_4891 = arith.andi %ne3A_4887, %ne3A_4890 : i1
      %sub3A_4892 = arith.constant 1 : i32
      %sub3A_4893 = arith.subi %div3A_4872, %sub3A_4892 : i32
      %select_n3A_4894 = arith.select %and3A_4891, %sub3A_4893, %div3A_4872 : i32
      %mul3A_4895 = arith.constant 128 : i32
      %mul3A_4896 = arith.muli %select_n3A_4894, %mul3A_4895 : i32
      %multiple_of3A_4897 = tpu.assume_multiple %mul3A_4896, 128 : i32
      %dma_wait3A_4898 = arith.constant 6 : i32
      %dma_wait3A_4899 = arith.constant 0 : i32
      %dma_wait3A_4900 = arith.constant 0 : i32
      %dma_wait3A_4901 = tpu.memref_slice %arg10[%dma_wait3A_4898, %dma_wait3A_4899, %dma_wait3A_4900] : memref<8x32x128xf32, #tpu.memory_space<vmem>> -> memref<1x32x128xf32, #tpu.memory_space<vmem>>
      %dma_wait3A_4902 = tpu.memref_squeeze %dma_wait3A_4901 : memref<1x32x128xf32, #tpu.memory_space<vmem>> -> memref<32x128xf32, #tpu.memory_space<vmem>>
      %dma_wait3A_4903 = arith.constant 0 : i32
      %dma_wait3A_4904 = tpu.memref_slice %arg5[%dma_wait3A_4903, %multiple_of3A_4897] : memref<32x1000000xf32, #tpu.memory_space<hbm>> -> memref<32x128xf32, #tpu.memory_space<hbm>>
      %dma_wait3A_4905 = arith.constant 0 : i32
      %dma_wait3A_4906 = arith.constant 0 : i32
      %dma_wait3A_4907 = tpu.memref_slice %arg10[%dma_wait3A_4898, %dma_wait3A_4905, %dma_wait3A_4906] : memref<8x32x128xf32, #tpu.memory_space<vmem>> -> memref<1x32x128xf32, #tpu.memory_space<vmem>>
      %dma_wait3A_4908 = tpu.memref_squeeze %dma_wait3A_4907 : memref<1x32x128xf32, #tpu.memory_space<vmem>> -> memref<32x128xf32, #tpu.memory_space<vmem>>
      %dma_wait3A_4909 = arith.constant 0 : i32
      %dma_wait3A_4910 = tpu.memref_slice %arg5[%dma_wait3A_4909, %multiple_of3A_4897] : memref<32x1000000xf32, #tpu.memory_space<hbm>> -> memref<32x128xf32, #tpu.memory_space<hbm>>
      tpu.wait_dma2 semaphore(%arg13 : memref<!tpu.dma_semaphore, #tpu.memory_space<semaphore_mem>>) src(%dma_wait3A_4910 : memref<32x128xf32, #tpu.memory_space<hbm>>) dst(%dma_wait3A_4908 : memref<32x128xf32, #tpu.memory_space<vmem>>)
      %slice3A_4911 = vector.extract_strided_slice %get3A_1451 {offsets = [14], sizes = [1], strides = [1]} : vector<16xi32> to vector<1xi32>
      %squeeze3A_4912 = vector.extract %slice3A_4911[0] : i32 from vector<1xi32>
      %jit3A_4913 = arith.constant 128 : i32
      %eq3A_4914 = arith.constant 0 : i32
      %eq3A_4915 = arith.cmpi eq, %jit3A_4913, %eq3A_4914 : i32
      %jit3A_4916 = arith.constant 1 : i32
      %select_n3A_4917 = arith.select %eq3A_4915, %jit3A_4916, %jit3A_4913 : i32
      %rem3A_4918 = arith.remsi %squeeze3A_4912, %select_n3A_4917 : i32
      %ne3A_4919 = arith.constant 0 : i32
      %ne3A_4920 = arith.cmpi ne, %rem3A_4918, %ne3A_4919 : i32
      %lt3A_4921 = arith.constant 0 : i32
      %lt3A_4922 = arith.cmpi slt, %rem3A_4918, %lt3A_4921 : i32
      %lt3A_4923 = arith.constant 0 : i32
      %lt3A_4924 = arith.cmpi slt, %select_n3A_4917, %lt3A_4923 : i32
      %ne3A_4925 = arith.xori %lt3A_4922, %lt3A_4924 : i1
      %and3A_4926 = arith.andi %ne3A_4925, %ne3A_4920 : i1
      %add3A_4927 = arith.addi %rem3A_4918, %select_n3A_4917 : i32
      %select_n3A_4928 = arith.select %and3A_4926, %add3A_4927, %rem3A_4918 : i32
      %broadcast_in_dim3A_4929 = vector.broadcast %select_n3A_4928 : i32 to vector<16xi32>
      %slice3A_4930 = vector.extract_strided_slice %get3A_1455 {offsets = [14], sizes = [1], strides = [1]} : vector<16xi32> to vector<1xi32>
      %squeeze3A_4931 = vector.extract %slice3A_4930[0] : i32 from vector<1xi32>
      %jit3A_4932 = arith.constant 128 : i32
      %eq3A_4933 = arith.constant 0 : i32
      %eq3A_4934 = arith.cmpi eq, %jit3A_4932, %eq3A_4933 : i32
      %jit3A_4935 = arith.constant 1 : i32
      %select_n3A_4936 = arith.select %eq3A_4934, %jit3A_4935, %jit3A_4932 : i32
      %rem3A_4937 = arith.remsi %squeeze3A_4931, %select_n3A_4936 : i32
      %ne3A_4938 = arith.constant 0 : i32
      %ne3A_4939 = arith.cmpi ne, %rem3A_4937, %ne3A_4938 : i32
      %lt3A_4940 = arith.constant 0 : i32
      %lt3A_4941 = arith.cmpi slt, %rem3A_4937, %lt3A_4940 : i32
      %lt3A_4942 = arith.constant 0 : i32
      %lt3A_4943 = arith.cmpi slt, %select_n3A_4936, %lt3A_4942 : i32
      %ne3A_4944 = arith.xori %lt3A_4941, %lt3A_4943 : i1
      %and3A_4945 = arith.andi %ne3A_4944, %ne3A_4939 : i1
      %add3A_4946 = arith.addi %rem3A_4937, %select_n3A_4936 : i32
      %select_n3A_4947 = arith.select %and3A_4945, %add3A_4946, %rem3A_4937 : i32
      %broadcast_in_dim3A_4948 = vector.broadcast %select_n3A_4947 : i32 to vector<16xi32>
      %gather3A_4949 = arith.constant 6 : i32
      %gather3A_4950 = arith.constant 0 : i32
      %gather3A_4951 = arith.constant 0 : i32
      %gather3A_4952 = tpu.memref_slice %arg9[%gather3A_4949, %gather3A_4950, %gather3A_4951] : memref<8x32x128xf32, #tpu.memory_space<vmem>> -> memref<1x32x128xf32, #tpu.memory_space<vmem>>
      %gather3A_4953 = tpu.memref_squeeze %gather3A_4952 : memref<1x32x128xf32, #tpu.memory_space<vmem>> -> memref<32x128xf32, #tpu.memory_space<vmem>>
      %gather3A_4954 = tpu.vector_load_idx %gather3A_4953[%iota3A, %broadcast_in_dim3A_4929] : memref<32x128xf32, #tpu.memory_space<vmem>>[vector<16xi32>, vector<16xi32>], vector<16xf32>,
      %gather3A_4955 = arith.constant 6 : i32
      %gather3A_4956 = arith.constant 0 : i32
      %gather3A_4957 = arith.constant 0 : i32
      %gather3A_4958 = tpu.memref_slice %arg9[%gather3A_4955, %gather3A_4956, %gather3A_4957] : memref<8x32x128xf32, #tpu.memory_space<vmem>> -> memref<1x32x128xf32, #tpu.memory_space<vmem>>
      %gather3A_4959 = tpu.memref_squeeze %gather3A_4958 : memref<1x32x128xf32, #tpu.memory_space<vmem>> -> memref<32x128xf32, #tpu.memory_space<vmem>>
      %gather3A_4960 = tpu.vector_load_idx %gather3A_4959[%add3A_11, %broadcast_in_dim3A_4929] : memref<32x128xf32, #tpu.memory_space<vmem>>[vector<16xi32>, vector<16xi32>], vector<16xf32>,
      %gather3A_4961 = arith.constant 6 : i32
      %gather3A_4962 = arith.constant 0 : i32
      %gather3A_4963 = arith.constant 0 : i32
      %gather3A_4964 = tpu.memref_slice %arg10[%gather3A_4961, %gather3A_4962, %gather3A_4963] : memref<8x32x128xf32, #tpu.memory_space<vmem>> -> memref<1x32x128xf32, #tpu.memory_space<vmem>>
      %gather3A_4965 = tpu.memref_squeeze %gather3A_4964 : memref<1x32x128xf32, #tpu.memory_space<vmem>> -> memref<32x128xf32, #tpu.memory_space<vmem>>
      %gather3A_4966 = tpu.vector_load_idx %gather3A_4965[%iota3A, %broadcast_in_dim3A_4948] : memref<32x128xf32, #tpu.memory_space<vmem>>[vector<16xi32>, vector<16xi32>], vector<16xf32>,
      %gather3A_4967 = arith.constant 6 : i32
      %gather3A_4968 = arith.constant 0 : i32
      %gather3A_4969 = arith.constant 0 : i32
      %gather3A_4970 = tpu.memref_slice %arg10[%gather3A_4967, %gather3A_4968, %gather3A_4969] : memref<8x32x128xf32, #tpu.memory_space<vmem>> -> memref<1x32x128xf32, #tpu.memory_space<vmem>>
      %gather3A_4971 = tpu.memref_squeeze %gather3A_4970 : memref<1x32x128xf32, #tpu.memory_space<vmem>> -> memref<32x128xf32, #tpu.memory_space<vmem>>
      %gather3A_4972 = tpu.vector_load_idx %gather3A_4971[%add3A_11, %broadcast_in_dim3A_4948] : memref<32x128xf32, #tpu.memory_space<vmem>>[vector<16xi32>, vector<16xi32>], vector<16xf32>,
      %slice3A_4973 = vector.extract_strided_slice %get3A_1461 {offsets = [14], sizes = [1], strides = [1]} : vector<16xi32> to vector<1xi32>
      %squeeze3A_4974 = vector.extract %slice3A_4973[0] : i32 from vector<1xi32>
      %jit3A_4975 = arith.constant 128 : i32
      %div3A_4976 = arith.divsi %squeeze3A_4974, %jit3A_4975 : i32
      %sign3A_4977 = arith.constant 0 : i32
      %sign3A_4978 = arith.cmpi sgt, %squeeze3A_4974, %sign3A_4977 : i32
      %sign3A_4979 = arith.extui %sign3A_4978 : i1 to i32
      %sign3A_4980 = arith.constant 0 : i32
      %sign3A_4981 = arith.cmpi slt, %squeeze3A_4974, %sign3A_4980 : i32
      %sign3A_4982 = arith.extui %sign3A_4981 : i1 to i32
      %sign3A_4983 = arith.subi %sign3A_4979, %sign3A_4982 : i32
      %sign3A_4984 = arith.constant 0 : i32
      %sign3A_4985 = arith.cmpi sgt, %jit3A_4975, %sign3A_4984 : i32
      %sign3A_4986 = arith.extui %sign3A_4985 : i1 to i32
      %sign3A_4987 = arith.constant 0 : i32
      %sign3A_4988 = arith.cmpi slt, %jit3A_4975, %sign3A_4987 : i32
      %sign3A_4989 = arith.extui %sign3A_4988 : i1 to i32
      %sign3A_4990 = arith.subi %sign3A_4986, %sign3A_4989 : i32
      %ne3A_4991 = arith.cmpi ne, %sign3A_4983, %sign3A_4990 : i32
      %rem3A_4992 = arith.remsi %squeeze3A_4974, %jit3A_4975 : i32
      %ne3A_4993 = arith.constant 0 : i32
      %ne3A_4994 = arith.cmpi ne, %rem3A_4992, %ne3A_4993 : i32
      %and3A_4995 = arith.andi %ne3A_4991, %ne3A_4994 : i1
      %sub3A_4996 = arith.constant 1 : i32
      %sub3A_4997 = arith.subi %div3A_4976, %sub3A_4996 : i32
      %select_n3A_4998 = arith.select %and3A_4995, %sub3A_4997, %div3A_4976 : i32
      %mul3A_4999 = arith.constant 128 : i32
      %mul3A_5000 = arith.muli %select_n3A_4998, %mul3A_4999 : i32
      %multiple_of3A_5001 = tpu.assume_multiple %mul3A_5000, 128 : i32
      %dma_start3A_5002 = arith.constant 6 : i32
      %dma_start3A_5003 = arith.constant 0 : i32
      %dma_start3A_5004 = arith.constant 0 : i32
      %dma_start3A_5005 = tpu.memref_slice %arg9[%dma_start3A_5002, %dma_start3A_5003, %dma_start3A_5004] : memref<8x32x128xf32, #tpu.memory_space<vmem>> -> memref<1x32x128xf32, #tpu.memory_space<vmem>>
      %dma_start3A_5006 = tpu.memref_squeeze %dma_start3A_5005 : memref<1x32x128xf32, #tpu.memory_space<vmem>> -> memref<32x128xf32, #tpu.memory_space<vmem>>
      %dma_start3A_5007 = arith.constant 0 : i32
      %dma_start3A_5008 = tpu.memref_slice %arg4[%dma_start3A_5007, %multiple_of3A_5001] : memref<32x1000000xf32, #tpu.memory_space<hbm>> -> memref<32x128xf32, #tpu.memory_space<hbm>>
      %dma_start3A_5009 = arith.constant 0 : i32
      %dma_start3A_5010 = arith.constant 0 : i32
      %dma_start3A_5011 = tpu.memref_slice %arg9[%dma_start3A_5002, %dma_start3A_5009, %dma_start3A_5010] : memref<8x32x128xf32, #tpu.memory_space<vmem>> -> memref<1x32x128xf32, #tpu.memory_space<vmem>>
      %dma_start3A_5012 = tpu.memref_squeeze %dma_start3A_5011 : memref<1x32x128xf32, #tpu.memory_space<vmem>> -> memref<32x128xf32, #tpu.memory_space<vmem>>
      %dma_start3A_5013 = arith.constant 0 : i32
      %dma_start3A_5014 = tpu.memref_slice %arg4[%dma_start3A_5013, %multiple_of3A_5001] : memref<32x1000000xf32, #tpu.memory_space<hbm>> -> memref<32x128xf32, #tpu.memory_space<hbm>>
      tpu.enqueue_dma source(%dma_start3A_5014 : memref<32x128xf32, #tpu.memory_space<hbm>>) target(%dma_start3A_5012 : memref<32x128xf32, #tpu.memory_space<vmem>>) target_semaphore(%arg12 : memref<!tpu.dma_semaphore, #tpu.memory_space<semaphore_mem>>)
      %slice3A_5015 = vector.extract_strided_slice %get3A_1467 {offsets = [14], sizes = [1], strides = [1]} : vector<16xi32> to vector<1xi32>
      %squeeze3A_5016 = vector.extract %slice3A_5015[0] : i32 from vector<1xi32>
      %jit3A_5017 = arith.constant 128 : i32
      %div3A_5018 = arith.divsi %squeeze3A_5016, %jit3A_5017 : i32
      %sign3A_5019 = arith.constant 0 : i32
      %sign3A_5020 = arith.cmpi sgt, %squeeze3A_5016, %sign3A_5019 : i32
      %sign3A_5021 = arith.extui %sign3A_5020 : i1 to i32
      %sign3A_5022 = arith.constant 0 : i32
      %sign3A_5023 = arith.cmpi slt, %squeeze3A_5016, %sign3A_5022 : i32
      %sign3A_5024 = arith.extui %sign3A_5023 : i1 to i32
      %sign3A_5025 = arith.subi %sign3A_5021, %sign3A_5024 : i32
      %sign3A_5026 = arith.constant 0 : i32
      %sign3A_5027 = arith.cmpi sgt, %jit3A_5017, %sign3A_5026 : i32
      %sign3A_5028 = arith.extui %sign3A_5027 : i1 to i32
      %sign3A_5029 = arith.constant 0 : i32
      %sign3A_5030 = arith.cmpi slt, %jit3A_5017, %sign3A_5029 : i32
      %sign3A_5031 = arith.extui %sign3A_5030 : i1 to i32
      %sign3A_5032 = arith.subi %sign3A_5028, %sign3A_5031 : i32
      %ne3A_5033 = arith.cmpi ne, %sign3A_5025, %sign3A_5032 : i32
      %rem3A_5034 = arith.remsi %squeeze3A_5016, %jit3A_5017 : i32
      %ne3A_5035 = arith.constant 0 : i32
      %ne3A_5036 = arith.cmpi ne, %rem3A_5034, %ne3A_5035 : i32
      %and3A_5037 = arith.andi %ne3A_5033, %ne3A_5036 : i1
      %sub3A_5038 = arith.constant 1 : i32
      %sub3A_5039 = arith.subi %div3A_5018, %sub3A_5038 : i32
      %select_n3A_5040 = arith.select %and3A_5037, %sub3A_5039, %div3A_5018 : i32
      %mul3A_5041 = arith.constant 128 : i32
      %mul3A_5042 = arith.muli %select_n3A_5040, %mul3A_5041 : i32
      %multiple_of3A_5043 = tpu.assume_multiple %mul3A_5042, 128 : i32
      %dma_start3A_5044 = arith.constant 6 : i32
      %dma_start3A_5045 = arith.constant 0 : i32
      %dma_start3A_5046 = arith.constant 0 : i32
      %dma_start3A_5047 = tpu.memref_slice %arg10[%dma_start3A_5044, %dma_start3A_5045, %dma_start3A_5046] : memref<8x32x128xf32, #tpu.memory_space<vmem>> -> memref<1x32x128xf32, #tpu.memory_space<vmem>>
      %dma_start3A_5048 = tpu.memref_squeeze %dma_start3A_5047 : memref<1x32x128xf32, #tpu.memory_space<vmem>> -> memref<32x128xf32, #tpu.memory_space<vmem>>
      %dma_start3A_5049 = arith.constant 0 : i32
      %dma_start3A_5050 = tpu.memref_slice %arg5[%dma_start3A_5049, %multiple_of3A_5043] : memref<32x1000000xf32, #tpu.memory_space<hbm>> -> memref<32x128xf32, #tpu.memory_space<hbm>>
      %dma_start3A_5051 = arith.constant 0 : i32
      %dma_start3A_5052 = arith.constant 0 : i32
      %dma_start3A_5053 = tpu.memref_slice %arg10[%dma_start3A_5044, %dma_start3A_5051, %dma_start3A_5052] : memref<8x32x128xf32, #tpu.memory_space<vmem>> -> memref<1x32x128xf32, #tpu.memory_space<vmem>>
      %dma_start3A_5054 = tpu.memref_squeeze %dma_start3A_5053 : memref<1x32x128xf32, #tpu.memory_space<vmem>> -> memref<32x128xf32, #tpu.memory_space<vmem>>
      %dma_start3A_5055 = arith.constant 0 : i32
      %dma_start3A_5056 = tpu.memref_slice %arg5[%dma_start3A_5055, %multiple_of3A_5043] : memref<32x1000000xf32, #tpu.memory_space<hbm>> -> memref<32x128xf32, #tpu.memory_space<hbm>>
      tpu.enqueue_dma source(%dma_start3A_5056 : memref<32x128xf32, #tpu.memory_space<hbm>>) target(%dma_start3A_5054 : memref<32x128xf32, #tpu.memory_space<vmem>>) target_semaphore(%arg13 : memref<!tpu.dma_semaphore, #tpu.memory_space<semaphore_mem>>)
      %mul3A_5057 = arith.mulf %gather3A_4954, %gather3A_4966 : vector<16xf32>
      %mul3A_5058 = arith.mulf %gather3A_4960, %gather3A_4972 : vector<16xf32>
      %add3A_5059 = arith.addf %mul3A_5057, %mul3A_5058 : vector<16xf32>
      %reduce_sum3A_5060 = arith.constant true
      %reduce_sum3A_5061 = vector.broadcast %reduce_sum3A_5060 : i1 to vector<16xi1>
      %reduce_sum3A_5062 = tpu.scan <sum>, %add3A_5059 masked %reduce_sum3A_5061 : vector<16xf32>, vector<16xi1> -> vector<16xf32>
      %reduce_sum3A_5063 = vector.extract %reduce_sum3A_5062[15] : f32 from vector<16xf32>
      %mul3A_5064 = vector.broadcast %reduce_sum3A_5063 : f32 to vector<16xf32>
      %mul3A_5065 = arith.mulf %mul3A_5064, %convert_element_type3A_762 : vector<16xf32>
      %add3A_5066 = arith.addf %add3A_4826, %mul3A_5065 : vector<16xf32>
      %slice3A_5067 = vector.extract_strided_slice %get3A_1451 {offsets = [15], sizes = [1], strides = [1]} : vector<16xi32> to vector<1xi32>
      %squeeze3A_5068 = vector.extract %slice3A_5067[0] : i32 from vector<1xi32>
      %jit3A_5069 = arith.constant 128 : i32
      %div3A_5070 = arith.divsi %squeeze3A_5068, %jit3A_5069 : i32
      %sign3A_5071 = arith.constant 0 : i32
      %sign3A_5072 = arith.cmpi sgt, %squeeze3A_5068, %sign3A_5071 : i32
      %sign3A_5073 = arith.extui %sign3A_5072 : i1 to i32
      %sign3A_5074 = arith.constant 0 : i32
      %sign3A_5075 = arith.cmpi slt, %squeeze3A_5068, %sign3A_5074 : i32
      %sign3A_5076 = arith.extui %sign3A_5075 : i1 to i32
      %sign3A_5077 = arith.subi %sign3A_5073, %sign3A_5076 : i32
      %sign3A_5078 = arith.constant 0 : i32
      %sign3A_5079 = arith.cmpi sgt, %jit3A_5069, %sign3A_5078 : i32
      %sign3A_5080 = arith.extui %sign3A_5079 : i1 to i32
      %sign3A_5081 = arith.constant 0 : i32
      %sign3A_5082 = arith.cmpi slt, %jit3A_5069, %sign3A_5081 : i32
      %sign3A_5083 = arith.extui %sign3A_5082 : i1 to i32
      %sign3A_5084 = arith.subi %sign3A_5080, %sign3A_5083 : i32
      %ne3A_5085 = arith.cmpi ne, %sign3A_5077, %sign3A_5084 : i32
      %rem3A_5086 = arith.remsi %squeeze3A_5068, %jit3A_5069 : i32
      %ne3A_5087 = arith.constant 0 : i32
      %ne3A_5088 = arith.cmpi ne, %rem3A_5086, %ne3A_5087 : i32
      %and3A_5089 = arith.andi %ne3A_5085, %ne3A_5088 : i1
      %sub3A_5090 = arith.constant 1 : i32
      %sub3A_5091 = arith.subi %div3A_5070, %sub3A_5090 : i32
      %select_n3A_5092 = arith.select %and3A_5089, %sub3A_5091, %div3A_5070 : i32
      %mul3A_5093 = arith.constant 128 : i32
      %mul3A_5094 = arith.muli %select_n3A_5092, %mul3A_5093 : i32
      %multiple_of3A_5095 = tpu.assume_multiple %mul3A_5094, 128 : i32
      %dma_wait3A_5096 = arith.constant 7 : i32
      %dma_wait3A_5097 = arith.constant 0 : i32
      %dma_wait3A_5098 = arith.constant 0 : i32
      %dma_wait3A_5099 = tpu.memref_slice %arg9[%dma_wait3A_5096, %dma_wait3A_5097, %dma_wait3A_5098] : memref<8x32x128xf32, #tpu.memory_space<vmem>> -> memref<1x32x128xf32, #tpu.memory_space<vmem>>
      %dma_wait3A_5100 = tpu.memref_squeeze %dma_wait3A_5099 : memref<1x32x128xf32, #tpu.memory_space<vmem>> -> memref<32x128xf32, #tpu.memory_space<vmem>>
      %dma_wait3A_5101 = arith.constant 0 : i32
      %dma_wait3A_5102 = tpu.memref_slice %arg4[%dma_wait3A_5101, %multiple_of3A_5095] : memref<32x1000000xf32, #tpu.memory_space<hbm>> -> memref<32x128xf32, #tpu.memory_space<hbm>>
      %dma_wait3A_5103 = arith.constant 0 : i32
      %dma_wait3A_5104 = arith.constant 0 : i32
      %dma_wait3A_5105 = tpu.memref_slice %arg9[%dma_wait3A_5096, %dma_wait3A_5103, %dma_wait3A_5104] : memref<8x32x128xf32, #tpu.memory_space<vmem>> -> memref<1x32x128xf32, #tpu.memory_space<vmem>>
      %dma_wait3A_5106 = tpu.memref_squeeze %dma_wait3A_5105 : memref<1x32x128xf32, #tpu.memory_space<vmem>> -> memref<32x128xf32, #tpu.memory_space<vmem>>
      %dma_wait3A_5107 = arith.constant 0 : i32
      %dma_wait3A_5108 = tpu.memref_slice %arg4[%dma_wait3A_5107, %multiple_of3A_5095] : memref<32x1000000xf32, #tpu.memory_space<hbm>> -> memref<32x128xf32, #tpu.memory_space<hbm>>
      tpu.wait_dma2 semaphore(%arg12 : memref<!tpu.dma_semaphore, #tpu.memory_space<semaphore_mem>>) src(%dma_wait3A_5108 : memref<32x128xf32, #tpu.memory_space<hbm>>) dst(%dma_wait3A_5106 : memref<32x128xf32, #tpu.memory_space<vmem>>)
      %slice3A_5109 = vector.extract_strided_slice %get3A_1455 {offsets = [15], sizes = [1], strides = [1]} : vector<16xi32> to vector<1xi32>
      %squeeze3A_5110 = vector.extract %slice3A_5109[0] : i32 from vector<1xi32>
      %jit3A_5111 = arith.constant 128 : i32
      %div3A_5112 = arith.divsi %squeeze3A_5110, %jit3A_5111 : i32
      %sign3A_5113 = arith.constant 0 : i32
      %sign3A_5114 = arith.cmpi sgt, %squeeze3A_5110, %sign3A_5113 : i32
      %sign3A_5115 = arith.extui %sign3A_5114 : i1 to i32
      %sign3A_5116 = arith.constant 0 : i32
      %sign3A_5117 = arith.cmpi slt, %squeeze3A_5110, %sign3A_5116 : i32
      %sign3A_5118 = arith.extui %sign3A_5117 : i1 to i32
      %sign3A_5119 = arith.subi %sign3A_5115, %sign3A_5118 : i32
      %sign3A_5120 = arith.constant 0 : i32
      %sign3A_5121 = arith.cmpi sgt, %jit3A_5111, %sign3A_5120 : i32
      %sign3A_5122 = arith.extui %sign3A_5121 : i1 to i32
      %sign3A_5123 = arith.constant 0 : i32
      %sign3A_5124 = arith.cmpi slt, %jit3A_5111, %sign3A_5123 : i32
      %sign3A_5125 = arith.extui %sign3A_5124 : i1 to i32
      %sign3A_5126 = arith.subi %sign3A_5122, %sign3A_5125 : i32
      %ne3A_5127 = arith.cmpi ne, %sign3A_5119, %sign3A_5126 : i32
      %rem3A_5128 = arith.remsi %squeeze3A_5110, %jit3A_5111 : i32
      %ne3A_5129 = arith.constant 0 : i32
      %ne3A_5130 = arith.cmpi ne, %rem3A_5128, %ne3A_5129 : i32
      %and3A_5131 = arith.andi %ne3A_5127, %ne3A_5130 : i1
      %sub3A_5132 = arith.constant 1 : i32
      %sub3A_5133 = arith.subi %div3A_5112, %sub3A_5132 : i32
      %select_n3A_5134 = arith.select %and3A_5131, %sub3A_5133, %div3A_5112 : i32
      %mul3A_5135 = arith.constant 128 : i32
      %mul3A_5136 = arith.muli %select_n3A_5134, %mul3A_5135 : i32
      %multiple_of3A_5137 = tpu.assume_multiple %mul3A_5136, 128 : i32
      %dma_wait3A_5138 = arith.constant 7 : i32
      %dma_wait3A_5139 = arith.constant 0 : i32
      %dma_wait3A_5140 = arith.constant 0 : i32
      %dma_wait3A_5141 = tpu.memref_slice %arg10[%dma_wait3A_5138, %dma_wait3A_5139, %dma_wait3A_5140] : memref<8x32x128xf32, #tpu.memory_space<vmem>> -> memref<1x32x128xf32, #tpu.memory_space<vmem>>
      %dma_wait3A_5142 = tpu.memref_squeeze %dma_wait3A_5141 : memref<1x32x128xf32, #tpu.memory_space<vmem>> -> memref<32x128xf32, #tpu.memory_space<vmem>>
      %dma_wait3A_5143 = arith.constant 0 : i32
      %dma_wait3A_5144 = tpu.memref_slice %arg5[%dma_wait3A_5143, %multiple_of3A_5137] : memref<32x1000000xf32, #tpu.memory_space<hbm>> -> memref<32x128xf32, #tpu.memory_space<hbm>>
      %dma_wait3A_5145 = arith.constant 0 : i32
      %dma_wait3A_5146 = arith.constant 0 : i32
      %dma_wait3A_5147 = tpu.memref_slice %arg10[%dma_wait3A_5138, %dma_wait3A_5145, %dma_wait3A_5146] : memref<8x32x128xf32, #tpu.memory_space<vmem>> -> memref<1x32x128xf32, #tpu.memory_space<vmem>>
      %dma_wait3A_5148 = tpu.memref_squeeze %dma_wait3A_5147 : memref<1x32x128xf32, #tpu.memory_space<vmem>> -> memref<32x128xf32, #tpu.memory_space<vmem>>
      %dma_wait3A_5149 = arith.constant 0 : i32
      %dma_wait3A_5150 = tpu.memref_slice %arg5[%dma_wait3A_5149, %multiple_of3A_5137] : memref<32x1000000xf32, #tpu.memory_space<hbm>> -> memref<32x128xf32, #tpu.memory_space<hbm>>
      tpu.wait_dma2 semaphore(%arg13 : memref<!tpu.dma_semaphore, #tpu.memory_space<semaphore_mem>>) src(%dma_wait3A_5150 : memref<32x128xf32, #tpu.memory_space<hbm>>) dst(%dma_wait3A_5148 : memref<32x128xf32, #tpu.memory_space<vmem>>)
      %slice3A_5151 = vector.extract_strided_slice %get3A_1451 {offsets = [15], sizes = [1], strides = [1]} : vector<16xi32> to vector<1xi32>
      %squeeze3A_5152 = vector.extract %slice3A_5151[0] : i32 from vector<1xi32>
      %jit3A_5153 = arith.constant 128 : i32
      %eq3A_5154 = arith.constant 0 : i32
      %eq3A_5155 = arith.cmpi eq, %jit3A_5153, %eq3A_5154 : i32
      %jit3A_5156 = arith.constant 1 : i32
      %select_n3A_5157 = arith.select %eq3A_5155, %jit3A_5156, %jit3A_5153 : i32
      %rem3A_5158 = arith.remsi %squeeze3A_5152, %select_n3A_5157 : i32
      %ne3A_5159 = arith.constant 0 : i32
      %ne3A_5160 = arith.cmpi ne, %rem3A_5158, %ne3A_5159 : i32
      %lt3A_5161 = arith.constant 0 : i32
      %lt3A_5162 = arith.cmpi slt, %rem3A_5158, %lt3A_5161 : i32
      %lt3A_5163 = arith.constant 0 : i32
      %lt3A_5164 = arith.cmpi slt, %select_n3A_5157, %lt3A_5163 : i32
      %ne3A_5165 = arith.xori %lt3A_5162, %lt3A_5164 : i1
      %and3A_5166 = arith.andi %ne3A_5165, %ne3A_5160 : i1
      %add3A_5167 = arith.addi %rem3A_5158, %select_n3A_5157 : i32
      %select_n3A_5168 = arith.select %and3A_5166, %add3A_5167, %rem3A_5158 : i32
      %broadcast_in_dim3A_5169 = vector.broadcast %select_n3A_5168 : i32 to vector<16xi32>
      %slice3A_5170 = vector.extract_strided_slice %get3A_1455 {offsets = [15], sizes = [1], strides = [1]} : vector<16xi32> to vector<1xi32>
      %squeeze3A_5171 = vector.extract %slice3A_5170[0] : i32 from vector<1xi32>
      %jit3A_5172 = arith.constant 128 : i32
      %eq3A_5173 = arith.constant 0 : i32
      %eq3A_5174 = arith.cmpi eq, %jit3A_5172, %eq3A_5173 : i32
      %jit3A_5175 = arith.constant 1 : i32
      %select_n3A_5176 = arith.select %eq3A_5174, %jit3A_5175, %jit3A_5172 : i32
      %rem3A_5177 = arith.remsi %squeeze3A_5171, %select_n3A_5176 : i32
      %ne3A_5178 = arith.constant 0 : i32
      %ne3A_5179 = arith.cmpi ne, %rem3A_5177, %ne3A_5178 : i32
      %lt3A_5180 = arith.constant 0 : i32
      %lt3A_5181 = arith.cmpi slt, %rem3A_5177, %lt3A_5180 : i32
      %lt3A_5182 = arith.constant 0 : i32
      %lt3A_5183 = arith.cmpi slt, %select_n3A_5176, %lt3A_5182 : i32
      %ne3A_5184 = arith.xori %lt3A_5181, %lt3A_5183 : i1
      %and3A_5185 = arith.andi %ne3A_5184, %ne3A_5179 : i1
      %add3A_5186 = arith.addi %rem3A_5177, %select_n3A_5176 : i32
      %select_n3A_5187 = arith.select %and3A_5185, %add3A_5186, %rem3A_5177 : i32
      %broadcast_in_dim3A_5188 = vector.broadcast %select_n3A_5187 : i32 to vector<16xi32>
      %gather3A_5189 = arith.constant 7 : i32
      %gather3A_5190 = arith.constant 0 : i32
      %gather3A_5191 = arith.constant 0 : i32
      %gather3A_5192 = tpu.memref_slice %arg9[%gather3A_5189, %gather3A_5190, %gather3A_5191] : memref<8x32x128xf32, #tpu.memory_space<vmem>> -> memref<1x32x128xf32, #tpu.memory_space<vmem>>
      %gather3A_5193 = tpu.memref_squeeze %gather3A_5192 : memref<1x32x128xf32, #tpu.memory_space<vmem>> -> memref<32x128xf32, #tpu.memory_space<vmem>>
      %gather3A_5194 = tpu.vector_load_idx %gather3A_5193[%iota3A, %broadcast_in_dim3A_5169] : memref<32x128xf32, #tpu.memory_space<vmem>>[vector<16xi32>, vector<16xi32>], vector<16xf32>,
      %gather3A_5195 = arith.constant 7 : i32
      %gather3A_5196 = arith.constant 0 : i32
      %gather3A_5197 = arith.constant 0 : i32
      %gather3A_5198 = tpu.memref_slice %arg9[%gather3A_5195, %gather3A_5196, %gather3A_5197] : memref<8x32x128xf32, #tpu.memory_space<vmem>> -> memref<1x32x128xf32, #tpu.memory_space<vmem>>
      %gather3A_5199 = tpu.memref_squeeze %gather3A_5198 : memref<1x32x128xf32, #tpu.memory_space<vmem>> -> memref<32x128xf32, #tpu.memory_space<vmem>>
      %gather3A_5200 = tpu.vector_load_idx %gather3A_5199[%add3A_11, %broadcast_in_dim3A_5169] : memref<32x128xf32, #tpu.memory_space<vmem>>[vector<16xi32>, vector<16xi32>], vector<16xf32>,
      %gather3A_5201 = arith.constant 7 : i32
      %gather3A_5202 = arith.constant 0 : i32
      %gather3A_5203 = arith.constant 0 : i32
      %gather3A_5204 = tpu.memref_slice %arg10[%gather3A_5201, %gather3A_5202, %gather3A_5203] : memref<8x32x128xf32, #tpu.memory_space<vmem>> -> memref<1x32x128xf32, #tpu.memory_space<vmem>>
      %gather3A_5205 = tpu.memref_squeeze %gather3A_5204 : memref<1x32x128xf32, #tpu.memory_space<vmem>> -> memref<32x128xf32, #tpu.memory_space<vmem>>
      %gather3A_5206 = tpu.vector_load_idx %gather3A_5205[%iota3A, %broadcast_in_dim3A_5188] : memref<32x128xf32, #tpu.memory_space<vmem>>[vector<16xi32>, vector<16xi32>], vector<16xf32>,
      %gather3A_5207 = arith.constant 7 : i32
      %gather3A_5208 = arith.constant 0 : i32
      %gather3A_5209 = arith.constant 0 : i32
      %gather3A_5210 = tpu.memref_slice %arg10[%gather3A_5207, %gather3A_5208, %gather3A_5209] : memref<8x32x128xf32, #tpu.memory_space<vmem>> -> memref<1x32x128xf32, #tpu.memory_space<vmem>>
      %gather3A_5211 = tpu.memref_squeeze %gather3A_5210 : memref<1x32x128xf32, #tpu.memory_space<vmem>> -> memref<32x128xf32, #tpu.memory_space<vmem>>
      %gather3A_5212 = tpu.vector_load_idx %gather3A_5211[%add3A_11, %broadcast_in_dim3A_5188] : memref<32x128xf32, #tpu.memory_space<vmem>>[vector<16xi32>, vector<16xi32>], vector<16xf32>,
      %slice3A_5213 = vector.extract_strided_slice %get3A_1461 {offsets = [15], sizes = [1], strides = [1]} : vector<16xi32> to vector<1xi32>
      %squeeze3A_5214 = vector.extract %slice3A_5213[0] : i32 from vector<1xi32>
      %jit3A_5215 = arith.constant 128 : i32
      %div3A_5216 = arith.divsi %squeeze3A_5214, %jit3A_5215 : i32
      %sign3A_5217 = arith.constant 0 : i32
      %sign3A_5218 = arith.cmpi sgt, %squeeze3A_5214, %sign3A_5217 : i32
      %sign3A_5219 = arith.extui %sign3A_5218 : i1 to i32
      %sign3A_5220 = arith.constant 0 : i32
      %sign3A_5221 = arith.cmpi slt, %squeeze3A_5214, %sign3A_5220 : i32
      %sign3A_5222 = arith.extui %sign3A_5221 : i1 to i32
      %sign3A_5223 = arith.subi %sign3A_5219, %sign3A_5222 : i32
      %sign3A_5224 = arith.constant 0 : i32
      %sign3A_5225 = arith.cmpi sgt, %jit3A_5215, %sign3A_5224 : i32
      %sign3A_5226 = arith.extui %sign3A_5225 : i1 to i32
      %sign3A_5227 = arith.constant 0 : i32
      %sign3A_5228 = arith.cmpi slt, %jit3A_5215, %sign3A_5227 : i32
      %sign3A_5229 = arith.extui %sign3A_5228 : i1 to i32
      %sign3A_5230 = arith.subi %sign3A_5226, %sign3A_5229 : i32
      %ne3A_5231 = arith.cmpi ne, %sign3A_5223, %sign3A_5230 : i32
      %rem3A_5232 = arith.remsi %squeeze3A_5214, %jit3A_5215 : i32
      %ne3A_5233 = arith.constant 0 : i32
      %ne3A_5234 = arith.cmpi ne, %rem3A_5232, %ne3A_5233 : i32
      %and3A_5235 = arith.andi %ne3A_5231, %ne3A_5234 : i1
      %sub3A_5236 = arith.constant 1 : i32
      %sub3A_5237 = arith.subi %div3A_5216, %sub3A_5236 : i32
      %select_n3A_5238 = arith.select %and3A_5235, %sub3A_5237, %div3A_5216 : i32
      %mul3A_5239 = arith.constant 128 : i32
      %mul3A_5240 = arith.muli %select_n3A_5238, %mul3A_5239 : i32
      %multiple_of3A_5241 = tpu.assume_multiple %mul3A_5240, 128 : i32
      %dma_start3A_5242 = arith.constant 7 : i32
      %dma_start3A_5243 = arith.constant 0 : i32
      %dma_start3A_5244 = arith.constant 0 : i32
      %dma_start3A_5245 = tpu.memref_slice %arg9[%dma_start3A_5242, %dma_start3A_5243, %dma_start3A_5244] : memref<8x32x128xf32, #tpu.memory_space<vmem>> -> memref<1x32x128xf32, #tpu.memory_space<vmem>>
      %dma_start3A_5246 = tpu.memref_squeeze %dma_start3A_5245 : memref<1x32x128xf32, #tpu.memory_space<vmem>> -> memref<32x128xf32, #tpu.memory_space<vmem>>
      %dma_start3A_5247 = arith.constant 0 : i32
      %dma_start3A_5248 = tpu.memref_slice %arg4[%dma_start3A_5247, %multiple_of3A_5241] : memref<32x1000000xf32, #tpu.memory_space<hbm>> -> memref<32x128xf32, #tpu.memory_space<hbm>>
      %dma_start3A_5249 = arith.constant 0 : i32
      %dma_start3A_5250 = arith.constant 0 : i32
      %dma_start3A_5251 = tpu.memref_slice %arg9[%dma_start3A_5242, %dma_start3A_5249, %dma_start3A_5250] : memref<8x32x128xf32, #tpu.memory_space<vmem>> -> memref<1x32x128xf32, #tpu.memory_space<vmem>>
      %dma_start3A_5252 = tpu.memref_squeeze %dma_start3A_5251 : memref<1x32x128xf32, #tpu.memory_space<vmem>> -> memref<32x128xf32, #tpu.memory_space<vmem>>
      %dma_start3A_5253 = arith.constant 0 : i32
      %dma_start3A_5254 = tpu.memref_slice %arg4[%dma_start3A_5253, %multiple_of3A_5241] : memref<32x1000000xf32, #tpu.memory_space<hbm>> -> memref<32x128xf32, #tpu.memory_space<hbm>>
      tpu.enqueue_dma source(%dma_start3A_5254 : memref<32x128xf32, #tpu.memory_space<hbm>>) target(%dma_start3A_5252 : memref<32x128xf32, #tpu.memory_space<vmem>>) target_semaphore(%arg12 : memref<!tpu.dma_semaphore, #tpu.memory_space<semaphore_mem>>)
      %slice3A_5255 = vector.extract_strided_slice %get3A_1467 {offsets = [15], sizes = [1], strides = [1]} : vector<16xi32> to vector<1xi32>
      %squeeze3A_5256 = vector.extract %slice3A_5255[0] : i32 from vector<1xi32>
      %jit3A_5257 = arith.constant 128 : i32
      %div3A_5258 = arith.divsi %squeeze3A_5256, %jit3A_5257 : i32
      %sign3A_5259 = arith.constant 0 : i32
      %sign3A_5260 = arith.cmpi sgt, %squeeze3A_5256, %sign3A_5259 : i32
      %sign3A_5261 = arith.extui %sign3A_5260 : i1 to i32
      %sign3A_5262 = arith.constant 0 : i32
      %sign3A_5263 = arith.cmpi slt, %squeeze3A_5256, %sign3A_5262 : i32
      %sign3A_5264 = arith.extui %sign3A_5263 : i1 to i32
      %sign3A_5265 = arith.subi %sign3A_5261, %sign3A_5264 : i32
      %sign3A_5266 = arith.constant 0 : i32
      %sign3A_5267 = arith.cmpi sgt, %jit3A_5257, %sign3A_5266 : i32
      %sign3A_5268 = arith.extui %sign3A_5267 : i1 to i32
      %sign3A_5269 = arith.constant 0 : i32
      %sign3A_5270 = arith.cmpi slt, %jit3A_5257, %sign3A_5269 : i32
      %sign3A_5271 = arith.extui %sign3A_5270 : i1 to i32
      %sign3A_5272 = arith.subi %sign3A_5268, %sign3A_5271 : i32
      %ne3A_5273 = arith.cmpi ne, %sign3A_5265, %sign3A_5272 : i32
      %rem3A_5274 = arith.remsi %squeeze3A_5256, %jit3A_5257 : i32
      %ne3A_5275 = arith.constant 0 : i32
      %ne3A_5276 = arith.cmpi ne, %rem3A_5274, %ne3A_5275 : i32
      %and3A_5277 = arith.andi %ne3A_5273, %ne3A_5276 : i1
      %sub3A_5278 = arith.constant 1 : i32
      %sub3A_5279 = arith.subi %div3A_5258, %sub3A_5278 : i32
      %select_n3A_5280 = arith.select %and3A_5277, %sub3A_5279, %div3A_5258 : i32
      %mul3A_5281 = arith.constant 128 : i32
      %mul3A_5282 = arith.muli %select_n3A_5280, %mul3A_5281 : i32
      %multiple_of3A_5283 = tpu.assume_multiple %mul3A_5282, 128 : i32
      %dma_start3A_5284 = arith.constant 7 : i32
      %dma_start3A_5285 = arith.constant 0 : i32
      %dma_start3A_5286 = arith.constant 0 : i32
      %dma_start3A_5287 = tpu.memref_slice %arg10[%dma_start3A_5284, %dma_start3A_5285, %dma_start3A_5286] : memref<8x32x128xf32, #tpu.memory_space<vmem>> -> memref<1x32x128xf32, #tpu.memory_space<vmem>>
      %dma_start3A_5288 = tpu.memref_squeeze %dma_start3A_5287 : memref<1x32x128xf32, #tpu.memory_space<vmem>> -> memref<32x128xf32, #tpu.memory_space<vmem>>
      %dma_start3A_5289 = arith.constant 0 : i32
      %dma_start3A_5290 = tpu.memref_slice %arg5[%dma_start3A_5289, %multiple_of3A_5283] : memref<32x1000000xf32, #tpu.memory_space<hbm>> -> memref<32x128xf32, #tpu.memory_space<hbm>>
      %dma_start3A_5291 = arith.constant 0 : i32
      %dma_start3A_5292 = arith.constant 0 : i32
      %dma_start3A_5293 = tpu.memref_slice %arg10[%dma_start3A_5284, %dma_start3A_5291, %dma_start3A_5292] : memref<8x32x128xf32, #tpu.memory_space<vmem>> -> memref<1x32x128xf32, #tpu.memory_space<vmem>>
      %dma_start3A_5294 = tpu.memref_squeeze %dma_start3A_5293 : memref<1x32x128xf32, #tpu.memory_space<vmem>> -> memref<32x128xf32, #tpu.memory_space<vmem>>
      %dma_start3A_5295 = arith.constant 0 : i32
      %dma_start3A_5296 = tpu.memref_slice %arg5[%dma_start3A_5295, %multiple_of3A_5283] : memref<32x1000000xf32, #tpu.memory_space<hbm>> -> memref<32x128xf32, #tpu.memory_space<hbm>>
      tpu.enqueue_dma source(%dma_start3A_5296 : memref<32x128xf32, #tpu.memory_space<hbm>>) target(%dma_start3A_5294 : memref<32x128xf32, #tpu.memory_space<vmem>>) target_semaphore(%arg13 : memref<!tpu.dma_semaphore, #tpu.memory_space<semaphore_mem>>)
      %mul3A_5297 = arith.mulf %gather3A_5194, %gather3A_5206 : vector<16xf32>
      %mul3A_5298 = arith.mulf %gather3A_5200, %gather3A_5212 : vector<16xf32>
      %add3A_5299 = arith.addf %mul3A_5297, %mul3A_5298 : vector<16xf32>
      %reduce_sum3A_5300 = arith.constant true
      %reduce_sum3A_5301 = vector.broadcast %reduce_sum3A_5300 : i1 to vector<16xi1>
      %reduce_sum3A_5302 = tpu.scan <sum>, %add3A_5299 masked %reduce_sum3A_5301 : vector<16xf32>, vector<16xi1> -> vector<16xf32>
      %reduce_sum3A_5303 = vector.extract %reduce_sum3A_5302[15] : f32 from vector<16xf32>
      %mul3A_5304 = vector.broadcast %reduce_sum3A_5303 : f32 to vector<16xf32>
      %mul3A_5305 = arith.mulf %mul3A_5304, %convert_element_type3A_768 : vector<16xf32>
      %add3A_5306 = arith.addf %add3A_5066, %mul3A_5305 : vector<16xf32>
      %mul3A_5307 = arith.constant 16 : i32
      %mul3A_5308 = arith.muli %scan3A_1447, %mul3A_5307 : i32
      %swap3A_5309 = arith.index_cast %mul3A_5308 : i32 to index
      %swap3A_5310 = tpu.vector_load %arg11[%swap3A_5309] {strides = array<i32>} : memref<512xf32, #tpu.memory_space<vmem>>, vector<16xf32>,
      tpu.vector_store %arg11[%swap3A_5309], %add3A_5306 {strides = array<i32>} : memref<512xf32, #tpu.memory_space<vmem>>, vector<16xf32>,
    }
    %scan3A_773 = arith.constant 32 : i32
    %get3A_774 = arith.constant 512 : index
    %get3A_775 = tpu.vector_load %arg7[%get3A_774] {strides = array<i32>} : memref<528xi32, #tpu.memory_space<vmem>>, vector<16xi32>,
    %slice3A_776 = vector.extract_strided_slice %get3A_775 {offsets = [0], sizes = [1], strides = [1]} : vector<16xi32> to vector<1xi32>
    %squeeze3A_777 = vector.extract %slice3A_776[0] : i32 from vector<1xi32>
    %jit3A_778 = arith.constant 128 : i32
    %div3A_779 = arith.divsi %squeeze3A_777, %jit3A_778 : i32
    %sign3A_780 = arith.constant 0 : i32
    %sign3A_781 = arith.cmpi sgt, %squeeze3A_777, %sign3A_780 : i32
    %sign3A_782 = arith.extui %sign3A_781 : i1 to i32
    %sign3A_783 = arith.constant 0 : i32
    %sign3A_784 = arith.cmpi slt, %squeeze3A_777, %sign3A_783 : i32
    %sign3A_785 = arith.extui %sign3A_784 : i1 to i32
    %sign3A_786 = arith.subi %sign3A_782, %sign3A_785 : i32
    %sign3A_787 = arith.constant 0 : i32
    %sign3A_788 = arith.cmpi sgt, %jit3A_778, %sign3A_787 : i32
    %sign3A_789 = arith.extui %sign3A_788 : i1 to i32
    %sign3A_790 = arith.constant 0 : i32
    %sign3A_791 = arith.cmpi slt, %jit3A_778, %sign3A_790 : i32
    %sign3A_792 = arith.extui %sign3A_791 : i1 to i32
    %sign3A_793 = arith.subi %sign3A_789, %sign3A_792 : i32
    %ne3A_794 = arith.cmpi ne, %sign3A_786, %sign3A_793 : i32
    %rem3A_795 = arith.remsi %squeeze3A_777, %jit3A_778 : i32
    %ne3A_796 = arith.constant 0 : i32
    %ne3A_797 = arith.cmpi ne, %rem3A_795, %ne3A_796 : i32
    %and3A_798 = arith.andi %ne3A_794, %ne3A_797 : i1
    %sub3A_799 = arith.constant 1 : i32
    %sub3A_800 = arith.subi %div3A_779, %sub3A_799 : i32
    %select_n3A_801 = arith.select %and3A_798, %sub3A_800, %div3A_779 : i32
    %mul3A_802 = arith.constant 128 : i32
    %mul3A_803 = arith.muli %select_n3A_801, %mul3A_802 : i32
    %multiple_of3A_804 = tpu.assume_multiple %mul3A_803, 128 : i32
    %dma_wait3A = arith.constant 0 : i32
    %dma_wait3A_805 = arith.constant 0 : i32
    %dma_wait3A_806 = arith.constant 0 : i32
    %dma_wait3A_807 = tpu.memref_slice %arg9[%dma_wait3A, %dma_wait3A_805, %dma_wait3A_806] : memref<8x32x128xf32, #tpu.memory_space<vmem>> -> memref<1x32x128xf32, #tpu.memory_space<vmem>>
    %dma_wait3A_808 = tpu.memref_squeeze %dma_wait3A_807 : memref<1x32x128xf32, #tpu.memory_space<vmem>> -> memref<32x128xf32, #tpu.memory_space<vmem>>
    %dma_wait3A_809 = arith.constant 0 : i32
    %dma_wait3A_810 = tpu.memref_slice %arg4[%dma_wait3A_809, %multiple_of3A_804] : memref<32x1000000xf32, #tpu.memory_space<hbm>> -> memref<32x128xf32, #tpu.memory_space<hbm>>
    %dma_wait3A_811 = arith.constant 0 : i32
    %dma_wait3A_812 = arith.constant 0 : i32
    %dma_wait3A_813 = tpu.memref_slice %arg9[%dma_wait3A, %dma_wait3A_811, %dma_wait3A_812] : memref<8x32x128xf32, #tpu.memory_space<vmem>> -> memref<1x32x128xf32, #tpu.memory_space<vmem>>
    %dma_wait3A_814 = tpu.memref_squeeze %dma_wait3A_813 : memref<1x32x128xf32, #tpu.memory_space<vmem>> -> memref<32x128xf32, #tpu.memory_space<vmem>>
    %dma_wait3A_815 = arith.constant 0 : i32
    %dma_wait3A_816 = tpu.memref_slice %arg4[%dma_wait3A_815, %multiple_of3A_804] : memref<32x1000000xf32, #tpu.memory_space<hbm>> -> memref<32x128xf32, #tpu.memory_space<hbm>>
    tpu.wait_dma2 semaphore(%arg12 : memref<!tpu.dma_semaphore, #tpu.memory_space<semaphore_mem>>) src(%dma_wait3A_816 : memref<32x128xf32, #tpu.memory_space<hbm>>) dst(%dma_wait3A_814 : memref<32x128xf32, #tpu.memory_space<vmem>>)
    %slice3A_817 = vector.extract_strided_slice %get3A_775 {offsets = [0], sizes = [1], strides = [1]} : vector<16xi32> to vector<1xi32>
    %squeeze3A_818 = vector.extract %slice3A_817[0] : i32 from vector<1xi32>
    %jit3A_819 = arith.constant 128 : i32
    %div3A_820 = arith.divsi %squeeze3A_818, %jit3A_819 : i32
    %sign3A_821 = arith.constant 0 : i32
    %sign3A_822 = arith.cmpi sgt, %squeeze3A_818, %sign3A_821 : i32
    %sign3A_823 = arith.extui %sign3A_822 : i1 to i32
    %sign3A_824 = arith.constant 0 : i32
    %sign3A_825 = arith.cmpi slt, %squeeze3A_818, %sign3A_824 : i32
    %sign3A_826 = arith.extui %sign3A_825 : i1 to i32
    %sign3A_827 = arith.subi %sign3A_823, %sign3A_826 : i32
    %sign3A_828 = arith.constant 0 : i32
    %sign3A_829 = arith.cmpi sgt, %jit3A_819, %sign3A_828 : i32
    %sign3A_830 = arith.extui %sign3A_829 : i1 to i32
    %sign3A_831 = arith.constant 0 : i32
    %sign3A_832 = arith.cmpi slt, %jit3A_819, %sign3A_831 : i32
    %sign3A_833 = arith.extui %sign3A_832 : i1 to i32
    %sign3A_834 = arith.subi %sign3A_830, %sign3A_833 : i32
    %ne3A_835 = arith.cmpi ne, %sign3A_827, %sign3A_834 : i32
    %rem3A_836 = arith.remsi %squeeze3A_818, %jit3A_819 : i32
    %ne3A_837 = arith.constant 0 : i32
    %ne3A_838 = arith.cmpi ne, %rem3A_836, %ne3A_837 : i32
    %and3A_839 = arith.andi %ne3A_835, %ne3A_838 : i1
    %sub3A_840 = arith.constant 1 : i32
    %sub3A_841 = arith.subi %div3A_820, %sub3A_840 : i32
    %select_n3A_842 = arith.select %and3A_839, %sub3A_841, %div3A_820 : i32
    %mul3A_843 = arith.constant 128 : i32
    %mul3A_844 = arith.muli %select_n3A_842, %mul3A_843 : i32
    %multiple_of3A_845 = tpu.assume_multiple %mul3A_844, 128 : i32
    %dma_wait3A_846 = arith.constant 0 : i32
    %dma_wait3A_847 = arith.constant 0 : i32
    %dma_wait3A_848 = arith.constant 0 : i32
    %dma_wait3A_849 = tpu.memref_slice %arg10[%dma_wait3A_846, %dma_wait3A_847, %dma_wait3A_848] : memref<8x32x128xf32, #tpu.memory_space<vmem>> -> memref<1x32x128xf32, #tpu.memory_space<vmem>>
    %dma_wait3A_850 = tpu.memref_squeeze %dma_wait3A_849 : memref<1x32x128xf32, #tpu.memory_space<vmem>> -> memref<32x128xf32, #tpu.memory_space<vmem>>
    %dma_wait3A_851 = arith.constant 0 : i32
    %dma_wait3A_852 = tpu.memref_slice %arg5[%dma_wait3A_851, %multiple_of3A_845] : memref<32x1000000xf32, #tpu.memory_space<hbm>> -> memref<32x128xf32, #tpu.memory_space<hbm>>
    %dma_wait3A_853 = arith.constant 0 : i32
    %dma_wait3A_854 = arith.constant 0 : i32
    %dma_wait3A_855 = tpu.memref_slice %arg10[%dma_wait3A_846, %dma_wait3A_853, %dma_wait3A_854] : memref<8x32x128xf32, #tpu.memory_space<vmem>> -> memref<1x32x128xf32, #tpu.memory_space<vmem>>
    %dma_wait3A_856 = tpu.memref_squeeze %dma_wait3A_855 : memref<1x32x128xf32, #tpu.memory_space<vmem>> -> memref<32x128xf32, #tpu.memory_space<vmem>>
    %dma_wait3A_857 = arith.constant 0 : i32
    %dma_wait3A_858 = tpu.memref_slice %arg5[%dma_wait3A_857, %multiple_of3A_845] : memref<32x1000000xf32, #tpu.memory_space<hbm>> -> memref<32x128xf32, #tpu.memory_space<hbm>>
    tpu.wait_dma2 semaphore(%arg13 : memref<!tpu.dma_semaphore, #tpu.memory_space<semaphore_mem>>) src(%dma_wait3A_858 : memref<32x128xf32, #tpu.memory_space<hbm>>) dst(%dma_wait3A_856 : memref<32x128xf32, #tpu.memory_space<vmem>>)
    %slice3A_859 = vector.extract_strided_slice %get3A_775 {offsets = [1], sizes = [1], strides = [1]} : vector<16xi32> to vector<1xi32>
    %squeeze3A_860 = vector.extract %slice3A_859[0] : i32 from vector<1xi32>
    %jit3A_861 = arith.constant 128 : i32
    %div3A_862 = arith.divsi %squeeze3A_860, %jit3A_861 : i32
    %sign3A_863 = arith.constant 0 : i32
    %sign3A_864 = arith.cmpi sgt, %squeeze3A_860, %sign3A_863 : i32
    %sign3A_865 = arith.extui %sign3A_864 : i1 to i32
    %sign3A_866 = arith.constant 0 : i32
    %sign3A_867 = arith.cmpi slt, %squeeze3A_860, %sign3A_866 : i32
    %sign3A_868 = arith.extui %sign3A_867 : i1 to i32
    %sign3A_869 = arith.subi %sign3A_865, %sign3A_868 : i32
    %sign3A_870 = arith.constant 0 : i32
    %sign3A_871 = arith.cmpi sgt, %jit3A_861, %sign3A_870 : i32
    %sign3A_872 = arith.extui %sign3A_871 : i1 to i32
    %sign3A_873 = arith.constant 0 : i32
    %sign3A_874 = arith.cmpi slt, %jit3A_861, %sign3A_873 : i32
    %sign3A_875 = arith.extui %sign3A_874 : i1 to i32
    %sign3A_876 = arith.subi %sign3A_872, %sign3A_875 : i32
    %ne3A_877 = arith.cmpi ne, %sign3A_869, %sign3A_876 : i32
    %rem3A_878 = arith.remsi %squeeze3A_860, %jit3A_861 : i32
    %ne3A_879 = arith.constant 0 : i32
    %ne3A_880 = arith.cmpi ne, %rem3A_878, %ne3A_879 : i32
    %and3A_881 = arith.andi %ne3A_877, %ne3A_880 : i1
    %sub3A_882 = arith.constant 1 : i32
    %sub3A_883 = arith.subi %div3A_862, %sub3A_882 : i32
    %select_n3A_884 = arith.select %and3A_881, %sub3A_883, %div3A_862 : i32
    %mul3A_885 = arith.constant 128 : i32
    %mul3A_886 = arith.muli %select_n3A_884, %mul3A_885 : i32
    %multiple_of3A_887 = tpu.assume_multiple %mul3A_886, 128 : i32
    %dma_wait3A_888 = arith.constant 1 : i32
    %dma_wait3A_889 = arith.constant 0 : i32
    %dma_wait3A_890 = arith.constant 0 : i32
    %dma_wait3A_891 = tpu.memref_slice %arg9[%dma_wait3A_888, %dma_wait3A_889, %dma_wait3A_890] : memref<8x32x128xf32, #tpu.memory_space<vmem>> -> memref<1x32x128xf32, #tpu.memory_space<vmem>>
    %dma_wait3A_892 = tpu.memref_squeeze %dma_wait3A_891 : memref<1x32x128xf32, #tpu.memory_space<vmem>> -> memref<32x128xf32, #tpu.memory_space<vmem>>
    %dma_wait3A_893 = arith.constant 0 : i32
    %dma_wait3A_894 = tpu.memref_slice %arg4[%dma_wait3A_893, %multiple_of3A_887] : memref<32x1000000xf32, #tpu.memory_space<hbm>> -> memref<32x128xf32, #tpu.memory_space<hbm>>
    %dma_wait3A_895 = arith.constant 0 : i32
    %dma_wait3A_896 = arith.constant 0 : i32
    %dma_wait3A_897 = tpu.memref_slice %arg9[%dma_wait3A_888, %dma_wait3A_895, %dma_wait3A_896] : memref<8x32x128xf32, #tpu.memory_space<vmem>> -> memref<1x32x128xf32, #tpu.memory_space<vmem>>
    %dma_wait3A_898 = tpu.memref_squeeze %dma_wait3A_897 : memref<1x32x128xf32, #tpu.memory_space<vmem>> -> memref<32x128xf32, #tpu.memory_space<vmem>>
    %dma_wait3A_899 = arith.constant 0 : i32
    %dma_wait3A_900 = tpu.memref_slice %arg4[%dma_wait3A_899, %multiple_of3A_887] : memref<32x1000000xf32, #tpu.memory_space<hbm>> -> memref<32x128xf32, #tpu.memory_space<hbm>>
    tpu.wait_dma2 semaphore(%arg12 : memref<!tpu.dma_semaphore, #tpu.memory_space<semaphore_mem>>) src(%dma_wait3A_900 : memref<32x128xf32, #tpu.memory_space<hbm>>) dst(%dma_wait3A_898 : memref<32x128xf32, #tpu.memory_space<vmem>>)
    %slice3A_901 = vector.extract_strided_slice %get3A_775 {offsets = [1], sizes = [1], strides = [1]} : vector<16xi32> to vector<1xi32>
    %squeeze3A_902 = vector.extract %slice3A_901[0] : i32 from vector<1xi32>
    %jit3A_903 = arith.constant 128 : i32
    %div3A_904 = arith.divsi %squeeze3A_902, %jit3A_903 : i32
    %sign3A_905 = arith.constant 0 : i32
    %sign3A_906 = arith.cmpi sgt, %squeeze3A_902, %sign3A_905 : i32
    %sign3A_907 = arith.extui %sign3A_906 : i1 to i32
    %sign3A_908 = arith.constant 0 : i32
    %sign3A_909 = arith.cmpi slt, %squeeze3A_902, %sign3A_908 : i32
    %sign3A_910 = arith.extui %sign3A_909 : i1 to i32
    %sign3A_911 = arith.subi %sign3A_907, %sign3A_910 : i32
    %sign3A_912 = arith.constant 0 : i32
    %sign3A_913 = arith.cmpi sgt, %jit3A_903, %sign3A_912 : i32
    %sign3A_914 = arith.extui %sign3A_913 : i1 to i32
    %sign3A_915 = arith.constant 0 : i32
    %sign3A_916 = arith.cmpi slt, %jit3A_903, %sign3A_915 : i32
    %sign3A_917 = arith.extui %sign3A_916 : i1 to i32
    %sign3A_918 = arith.subi %sign3A_914, %sign3A_917 : i32
    %ne3A_919 = arith.cmpi ne, %sign3A_911, %sign3A_918 : i32
    %rem3A_920 = arith.remsi %squeeze3A_902, %jit3A_903 : i32
    %ne3A_921 = arith.constant 0 : i32
    %ne3A_922 = arith.cmpi ne, %rem3A_920, %ne3A_921 : i32
    %and3A_923 = arith.andi %ne3A_919, %ne3A_922 : i1
    %sub3A_924 = arith.constant 1 : i32
    %sub3A_925 = arith.subi %div3A_904, %sub3A_924 : i32
    %select_n3A_926 = arith.select %and3A_923, %sub3A_925, %div3A_904 : i32
    %mul3A_927 = arith.constant 128 : i32
    %mul3A_928 = arith.muli %select_n3A_926, %mul3A_927 : i32
    %multiple_of3A_929 = tpu.assume_multiple %mul3A_928, 128 : i32
    %dma_wait3A_930 = arith.constant 1 : i32
    %dma_wait3A_931 = arith.constant 0 : i32
    %dma_wait3A_932 = arith.constant 0 : i32
    %dma_wait3A_933 = tpu.memref_slice %arg10[%dma_wait3A_930, %dma_wait3A_931, %dma_wait3A_932] : memref<8x32x128xf32, #tpu.memory_space<vmem>> -> memref<1x32x128xf32, #tpu.memory_space<vmem>>
    %dma_wait3A_934 = tpu.memref_squeeze %dma_wait3A_933 : memref<1x32x128xf32, #tpu.memory_space<vmem>> -> memref<32x128xf32, #tpu.memory_space<vmem>>
    %dma_wait3A_935 = arith.constant 0 : i32
    %dma_wait3A_936 = tpu.memref_slice %arg5[%dma_wait3A_935, %multiple_of3A_929] : memref<32x1000000xf32, #tpu.memory_space<hbm>> -> memref<32x128xf32, #tpu.memory_space<hbm>>
    %dma_wait3A_937 = arith.constant 0 : i32
    %dma_wait3A_938 = arith.constant 0 : i32
    %dma_wait3A_939 = tpu.memref_slice %arg10[%dma_wait3A_930, %dma_wait3A_937, %dma_wait3A_938] : memref<8x32x128xf32, #tpu.memory_space<vmem>> -> memref<1x32x128xf32, #tpu.memory_space<vmem>>
    %dma_wait3A_940 = tpu.memref_squeeze %dma_wait3A_939 : memref<1x32x128xf32, #tpu.memory_space<vmem>> -> memref<32x128xf32, #tpu.memory_space<vmem>>
    %dma_wait3A_941 = arith.constant 0 : i32
    %dma_wait3A_942 = tpu.memref_slice %arg5[%dma_wait3A_941, %multiple_of3A_929] : memref<32x1000000xf32, #tpu.memory_space<hbm>> -> memref<32x128xf32, #tpu.memory_space<hbm>>
    tpu.wait_dma2 semaphore(%arg13 : memref<!tpu.dma_semaphore, #tpu.memory_space<semaphore_mem>>) src(%dma_wait3A_942 : memref<32x128xf32, #tpu.memory_space<hbm>>) dst(%dma_wait3A_940 : memref<32x128xf32, #tpu.memory_space<vmem>>)
    %slice3A_943 = vector.extract_strided_slice %get3A_775 {offsets = [2], sizes = [1], strides = [1]} : vector<16xi32> to vector<1xi32>
    %squeeze3A_944 = vector.extract %slice3A_943[0] : i32 from vector<1xi32>
    %jit3A_945 = arith.constant 128 : i32
    %div3A_946 = arith.divsi %squeeze3A_944, %jit3A_945 : i32
    %sign3A_947 = arith.constant 0 : i32
    %sign3A_948 = arith.cmpi sgt, %squeeze3A_944, %sign3A_947 : i32
    %sign3A_949 = arith.extui %sign3A_948 : i1 to i32
    %sign3A_950 = arith.constant 0 : i32
    %sign3A_951 = arith.cmpi slt, %squeeze3A_944, %sign3A_950 : i32
    %sign3A_952 = arith.extui %sign3A_951 : i1 to i32
    %sign3A_953 = arith.subi %sign3A_949, %sign3A_952 : i32
    %sign3A_954 = arith.constant 0 : i32
    %sign3A_955 = arith.cmpi sgt, %jit3A_945, %sign3A_954 : i32
    %sign3A_956 = arith.extui %sign3A_955 : i1 to i32
    %sign3A_957 = arith.constant 0 : i32
    %sign3A_958 = arith.cmpi slt, %jit3A_945, %sign3A_957 : i32
    %sign3A_959 = arith.extui %sign3A_958 : i1 to i32
    %sign3A_960 = arith.subi %sign3A_956, %sign3A_959 : i32
    %ne3A_961 = arith.cmpi ne, %sign3A_953, %sign3A_960 : i32
    %rem3A_962 = arith.remsi %squeeze3A_944, %jit3A_945 : i32
    %ne3A_963 = arith.constant 0 : i32
    %ne3A_964 = arith.cmpi ne, %rem3A_962, %ne3A_963 : i32
    %and3A_965 = arith.andi %ne3A_961, %ne3A_964 : i1
    %sub3A_966 = arith.constant 1 : i32
    %sub3A_967 = arith.subi %div3A_946, %sub3A_966 : i32
    %select_n3A_968 = arith.select %and3A_965, %sub3A_967, %div3A_946 : i32
    %mul3A_969 = arith.constant 128 : i32
    %mul3A_970 = arith.muli %select_n3A_968, %mul3A_969 : i32
    %multiple_of3A_971 = tpu.assume_multiple %mul3A_970, 128 : i32
    %dma_wait3A_972 = arith.constant 2 : i32
    %dma_wait3A_973 = arith.constant 0 : i32
    %dma_wait3A_974 = arith.constant 0 : i32
    %dma_wait3A_975 = tpu.memref_slice %arg9[%dma_wait3A_972, %dma_wait3A_973, %dma_wait3A_974] : memref<8x32x128xf32, #tpu.memory_space<vmem>> -> memref<1x32x128xf32, #tpu.memory_space<vmem>>
    %dma_wait3A_976 = tpu.memref_squeeze %dma_wait3A_975 : memref<1x32x128xf32, #tpu.memory_space<vmem>> -> memref<32x128xf32, #tpu.memory_space<vmem>>
    %dma_wait3A_977 = arith.constant 0 : i32
    %dma_wait3A_978 = tpu.memref_slice %arg4[%dma_wait3A_977, %multiple_of3A_971] : memref<32x1000000xf32, #tpu.memory_space<hbm>> -> memref<32x128xf32, #tpu.memory_space<hbm>>
    %dma_wait3A_979 = arith.constant 0 : i32
    %dma_wait3A_980 = arith.constant 0 : i32
    %dma_wait3A_981 = tpu.memref_slice %arg9[%dma_wait3A_972, %dma_wait3A_979, %dma_wait3A_980] : memref<8x32x128xf32, #tpu.memory_space<vmem>> -> memref<1x32x128xf32, #tpu.memory_space<vmem>>
    %dma_wait3A_982 = tpu.memref_squeeze %dma_wait3A_981 : memref<1x32x128xf32, #tpu.memory_space<vmem>> -> memref<32x128xf32, #tpu.memory_space<vmem>>
    %dma_wait3A_983 = arith.constant 0 : i32
    %dma_wait3A_984 = tpu.memref_slice %arg4[%dma_wait3A_983, %multiple_of3A_971] : memref<32x1000000xf32, #tpu.memory_space<hbm>> -> memref<32x128xf32, #tpu.memory_space<hbm>>
    tpu.wait_dma2 semaphore(%arg12 : memref<!tpu.dma_semaphore, #tpu.memory_space<semaphore_mem>>) src(%dma_wait3A_984 : memref<32x128xf32, #tpu.memory_space<hbm>>) dst(%dma_wait3A_982 : memref<32x128xf32, #tpu.memory_space<vmem>>)
    %slice3A_985 = vector.extract_strided_slice %get3A_775 {offsets = [2], sizes = [1], strides = [1]} : vector<16xi32> to vector<1xi32>
    %squeeze3A_986 = vector.extract %slice3A_985[0] : i32 from vector<1xi32>
    %jit3A_987 = arith.constant 128 : i32
    %div3A_988 = arith.divsi %squeeze3A_986, %jit3A_987 : i32
    %sign3A_989 = arith.constant 0 : i32
    %sign3A_990 = arith.cmpi sgt, %squeeze3A_986, %sign3A_989 : i32
    %sign3A_991 = arith.extui %sign3A_990 : i1 to i32
    %sign3A_992 = arith.constant 0 : i32
    %sign3A_993 = arith.cmpi slt, %squeeze3A_986, %sign3A_992 : i32
    %sign3A_994 = arith.extui %sign3A_993 : i1 to i32
    %sign3A_995 = arith.subi %sign3A_991, %sign3A_994 : i32
    %sign3A_996 = arith.constant 0 : i32
    %sign3A_997 = arith.cmpi sgt, %jit3A_987, %sign3A_996 : i32
    %sign3A_998 = arith.extui %sign3A_997 : i1 to i32
    %sign3A_999 = arith.constant 0 : i32
    %sign3A_1000 = arith.cmpi slt, %jit3A_987, %sign3A_999 : i32
    %sign3A_1001 = arith.extui %sign3A_1000 : i1 to i32
    %sign3A_1002 = arith.subi %sign3A_998, %sign3A_1001 : i32
    %ne3A_1003 = arith.cmpi ne, %sign3A_995, %sign3A_1002 : i32
    %rem3A_1004 = arith.remsi %squeeze3A_986, %jit3A_987 : i32
    %ne3A_1005 = arith.constant 0 : i32
    %ne3A_1006 = arith.cmpi ne, %rem3A_1004, %ne3A_1005 : i32
    %and3A_1007 = arith.andi %ne3A_1003, %ne3A_1006 : i1
    %sub3A_1008 = arith.constant 1 : i32
    %sub3A_1009 = arith.subi %div3A_988, %sub3A_1008 : i32
    %select_n3A_1010 = arith.select %and3A_1007, %sub3A_1009, %div3A_988 : i32
    %mul3A_1011 = arith.constant 128 : i32
    %mul3A_1012 = arith.muli %select_n3A_1010, %mul3A_1011 : i32
    %multiple_of3A_1013 = tpu.assume_multiple %mul3A_1012, 128 : i32
    %dma_wait3A_1014 = arith.constant 2 : i32
    %dma_wait3A_1015 = arith.constant 0 : i32
    %dma_wait3A_1016 = arith.constant 0 : i32
    %dma_wait3A_1017 = tpu.memref_slice %arg10[%dma_wait3A_1014, %dma_wait3A_1015, %dma_wait3A_1016] : memref<8x32x128xf32, #tpu.memory_space<vmem>> -> memref<1x32x128xf32, #tpu.memory_space<vmem>>
    %dma_wait3A_1018 = tpu.memref_squeeze %dma_wait3A_1017 : memref<1x32x128xf32, #tpu.memory_space<vmem>> -> memref<32x128xf32, #tpu.memory_space<vmem>>
    %dma_wait3A_1019 = arith.constant 0 : i32
    %dma_wait3A_1020 = tpu.memref_slice %arg5[%dma_wait3A_1019, %multiple_of3A_1013] : memref<32x1000000xf32, #tpu.memory_space<hbm>> -> memref<32x128xf32, #tpu.memory_space<hbm>>
    %dma_wait3A_1021 = arith.constant 0 : i32
    %dma_wait3A_1022 = arith.constant 0 : i32
    %dma_wait3A_1023 = tpu.memref_slice %arg10[%dma_wait3A_1014, %dma_wait3A_1021, %dma_wait3A_1022] : memref<8x32x128xf32, #tpu.memory_space<vmem>> -> memref<1x32x128xf32, #tpu.memory_space<vmem>>
    %dma_wait3A_1024 = tpu.memref_squeeze %dma_wait3A_1023 : memref<1x32x128xf32, #tpu.memory_space<vmem>> -> memref<32x128xf32, #tpu.memory_space<vmem>>
    %dma_wait3A_1025 = arith.constant 0 : i32
    %dma_wait3A_1026 = tpu.memref_slice %arg5[%dma_wait3A_1025, %multiple_of3A_1013] : memref<32x1000000xf32, #tpu.memory_space<hbm>> -> memref<32x128xf32, #tpu.memory_space<hbm>>
    tpu.wait_dma2 semaphore(%arg13 : memref<!tpu.dma_semaphore, #tpu.memory_space<semaphore_mem>>) src(%dma_wait3A_1026 : memref<32x128xf32, #tpu.memory_space<hbm>>) dst(%dma_wait3A_1024 : memref<32x128xf32, #tpu.memory_space<vmem>>)
    %slice3A_1027 = vector.extract_strided_slice %get3A_775 {offsets = [3], sizes = [1], strides = [1]} : vector<16xi32> to vector<1xi32>
    %squeeze3A_1028 = vector.extract %slice3A_1027[0] : i32 from vector<1xi32>
    %jit3A_1029 = arith.constant 128 : i32
    %div3A_1030 = arith.divsi %squeeze3A_1028, %jit3A_1029 : i32
    %sign3A_1031 = arith.constant 0 : i32
    %sign3A_1032 = arith.cmpi sgt, %squeeze3A_1028, %sign3A_1031 : i32
    %sign3A_1033 = arith.extui %sign3A_1032 : i1 to i32
    %sign3A_1034 = arith.constant 0 : i32
    %sign3A_1035 = arith.cmpi slt, %squeeze3A_1028, %sign3A_1034 : i32
    %sign3A_1036 = arith.extui %sign3A_1035 : i1 to i32
    %sign3A_1037 = arith.subi %sign3A_1033, %sign3A_1036 : i32
    %sign3A_1038 = arith.constant 0 : i32
    %sign3A_1039 = arith.cmpi sgt, %jit3A_1029, %sign3A_1038 : i32
    %sign3A_1040 = arith.extui %sign3A_1039 : i1 to i32
    %sign3A_1041 = arith.constant 0 : i32
    %sign3A_1042 = arith.cmpi slt, %jit3A_1029, %sign3A_1041 : i32
    %sign3A_1043 = arith.extui %sign3A_1042 : i1 to i32
    %sign3A_1044 = arith.subi %sign3A_1040, %sign3A_1043 : i32
    %ne3A_1045 = arith.cmpi ne, %sign3A_1037, %sign3A_1044 : i32
    %rem3A_1046 = arith.remsi %squeeze3A_1028, %jit3A_1029 : i32
    %ne3A_1047 = arith.constant 0 : i32
    %ne3A_1048 = arith.cmpi ne, %rem3A_1046, %ne3A_1047 : i32
    %and3A_1049 = arith.andi %ne3A_1045, %ne3A_1048 : i1
    %sub3A_1050 = arith.constant 1 : i32
    %sub3A_1051 = arith.subi %div3A_1030, %sub3A_1050 : i32
    %select_n3A_1052 = arith.select %and3A_1049, %sub3A_1051, %div3A_1030 : i32
    %mul3A_1053 = arith.constant 128 : i32
    %mul3A_1054 = arith.muli %select_n3A_1052, %mul3A_1053 : i32
    %multiple_of3A_1055 = tpu.assume_multiple %mul3A_1054, 128 : i32
    %dma_wait3A_1056 = arith.constant 3 : i32
    %dma_wait3A_1057 = arith.constant 0 : i32
    %dma_wait3A_1058 = arith.constant 0 : i32
    %dma_wait3A_1059 = tpu.memref_slice %arg9[%dma_wait3A_1056, %dma_wait3A_1057, %dma_wait3A_1058] : memref<8x32x128xf32, #tpu.memory_space<vmem>> -> memref<1x32x128xf32, #tpu.memory_space<vmem>>
    %dma_wait3A_1060 = tpu.memref_squeeze %dma_wait3A_1059 : memref<1x32x128xf32, #tpu.memory_space<vmem>> -> memref<32x128xf32, #tpu.memory_space<vmem>>
    %dma_wait3A_1061 = arith.constant 0 : i32
    %dma_wait3A_1062 = tpu.memref_slice %arg4[%dma_wait3A_1061, %multiple_of3A_1055] : memref<32x1000000xf32, #tpu.memory_space<hbm>> -> memref<32x128xf32, #tpu.memory_space<hbm>>
    %dma_wait3A_1063 = arith.constant 0 : i32
    %dma_wait3A_1064 = arith.constant 0 : i32
    %dma_wait3A_1065 = tpu.memref_slice %arg9[%dma_wait3A_1056, %dma_wait3A_1063, %dma_wait3A_1064] : memref<8x32x128xf32, #tpu.memory_space<vmem>> -> memref<1x32x128xf32, #tpu.memory_space<vmem>>
    %dma_wait3A_1066 = tpu.memref_squeeze %dma_wait3A_1065 : memref<1x32x128xf32, #tpu.memory_space<vmem>> -> memref<32x128xf32, #tpu.memory_space<vmem>>
    %dma_wait3A_1067 = arith.constant 0 : i32
    %dma_wait3A_1068 = tpu.memref_slice %arg4[%dma_wait3A_1067, %multiple_of3A_1055] : memref<32x1000000xf32, #tpu.memory_space<hbm>> -> memref<32x128xf32, #tpu.memory_space<hbm>>
    tpu.wait_dma2 semaphore(%arg12 : memref<!tpu.dma_semaphore, #tpu.memory_space<semaphore_mem>>) src(%dma_wait3A_1068 : memref<32x128xf32, #tpu.memory_space<hbm>>) dst(%dma_wait3A_1066 : memref<32x128xf32, #tpu.memory_space<vmem>>)
    %slice3A_1069 = vector.extract_strided_slice %get3A_775 {offsets = [3], sizes = [1], strides = [1]} : vector<16xi32> to vector<1xi32>
    %squeeze3A_1070 = vector.extract %slice3A_1069[0] : i32 from vector<1xi32>
    %jit3A_1071 = arith.constant 128 : i32
    %div3A_1072 = arith.divsi %squeeze3A_1070, %jit3A_1071 : i32
    %sign3A_1073 = arith.constant 0 : i32
    %sign3A_1074 = arith.cmpi sgt, %squeeze3A_1070, %sign3A_1073 : i32
    %sign3A_1075 = arith.extui %sign3A_1074 : i1 to i32
    %sign3A_1076 = arith.constant 0 : i32
    %sign3A_1077 = arith.cmpi slt, %squeeze3A_1070, %sign3A_1076 : i32
    %sign3A_1078 = arith.extui %sign3A_1077 : i1 to i32
    %sign3A_1079 = arith.subi %sign3A_1075, %sign3A_1078 : i32
    %sign3A_1080 = arith.constant 0 : i32
    %sign3A_1081 = arith.cmpi sgt, %jit3A_1071, %sign3A_1080 : i32
    %sign3A_1082 = arith.extui %sign3A_1081 : i1 to i32
    %sign3A_1083 = arith.constant 0 : i32
    %sign3A_1084 = arith.cmpi slt, %jit3A_1071, %sign3A_1083 : i32
    %sign3A_1085 = arith.extui %sign3A_1084 : i1 to i32
    %sign3A_1086 = arith.subi %sign3A_1082, %sign3A_1085 : i32
    %ne3A_1087 = arith.cmpi ne, %sign3A_1079, %sign3A_1086 : i32
    %rem3A_1088 = arith.remsi %squeeze3A_1070, %jit3A_1071 : i32
    %ne3A_1089 = arith.constant 0 : i32
    %ne3A_1090 = arith.cmpi ne, %rem3A_1088, %ne3A_1089 : i32
    %and3A_1091 = arith.andi %ne3A_1087, %ne3A_1090 : i1
    %sub3A_1092 = arith.constant 1 : i32
    %sub3A_1093 = arith.subi %div3A_1072, %sub3A_1092 : i32
    %select_n3A_1094 = arith.select %and3A_1091, %sub3A_1093, %div3A_1072 : i32
    %mul3A_1095 = arith.constant 128 : i32
    %mul3A_1096 = arith.muli %select_n3A_1094, %mul3A_1095 : i32
    %multiple_of3A_1097 = tpu.assume_multiple %mul3A_1096, 128 : i32
    %dma_wait3A_1098 = arith.constant 3 : i32
    %dma_wait3A_1099 = arith.constant 0 : i32
    %dma_wait3A_1100 = arith.constant 0 : i32
    %dma_wait3A_1101 = tpu.memref_slice %arg10[%dma_wait3A_1098, %dma_wait3A_1099, %dma_wait3A_1100] : memref<8x32x128xf32, #tpu.memory_space<vmem>> -> memref<1x32x128xf32, #tpu.memory_space<vmem>>
    %dma_wait3A_1102 = tpu.memref_squeeze %dma_wait3A_1101 : memref<1x32x128xf32, #tpu.memory_space<vmem>> -> memref<32x128xf32, #tpu.memory_space<vmem>>
    %dma_wait3A_1103 = arith.constant 0 : i32
    %dma_wait3A_1104 = tpu.memref_slice %arg5[%dma_wait3A_1103, %multiple_of3A_1097] : memref<32x1000000xf32, #tpu.memory_space<hbm>> -> memref<32x128xf32, #tpu.memory_space<hbm>>
    %dma_wait3A_1105 = arith.constant 0 : i32
    %dma_wait3A_1106 = arith.constant 0 : i32
    %dma_wait3A_1107 = tpu.memref_slice %arg10[%dma_wait3A_1098, %dma_wait3A_1105, %dma_wait3A_1106] : memref<8x32x128xf32, #tpu.memory_space<vmem>> -> memref<1x32x128xf32, #tpu.memory_space<vmem>>
    %dma_wait3A_1108 = tpu.memref_squeeze %dma_wait3A_1107 : memref<1x32x128xf32, #tpu.memory_space<vmem>> -> memref<32x128xf32, #tpu.memory_space<vmem>>
    %dma_wait3A_1109 = arith.constant 0 : i32
    %dma_wait3A_1110 = tpu.memref_slice %arg5[%dma_wait3A_1109, %multiple_of3A_1097] : memref<32x1000000xf32, #tpu.memory_space<hbm>> -> memref<32x128xf32, #tpu.memory_space<hbm>>
    tpu.wait_dma2 semaphore(%arg13 : memref<!tpu.dma_semaphore, #tpu.memory_space<semaphore_mem>>) src(%dma_wait3A_1110 : memref<32x128xf32, #tpu.memory_space<hbm>>) dst(%dma_wait3A_1108 : memref<32x128xf32, #tpu.memory_space<vmem>>)
    %slice3A_1111 = vector.extract_strided_slice %get3A_775 {offsets = [4], sizes = [1], strides = [1]} : vector<16xi32> to vector<1xi32>
    %squeeze3A_1112 = vector.extract %slice3A_1111[0] : i32 from vector<1xi32>
    %jit3A_1113 = arith.constant 128 : i32
    %div3A_1114 = arith.divsi %squeeze3A_1112, %jit3A_1113 : i32
    %sign3A_1115 = arith.constant 0 : i32
    %sign3A_1116 = arith.cmpi sgt, %squeeze3A_1112, %sign3A_1115 : i32
    %sign3A_1117 = arith.extui %sign3A_1116 : i1 to i32
    %sign3A_1118 = arith.constant 0 : i32
    %sign3A_1119 = arith.cmpi slt, %squeeze3A_1112, %sign3A_1118 : i32
    %sign3A_1120 = arith.extui %sign3A_1119 : i1 to i32
    %sign3A_1121 = arith.subi %sign3A_1117, %sign3A_1120 : i32
    %sign3A_1122 = arith.constant 0 : i32
    %sign3A_1123 = arith.cmpi sgt, %jit3A_1113, %sign3A_1122 : i32
    %sign3A_1124 = arith.extui %sign3A_1123 : i1 to i32
    %sign3A_1125 = arith.constant 0 : i32
    %sign3A_1126 = arith.cmpi slt, %jit3A_1113, %sign3A_1125 : i32
    %sign3A_1127 = arith.extui %sign3A_1126 : i1 to i32
    %sign3A_1128 = arith.subi %sign3A_1124, %sign3A_1127 : i32
    %ne3A_1129 = arith.cmpi ne, %sign3A_1121, %sign3A_1128 : i32
    %rem3A_1130 = arith.remsi %squeeze3A_1112, %jit3A_1113 : i32
    %ne3A_1131 = arith.constant 0 : i32
    %ne3A_1132 = arith.cmpi ne, %rem3A_1130, %ne3A_1131 : i32
    %and3A_1133 = arith.andi %ne3A_1129, %ne3A_1132 : i1
    %sub3A_1134 = arith.constant 1 : i32
    %sub3A_1135 = arith.subi %div3A_1114, %sub3A_1134 : i32
    %select_n3A_1136 = arith.select %and3A_1133, %sub3A_1135, %div3A_1114 : i32
    %mul3A_1137 = arith.constant 128 : i32
    %mul3A_1138 = arith.muli %select_n3A_1136, %mul3A_1137 : i32
    %multiple_of3A_1139 = tpu.assume_multiple %mul3A_1138, 128 : i32
    %dma_wait3A_1140 = arith.constant 4 : i32
    %dma_wait3A_1141 = arith.constant 0 : i32
    %dma_wait3A_1142 = arith.constant 0 : i32
    %dma_wait3A_1143 = tpu.memref_slice %arg9[%dma_wait3A_1140, %dma_wait3A_1141, %dma_wait3A_1142] : memref<8x32x128xf32, #tpu.memory_space<vmem>> -> memref<1x32x128xf32, #tpu.memory_space<vmem>>
    %dma_wait3A_1144 = tpu.memref_squeeze %dma_wait3A_1143 : memref<1x32x128xf32, #tpu.memory_space<vmem>> -> memref<32x128xf32, #tpu.memory_space<vmem>>
    %dma_wait3A_1145 = arith.constant 0 : i32
    %dma_wait3A_1146 = tpu.memref_slice %arg4[%dma_wait3A_1145, %multiple_of3A_1139] : memref<32x1000000xf32, #tpu.memory_space<hbm>> -> memref<32x128xf32, #tpu.memory_space<hbm>>
    %dma_wait3A_1147 = arith.constant 0 : i32
    %dma_wait3A_1148 = arith.constant 0 : i32
    %dma_wait3A_1149 = tpu.memref_slice %arg9[%dma_wait3A_1140, %dma_wait3A_1147, %dma_wait3A_1148] : memref<8x32x128xf32, #tpu.memory_space<vmem>> -> memref<1x32x128xf32, #tpu.memory_space<vmem>>
    %dma_wait3A_1150 = tpu.memref_squeeze %dma_wait3A_1149 : memref<1x32x128xf32, #tpu.memory_space<vmem>> -> memref<32x128xf32, #tpu.memory_space<vmem>>
    %dma_wait3A_1151 = arith.constant 0 : i32
    %dma_wait3A_1152 = tpu.memref_slice %arg4[%dma_wait3A_1151, %multiple_of3A_1139] : memref<32x1000000xf32, #tpu.memory_space<hbm>> -> memref<32x128xf32, #tpu.memory_space<hbm>>
    tpu.wait_dma2 semaphore(%arg12 : memref<!tpu.dma_semaphore, #tpu.memory_space<semaphore_mem>>) src(%dma_wait3A_1152 : memref<32x128xf32, #tpu.memory_space<hbm>>) dst(%dma_wait3A_1150 : memref<32x128xf32, #tpu.memory_space<vmem>>)
    %slice3A_1153 = vector.extract_strided_slice %get3A_775 {offsets = [4], sizes = [1], strides = [1]} : vector<16xi32> to vector<1xi32>
    %squeeze3A_1154 = vector.extract %slice3A_1153[0] : i32 from vector<1xi32>
    %jit3A_1155 = arith.constant 128 : i32
    %div3A_1156 = arith.divsi %squeeze3A_1154, %jit3A_1155 : i32
    %sign3A_1157 = arith.constant 0 : i32
    %sign3A_1158 = arith.cmpi sgt, %squeeze3A_1154, %sign3A_1157 : i32
    %sign3A_1159 = arith.extui %sign3A_1158 : i1 to i32
    %sign3A_1160 = arith.constant 0 : i32
    %sign3A_1161 = arith.cmpi slt, %squeeze3A_1154, %sign3A_1160 : i32
    %sign3A_1162 = arith.extui %sign3A_1161 : i1 to i32
    %sign3A_1163 = arith.subi %sign3A_1159, %sign3A_1162 : i32
    %sign3A_1164 = arith.constant 0 : i32
    %sign3A_1165 = arith.cmpi sgt, %jit3A_1155, %sign3A_1164 : i32
    %sign3A_1166 = arith.extui %sign3A_1165 : i1 to i32
    %sign3A_1167 = arith.constant 0 : i32
    %sign3A_1168 = arith.cmpi slt, %jit3A_1155, %sign3A_1167 : i32
    %sign3A_1169 = arith.extui %sign3A_1168 : i1 to i32
    %sign3A_1170 = arith.subi %sign3A_1166, %sign3A_1169 : i32
    %ne3A_1171 = arith.cmpi ne, %sign3A_1163, %sign3A_1170 : i32
    %rem3A_1172 = arith.remsi %squeeze3A_1154, %jit3A_1155 : i32
    %ne3A_1173 = arith.constant 0 : i32
    %ne3A_1174 = arith.cmpi ne, %rem3A_1172, %ne3A_1173 : i32
    %and3A_1175 = arith.andi %ne3A_1171, %ne3A_1174 : i1
    %sub3A_1176 = arith.constant 1 : i32
    %sub3A_1177 = arith.subi %div3A_1156, %sub3A_1176 : i32
    %select_n3A_1178 = arith.select %and3A_1175, %sub3A_1177, %div3A_1156 : i32
    %mul3A_1179 = arith.constant 128 : i32
    %mul3A_1180 = arith.muli %select_n3A_1178, %mul3A_1179 : i32
    %multiple_of3A_1181 = tpu.assume_multiple %mul3A_1180, 128 : i32
    %dma_wait3A_1182 = arith.constant 4 : i32
    %dma_wait3A_1183 = arith.constant 0 : i32
    %dma_wait3A_1184 = arith.constant 0 : i32
    %dma_wait3A_1185 = tpu.memref_slice %arg10[%dma_wait3A_1182, %dma_wait3A_1183, %dma_wait3A_1184] : memref<8x32x128xf32, #tpu.memory_space<vmem>> -> memref<1x32x128xf32, #tpu.memory_space<vmem>>
    %dma_wait3A_1186 = tpu.memref_squeeze %dma_wait3A_1185 : memref<1x32x128xf32, #tpu.memory_space<vmem>> -> memref<32x128xf32, #tpu.memory_space<vmem>>
    %dma_wait3A_1187 = arith.constant 0 : i32
    %dma_wait3A_1188 = tpu.memref_slice %arg5[%dma_wait3A_1187, %multiple_of3A_1181] : memref<32x1000000xf32, #tpu.memory_space<hbm>> -> memref<32x128xf32, #tpu.memory_space<hbm>>
    %dma_wait3A_1189 = arith.constant 0 : i32
    %dma_wait3A_1190 = arith.constant 0 : i32
    %dma_wait3A_1191 = tpu.memref_slice %arg10[%dma_wait3A_1182, %dma_wait3A_1189, %dma_wait3A_1190] : memref<8x32x128xf32, #tpu.memory_space<vmem>> -> memref<1x32x128xf32, #tpu.memory_space<vmem>>
    %dma_wait3A_1192 = tpu.memref_squeeze %dma_wait3A_1191 : memref<1x32x128xf32, #tpu.memory_space<vmem>> -> memref<32x128xf32, #tpu.memory_space<vmem>>
    %dma_wait3A_1193 = arith.constant 0 : i32
    %dma_wait3A_1194 = tpu.memref_slice %arg5[%dma_wait3A_1193, %multiple_of3A_1181] : memref<32x1000000xf32, #tpu.memory_space<hbm>> -> memref<32x128xf32, #tpu.memory_space<hbm>>
    tpu.wait_dma2 semaphore(%arg13 : memref<!tpu.dma_semaphore, #tpu.memory_space<semaphore_mem>>) src(%dma_wait3A_1194 : memref<32x128xf32, #tpu.memory_space<hbm>>) dst(%dma_wait3A_1192 : memref<32x128xf32, #tpu.memory_space<vmem>>)
    %slice3A_1195 = vector.extract_strided_slice %get3A_775 {offsets = [5], sizes = [1], strides = [1]} : vector<16xi32> to vector<1xi32>
    %squeeze3A_1196 = vector.extract %slice3A_1195[0] : i32 from vector<1xi32>
    %jit3A_1197 = arith.constant 128 : i32
    %div3A_1198 = arith.divsi %squeeze3A_1196, %jit3A_1197 : i32
    %sign3A_1199 = arith.constant 0 : i32
    %sign3A_1200 = arith.cmpi sgt, %squeeze3A_1196, %sign3A_1199 : i32
    %sign3A_1201 = arith.extui %sign3A_1200 : i1 to i32
    %sign3A_1202 = arith.constant 0 : i32
    %sign3A_1203 = arith.cmpi slt, %squeeze3A_1196, %sign3A_1202 : i32
    %sign3A_1204 = arith.extui %sign3A_1203 : i1 to i32
    %sign3A_1205 = arith.subi %sign3A_1201, %sign3A_1204 : i32
    %sign3A_1206 = arith.constant 0 : i32
    %sign3A_1207 = arith.cmpi sgt, %jit3A_1197, %sign3A_1206 : i32
    %sign3A_1208 = arith.extui %sign3A_1207 : i1 to i32
    %sign3A_1209 = arith.constant 0 : i32
    %sign3A_1210 = arith.cmpi slt, %jit3A_1197, %sign3A_1209 : i32
    %sign3A_1211 = arith.extui %sign3A_1210 : i1 to i32
    %sign3A_1212 = arith.subi %sign3A_1208, %sign3A_1211 : i32
    %ne3A_1213 = arith.cmpi ne, %sign3A_1205, %sign3A_1212 : i32
    %rem3A_1214 = arith.remsi %squeeze3A_1196, %jit3A_1197 : i32
    %ne3A_1215 = arith.constant 0 : i32
    %ne3A_1216 = arith.cmpi ne, %rem3A_1214, %ne3A_1215 : i32
    %and3A_1217 = arith.andi %ne3A_1213, %ne3A_1216 : i1
    %sub3A_1218 = arith.constant 1 : i32
    %sub3A_1219 = arith.subi %div3A_1198, %sub3A_1218 : i32
    %select_n3A_1220 = arith.select %and3A_1217, %sub3A_1219, %div3A_1198 : i32
    %mul3A_1221 = arith.constant 128 : i32
    %mul3A_1222 = arith.muli %select_n3A_1220, %mul3A_1221 : i32
    %multiple_of3A_1223 = tpu.assume_multiple %mul3A_1222, 128 : i32
    %dma_wait3A_1224 = arith.constant 5 : i32
    %dma_wait3A_1225 = arith.constant 0 : i32
    %dma_wait3A_1226 = arith.constant 0 : i32
    %dma_wait3A_1227 = tpu.memref_slice %arg9[%dma_wait3A_1224, %dma_wait3A_1225, %dma_wait3A_1226] : memref<8x32x128xf32, #tpu.memory_space<vmem>> -> memref<1x32x128xf32, #tpu.memory_space<vmem>>
    %dma_wait3A_1228 = tpu.memref_squeeze %dma_wait3A_1227 : memref<1x32x128xf32, #tpu.memory_space<vmem>> -> memref<32x128xf32, #tpu.memory_space<vmem>>
    %dma_wait3A_1229 = arith.constant 0 : i32
    %dma_wait3A_1230 = tpu.memref_slice %arg4[%dma_wait3A_1229, %multiple_of3A_1223] : memref<32x1000000xf32, #tpu.memory_space<hbm>> -> memref<32x128xf32, #tpu.memory_space<hbm>>
    %dma_wait3A_1231 = arith.constant 0 : i32
    %dma_wait3A_1232 = arith.constant 0 : i32
    %dma_wait3A_1233 = tpu.memref_slice %arg9[%dma_wait3A_1224, %dma_wait3A_1231, %dma_wait3A_1232] : memref<8x32x128xf32, #tpu.memory_space<vmem>> -> memref<1x32x128xf32, #tpu.memory_space<vmem>>
    %dma_wait3A_1234 = tpu.memref_squeeze %dma_wait3A_1233 : memref<1x32x128xf32, #tpu.memory_space<vmem>> -> memref<32x128xf32, #tpu.memory_space<vmem>>
    %dma_wait3A_1235 = arith.constant 0 : i32
    %dma_wait3A_1236 = tpu.memref_slice %arg4[%dma_wait3A_1235, %multiple_of3A_1223] : memref<32x1000000xf32, #tpu.memory_space<hbm>> -> memref<32x128xf32, #tpu.memory_space<hbm>>
    tpu.wait_dma2 semaphore(%arg12 : memref<!tpu.dma_semaphore, #tpu.memory_space<semaphore_mem>>) src(%dma_wait3A_1236 : memref<32x128xf32, #tpu.memory_space<hbm>>) dst(%dma_wait3A_1234 : memref<32x128xf32, #tpu.memory_space<vmem>>)
    %slice3A_1237 = vector.extract_strided_slice %get3A_775 {offsets = [5], sizes = [1], strides = [1]} : vector<16xi32> to vector<1xi32>
    %squeeze3A_1238 = vector.extract %slice3A_1237[0] : i32 from vector<1xi32>
    %jit3A_1239 = arith.constant 128 : i32
    %div3A_1240 = arith.divsi %squeeze3A_1238, %jit3A_1239 : i32
    %sign3A_1241 = arith.constant 0 : i32
    %sign3A_1242 = arith.cmpi sgt, %squeeze3A_1238, %sign3A_1241 : i32
    %sign3A_1243 = arith.extui %sign3A_1242 : i1 to i32
    %sign3A_1244 = arith.constant 0 : i32
    %sign3A_1245 = arith.cmpi slt, %squeeze3A_1238, %sign3A_1244 : i32
    %sign3A_1246 = arith.extui %sign3A_1245 : i1 to i32
    %sign3A_1247 = arith.subi %sign3A_1243, %sign3A_1246 : i32
    %sign3A_1248 = arith.constant 0 : i32
    %sign3A_1249 = arith.cmpi sgt, %jit3A_1239, %sign3A_1248 : i32
    %sign3A_1250 = arith.extui %sign3A_1249 : i1 to i32
    %sign3A_1251 = arith.constant 0 : i32
    %sign3A_1252 = arith.cmpi slt, %jit3A_1239, %sign3A_1251 : i32
    %sign3A_1253 = arith.extui %sign3A_1252 : i1 to i32
    %sign3A_1254 = arith.subi %sign3A_1250, %sign3A_1253 : i32
    %ne3A_1255 = arith.cmpi ne, %sign3A_1247, %sign3A_1254 : i32
    %rem3A_1256 = arith.remsi %squeeze3A_1238, %jit3A_1239 : i32
    %ne3A_1257 = arith.constant 0 : i32
    %ne3A_1258 = arith.cmpi ne, %rem3A_1256, %ne3A_1257 : i32
    %and3A_1259 = arith.andi %ne3A_1255, %ne3A_1258 : i1
    %sub3A_1260 = arith.constant 1 : i32
    %sub3A_1261 = arith.subi %div3A_1240, %sub3A_1260 : i32
    %select_n3A_1262 = arith.select %and3A_1259, %sub3A_1261, %div3A_1240 : i32
    %mul3A_1263 = arith.constant 128 : i32
    %mul3A_1264 = arith.muli %select_n3A_1262, %mul3A_1263 : i32
    %multiple_of3A_1265 = tpu.assume_multiple %mul3A_1264, 128 : i32
    %dma_wait3A_1266 = arith.constant 5 : i32
    %dma_wait3A_1267 = arith.constant 0 : i32
    %dma_wait3A_1268 = arith.constant 0 : i32
    %dma_wait3A_1269 = tpu.memref_slice %arg10[%dma_wait3A_1266, %dma_wait3A_1267, %dma_wait3A_1268] : memref<8x32x128xf32, #tpu.memory_space<vmem>> -> memref<1x32x128xf32, #tpu.memory_space<vmem>>
    %dma_wait3A_1270 = tpu.memref_squeeze %dma_wait3A_1269 : memref<1x32x128xf32, #tpu.memory_space<vmem>> -> memref<32x128xf32, #tpu.memory_space<vmem>>
    %dma_wait3A_1271 = arith.constant 0 : i32
    %dma_wait3A_1272 = tpu.memref_slice %arg5[%dma_wait3A_1271, %multiple_of3A_1265] : memref<32x1000000xf32, #tpu.memory_space<hbm>> -> memref<32x128xf32, #tpu.memory_space<hbm>>
    %dma_wait3A_1273 = arith.constant 0 : i32
    %dma_wait3A_1274 = arith.constant 0 : i32
    %dma_wait3A_1275 = tpu.memref_slice %arg10[%dma_wait3A_1266, %dma_wait3A_1273, %dma_wait3A_1274] : memref<8x32x128xf32, #tpu.memory_space<vmem>> -> memref<1x32x128xf32, #tpu.memory_space<vmem>>
    %dma_wait3A_1276 = tpu.memref_squeeze %dma_wait3A_1275 : memref<1x32x128xf32, #tpu.memory_space<vmem>> -> memref<32x128xf32, #tpu.memory_space<vmem>>
    %dma_wait3A_1277 = arith.constant 0 : i32
    %dma_wait3A_1278 = tpu.memref_slice %arg5[%dma_wait3A_1277, %multiple_of3A_1265] : memref<32x1000000xf32, #tpu.memory_space<hbm>> -> memref<32x128xf32, #tpu.memory_space<hbm>>
    tpu.wait_dma2 semaphore(%arg13 : memref<!tpu.dma_semaphore, #tpu.memory_space<semaphore_mem>>) src(%dma_wait3A_1278 : memref<32x128xf32, #tpu.memory_space<hbm>>) dst(%dma_wait3A_1276 : memref<32x128xf32, #tpu.memory_space<vmem>>)
    %slice3A_1279 = vector.extract_strided_slice %get3A_775 {offsets = [6], sizes = [1], strides = [1]} : vector<16xi32> to vector<1xi32>
    %squeeze3A_1280 = vector.extract %slice3A_1279[0] : i32 from vector<1xi32>
    %jit3A_1281 = arith.constant 128 : i32
    %div3A_1282 = arith.divsi %squeeze3A_1280, %jit3A_1281 : i32
    %sign3A_1283 = arith.constant 0 : i32
    %sign3A_1284 = arith.cmpi sgt, %squeeze3A_1280, %sign3A_1283 : i32
    %sign3A_1285 = arith.extui %sign3A_1284 : i1 to i32
    %sign3A_1286 = arith.constant 0 : i32
    %sign3A_1287 = arith.cmpi slt, %squeeze3A_1280, %sign3A_1286 : i32
    %sign3A_1288 = arith.extui %sign3A_1287 : i1 to i32
    %sign3A_1289 = arith.subi %sign3A_1285, %sign3A_1288 : i32
    %sign3A_1290 = arith.constant 0 : i32
    %sign3A_1291 = arith.cmpi sgt, %jit3A_1281, %sign3A_1290 : i32
    %sign3A_1292 = arith.extui %sign3A_1291 : i1 to i32
    %sign3A_1293 = arith.constant 0 : i32
    %sign3A_1294 = arith.cmpi slt, %jit3A_1281, %sign3A_1293 : i32
    %sign3A_1295 = arith.extui %sign3A_1294 : i1 to i32
    %sign3A_1296 = arith.subi %sign3A_1292, %sign3A_1295 : i32
    %ne3A_1297 = arith.cmpi ne, %sign3A_1289, %sign3A_1296 : i32
    %rem3A_1298 = arith.remsi %squeeze3A_1280, %jit3A_1281 : i32
    %ne3A_1299 = arith.constant 0 : i32
    %ne3A_1300 = arith.cmpi ne, %rem3A_1298, %ne3A_1299 : i32
    %and3A_1301 = arith.andi %ne3A_1297, %ne3A_1300 : i1
    %sub3A_1302 = arith.constant 1 : i32
    %sub3A_1303 = arith.subi %div3A_1282, %sub3A_1302 : i32
    %select_n3A_1304 = arith.select %and3A_1301, %sub3A_1303, %div3A_1282 : i32
    %mul3A_1305 = arith.constant 128 : i32
    %mul3A_1306 = arith.muli %select_n3A_1304, %mul3A_1305 : i32
    %multiple_of3A_1307 = tpu.assume_multiple %mul3A_1306, 128 : i32
    %dma_wait3A_1308 = arith.constant 6 : i32
    %dma_wait3A_1309 = arith.constant 0 : i32
    %dma_wait3A_1310 = arith.constant 0 : i32
    %dma_wait3A_1311 = tpu.memref_slice %arg9[%dma_wait3A_1308, %dma_wait3A_1309, %dma_wait3A_1310] : memref<8x32x128xf32, #tpu.memory_space<vmem>> -> memref<1x32x128xf32, #tpu.memory_space<vmem>>
    %dma_wait3A_1312 = tpu.memref_squeeze %dma_wait3A_1311 : memref<1x32x128xf32, #tpu.memory_space<vmem>> -> memref<32x128xf32, #tpu.memory_space<vmem>>
    %dma_wait3A_1313 = arith.constant 0 : i32
    %dma_wait3A_1314 = tpu.memref_slice %arg4[%dma_wait3A_1313, %multiple_of3A_1307] : memref<32x1000000xf32, #tpu.memory_space<hbm>> -> memref<32x128xf32, #tpu.memory_space<hbm>>
    %dma_wait3A_1315 = arith.constant 0 : i32
    %dma_wait3A_1316 = arith.constant 0 : i32
    %dma_wait3A_1317 = tpu.memref_slice %arg9[%dma_wait3A_1308, %dma_wait3A_1315, %dma_wait3A_1316] : memref<8x32x128xf32, #tpu.memory_space<vmem>> -> memref<1x32x128xf32, #tpu.memory_space<vmem>>
    %dma_wait3A_1318 = tpu.memref_squeeze %dma_wait3A_1317 : memref<1x32x128xf32, #tpu.memory_space<vmem>> -> memref<32x128xf32, #tpu.memory_space<vmem>>
    %dma_wait3A_1319 = arith.constant 0 : i32
    %dma_wait3A_1320 = tpu.memref_slice %arg4[%dma_wait3A_1319, %multiple_of3A_1307] : memref<32x1000000xf32, #tpu.memory_space<hbm>> -> memref<32x128xf32, #tpu.memory_space<hbm>>
    tpu.wait_dma2 semaphore(%arg12 : memref<!tpu.dma_semaphore, #tpu.memory_space<semaphore_mem>>) src(%dma_wait3A_1320 : memref<32x128xf32, #tpu.memory_space<hbm>>) dst(%dma_wait3A_1318 : memref<32x128xf32, #tpu.memory_space<vmem>>)
    %slice3A_1321 = vector.extract_strided_slice %get3A_775 {offsets = [6], sizes = [1], strides = [1]} : vector<16xi32> to vector<1xi32>
    %squeeze3A_1322 = vector.extract %slice3A_1321[0] : i32 from vector<1xi32>
    %jit3A_1323 = arith.constant 128 : i32
    %div3A_1324 = arith.divsi %squeeze3A_1322, %jit3A_1323 : i32
    %sign3A_1325 = arith.constant 0 : i32
    %sign3A_1326 = arith.cmpi sgt, %squeeze3A_1322, %sign3A_1325 : i32
    %sign3A_1327 = arith.extui %sign3A_1326 : i1 to i32
    %sign3A_1328 = arith.constant 0 : i32
    %sign3A_1329 = arith.cmpi slt, %squeeze3A_1322, %sign3A_1328 : i32
    %sign3A_1330 = arith.extui %sign3A_1329 : i1 to i32
    %sign3A_1331 = arith.subi %sign3A_1327, %sign3A_1330 : i32
    %sign3A_1332 = arith.constant 0 : i32
    %sign3A_1333 = arith.cmpi sgt, %jit3A_1323, %sign3A_1332 : i32
    %sign3A_1334 = arith.extui %sign3A_1333 : i1 to i32
    %sign3A_1335 = arith.constant 0 : i32
    %sign3A_1336 = arith.cmpi slt, %jit3A_1323, %sign3A_1335 : i32
    %sign3A_1337 = arith.extui %sign3A_1336 : i1 to i32
    %sign3A_1338 = arith.subi %sign3A_1334, %sign3A_1337 : i32
    %ne3A_1339 = arith.cmpi ne, %sign3A_1331, %sign3A_1338 : i32
    %rem3A_1340 = arith.remsi %squeeze3A_1322, %jit3A_1323 : i32
    %ne3A_1341 = arith.constant 0 : i32
    %ne3A_1342 = arith.cmpi ne, %rem3A_1340, %ne3A_1341 : i32
    %and3A_1343 = arith.andi %ne3A_1339, %ne3A_1342 : i1
    %sub3A_1344 = arith.constant 1 : i32
    %sub3A_1345 = arith.subi %div3A_1324, %sub3A_1344 : i32
    %select_n3A_1346 = arith.select %and3A_1343, %sub3A_1345, %div3A_1324 : i32
    %mul3A_1347 = arith.constant 128 : i32
    %mul3A_1348 = arith.muli %select_n3A_1346, %mul3A_1347 : i32
    %multiple_of3A_1349 = tpu.assume_multiple %mul3A_1348, 128 : i32
    %dma_wait3A_1350 = arith.constant 6 : i32
    %dma_wait3A_1351 = arith.constant 0 : i32
    %dma_wait3A_1352 = arith.constant 0 : i32
    %dma_wait3A_1353 = tpu.memref_slice %arg10[%dma_wait3A_1350, %dma_wait3A_1351, %dma_wait3A_1352] : memref<8x32x128xf32, #tpu.memory_space<vmem>> -> memref<1x32x128xf32, #tpu.memory_space<vmem>>
    %dma_wait3A_1354 = tpu.memref_squeeze %dma_wait3A_1353 : memref<1x32x128xf32, #tpu.memory_space<vmem>> -> memref<32x128xf32, #tpu.memory_space<vmem>>
    %dma_wait3A_1355 = arith.constant 0 : i32
    %dma_wait3A_1356 = tpu.memref_slice %arg5[%dma_wait3A_1355, %multiple_of3A_1349] : memref<32x1000000xf32, #tpu.memory_space<hbm>> -> memref<32x128xf32, #tpu.memory_space<hbm>>
    %dma_wait3A_1357 = arith.constant 0 : i32
    %dma_wait3A_1358 = arith.constant 0 : i32
    %dma_wait3A_1359 = tpu.memref_slice %arg10[%dma_wait3A_1350, %dma_wait3A_1357, %dma_wait3A_1358] : memref<8x32x128xf32, #tpu.memory_space<vmem>> -> memref<1x32x128xf32, #tpu.memory_space<vmem>>
    %dma_wait3A_1360 = tpu.memref_squeeze %dma_wait3A_1359 : memref<1x32x128xf32, #tpu.memory_space<vmem>> -> memref<32x128xf32, #tpu.memory_space<vmem>>
    %dma_wait3A_1361 = arith.constant 0 : i32
    %dma_wait3A_1362 = tpu.memref_slice %arg5[%dma_wait3A_1361, %multiple_of3A_1349] : memref<32x1000000xf32, #tpu.memory_space<hbm>> -> memref<32x128xf32, #tpu.memory_space<hbm>>
    tpu.wait_dma2 semaphore(%arg13 : memref<!tpu.dma_semaphore, #tpu.memory_space<semaphore_mem>>) src(%dma_wait3A_1362 : memref<32x128xf32, #tpu.memory_space<hbm>>) dst(%dma_wait3A_1360 : memref<32x128xf32, #tpu.memory_space<vmem>>)
    %slice3A_1363 = vector.extract_strided_slice %get3A_775 {offsets = [7], sizes = [1], strides = [1]} : vector<16xi32> to vector<1xi32>
    %squeeze3A_1364 = vector.extract %slice3A_1363[0] : i32 from vector<1xi32>
    %jit3A_1365 = arith.constant 128 : i32
    %div3A_1366 = arith.divsi %squeeze3A_1364, %jit3A_1365 : i32
    %sign3A_1367 = arith.constant 0 : i32
    %sign3A_1368 = arith.cmpi sgt, %squeeze3A_1364, %sign3A_1367 : i32
    %sign3A_1369 = arith.extui %sign3A_1368 : i1 to i32
    %sign3A_1370 = arith.constant 0 : i32
    %sign3A_1371 = arith.cmpi slt, %squeeze3A_1364, %sign3A_1370 : i32
    %sign3A_1372 = arith.extui %sign3A_1371 : i1 to i32
    %sign3A_1373 = arith.subi %sign3A_1369, %sign3A_1372 : i32
    %sign3A_1374 = arith.constant 0 : i32
    %sign3A_1375 = arith.cmpi sgt, %jit3A_1365, %sign3A_1374 : i32
    %sign3A_1376 = arith.extui %sign3A_1375 : i1 to i32
    %sign3A_1377 = arith.constant 0 : i32
    %sign3A_1378 = arith.cmpi slt, %jit3A_1365, %sign3A_1377 : i32
    %sign3A_1379 = arith.extui %sign3A_1378 : i1 to i32
    %sign3A_1380 = arith.subi %sign3A_1376, %sign3A_1379 : i32
    %ne3A_1381 = arith.cmpi ne, %sign3A_1373, %sign3A_1380 : i32
    %rem3A_1382 = arith.remsi %squeeze3A_1364, %jit3A_1365 : i32
    %ne3A_1383 = arith.constant 0 : i32
    %ne3A_1384 = arith.cmpi ne, %rem3A_1382, %ne3A_1383 : i32
    %and3A_1385 = arith.andi %ne3A_1381, %ne3A_1384 : i1
    %sub3A_1386 = arith.constant 1 : i32
    %sub3A_1387 = arith.subi %div3A_1366, %sub3A_1386 : i32
    %select_n3A_1388 = arith.select %and3A_1385, %sub3A_1387, %div3A_1366 : i32
    %mul3A_1389 = arith.constant 128 : i32
    %mul3A_1390 = arith.muli %select_n3A_1388, %mul3A_1389 : i32
    %multiple_of3A_1391 = tpu.assume_multiple %mul3A_1390, 128 : i32
    %dma_wait3A_1392 = arith.constant 7 : i32
    %dma_wait3A_1393 = arith.constant 0 : i32
    %dma_wait3A_1394 = arith.constant 0 : i32
    %dma_wait3A_1395 = tpu.memref_slice %arg9[%dma_wait3A_1392, %dma_wait3A_1393, %dma_wait3A_1394] : memref<8x32x128xf32, #tpu.memory_space<vmem>> -> memref<1x32x128xf32, #tpu.memory_space<vmem>>
    %dma_wait3A_1396 = tpu.memref_squeeze %dma_wait3A_1395 : memref<1x32x128xf32, #tpu.memory_space<vmem>> -> memref<32x128xf32, #tpu.memory_space<vmem>>
    %dma_wait3A_1397 = arith.constant 0 : i32
    %dma_wait3A_1398 = tpu.memref_slice %arg4[%dma_wait3A_1397, %multiple_of3A_1391] : memref<32x1000000xf32, #tpu.memory_space<hbm>> -> memref<32x128xf32, #tpu.memory_space<hbm>>
    %dma_wait3A_1399 = arith.constant 0 : i32
    %dma_wait3A_1400 = arith.constant 0 : i32
    %dma_wait3A_1401 = tpu.memref_slice %arg9[%dma_wait3A_1392, %dma_wait3A_1399, %dma_wait3A_1400] : memref<8x32x128xf32, #tpu.memory_space<vmem>> -> memref<1x32x128xf32, #tpu.memory_space<vmem>>
    %dma_wait3A_1402 = tpu.memref_squeeze %dma_wait3A_1401 : memref<1x32x128xf32, #tpu.memory_space<vmem>> -> memref<32x128xf32, #tpu.memory_space<vmem>>
    %dma_wait3A_1403 = arith.constant 0 : i32
    %dma_wait3A_1404 = tpu.memref_slice %arg4[%dma_wait3A_1403, %multiple_of3A_1391] : memref<32x1000000xf32, #tpu.memory_space<hbm>> -> memref<32x128xf32, #tpu.memory_space<hbm>>
    tpu.wait_dma2 semaphore(%arg12 : memref<!tpu.dma_semaphore, #tpu.memory_space<semaphore_mem>>) src(%dma_wait3A_1404 : memref<32x128xf32, #tpu.memory_space<hbm>>) dst(%dma_wait3A_1402 : memref<32x128xf32, #tpu.memory_space<vmem>>)
    %slice3A_1405 = vector.extract_strided_slice %get3A_775 {offsets = [7], sizes = [1], strides = [1]} : vector<16xi32> to vector<1xi32>
    %squeeze3A_1406 = vector.extract %slice3A_1405[0] : i32 from vector<1xi32>
    %jit3A_1407 = arith.constant 128 : i32
    %div3A_1408 = arith.divsi %squeeze3A_1406, %jit3A_1407 : i32
    %sign3A_1409 = arith.constant 0 : i32
    %sign3A_1410 = arith.cmpi sgt, %squeeze3A_1406, %sign3A_1409 : i32
    %sign3A_1411 = arith.extui %sign3A_1410 : i1 to i32
    %sign3A_1412 = arith.constant 0 : i32
    %sign3A_1413 = arith.cmpi slt, %squeeze3A_1406, %sign3A_1412 : i32
    %sign3A_1414 = arith.extui %sign3A_1413 : i1 to i32
    %sign3A_1415 = arith.subi %sign3A_1411, %sign3A_1414 : i32
    %sign3A_1416 = arith.constant 0 : i32
    %sign3A_1417 = arith.cmpi sgt, %jit3A_1407, %sign3A_1416 : i32
    %sign3A_1418 = arith.extui %sign3A_1417 : i1 to i32
    %sign3A_1419 = arith.constant 0 : i32
    %sign3A_1420 = arith.cmpi slt, %jit3A_1407, %sign3A_1419 : i32
    %sign3A_1421 = arith.extui %sign3A_1420 : i1 to i32
    %sign3A_1422 = arith.subi %sign3A_1418, %sign3A_1421 : i32
    %ne3A_1423 = arith.cmpi ne, %sign3A_1415, %sign3A_1422 : i32
    %rem3A_1424 = arith.remsi %squeeze3A_1406, %jit3A_1407 : i32
    %ne3A_1425 = arith.constant 0 : i32
    %ne3A_1426 = arith.cmpi ne, %rem3A_1424, %ne3A_1425 : i32
    %and3A_1427 = arith.andi %ne3A_1423, %ne3A_1426 : i1
    %sub3A_1428 = arith.constant 1 : i32
    %sub3A_1429 = arith.subi %div3A_1408, %sub3A_1428 : i32
    %select_n3A_1430 = arith.select %and3A_1427, %sub3A_1429, %div3A_1408 : i32
    %mul3A_1431 = arith.constant 128 : i32
    %mul3A_1432 = arith.muli %select_n3A_1430, %mul3A_1431 : i32
    %multiple_of3A_1433 = tpu.assume_multiple %mul3A_1432, 128 : i32
    %dma_wait3A_1434 = arith.constant 7 : i32
    %dma_wait3A_1435 = arith.constant 0 : i32
    %dma_wait3A_1436 = arith.constant 0 : i32
    %dma_wait3A_1437 = tpu.memref_slice %arg10[%dma_wait3A_1434, %dma_wait3A_1435, %dma_wait3A_1436] : memref<8x32x128xf32, #tpu.memory_space<vmem>> -> memref<1x32x128xf32, #tpu.memory_space<vmem>>
    %dma_wait3A_1438 = tpu.memref_squeeze %dma_wait3A_1437 : memref<1x32x128xf32, #tpu.memory_space<vmem>> -> memref<32x128xf32, #tpu.memory_space<vmem>>
    %dma_wait3A_1439 = arith.constant 0 : i32
    %dma_wait3A_1440 = tpu.memref_slice %arg5[%dma_wait3A_1439, %multiple_of3A_1433] : memref<32x1000000xf32, #tpu.memory_space<hbm>> -> memref<32x128xf32, #tpu.memory_space<hbm>>
    %dma_wait3A_1441 = arith.constant 0 : i32
    %dma_wait3A_1442 = arith.constant 0 : i32
    %dma_wait3A_1443 = tpu.memref_slice %arg10[%dma_wait3A_1434, %dma_wait3A_1441, %dma_wait3A_1442] : memref<8x32x128xf32, #tpu.memory_space<vmem>> -> memref<1x32x128xf32, #tpu.memory_space<vmem>>
    %dma_wait3A_1444 = tpu.memref_squeeze %dma_wait3A_1443 : memref<1x32x128xf32, #tpu.memory_space<vmem>> -> memref<32x128xf32, #tpu.memory_space<vmem>>
    %dma_wait3A_1445 = arith.constant 0 : i32
    %dma_wait3A_1446 = tpu.memref_slice %arg5[%dma_wait3A_1445, %multiple_of3A_1433] : memref<32x1000000xf32, #tpu.memory_space<hbm>> -> memref<32x128xf32, #tpu.memory_space<hbm>>
    tpu.wait_dma2 semaphore(%arg13 : memref<!tpu.dma_semaphore, #tpu.memory_space<semaphore_mem>>) src(%dma_wait3A_1446 : memref<32x128xf32, #tpu.memory_space<hbm>>) dst(%dma_wait3A_1444 : memref<32x128xf32, #tpu.memory_space<vmem>>)
    "tpu.region"() ({
      %run_scoped3A = tpu.sem_alloc : memref<!tpu.dma_semaphore, #tpu.memory_space<semaphore_mem>>
      %dma_start3A_1447 = tpu.memref_slice %arg6[%mul3A_2] : memref<16384xf32, #tpu.memory_space<hbm>> -> memref<512xf32, #tpu.memory_space<hbm>>
      %dma_start3A_1448 = tpu.memref_slice %arg6[%mul3A_2] : memref<16384xf32, #tpu.memory_space<hbm>> -> memref<512xf32, #tpu.memory_space<hbm>>
      tpu.enqueue_dma source(%arg11 : memref<512xf32, #tpu.memory_space<vmem>>) target(%dma_start3A_1448 : memref<512xf32, #tpu.memory_space<hbm>>) target_semaphore(%run_scoped3A : memref<!tpu.dma_semaphore, #tpu.memory_space<semaphore_mem>>)
      %dma_wait3A_1449 = tpu.memref_slice %arg6[%mul3A_2] : memref<16384xf32, #tpu.memory_space<hbm>> -> memref<512xf32, #tpu.memory_space<hbm>>
      %dma_wait3A_1450 = tpu.memref_slice %arg6[%mul3A_2] : memref<16384xf32, #tpu.memory_space<hbm>> -> memref<512xf32, #tpu.memory_space<hbm>>
      tpu.wait_dma2 semaphore(%run_scoped3A : memref<!tpu.dma_semaphore, #tpu.memory_space<semaphore_mem>>) src(%arg11 : memref<512xf32, #tpu.memory_space<vmem>>) dst(%dma_wait3A_1450 : memref<512xf32, #tpu.memory_space<hbm>>)
      tpu.yield
    }) : () -> ()
    return
  }
}

</mosaic_0001>

<sc_bundles>
// kernel: kernel.3.cloned.1.call-start
scs
__scs_entry_jumppad:
0x0: {  	(pc) =	sbr.rel $0x88, $3  }
0x1: {  	(tag) =	ssettag $0x0;
	lr =	simm.s32 $0x1  }
0x2: {  	[smem:$0x3F9D] =	sst lr;
	_ =	strace $0xD0000000  }
0x3: {  	_ = 	snop  }
0x4: {  	_ = 	snop  }
0x5: {  	_ = 	snop  }
0x6: {  	_ = 	snop  }
0x7: {  	_ = 	snop  }
__scs_overlays_trampoline_lowered:
0x8: {  	[smem:$0x3FAC] =	sst s0  }
0x9: {  	[smem:$0x3FAD] =	sst s1  }
0xa: {  	[smem:$0x3FAE] =	sst s2  }
0xb: {  	[smem:$0x3FAF] =	sst s3  }
0xc: {  	[smem:$0x3FB0] =	sst s4  }
0xd: {  	[smem:$0x3FB1] =	sst s5  }
0xe: {  	[smem:$0x3FB2] =	sst s6  }
0xf: {  	[smem:$0x3FB3] =	sst s7  }
0x10: {  	[smem:$0x3FB4] =	sst s8  }
0x11: {  	[smem:$0x3FB5] =	sst s9;
	s0 =	simm.s32 @!p0 $0x0  }
0x12: {  	s1 =	sld [smem:$0x3F9B];
	s0 =	simm.s32 @p0 $0x1  }
0x13: {  	[smem:$0x3FB6] =	sst s0;
	s0 =	simm.s32 @!p1 $0x0  }
0x14: {  	s2 =	sld [smem:$0x3F9A];
	s0 =	simm.s32 @p1 $0x1  }
0x15: {  	[smem:$0x3FB7] =	sst s0;
	s0 =	simm.s32 @!p2 $0x0  }
0x16: {  	s3 =	sld [smem:$0x3FDB];
	s0 =	simm.s32 @p2 $0x1  }
0x17: {  	s4 =	simm.s32 $0x1BF5;
	[smem:$0x3FB9] =	sst s0  }
0x18: {  	s0 =	sld [smem:$0x3F9C];
	_ =	swait.ge [sflag:s4], $0x0  }
0x19: {  	s7 =	sld [smem:$0x3F9D]  }
0x1a: {  	s8 =	sadd.s32 $0xFFFFE003, lr  }
0x1b: {  	s9 =	sadd.s32 $0xFFFFFEF7, lr;
	s5 =	simm.s32 $0xFFFFFFFF;
	p2 =	slt.u32 s8, $0xFFFFF086  }
0x1c: {  	p1 =	slt.u32 s9, $0xF7A;
	s5 =	simm.s32 @!p2 $0x0  }
0x1d: {  	s5 =	simm.s32 @p1 $0x1;
	p0 =	seq.s32 s7, s2  }
0x1e: {  	s7 =	smul.u32 @!p0 $0xF7A, s2;
	p2 =	seq.s32 @!p0 s5, $0x0  }
0x1f: {  	s9 =	smul.u32 $0xF7A, s1;
	s8 =	simm.s32 @!p0 $0x1BF5;
	p2 =	por !p2, p0  }
0x20: {  	[sflag:s8] =	ssyncset.s32 @!p0 $0xFFFFF086;
	s6 =	sadd.s32 @!p0 s3, s7;
	s7 =	simm.s32 @!p0 $0x108  }
0x21: {  	s3 =	sadd.s32 s3, s9;
	s6 =	sadd.s32 @!p0 $0x88, s6;
	s7 =	simm.s32 @p2 $0x1082  }
0x22: {  	[simem:s7], [sflag:s8] =	dma.local @!p0 [hbm:s6], $0xF7A  }
0x23: {  	s9 =	sor.u32 $0xD0000000, s2;
	s6 =	simm.s32 $0x108;
	_ =	swait.ge @!p0 [sflag:s8], $0x0  }
0x24: {  	s3 =	sadd.s32 $0x88, s3;
	s6 =	simm.s32 @!p1 $0x1082;
	[sflag:s4] =	ssyncset.s32 $0xFFFFF086  }
0x25: {  	[simem:s6], [sflag:s4] =	dma.local [hbm:s3], $0xF7A  }
0x26: {  	[smem:$0x3F9D] =	sst s1;
	(tag) =	ssettag s2;
	_ =	strace s9  }
0x27: {  	s1 =	sld [smem:$0x3FAD]  }
0x28: {  	s2 =	sld [smem:$0x3FAE]  }
0x29: {  	s4 =	sld [smem:$0x3FB0]  }
0x2a: {  	p0 =	seq.s32 s5, $0x0;
	s5 =	sld [smem:$0x3FB1]  }
0x2b: {  	s6 =	sld [smem:$0x3FB2]  }
0x2c: {  	s7 =	sld [smem:$0x3FB3]  }
0x2d: {  	s3 =	simm.s32 $0x108;
	s8 =	sld [smem:$0x3FB4]  }
0x2e: {  	s3 =	simm.s32 @!p0 $0x1082;
	s9 =	sld [smem:$0x3FB5]  }
0x2f: {  	lr =	sadd.s32 s0, s3;
	s0 =	sld [smem:$0x3FAC]  }
0x30: {  	s3 =	sld [smem:$0x3FAF]  }
0x31: {  	[smem:$0x3FB8] =	sst s10  }
0x32: {  	s10 =	sld [smem:$0x3FB6];
	_ =	sdelay $0x3  }
0x33: {  	p0 =	seq.s32 s10, $0x1;
	s10 =	sld [smem:$0x3FB8];
	_ =	sdelay $0x3  }
0x34: {  	[smem:$0x3FB8] =	sst s10  }
0x35: {  	s10 =	sld [smem:$0x3FB7];
	_ =	sdelay $0x3  }
0x36: {  	p1 =	seq.s32 s10, $0x1;
	s10 =	sld [smem:$0x3FB8];
	_ =	sdelay $0x3  }
0x37: {  	[smem:$0x3FB8] =	sst s10  }
0x38: {  	s10 =	sld [smem:$0x3FB9]  }
0x39: {  	_ = 	snop;
	(pc) =	sbr.ind lr, $3  }
0x3a: {  	_ = 	snop  }
0x3b: {  	_ = 	snop  }
0x3c: {  	p2 =	seq.s32 s10, $0x1;
	s10 =	sld [smem:$0x3FB8]  }
0x3d: {  	_ =	shalt  }
0x3e: {  	_ =	shalt  }
0x3f: {  	_ =	shalt  }
0x40: {  	_ =	shalt  }
0x41: {  	_ =	shalt  }
0x42: {  	_ =	shalt  }
0x43: {  	_ =	shalt  }
0x44: {  	_ =	shalt  }
0x45: {  	_ =	shalt  }
0x46: {  	_ =	shalt  }
0x47: {  	_ =	shalt  }
0x48: {  	_ =	shalt  }
0x49: {  	_ =	shalt  }
0x4a: {  	_ =	shalt  }
0x4b: {  	_ =	shalt  }
0x4c: {  	_ =	shalt  }
0x4d: {  	_ =	shalt  }
0x4e: {  	_ =	shalt  }
0x4f: {  	_ =	shalt  }
0x50: {  	_ =	shalt  }
0x51: {  	_ =	shalt  }
0x52: {  	_ =	shalt  }
0x53: {  	_ =	shalt  }
0x54: {  	_ =	shalt  }
0x55: {  	_ =	shalt  }
0x56: {  	_ =	shalt  }
0x57: {  	_ =	shalt  }
0x58: {  	_ =	shalt  }
0x59: {  	_ =	shalt  }
0x5a: {  	_ =	shalt  }
0x5b: {  	_ =	shalt  }
0x5c: {  	_ =	shalt  }
0x5d: {  	_ =	shalt  }
0x5e: {  	_ =	shalt  }
0x5f: {  	_ =	shalt  }
0x60: {  	_ =	shalt  }
0x61: {  	_ =	shalt  }
0x62: {  	_ =	shalt  }
0x63: {  	_ =	shalt  }
0x64: {  	_ =	shalt  }
0x65: {  	_ =	shalt  }
0x66: {  	_ =	shalt  }
0x67: {  	_ =	shalt  }
0x68: {  	_ =	shalt  }
0x69: {  	_ =	shalt  }
0x6a: {  	_ =	shalt  }
0x6b: {  	_ =	shalt  }
0x6c: {  	_ =	shalt  }
0x6d: {  	_ =	shalt  }
0x6e: {  	_ =	shalt  }
0x6f: {  	_ =	shalt  }
0x70: {  	_ =	shalt  }
0x71: {  	_ =	shalt  }
0x72: {  	_ =	shalt  }
0x73: {  	_ =	shalt  }
0x74: {  	_ =	shalt  }
0x75: {  	_ =	shalt  }
0x76: {  	_ =	shalt  }
0x77: {  	_ =	shalt  }
0x78: {  	_ =	shalt  }
0x79: {  	_ =	shalt  }
0x7a: {  	_ =	shalt  }
0x7b: {  	_ =	shalt  }
0x7c: {  	_ =	shalt  }
0x7d: {  	_ =	shalt  }
0x7e: {  	_ =	shalt  }
0x7f: {  	_ =	shalt  }
0x80: {  	_ =	shalt  }
0x81: {  	_ =	shalt  }
0x82: {  	_ =	shalt  }
0x83: {  	_ =	shalt  }
0x84: {  	_ =	shalt  }
0x85: {  	_ =	shalt  }
0x86: {  	_ =	shalt  }
0x87: {  	_ =	shalt  }
.Lfunc_end0:
.L_simem_size_0:
called_computation_lowered:
.L_overlay_start_0:
0x88: {  	s2 =	sld [smem:$0x3FD9]  }
0x89: {  	s3 =	sld [smem:$0x3FFE];
	_ =	sdelay $0x1  }
0x8a: {  	s1 =	srdreg.scid  }
0x8b: {  	s0 =	sand.u32 $0x1, s1  }
0x8c: {  	s18 =	sshll.u32 s0, $0xA;
	s2 =	sadd.s32 s3, s2  }
0x8d: {  	s2 =	sadd.s32 s2, s18  }
0x8e: {  	[smem:$0x3FC4] =	sst s2  }
0x8f: {  	_ = 	snop  }
0x90: {  	s2 =	sld [smem:$0x3FC9]  }
0x91: {  	s19 =	sld [smem:$0x3FC8]  }
0x92: {  	s4 =	sld [smem:$0x3FC7]  }
0x93: {  	s5 =	sld [smem:$0x3FC6]  }
0x94: {  	s6 =	sld [smem:$0x3FD0];
	(tm) =	ssettm $0x1  }
0x95: {  	s7 =	sld [smem:$0x3FFB];
	_ =	sdelay $0x3  }
0x96: {  	_ =	strace s7  }
0x97: {  	s7 =	sld [smem:$0x3FFC];
	_ =	sdelay $0x3  }
0x98: {  	_ =	strace s7  }
0x99: {  	s7 =	sld [smem:$0x3FFD];
	_ =	sdelay $0x3  }
0x9a: {  	_ =	strace s7  }
0x9b: {  	_ =	strace $0x8FFFFFFF  }
0x9c: {  	s20 =	sld [smem:$0x3FDB];
	_ =	sdelay $0x1  }
0x9d: {  	s8 =	simm.s32 $_scs_section_size  }
0x9e: {  	s9 =	simm.s32 $_size__tile_overlayer_lowered;
	s10 =	simm.s32 $_tile_overlayer_lowered  }
0x9f: {  	s23 =	simm.s32 $0x1BFF;
	s22 =	sshll.u32 s10, $0x1;
	s7 =	sadd.s32 s8, s20  }
0xa0: {  	s11 =	simm.s32 $0x0;
	s21 =	sshll.u32 s9, $0x1;
	s9 =	sadd.s32 s22, s7  }
0xa1: {  	[timem:s11], [sflag:s23] =	dma.local [hbm:s9], s21  }
0xa2: {  	_ =	swait.ge [sflag:s23], s21  }
0xa3: {  	s8 =	ssub.s32 $0x0, s21;
	[sflag:s23] =	ssyncset.done $0x0  }
0xa4: {  	[sflag:s23] =	ssyncadd.s32 s8;
	_ =	sdelay $0x1  }
0xa5: {  	s24 =	simm.s32 $0x1B8B  }
0xa6: {  	_ =	swait.ge [sflag:s24], $0x1  }
0xa7: {  	[sflag:s24] =	ssyncset.done $0x0  }
0xa8: {  	s25 =	simm.s32 $0x1B8E;
	[sflag:s24] =	ssyncadd.s32 $0xFFFFFFFF  }
0xa9: {  	s26 =	simm.s32 $execute0_lowered;
	[smem:$0x3FD2] =	sst s25  }
0xaa: {  	s8 =	sshll.u32 s26, $0x1;
	_ =	strace $0x80000046;
	[dreg:$0x1] =	wrdreg $0xFFFFFFFF  }
0xab: {  	s28 =	simm.s32 $_size_execute0_lowered;
	s7 =	sadd.s32 s7, s8;
	[dreg:$0x0] =	wrdreg $0x0  }
0xac: {  	s8 =	sshll.u32 s28, $0x1;
	[dreg:$0x2] =	wrdreg s7  }
0xad: {  	[dreg:$0x3] =	wrdreg s8  }
0xae: {  	[dreg:$0x4] =	wrdreg $0xC0  }
0xaf: {  	_ =	task [dreg:s11], $0x5FFFF  }
0xb0: {  	[dreg:$0x1] =	wrdreg $0xFFFFFFFF  }
0xb1: {  	[dreg:$0x0] =	wrdreg $0x60  }
0xb2: {  	[dreg:$0x2] =	wrdreg s2  }
0xb3: {  	[dreg:$0x3] =	wrdreg s19  }
0xb4: {  	[dreg:$0x4] =	wrdreg s4  }
0xb5: {  	[dreg:$0x5] =	wrdreg s5  }
0xb6: {  	[dreg:$0x6] =	wrdreg s6  }
0xb7: {  	[dreg:$0x7] =	wrdreg $0x9  }
0xb8: {  	_ =	task.clear_ibuf [dreg:s11], $0x8FFFF;
	_ =	strace $0x90000046  }
0xb9: {  	s29 =	simm.s32 $0x9;
	_ =	strace $0x80000048  }
0xba: {  	_ =	swait.ge [sflag:s29], $0x1  }
0xbb: {  	[sflag:s29] =	ssyncadd.s32 $0xFFFFFFFF  }
0xbc: {  	_ =	strace $0x90000048  }
0xbd: {  	_ =	sfence  }
0xbe: {  	s30 =	sld [smem:$0x0];
	_ =	sdelay $0x2  }
0xbf: {  	s31 =	sshll.u32 s1, $0xD;
	s1 =	sshrl.u32 s1, $0x2  }
0xc0: {  	s3 =	sand.u32 $0x4000, s31;
	s1 =	sadd.s32 s1, s30  }
0xc1: {  	s0 =	sor.u32 s3, s0;
	s1 =	sshll.u32 s1, $0x11  }
0xc2: {  	s0 =	sor.u32 s1, s0  }
0xc3: {  	s0 =	sadd.s32 $0x8F2B, s0  }
0xc4: {  	[sflag:s0] =	ssyncadd.remote.s32 $0x1  }
0xc5: {  	_ =	sfence.sel $0xFFFF  }
0xc6: {  	[dreg:$0x0] =	wrdreg $0xFFFFFFFF;
	(pc) =	sbr.abs _section_cstart, $3  }
0xc7: {  	[dreg:$0x1] =	wrdreg $0xFFFFFFFF  }
0xc8: {  	_ =	task.clear_ibuf [dreg:s11], $0x2FFFF;
	_ =	strace $0x9FFFFFFF  }
0xc9: {  	(tm) =	ssettm $0x7FFFFFFF  }
tec
execute0_lowered:
.L_overlay_start_1:
0x0: {  	(tag) =	ssettag $0x1  }
0x1: {  	s0 =	rddreg [dreg:$0x0]  }
0x2: {  	s3 =	rddreg [dreg:$0x1]  }
0x3: {  	s1 =	rddreg [dreg:$0x2]  }
0x4: {  	s2 =	rddreg [dreg:$0x3]  }
0x5: {  	s7 =	rddreg [dreg:$0x4];
	s5 =	srdreg.scid  }
0x6: {  	s4 =	simm.s32 $0x0;
	s8 =	stileid.u32;
	vm0 =	vcmask $0x300;
	vm14 =	vcmask $0x704;
	s11 =	simm.s32 $0x1  }
0x7: {  	v15 =	vimm.f32 $0.0e+00;
	vm1 =	vcmask $0xB08;
	vm15 =	vcmask $0xF0C;
	s12 =	simm.s32 $0x400;
	s13 =	simm.s32 $0x7A1400;
	s14 =	simm.s32 $0x500  }
0x8: {  	vm4 =	vcmask $0x1310;
	vm5 =	vcmask $0x1714;
	vm6 =	vcmask $0x1B18;
	s15 =	simm.s32 $0x8500;
	s16 =	simm.s32 $0x1500;
	s17 =	simm.s32 $0x9500  }
0x9: {  	vm7 =	vcmask $0x1F1C;
	vm8 =	vcmask $0x2320;
	vm9 =	vcmask $0x2724;
	s18 =	simm.s32 $0x2500;
	s19 =	simm.s32 $0xA500;
	s20 =	simm.s32 $0x3500  }
0xa: {  	vm10 =	vcmask $0x2B28;
	vm11 =	vcmask $0x2F2C;
	vm12 =	vcmask $0x3330;
	s21 =	simm.s32 $0xB500;
	s22 =	simm.s32 $0x4500;
	s23 =	simm.s32 $0xC500  }
0xb: {  	v13 =	vlaneseq.u32;
	vm13 =	vcmask $0x3734;
	s24 =	simm.s32 $0x5500;
	s25 =	simm.s32 $0xD500;
	v18 =	vimm.f32 $1.000000000e+00;
	s28 =	simm.s32 $0xE500  }
0xc: {  	s29 =	simm.s32 $0x7500;
	s30 =	simm.s32 $0xF500;
	v16 =	vimm.s32 $0x0;
	s5 =	sand.u32 $0x1, s5;
	v0 =	vsel vm0, $0x3F800000, v15;
	v1 =	vsel vm14, $0x3F800000, v15  }
0xd: {  	s8 =	sshll.u32 s8, $0x7;
	v2 =	vsel vm1, $0x3F800000, v15;
	v3 =	vsel vm15, $0x3F800000, v15;
	v4 =	vsel vm4, $0x3F800000, v15;
	s6 =	ssub.s32 $0x2, s5;
	s5 =	sshll.u32 s5, $0x6  }
0xe: {  	s31 =	simm.s32 $0x2;
	[smem:$0x7FF] =	sst s4;
	v5 =	vsel vm5, $0x3F800000, v15;
	v6 =	vsel vm6, $0x3F800000, v15;
	v7 =	vsel vm7, $0x3F800000, v15;
	s8 =	sor.u32 s5, s8  }
0xf: {  	v8 =	vsel vm8, $0x3F800000, v15;
	v9 =	vsel vm9, $0x3F800000, v15;
	v10 =	vsel vm10, $0x3F800000, v15;
	_ =	strace $0x80000047;
	s9 =	sshrl.u32 s6, $0x1;
	s0 =	sadd.s32 s0, s8  }
0x10: {  	v11 =	vsel vm11, $0x3F800000, v15;
	v12 =	vsel vm12, $0x3F800000, v15;
	v13 =	vmul.u32 $0x80, v13;
	s9 =	ssub.s32 s6, s9;
	s26 =	sadd.s32 s3, s8;
	[dreg:$0x6] =	wrdreg s0  }
0x11: {  	v14 =	vsel vm13, $0x3F800000, v15;
	vm14 =	vcmask $0x3B38;
	vm15 =	vcmask $0x3B00;
	s7 =	sadd.s32 s7, s8;
	s3 =	simm.s32 $0x0;
	[dreg:$0x7] =	wrdreg s26  }
0x12: {  	v15 =	vsel vm14, $0x3F800000, v15;
	v18 =	vsel vm15, $0x0, v18;
	v17 =	vor.u32 $0x800, v13;
	s8 =	smax.u32 s9, $0x1;
	s9 =	simm.s32 $0x3;
	s26 =	simm.s32 $0x6500  }
.LBB2_1:
0x13: {  	s0 =	rddreg [dreg:$0x6]  }
0x14: {  	[tilespmem:s4], [sflag:$0x3] =	stream.linear.gather [hbm4b:s0+s4], $0x200, $0x38;
	[tilespmem:$0x10700] =	vst v63  }
0x15: {  	_ =	swait.ge [sflag:s9], $0x200  }
0x16: {  	[sflag:s9] =	ssyncset.done $0x0  }
0x17: {  	s5 =	simm.s32 $0x280;
	s10 =	rddreg [dreg:$0x7];
	[sflag:s9] =	ssyncadd.s32 $0xFFFFFE00  }
0x18: {  	[tilespmem:s5], [sflag:$0x3] =	stream.linear.gather [hbm4b:s10+s4], $0x200, $0x38;
	[tilespmem:$0x10700] =	vst v63  }
0x19: {  	_ =	swait.ge [sflag:s9], $0x200  }
0x1a: {  	[sflag:s9] =	ssyncset.done $0x0  }
0x1b: {  	[sflag:s9] =	ssyncadd.s32 $0xFFFFFE00  }
0x1c: {  	v20 =	vld [tilespmem:$0x0];
	_ =	sdelay $0x4  }
0x1d: {  	(v2sf) =	vpush v20, $0x0;
	_ =	sdelay $0x5  }
0x1e: {  	v19 =	vld [tilespmem:$0x280];
	_ =	sdelay $0x4  }
0x1f: {  	(v2sf) =	vpush v19, $0x0;
	_ =	sdelay $0x3  }
0x20: {  	s5 =	spop (v2sf)  }
0x21: {  	s10 =	sand.u32 $0x7F, s5  }
0x22: {  	s6 =	sshra.s32 s5, $0x1F;
	p1 =	slt.s32 s5, $0x1;
	p0 =	sne.s32 s10, $0x0  }
0x23: {  	s10 =	sshrl.u32 s6, $0x19;
	p0 =	por !p1, !p0  }
0x24: {  	s0 =	sadd.s32 s10, s5;
	s10 =	simm.s32 $0x1;
	p0 =	por !p0, !p0  }
0x25: {  	s0 =	sshrl.u32 s0, $0x7;
	s10 =	simm.s32 @!p0 $0x0  }
0x26: {  	s0 =	ssub.s32 s0, s10  }
0x27: {  	(v2sf) =	vpush v20, $0x1;
	s0 =	sshll.u32 s0, $0x7  }
0x28: {  	[tilespmem:$0x200] =	vst v16;
	s0 =	sand.u32 $0x1FFFFF80, s0  }
0x29: {  	[tilespmem:$0x480] =	vst v16;
	s0 =	sadd.s32 s1, s0  }
0x2a: {  	[tilespmem:s14], [sflag:$0x1] =	stream.strided.gather [hbm4b:s0+s12], $0x1000, s13, s12, $0x38;
	[tilespmem:$0x10700] =	vst v63  }
0x2b: {  	s0 =	spop (v2sf)  }
0x2c: {  	s5 =	sand.u32 $0x7F, s0  }
0x2d: {  	s6 =	sshra.s32 s0, $0x1F;
	p2 =	slt.s32 s0, $0x1;
	p1 =	sne.s32 s5, $0x0  }
0x2e: {  	s10 =	sshrl.u32 s6, $0x19;
	p0 =	por !p2, !p1  }
0x2f: {  	s0 =	sadd.s32 s10, s0;
	s10 =	simm.s32 $0x1;
	p0 =	por !p0, !p0  }
0x30: {  	s0 =	sshrl.u32 s0, $0x7;
	s10 =	simm.s32 @!p0 $0x0  }
0x31: {  	s0 =	ssub.s32 s0, s10  }
0x32: {  	(v2sf) =	vpush v19, $0x1;
	s0 =	sshll.u32 s0, $0x7  }
0x33: {  	s0 =	sand.u32 $0x1FFFFF80, s0  }
0x34: {  	s0 =	sadd.s32 s2, s0  }
0x35: {  	[tilespmem:s15], [sflag:$0x2] =	stream.strided.gather [hbm4b:s0+s12], $0x1000, s13, s12, $0x38;
	[tilespmem:$0x10700] =	vst v63  }
0x36: {  	s0 =	spop (v2sf)  }
0x37: {  	s5 =	sand.u32 $0x7F, s0  }
0x38: {  	s6 =	sshra.s32 s0, $0x1F;
	p4 =	slt.s32 s0, $0x1;
	p3 =	sne.s32 s5, $0x0  }
0x39: {  	s10 =	sshrl.u32 s6, $0x19;
	p0 =	por !p4, !p3  }
0x3a: {  	s0 =	sadd.s32 s10, s0;
	s10 =	simm.s32 $0x1;
	p0 =	por !p0, !p0  }
0x3b: {  	s0 =	sshrl.u32 s0, $0x7;
	s10 =	simm.s32 @!p0 $0x0  }
0x3c: {  	s0 =	ssub.s32 s0, s10  }
0x3d: {  	(v2sf) =	vpush v20, $0x2;
	s0 =	sshll.u32 s0, $0x7  }
0x3e: {  	s0 =	sand.u32 $0x1FFFFF80, s0  }
0x3f: {  	s0 =	sadd.s32 s1, s0  }
0x40: {  	[tilespmem:s16], [sflag:$0x1] =	stream.strided.gather [hbm4b:s0+s12], $0x1000, s13, s12, $0x38;
	[tilespmem:$0x10700] =	vst v63  }
0x41: {  	s0 =	spop (v2sf)  }
0x42: {  	s5 =	sand.u32 $0x7F, s0  }
0x43: {  	s6 =	sshra.s32 s0, $0x1F;
	p6 =	slt.s32 s0, $0x1;
	p5 =	sne.s32 s5, $0x0  }
0x44: {  	s10 =	sshrl.u32 s6, $0x19;
	p0 =	por !p6, !p5  }
0x45: {  	s0 =	sadd.s32 s10, s0;
	s10 =	simm.s32 $0x1;
	p0 =	por !p0, !p0  }
0x46: {  	s0 =	sshrl.u32 s0, $0x7;
	s10 =	simm.s32 @!p0 $0x0  }
0x47: {  	s0 =	ssub.s32 s0, s10  }
0x48: {  	(v2sf) =	vpush v19, $0x2;
	s0 =	sshll.u32 s0, $0x7  }
0x49: {  	s0 =	sand.u32 $0x1FFFFF80, s0  }
0x4a: {  	s0 =	sadd.s32 s2, s0  }
0x4b: {  	[tilespmem:s17], [sflag:$0x2] =	stream.strided.gather [hbm4b:s0+s12], $0x1000, s13, s12, $0x38;
	[tilespmem:$0x10700] =	vst v63  }
0x4c: {  	s0 =	spop (v2sf)  }
0x4d: {  	s5 =	sand.u32 $0x7F, s0  }
0x4e: {  	s6 =	sshra.s32 s0, $0x1F;
	p2 =	slt.s32 s0, $0x1;
	p1 =	sne.s32 s5, $0x0  }
0x4f: {  	s10 =	sshrl.u32 s6, $0x19;
	p0 =	por !p2, !p1  }
0x50: {  	s0 =	sadd.s32 s10, s0;
	s10 =	simm.s32 $0x1;
	p0 =	por !p0, !p0  }
0x51: {  	s0 =	sshrl.u32 s0, $0x7;
	s10 =	simm.s32 @!p0 $0x0  }
0x52: {  	s0 =	ssub.s32 s0, s10  }
0x53: {  	(v2sf) =	vpush v20, $0x3;
	s0 =	sshll.u32 s0, $0x7  }
0x54: {  	s0 =	sand.u32 $0x1FFFFF80, s0  }
0x55: {  	s0 =	sadd.s32 s1, s0  }
0x56: {  	[tilespmem:s18], [sflag:$0x1] =	stream.strided.gather [hbm4b:s0+s12], $0x1000, s13, s12, $0x38;
	[tilespmem:$0x10700] =	vst v63  }
0x57: {  	s0 =	spop (v2sf)  }
0x58: {  	s5 =	sand.u32 $0x7F, s0  }
0x59: {  	s6 =	sshra.s32 s0, $0x1F;
	p4 =	slt.s32 s0, $0x1;
	p3 =	sne.s32 s5, $0x0  }
0x5a: {  	s10 =	sshrl.u32 s6, $0x19;
	p0 =	por !p4, !p3  }
0x5b: {  	s0 =	sadd.s32 s10, s0;
	s10 =	simm.s32 $0x1;
	p0 =	por !p0, !p0  }
0x5c: {  	s0 =	sshrl.u32 s0, $0x7;
	s10 =	simm.s32 @!p0 $0x0  }
0x5d: {  	s0 =	ssub.s32 s0, s10  }
0x5e: {  	(v2sf) =	vpush v19, $0x3;
	s0 =	sshll.u32 s0, $0x7  }
0x5f: {  	s0 =	sand.u32 $0x1FFFFF80, s0  }
0x60: {  	s0 =	sadd.s32 s2, s0  }
0x61: {  	[tilespmem:s19], [sflag:$0x2] =	stream.strided.gather [hbm4b:s0+s12], $0x1000, s13, s12, $0x38;
	[tilespmem:$0x10700] =	vst v63  }
0x62: {  	s0 =	spop (v2sf)  }
0x63: {  	s5 =	sand.u32 $0x7F, s0  }
0x64: {  	s6 =	sshra.s32 s0, $0x1F;
	p6 =	slt.s32 s0, $0x1;
	p5 =	sne.s32 s5, $0x0  }
0x65: {  	s10 =	sshrl.u32 s6, $0x19;
	p0 =	por !p6, !p5  }
0x66: {  	s0 =	sadd.s32 s10, s0;
	s10 =	simm.s32 $0x1;
	p0 =	por !p0, !p0  }
0x67: {  	s0 =	sshrl.u32 s0, $0x7;
	s10 =	simm.s32 @!p0 $0x0  }
0x68: {  	s0 =	ssub.s32 s0, s10  }
0x69: {  	(v2sf) =	vpush v20, $0x4;
	s0 =	sshll.u32 s0, $0x7  }
0x6a: {  	s0 =	sand.u32 $0x1FFFFF80, s0  }
0x6b: {  	s0 =	sadd.s32 s1, s0  }
0x6c: {  	[tilespmem:s20], [sflag:$0x1] =	stream.strided.gather [hbm4b:s0+s12], $0x1000, s13, s12, $0x38;
	[tilespmem:$0x10700] =	vst v63  }
0x6d: {  	s0 =	spop (v2sf)  }
0x6e: {  	s5 =	sand.u32 $0x7F, s0  }
0x6f: {  	s6 =	sshra.s32 s0, $0x1F;
	p2 =	slt.s32 s0, $0x1;
	p1 =	sne.s32 s5, $0x0  }
0x70: {  	s10 =	sshrl.u32 s6, $0x19;
	p0 =	por !p2, !p1  }
0x71: {  	s0 =	sadd.s32 s10, s0;
	s10 =	simm.s32 $0x1;
	p0 =	por !p0, !p0  }
0x72: {  	s0 =	sshrl.u32 s0, $0x7;
	s10 =	simm.s32 @!p0 $0x0  }
0x73: {  	s0 =	ssub.s32 s0, s10  }
0x74: {  	(v2sf) =	vpush v19, $0x4;
	s0 =	sshll.u32 s0, $0x7  }
0x75: {  	s0 =	sand.u32 $0x1FFFFF80, s0  }
0x76: {  	s0 =	sadd.s32 s2, s0  }
0x77: {  	[tilespmem:s21], [sflag:$0x2] =	stream.strided.gather [hbm4b:s0+s12], $0x1000, s13, s12, $0x38;
	[tilespmem:$0x10700] =	vst v63  }
0x78: {  	s0 =	spop (v2sf)  }
0x79: {  	s5 =	sand.u32 $0x7F, s0  }
0x7a: {  	s6 =	sshra.s32 s0, $0x1F;
	p4 =	slt.s32 s0, $0x1;
	p3 =	sne.s32 s5, $0x0  }
0x7b: {  	s10 =	sshrl.u32 s6, $0x19;
	p0 =	por !p4, !p3  }
0x7c: {  	s0 =	sadd.s32 s10, s0;
	s10 =	simm.s32 $0x1;
	p0 =	por !p0, !p0  }
0x7d: {  	s0 =	sshrl.u32 s0, $0x7;
	s10 =	simm.s32 @!p0 $0x0  }
0x7e: {  	s0 =	ssub.s32 s0, s10  }
0x7f: {  	(v2sf) =	vpush v20, $0x5;
	s0 =	sshll.u32 s0, $0x7  }
0x80: {  	s0 =	sand.u32 $0x1FFFFF80, s0  }
0x81: {  	s0 =	sadd.s32 s1, s0  }
0x82: {  	[tilespmem:s22], [sflag:$0x1] =	stream.strided.gather [hbm4b:s0+s12], $0x1000, s13, s12, $0x38;
	[tilespmem:$0x10700] =	vst v63  }
0x83: {  	s0 =	spop (v2sf)  }
0x84: {  	s5 =	sand.u32 $0x7F, s0  }
0x85: {  	s6 =	sshra.s32 s0, $0x1F;
	p6 =	slt.s32 s0, $0x1;
	p5 =	sne.s32 s5, $0x0  }
0x86: {  	s10 =	sshrl.u32 s6, $0x19;
	p0 =	por !p6, !p5  }
0x87: {  	s0 =	sadd.s32 s10, s0;
	s10 =	simm.s32 $0x1;
	p0 =	por !p0, !p0  }
0x88: {  	s0 =	sshrl.u32 s0, $0x7;
	s10 =	simm.s32 @!p0 $0x0  }
0x89: {  	s0 =	ssub.s32 s0, s10  }
0x8a: {  	(v2sf) =	vpush v19, $0x5;
	s0 =	sshll.u32 s0, $0x7  }
0x8b: {  	s0 =	sand.u32 $0x1FFFFF80, s0  }
0x8c: {  	s0 =	sadd.s32 s2, s0  }
0x8d: {  	[tilespmem:s23], [sflag:$0x2] =	stream.strided.gather [hbm4b:s0+s12], $0x1000, s13, s12, $0x38;
	[tilespmem:$0x10700] =	vst v63  }
0x8e: {  	s0 =	spop (v2sf)  }
0x8f: {  	s5 =	sand.u32 $0x7F, s0  }
0x90: {  	s6 =	sshra.s32 s0, $0x1F;
	p2 =	slt.s32 s0, $0x1;
	p1 =	sne.s32 s5, $0x0  }
0x91: {  	s10 =	sshrl.u32 s6, $0x19;
	p0 =	por !p2, !p1  }
0x92: {  	s0 =	sadd.s32 s10, s0;
	s10 =	simm.s32 $0x1;
	p0 =	por !p0, !p0  }
0x93: {  	s0 =	sshrl.u32 s0, $0x7;
	s10 =	simm.s32 @!p0 $0x0  }
0x94: {  	s0 =	ssub.s32 s0, s10  }
0x95: {  	(v2sf) =	vpush v20, $0x6;
	s0 =	sshll.u32 s0, $0x7  }
0x96: {  	s0 =	sand.u32 $0x1FFFFF80, s0  }
0x97: {  	s0 =	sadd.s32 s1, s0  }
0x98: {  	[tilespmem:s24], [sflag:$0x1] =	stream.strided.gather [hbm4b:s0+s12], $0x1000, s13, s12, $0x38;
	[tilespmem:$0x10700] =	vst v63  }
0x99: {  	s0 =	spop (v2sf)  }
0x9a: {  	s5 =	sand.u32 $0x7F, s0  }
0x9b: {  	s6 =	sshra.s32 s0, $0x1F;
	p4 =	slt.s32 s0, $0x1;
	p3 =	sne.s32 s5, $0x0  }
0x9c: {  	s10 =	sshrl.u32 s6, $0x19;
	p0 =	por !p4, !p3  }
0x9d: {  	s0 =	sadd.s32 s10, s0;
	s10 =	simm.s32 $0x1;
	p0 =	por !p0, !p0  }
0x9e: {  	s0 =	sshrl.u32 s0, $0x7;
	s10 =	simm.s32 @!p0 $0x0  }
0x9f: {  	s0 =	ssub.s32 s0, s10  }
0xa0: {  	(v2sf) =	vpush v19, $0x6;
	s0 =	sshll.u32 s0, $0x7  }
0xa1: {  	s0 =	sand.u32 $0x1FFFFF80, s0  }
0xa2: {  	s0 =	sadd.s32 s2, s0  }
0xa3: {  	[tilespmem:s25], [sflag:$0x2] =	stream.strided.gather [hbm4b:s0+s12], $0x1000, s13, s12, $0x38;
	[tilespmem:$0x10700] =	vst v63  }
0xa4: {  	s0 =	spop (v2sf)  }
0xa5: {  	s5 =	sand.u32 $0x7F, s0  }
0xa6: {  	s6 =	sshra.s32 s0, $0x1F;
	p6 =	slt.s32 s0, $0x1;
	p5 =	sne.s32 s5, $0x0  }
0xa7: {  	(v2sf) =	vpush v20, $0x7;
	s10 =	sshrl.u32 s6, $0x19;
	p0 =	por !p6, !p5  }
0xa8: {  	s0 =	sadd.s32 s10, s0;
	s10 =	simm.s32 $0x1;
	p0 =	por !p0, !p0  }
0xa9: {  	s0 =	sshrl.u32 s0, $0x7;
	s10 =	simm.s32 @!p0 $0x0  }
0xaa: {  	s0 =	ssub.s32 s0, s10  }
0xab: {  	s0 =	sshll.u32 s0, $0x7  }
0xac: {  	s0 =	sand.u32 $0x1FFFFF80, s0  }
0xad: {  	s0 =	sadd.s32 s1, s0  }
0xae: {  	[tilespmem:s26], [sflag:$0x1] =	stream.strided.gather [hbm4b:s0+s12], $0x1000, s13, s12, $0x38;
	[tilespmem:$0x10700] =	vst v63  }
0xaf: {  	s0 =	spop (v2sf)  }
0xb0: {  	s5 =	sand.u32 $0x7F, s0  }
0xb1: {  	s6 =	sshra.s32 s0, $0x1F;
	p2 =	slt.s32 s0, $0x1;
	p1 =	sne.s32 s5, $0x0  }
0xb2: {  	s10 =	sshrl.u32 s6, $0x19;
	p0 =	por !p2, !p1  }
0xb3: {  	(v2sf) =	vpush v19, $0x7;
	s0 =	sadd.s32 s10, s0;
	s10 =	simm.s32 $0x1;
	p0 =	por !p0, !p0  }
0xb4: {  	s0 =	sshrl.u32 s0, $0x7;
	s10 =	simm.s32 @!p0 $0x0  }
0xb5: {  	s0 =	ssub.s32 s0, s10  }
0xb6: {  	s10 =	spop (v2sf);
	s0 =	sshll.u32 s0, $0x7  }
0xb7: {  	s5 =	sand.u32 $0x7F, s10;
	s6 =	sshra.s32 s10, $0x1F;
	s0 =	sand.u32 $0x1FFFFF80, s0  }
0xb8: {  	p4 =	slt.s32 s10, $0x1;
	p3 =	sne.s32 s5, $0x0;
	s0 =	sadd.s32 s2, s0  }
0xb9: {  	[tilespmem:s28], [sflag:$0x2] =	stream.strided.gather [hbm4b:s0+s12], $0x1000, s13, s12, $0x38;
	[tilespmem:$0x10700] =	vst v63  }
0xba: {  	p0 =	por !p4, !p3;
	s0 =	sshrl.u32 s6, $0x19  }
0xbb: {  	p0 =	por !p0, !p0;
	s0 =	sadd.s32 s0, s10;
	s10 =	simm.s32 $0x1  }
0xbc: {  	s0 =	sshrl.u32 s0, $0x7;
	s10 =	simm.s32 @!p0 $0x0  }
0xbd: {  	s0 =	ssub.s32 s0, s10  }
0xbe: {  	s0 =	sshll.u32 s0, $0x7  }
0xbf: {  	s0 =	sand.u32 $0x1FFFFF80, s0  }
0xc0: {  	s0 =	sadd.s32 s1, s0  }
0xc1: {  	[tilespmem:s29], [sflag:$0x1] =	stream.strided.gather [hbm4b:s0+s12], $0x1000, s13, s12, $0x38;
	[tilespmem:$0x10700] =	vst v63  }
0xc2: {  	s0 =	spop (v2sf)  }
0xc3: {  	s5 =	sand.u32 $0x7F, s0  }
0xc4: {  	s6 =	sshra.s32 s0, $0x1F;
	p6 =	slt.s32 s0, $0x1;
	p5 =	sne.s32 s5, $0x0  }
0xc5: {  	s10 =	sshrl.u32 s6, $0x19;
	p0 =	por !p6, !p5  }
0xc6: {  	s0 =	sadd.s32 s10, s0;
	s10 =	simm.s32 $0x1;
	p0 =	por !p0, !p0  }
0xc7: {  	s0 =	sshrl.u32 s0, $0x7;
	s10 =	simm.s32 @!p0 $0x0  }
0xc8: {  	s0 =	ssub.s32 s0, s10  }
0xc9: {  	s0 =	sshll.u32 s0, $0x7  }
0xca: {  	s0 =	sand.u32 $0x1FFFFF80, s0  }
0xcb: {  	s10 =	simm.s32 $0x0;
	s0 =	sadd.s32 s2, s0  }
0xcc: {  	[tilespmem:s30], [sflag:$0x2] =	stream.strided.gather [hbm4b:s0+s12], $0x1000, s13, s12, $0x38;
	[tilespmem:$0x10700] =	vst v63  }
.LBB2_2:
0xcd: {  	s0 =	sshra.s32 s10, $0x2  }
0xce: {  	v22 =	vld [tilespmem:s0+$0x0];
	_ =	sdelay $0x4  }
0xcf: {  	(v2sf) =	vpush v22, $0x0;
	_ =	sdelay $0xb  }
0xd0: {  	v21 =	vld [tilespmem:s0+$0x280];
	_ =	sdelay $0x2  }
0xd1: {  	v20 =	vld [tilespmem:s0+$0x8];
	s5 =	spop (v2sf)  }
0xd2: {  	v19 =	vld [tilespmem:s0+$0x288];
	_ =	swait.ge [sflag:s11], $0x1000  }
0xd3: {  	(v2sf) =	vpush v21, $0x0;
	_ =	sdelay $0xd  }
0xd4: {  	[sflag:s11] =	ssyncset.done $0x0  }
0xd5: {  	[sflag:s11] =	ssyncadd.s32 $0xFFFFF000;
	s6 =	spop (v2sf)  }
0xd6: {  	_ =	swait.ge [sflag:s31], $0x1000  }
0xd7: {  	(v2sf) =	vpush v20, $0x0;
	_ =	sdelay $0x8  }
0xd8: {  	s5 =	sand.u32 $0x7F, s5  }
0xd9: {  	v23 =	vor.u32 s5, v13  }
0xda: {  	v24 =	vor.u32 s5, v17;
	s6 =	sand.u32 $0x7F, s6;
	(v2sf) =	vpush v19, $0x0  }
0xdb: {  	v25 =	vor.u32 s6, v13  }
0xdc: {  	[sflag:s31] =	ssyncset.done $0x0;
	v26 =	vor.u32 s6, v17  }
0xdd: {  	[sflag:s31] =	ssyncadd.s32 $0xFFFFF000  }
0xde: {  	v23 =	vld.idx.msk [tilespmem:v23+s14+$0x0], $0xffff;
	s5 =	spop (v2sf)  }
0xdf: {  	v24 =	vld.idx.msk [tilespmem:v24+s14+$0x0], $0xffff;
	s6 =	sand.u32 $0x7F, s5  }
0xe0: {  	v25 =	vld.idx.msk [tilespmem:v25+s15+$0x0], $0xffff;
	p1 =	slt.s32 s5, $0x1;
	p0 =	sne.s32 s6, $0x0;
	s6 =	sshra.s32 s5, $0x1F  }
0xe1: {  	v26 =	vld.idx.msk [tilespmem:v26+s15+$0x0], $0xffff;
	s6 =	sshrl.u32 s6, $0x19;
	p0 =	por !p1, !p0  }
0xe2: {  	s5 =	sadd.s32 s6, s5;
	p0 =	por !p0, !p0;
	s6 =	simm.s32 $0x1  }
0xe3: {  	s5 =	sshrl.u32 s5, $0x7;
	s6 =	simm.s32 @!p0 $0x0  }
0xe4: {  	s5 =	ssub.s32 s5, s6  }
0xe5: {  	(v2sf) =	vpush v22, $0x1;
	s5 =	sshll.u32 s5, $0x7  }
0xe6: {  	v23 =	vmul.f32 v25, v23;
	v24 =	vmul.f32 v26, v24;
	s5 =	sand.u32 $0x1FFFFF80, s5  }
0xe7: {  	s5 =	sadd.s32 s1, s5  }
0xe8: {  	v23 =	vadd.f32 v24, v23;
	[tilespmem:s14], [sflag:$0x1] =	stream.strided.gather [hbm4b:s5+s12], $0x1000, s13, s12, $0x38;
	[tilespmem:$0x10700] =	vst v63  }
0xe9: {  	s5 =	spop (v2sf)  }
0xea: {  	(xrf2) =	vadd.scan.msk.f32 $0xffff, v23;
	s6 =	sand.u32 $0x7F, s5  }
0xeb: {  	p6 =	slt.s32 s5, $0x1;
	p5 =	sne.s32 s6, $0x0;
	s6 =	sshra.s32 s5, $0x1F  }
0xec: {  	s6 =	sshrl.u32 s6, $0x19;
	p0 =	por !p6, !p5  }
0xed: {  	s5 =	sadd.s32 s6, s5;
	p0 =	por !p0, !p0;
	s6 =	simm.s32 $0x1  }
0xee: {  	s5 =	sshrl.u32 s5, $0x7;
	s6 =	simm.s32 @!p0 $0x0  }
0xef: {  	s5 =	ssub.s32 s5, s6  }
0xf0: {  	s5 =	sshll.u32 s5, $0x7  }
0xf1: {  	s5 =	sand.u32 $0x1FFFFF80, s5  }
0xf2: {  	s5 =	sadd.s32 s2, s5  }
0xf3: {  	[tilespmem:s15], [sflag:$0x2] =	stream.strided.gather [hbm4b:s5+s12], $0x1000, s13, s12, $0x38;
	[tilespmem:$0x10700] =	vst v63  }
0xf4: {  	v23, _, _ =	vpop (xrf2);
	s5 =	spop (v2sf)  }
0xf5: {  	_ =	swait.ge [sflag:s11], $0x1000  }
0xf6: {  	(v2sf) =	vpush v21, $0x1;
	_ =	sdelay $0xd  }
0xf7: {  	[sflag:s11] =	ssyncset.done $0x0  }
0xf8: {  	[sflag:s11] =	ssyncadd.s32 $0xFFFFF000;
	s6 =	spop (v2sf)  }
0xf9: {  	_ =	swait.ge [sflag:s31], $0x1000  }
0xfa: {  	(v2sf) =	vpush v20, $0x1;
	_ =	sdelay $0x8  }
0xfb: {  	s5 =	sand.u32 $0x7F, s5  }
0xfc: {  	v44 =	vor.u32 s5, v13  }
0xfd: {  	v45 =	vor.u32 s5, v17;
	s6 =	sand.u32 $0x7F, s6;
	(v2sf) =	vpush v19, $0x1  }
0xfe: {  	v46 =	vor.u32 s6, v13  }
0xff: {  	[sflag:s31] =	ssyncset.done $0x0;
	v27 =	vor.u32 s6, v17  }
0x100: {  	[sflag:s31] =	ssyncadd.s32 $0xFFFFF000  }
0x101: {  	v24 =	vld.idx.msk [tilespmem:v44+s16+$0x0], $0xffff;
	s5 =	spop (v2sf)  }
0x102: {  	v25 =	vld.idx.msk [tilespmem:v45+s16+$0x0], $0xffff;
	s6 =	sand.u32 $0x7F, s5  }
0x103: {  	v26 =	vld.idx.msk [tilespmem:v46+s17+$0x0], $0xffff;
	p2 =	slt.s32 s5, $0x1;
	p1 =	sne.s32 s6, $0x0;
	s6 =	sshra.s32 s5, $0x1F  }
0x104: {  	v27 =	vld.idx.msk [tilespmem:v27+s17+$0x0], $0xffff;
	s6 =	sshrl.u32 s6, $0x19;
	p0 =	por !p2, !p1  }
0x105: {  	s5 =	sadd.s32 s6, s5;
	p0 =	por !p0, !p0;
	s6 =	simm.s32 $0x1  }
0x106: {  	s5 =	sshrl.u32 s5, $0x7;
	s6 =	simm.s32 @!p0 $0x0  }
0x107: {  	s5 =	ssub.s32 s5, s6  }
0x108: {  	(v2sf) =	vpush v22, $0x2;
	s5 =	sshll.u32 s5, $0x7  }
0x109: {  	v24 =	vmul.f32 v26, v24;
	v25 =	vmul.f32 v27, v25;
	s5 =	sand.u32 $0x1FFFFF80, s5  }
0x10a: {  	s5 =	sadd.s32 s1, s5  }
0x10b: {  	v24 =	vadd.f32 v25, v24;
	[tilespmem:s16], [sflag:$0x1] =	stream.strided.gather [hbm4b:s5+s12], $0x1000, s13, s12, $0x38;
	[tilespmem:$0x10700] =	vst v63  }
0x10c: {  	s5 =	spop (v2sf)  }
0x10d: {  	(xrf2) =	vadd.scan.msk.f32 $0xffff, v24;
	s6 =	sand.u32 $0x7F, s5  }
0x10e: {  	p4 =	slt.s32 s5, $0x1;
	p3 =	sne.s32 s6, $0x0;
	s6 =	sshra.s32 s5, $0x1F  }
0x10f: {  	s6 =	sshrl.u32 s6, $0x19;
	p0 =	por !p4, !p3  }
0x110: {  	s5 =	sadd.s32 s6, s5;
	p0 =	por !p0, !p0;
	s6 =	simm.s32 $0x1  }
0x111: {  	s5 =	sshrl.u32 s5, $0x7;
	s6 =	simm.s32 @!p0 $0x0  }
0x112: {  	s5 =	ssub.s32 s5, s6  }
0x113: {  	s5 =	sshll.u32 s5, $0x7  }
0x114: {  	s5 =	sand.u32 $0x1FFFFF80, s5  }
0x115: {  	s5 =	sadd.s32 s2, s5  }
0x116: {  	[tilespmem:s17], [sflag:$0x2] =	stream.strided.gather [hbm4b:s5+s12], $0x1000, s13, s12, $0x38;
	[tilespmem:$0x10700] =	vst v63  }
0x117: {  	v24, _, _ =	vpop (xrf2);
	s5 =	spop (v2sf)  }
0x118: {  	_ =	swait.ge [sflag:s11], $0x1000  }
0x119: {  	(v2sf) =	vpush v21, $0x2;
	_ =	sdelay $0xd  }
0x11a: {  	[sflag:s11] =	ssyncset.done $0x0  }
0x11b: {  	[sflag:s11] =	ssyncadd.s32 $0xFFFFF000;
	s6 =	spop (v2sf)  }
0x11c: {  	_ =	swait.ge [sflag:s31], $0x1000  }
0x11d: {  	(v2sf) =	vpush v20, $0x2;
	_ =	sdelay $0x8  }
0x11e: {  	s5 =	sand.u32 $0x7F, s5  }
0x11f: {  	v47 =	vor.u32 s5, v13  }
0x120: {  	v48 =	vor.u32 s5, v17;
	s6 =	sand.u32 $0x7F, s6;
	(v2sf) =	vpush v19, $0x2  }
0x121: {  	v49 =	vor.u32 s6, v13  }
0x122: {  	[sflag:s31] =	ssyncset.done $0x0;
	v28 =	vor.u32 s6, v17  }
0x123: {  	[sflag:s31] =	ssyncadd.s32 $0xFFFFF000  }
0x124: {  	v25 =	vld.idx.msk [tilespmem:v47+s18+$0x0], $0xffff;
	s5 =	spop (v2sf)  }
0x125: {  	v26 =	vld.idx.msk [tilespmem:v48+s18+$0x0], $0xffff;
	s6 =	sand.u32 $0x7F, s5  }
0x126: {  	v27 =	vld.idx.msk [tilespmem:v49+s19+$0x0], $0xffff;
	p6 =	slt.s32 s5, $0x1;
	p5 =	sne.s32 s6, $0x0;
	s6 =	sshra.s32 s5, $0x1F  }
0x127: {  	v28 =	vld.idx.msk [tilespmem:v28+s19+$0x0], $0xffff;
	s6 =	sshrl.u32 s6, $0x19;
	p0 =	por !p6, !p5  }
0x128: {  	s5 =	sadd.s32 s6, s5;
	p0 =	por !p0, !p0;
	s6 =	simm.s32 $0x1  }
0x129: {  	s5 =	sshrl.u32 s5, $0x7;
	s6 =	simm.s32 @!p0 $0x0  }
0x12a: {  	s5 =	ssub.s32 s5, s6  }
0x12b: {  	(v2sf) =	vpush v22, $0x3;
	s5 =	sshll.u32 s5, $0x7  }
0x12c: {  	v25 =	vmul.f32 v27, v25;
	v26 =	vmul.f32 v28, v26;
	s5 =	sand.u32 $0x1FFFFF80, s5  }
0x12d: {  	s5 =	sadd.s32 s1, s5  }
0x12e: {  	v25 =	vadd.f32 v26, v25;
	[tilespmem:s18], [sflag:$0x1] =	stream.strided.gather [hbm4b:s5+s12], $0x1000, s13, s12, $0x38;
	[tilespmem:$0x10700] =	vst v63  }
0x12f: {  	s5 =	spop (v2sf)  }
0x130: {  	(xrf2) =	vadd.scan.msk.f32 $0xffff, v25;
	s6 =	sand.u32 $0x7F, s5  }
0x131: {  	p2 =	slt.s32 s5, $0x1;
	p1 =	sne.s32 s6, $0x0;
	s6 =	sshra.s32 s5, $0x1F  }
0x132: {  	s6 =	sshrl.u32 s6, $0x19;
	p0 =	por !p2, !p1  }
0x133: {  	s5 =	sadd.s32 s6, s5;
	p0 =	por !p0, !p0;
	s6 =	simm.s32 $0x1  }
0x134: {  	s5 =	sshrl.u32 s5, $0x7;
	s6 =	simm.s32 @!p0 $0x0  }
0x135: {  	s5 =	ssub.s32 s5, s6  }
0x136: {  	s5 =	sshll.u32 s5, $0x7  }
0x137: {  	s5 =	sand.u32 $0x1FFFFF80, s5  }
0x138: {  	s5 =	sadd.s32 s2, s5  }
0x139: {  	[tilespmem:s19], [sflag:$0x2] =	stream.strided.gather [hbm4b:s5+s12], $0x1000, s13, s12, $0x38;
	[tilespmem:$0x10700] =	vst v63  }
0x13a: {  	v25, _, _ =	vpop (xrf2);
	s5 =	spop (v2sf)  }
0x13b: {  	_ =	swait.ge [sflag:s11], $0x1000  }
0x13c: {  	(v2sf) =	vpush v21, $0x3;
	_ =	sdelay $0xd  }
0x13d: {  	[sflag:s11] =	ssyncset.done $0x0  }
0x13e: {  	[sflag:s11] =	ssyncadd.s32 $0xFFFFF000;
	s6 =	spop (v2sf)  }
0x13f: {  	_ =	swait.ge [sflag:s31], $0x1000  }
0x140: {  	(v2sf) =	vpush v20, $0x3;
	_ =	sdelay $0x8  }
0x141: {  	s5 =	sand.u32 $0x7F, s5  }
0x142: {  	v50 =	vor.u32 s5, v13  }
0x143: {  	v51 =	vor.u32 s5, v17;
	s6 =	sand.u32 $0x7F, s6;
	(v2sf) =	vpush v19, $0x3  }
0x144: {  	v52 =	vor.u32 s6, v13  }
0x145: {  	[sflag:s31] =	ssyncset.done $0x0;
	v29 =	vor.u32 s6, v17  }
0x146: {  	[sflag:s31] =	ssyncadd.s32 $0xFFFFF000  }
0x147: {  	v26 =	vld.idx.msk [tilespmem:v50+s20+$0x0], $0xffff;
	s5 =	spop (v2sf)  }
0x148: {  	v27 =	vld.idx.msk [tilespmem:v51+s20+$0x0], $0xffff;
	s6 =	sand.u32 $0x7F, s5  }
0x149: {  	v28 =	vld.idx.msk [tilespmem:v52+s21+$0x0], $0xffff;
	p4 =	slt.s32 s5, $0x1;
	p3 =	sne.s32 s6, $0x0;
	s6 =	sshra.s32 s5, $0x1F  }
0x14a: {  	v29 =	vld.idx.msk [tilespmem:v29+s21+$0x0], $0xffff;
	s6 =	sshrl.u32 s6, $0x19;
	p0 =	por !p4, !p3  }
0x14b: {  	s5 =	sadd.s32 s6, s5;
	p0 =	por !p0, !p0;
	s6 =	simm.s32 $0x1  }
0x14c: {  	s5 =	sshrl.u32 s5, $0x7;
	s6 =	simm.s32 @!p0 $0x0  }
0x14d: {  	s5 =	ssub.s32 s5, s6  }
0x14e: {  	(v2sf) =	vpush v22, $0x4;
	s5 =	sshll.u32 s5, $0x7  }
0x14f: {  	v26 =	vmul.f32 v28, v26;
	v27 =	vmul.f32 v29, v27;
	s5 =	sand.u32 $0x1FFFFF80, s5  }
0x150: {  	s5 =	sadd.s32 s1, s5  }
0x151: {  	v26 =	vadd.f32 v27, v26;
	[tilespmem:s20], [sflag:$0x1] =	stream.strided.gather [hbm4b:s5+s12], $0x1000, s13, s12, $0x38;
	[tilespmem:$0x10700] =	vst v63  }
0x152: {  	s5 =	spop (v2sf)  }
0x153: {  	(xrf2) =	vadd.scan.msk.f32 $0xffff, v26;
	s6 =	sand.u32 $0x7F, s5  }
0x154: {  	p6 =	slt.s32 s5, $0x1;
	p5 =	sne.s32 s6, $0x0;
	s6 =	sshra.s32 s5, $0x1F  }
0x155: {  	s6 =	sshrl.u32 s6, $0x19;
	p0 =	por !p6, !p5  }
0x156: {  	s5 =	sadd.s32 s6, s5;
	p0 =	por !p0, !p0;
	s6 =	simm.s32 $0x1  }
0x157: {  	s5 =	sshrl.u32 s5, $0x7;
	s6 =	simm.s32 @!p0 $0x0  }
0x158: {  	s5 =	ssub.s32 s5, s6  }
0x159: {  	s5 =	sshll.u32 s5, $0x7  }
0x15a: {  	s5 =	sand.u32 $0x1FFFFF80, s5  }
0x15b: {  	s5 =	sadd.s32 s2, s5  }
0x15c: {  	[tilespmem:s21], [sflag:$0x2] =	stream.strided.gather [hbm4b:s5+s12], $0x1000, s13, s12, $0x38;
	[tilespmem:$0x10700] =	vst v63  }
0x15d: {  	v26, _, _ =	vpop (xrf2);
	s5 =	spop (v2sf)  }
0x15e: {  	_ =	swait.ge [sflag:s11], $0x1000  }
0x15f: {  	(v2sf) =	vpush v21, $0x4;
	_ =	sdelay $0xd  }
0x160: {  	[sflag:s11] =	ssyncset.done $0x0  }
0x161: {  	[sflag:s11] =	ssyncadd.s32 $0xFFFFF000;
	s6 =	spop (v2sf)  }
0x162: {  	_ =	swait.ge [sflag:s31], $0x1000  }
0x163: {  	(v2sf) =	vpush v20, $0x4;
	_ =	sdelay $0x8  }
0x164: {  	s5 =	sand.u32 $0x7F, s5  }
0x165: {  	v53 =	vor.u32 s5, v13  }
0x166: {  	v54 =	vor.u32 s5, v17;
	s6 =	sand.u32 $0x7F, s6;
	(v2sf) =	vpush v19, $0x4  }
0x167: {  	v55 =	vor.u32 s6, v13  }
0x168: {  	[sflag:s31] =	ssyncset.done $0x0;
	v30 =	vor.u32 s6, v17  }
0x169: {  	[sflag:s31] =	ssyncadd.s32 $0xFFFFF000  }
0x16a: {  	v27 =	vld.idx.msk [tilespmem:v53+s22+$0x0], $0xffff;
	s5 =	spop (v2sf)  }
0x16b: {  	v28 =	vld.idx.msk [tilespmem:v54+s22+$0x0], $0xffff;
	s6 =	sand.u32 $0x7F, s5  }
0x16c: {  	v29 =	vld.idx.msk [tilespmem:v55+s23+$0x0], $0xffff;
	p2 =	slt.s32 s5, $0x1;
	p1 =	sne.s32 s6, $0x0;
	s6 =	sshra.s32 s5, $0x1F  }
0x16d: {  	v30 =	vld.idx.msk [tilespmem:v30+s23+$0x0], $0xffff;
	s6 =	sshrl.u32 s6, $0x19;
	p0 =	por !p2, !p1  }
0x16e: {  	s5 =	sadd.s32 s6, s5;
	p0 =	por !p0, !p0;
	s6 =	simm.s32 $0x1  }
0x16f: {  	s5 =	sshrl.u32 s5, $0x7;
	s6 =	simm.s32 @!p0 $0x0  }
0x170: {  	s5 =	ssub.s32 s5, s6  }
0x171: {  	(v2sf) =	vpush v22, $0x5;
	s5 =	sshll.u32 s5, $0x7  }
0x172: {  	v27 =	vmul.f32 v29, v27;
	v28 =	vmul.f32 v30, v28;
	s5 =	sand.u32 $0x1FFFFF80, s5  }
0x173: {  	s5 =	sadd.s32 s1, s5  }
0x174: {  	v27 =	vadd.f32 v28, v27;
	[tilespmem:s22], [sflag:$0x1] =	stream.strided.gather [hbm4b:s5+s12], $0x1000, s13, s12, $0x38;
	[tilespmem:$0x10700] =	vst v63  }
0x175: {  	s5 =	spop (v2sf)  }
0x176: {  	(xrf2) =	vadd.scan.msk.f32 $0xffff, v27;
	s6 =	sand.u32 $0x7F, s5  }
0x177: {  	p4 =	slt.s32 s5, $0x1;
	p3 =	sne.s32 s6, $0x0;
	s6 =	sshra.s32 s5, $0x1F  }
0x178: {  	s6 =	sshrl.u32 s6, $0x19;
	p0 =	por !p4, !p3  }
0x179: {  	s5 =	sadd.s32 s6, s5;
	p0 =	por !p0, !p0;
	s6 =	simm.s32 $0x1  }
0x17a: {  	s5 =	sshrl.u32 s5, $0x7;
	s6 =	simm.s32 @!p0 $0x0  }
0x17b: {  	s5 =	ssub.s32 s5, s6  }
0x17c: {  	s5 =	sshll.u32 s5, $0x7  }
0x17d: {  	s5 =	sand.u32 $0x1FFFFF80, s5  }
0x17e: {  	s5 =	sadd.s32 s2, s5  }
0x17f: {  	[tilespmem:s23], [sflag:$0x2] =	stream.strided.gather [hbm4b:s5+s12], $0x1000, s13, s12, $0x38;
	[tilespmem:$0x10700] =	vst v63  }
0x180: {  	v27, _, _ =	vpop (xrf2);
	s5 =	spop (v2sf)  }
0x181: {  	_ =	swait.ge [sflag:s11], $0x1000  }
0x182: {  	(v2sf) =	vpush v21, $0x5;
	_ =	sdelay $0xd  }
0x183: {  	[sflag:s11] =	ssyncset.done $0x0  }
0x184: {  	[sflag:s11] =	ssyncadd.s32 $0xFFFFF000;
	s6 =	spop (v2sf)  }
0x185: {  	_ =	swait.ge [sflag:s31], $0x1000  }
0x186: {  	(v2sf) =	vpush v20, $0x5;
	_ =	sdelay $0x8  }
0x187: {  	s5 =	sand.u32 $0x7F, s5  }
0x188: {  	v56 =	vor.u32 s5, v13  }
0x189: {  	v57 =	vor.u32 s5, v17;
	s6 =	sand.u32 $0x7F, s6;
	(v2sf) =	vpush v19, $0x5  }
0x18a: {  	v58 =	vor.u32 s6, v13  }
0x18b: {  	[sflag:s31] =	ssyncset.done $0x0;
	v31 =	vor.u32 s6, v17  }
0x18c: {  	[sflag:s31] =	ssyncadd.s32 $0xFFFFF000  }
0x18d: {  	v28 =	vld.idx.msk [tilespmem:v56+s24+$0x0], $0xffff;
	s5 =	spop (v2sf)  }
0x18e: {  	v29 =	vld.idx.msk [tilespmem:v57+s24+$0x0], $0xffff;
	s6 =	sand.u32 $0x7F, s5  }
0x18f: {  	v30 =	vld.idx.msk [tilespmem:v58+s25+$0x0], $0xffff;
	p6 =	slt.s32 s5, $0x1;
	p5 =	sne.s32 s6, $0x0;
	s6 =	sshra.s32 s5, $0x1F  }
0x190: {  	v31 =	vld.idx.msk [tilespmem:v31+s25+$0x0], $0xffff;
	s6 =	sshrl.u32 s6, $0x19;
	p0 =	por !p6, !p5  }
0x191: {  	s5 =	sadd.s32 s6, s5;
	p0 =	por !p0, !p0;
	s6 =	simm.s32 $0x1  }
0x192: {  	s5 =	sshrl.u32 s5, $0x7;
	s6 =	simm.s32 @!p0 $0x0  }
0x193: {  	s5 =	ssub.s32 s5, s6  }
0x194: {  	(v2sf) =	vpush v22, $0x6;
	s5 =	sshll.u32 s5, $0x7  }
0x195: {  	v28 =	vmul.f32 v30, v28;
	v29 =	vmul.f32 v31, v29;
	s5 =	sand.u32 $0x1FFFFF80, s5  }
0x196: {  	s5 =	sadd.s32 s1, s5  }
0x197: {  	v28 =	vadd.f32 v29, v28;
	[tilespmem:s24], [sflag:$0x1] =	stream.strided.gather [hbm4b:s5+s12], $0x1000, s13, s12, $0x38;
	[tilespmem:$0x10700] =	vst v63  }
0x198: {  	s5 =	spop (v2sf)  }
0x199: {  	(xrf2) =	vadd.scan.msk.f32 $0xffff, v28;
	s6 =	sand.u32 $0x7F, s5  }
0x19a: {  	p2 =	slt.s32 s5, $0x1;
	p1 =	sne.s32 s6, $0x0;
	s6 =	sshra.s32 s5, $0x1F  }
0x19b: {  	s6 =	sshrl.u32 s6, $0x19;
	p0 =	por !p2, !p1  }
0x19c: {  	s5 =	sadd.s32 s6, s5;
	p0 =	por !p0, !p0;
	s6 =	simm.s32 $0x1  }
0x19d: {  	s5 =	sshrl.u32 s5, $0x7;
	s6 =	simm.s32 @!p0 $0x0  }
0x19e: {  	s5 =	ssub.s32 s5, s6  }
0x19f: {  	s5 =	sshll.u32 s5, $0x7  }
0x1a0: {  	s5 =	sand.u32 $0x1FFFFF80, s5  }
0x1a1: {  	s5 =	sadd.s32 s2, s5  }
0x1a2: {  	[tilespmem:s25], [sflag:$0x2] =	stream.strided.gather [hbm4b:s5+s12], $0x1000, s13, s12, $0x38;
	[tilespmem:$0x10700] =	vst v63  }
0x1a3: {  	v28, _, _ =	vpop (xrf2);
	s5 =	spop (v2sf)  }
0x1a4: {  	_ =	swait.ge [sflag:s11], $0x1000  }
0x1a5: {  	(v2sf) =	vpush v21, $0x6;
	_ =	sdelay $0xd  }
0x1a6: {  	[sflag:s11] =	ssyncset.done $0x0  }
0x1a7: {  	[sflag:s11] =	ssyncadd.s32 $0xFFFFF000;
	s6 =	spop (v2sf)  }
0x1a8: {  	_ =	swait.ge [sflag:s31], $0x1000  }
0x1a9: {  	(v2sf) =	vpush v20, $0x6;
	_ =	sdelay $0x8  }
0x1aa: {  	s5 =	sand.u32 $0x7F, s5  }
0x1ab: {  	v59 =	vor.u32 s5, v13  }
0x1ac: {  	v60 =	vor.u32 s5, v17;
	s6 =	sand.u32 $0x7F, s6;
	(v2sf) =	vpush v19, $0x6  }
0x1ad: {  	v61 =	vor.u32 s6, v13  }
0x1ae: {  	[sflag:s31] =	ssyncset.done $0x0;
	v32 =	vor.u32 s6, v17  }
0x1af: {  	[sflag:s31] =	ssyncadd.s32 $0xFFFFF000  }
0x1b0: {  	v29 =	vld.idx.msk [tilespmem:v59+s26+$0x0], $0xffff;
	s5 =	spop (v2sf)  }
0x1b1: {  	v30 =	vld.idx.msk [tilespmem:v60+s26+$0x0], $0xffff;
	s6 =	sand.u32 $0x7F, s5  }
0x1b2: {  	v31 =	vld.idx.msk [tilespmem:v61+s28+$0x0], $0xffff;
	p4 =	slt.s32 s5, $0x1;
	p3 =	sne.s32 s6, $0x0;
	s6 =	sshra.s32 s5, $0x1F  }
0x1b3: {  	v32 =	vld.idx.msk [tilespmem:v32+s28+$0x0], $0xffff;
	s6 =	sshrl.u32 s6, $0x19;
	p0 =	por !p4, !p3  }
0x1b4: {  	s5 =	sadd.s32 s6, s5;
	p0 =	por !p0, !p0;
	s6 =	simm.s32 $0x1  }
0x1b5: {  	s5 =	sshrl.u32 s5, $0x7;
	s6 =	simm.s32 @!p0 $0x0  }
0x1b6: {  	s5 =	ssub.s32 s5, s6  }
0x1b7: {  	(v2sf) =	vpush v22, $0x7;
	s5 =	sshll.u32 s5, $0x7  }
0x1b8: {  	v29 =	vmul.f32 v31, v29;
	v30 =	vmul.f32 v32, v30;
	s5 =	sand.u32 $0x1FFFFF80, s5  }
0x1b9: {  	s5 =	sadd.s32 s1, s5  }
0x1ba: {  	v29 =	vadd.f32 v30, v29;
	[tilespmem:s26], [sflag:$0x1] =	stream.strided.gather [hbm4b:s5+s12], $0x1000, s13, s12, $0x38;
	[tilespmem:$0x10700] =	vst v63  }
0x1bb: {  	s5 =	spop (v2sf)  }
0x1bc: {  	(xrf2) =	vadd.scan.msk.f32 $0xffff, v29;
	s6 =	sand.u32 $0x7F, s5  }
0x1bd: {  	p6 =	slt.s32 s5, $0x1;
	p5 =	sne.s32 s6, $0x0;
	s6 =	sshra.s32 s5, $0x1F  }
0x1be: {  	s6 =	sshrl.u32 s6, $0x19;
	p0 =	por !p6, !p5  }
0x1bf: {  	s5 =	sadd.s32 s6, s5;
	p0 =	por !p0, !p0;
	s6 =	simm.s32 $0x1  }
0x1c0: {  	s5 =	sshrl.u32 s5, $0x7;
	s6 =	simm.s32 @!p0 $0x0  }
0x1c1: {  	s5 =	ssub.s32 s5, s6  }
0x1c2: {  	s5 =	sshll.u32 s5, $0x7  }
0x1c3: {  	s5 =	sand.u32 $0x1FFFFF80, s5  }
0x1c4: {  	s5 =	sadd.s32 s2, s5  }
0x1c5: {  	[tilespmem:s28], [sflag:$0x2] =	stream.strided.gather [hbm4b:s5+s12], $0x1000, s13, s12, $0x38;
	[tilespmem:$0x10700] =	vst v63  }
0x1c6: {  	v29, _, _ =	vpop (xrf2);
	s5 =	spop (v2sf)  }
0x1c7: {  	_ =	swait.ge [sflag:s11], $0x1000  }
0x1c8: {  	(v2sf) =	vpush v21, $0x7;
	_ =	sdelay $0xd  }
0x1c9: {  	[sflag:s11] =	ssyncset.done $0x0  }
0x1ca: {  	[sflag:s11] =	ssyncadd.s32 $0xFFFFF000;
	s6 =	spop (v2sf)  }
0x1cb: {  	_ =	swait.ge [sflag:s31], $0x1000  }
0x1cc: {  	(v2sf) =	vpush v20, $0x7;
	_ =	sdelay $0x8  }
0x1cd: {  	s5 =	sand.u32 $0x7F, s5  }
0x1ce: {  	v62 =	vor.u32 s5, v13  }
0x1cf: {  	v63 =	vor.u32 s5, v17;
	s6 =	sand.u32 $0x7F, s6;
	(v2sf) =	vpush v19, $0x7  }
0x1d0: {  	v36 =	vor.u32 s6, v13  }
0x1d1: {  	[sflag:s31] =	ssyncset.done $0x0;
	v33 =	vor.u32 s6, v17  }
0x1d2: {  	[sflag:s31] =	ssyncadd.s32 $0xFFFFF000  }
0x1d3: {  	v30 =	vld.idx.msk [tilespmem:v62+s29+$0x0], $0xffff;
	s5 =	spop (v2sf)  }
0x1d4: {  	v31 =	vld.idx.msk [tilespmem:v63+s29+$0x0], $0xffff;
	s6 =	sand.u32 $0x7F, s5  }
0x1d5: {  	v32 =	vld.idx.msk [tilespmem:v36+s30+$0x0], $0xffff;
	p2 =	slt.s32 s5, $0x1;
	p1 =	sne.s32 s6, $0x0;
	s6 =	sshra.s32 s5, $0x1F  }
0x1d6: {  	v33 =	vld.idx.msk [tilespmem:v33+s30+$0x0], $0xffff;
	s6 =	sshrl.u32 s6, $0x19;
	p0 =	por !p2, !p1  }
0x1d7: {  	s5 =	sadd.s32 s6, s5;
	p0 =	por !p0, !p0;
	s6 =	simm.s32 $0x1  }
0x1d8: {  	s5 =	sshrl.u32 s5, $0x7;
	s6 =	simm.s32 @!p0 $0x0  }
0x1d9: {  	s5 =	ssub.s32 s5, s6  }
0x1da: {  	(v2sf) =	vpush v22, $0x8;
	s5 =	sshll.u32 s5, $0x7  }
0x1db: {  	v30 =	vmul.f32 v32, v30;
	v31 =	vmul.f32 v33, v31;
	s5 =	sand.u32 $0x1FFFFF80, s5  }
0x1dc: {  	s5 =	sadd.s32 s1, s5  }
0x1dd: {  	v30 =	vadd.f32 v31, v30;
	[tilespmem:s29], [sflag:$0x1] =	stream.strided.gather [hbm4b:s5+s12], $0x1000, s13, s12, $0x38;
	[tilespmem:$0x10700] =	vst v63  }
0x1de: {  	s5 =	spop (v2sf)  }
0x1df: {  	(xrf2) =	vadd.scan.msk.f32 $0xffff, v30;
	s6 =	sand.u32 $0x7F, s5  }
0x1e0: {  	p4 =	slt.s32 s5, $0x1;
	p3 =	sne.s32 s6, $0x0;
	s6 =	sshra.s32 s5, $0x1F  }
0x1e1: {  	s6 =	sshrl.u32 s6, $0x19;
	p0 =	por !p4, !p3  }
0x1e2: {  	s5 =	sadd.s32 s6, s5;
	p0 =	por !p0, !p0;
	s6 =	simm.s32 $0x1  }
0x1e3: {  	s5 =	sshrl.u32 s5, $0x7;
	s6 =	simm.s32 @!p0 $0x0  }
0x1e4: {  	s5 =	ssub.s32 s5, s6  }
0x1e5: {  	s5 =	sshll.u32 s5, $0x7  }
0x1e6: {  	s5 =	sand.u32 $0x1FFFFF80, s5  }
0x1e7: {  	s5 =	sadd.s32 s2, s5  }
0x1e8: {  	[tilespmem:s30], [sflag:$0x2] =	stream.strided.gather [hbm4b:s5+s12], $0x1000, s13, s12, $0x38;
	[tilespmem:$0x10700] =	vst v63  }
0x1e9: {  	v30, _, _ =	vpop (xrf2);
	s5 =	spop (v2sf)  }
0x1ea: {  	_ =	swait.ge [sflag:s11], $0x1000  }
0x1eb: {  	(v2sf) =	vpush v21, $0x8;
	_ =	sdelay $0xd  }
0x1ec: {  	[sflag:s11] =	ssyncset.done $0x0  }
0x1ed: {  	[sflag:s11] =	ssyncadd.s32 $0xFFFFF000;
	s6 =	spop (v2sf)  }
0x1ee: {  	_ =	swait.ge [sflag:s31], $0x1000  }
0x1ef: {  	(v2sf) =	vpush v20, $0x8;
	_ =	sdelay $0x8  }
0x1f0: {  	s5 =	sand.u32 $0x7F, s5  }
0x1f1: {  	v37 =	vor.u32 s5, v13  }
0x1f2: {  	v38 =	vor.u32 s5, v17;
	s6 =	sand.u32 $0x7F, s6;
	(v2sf) =	vpush v19, $0x8  }
0x1f3: {  	v39 =	vor.u32 s6, v13  }
0x1f4: {  	[sflag:s31] =	ssyncset.done $0x0;
	v34 =	vor.u32 s6, v17  }
0x1f5: {  	[sflag:s31] =	ssyncadd.s32 $0xFFFFF000  }
0x1f6: {  	v31 =	vld.idx.msk [tilespmem:v37+s14+$0x0], $0xffff;
	s5 =	spop (v2sf)  }
0x1f7: {  	v32 =	vld.idx.msk [tilespmem:v38+s14+$0x0], $0xffff;
	s6 =	sand.u32 $0x7F, s5  }
0x1f8: {  	v33 =	vld.idx.msk [tilespmem:v39+s15+$0x0], $0xffff;
	p6 =	slt.s32 s5, $0x1;
	p5 =	sne.s32 s6, $0x0;
	s6 =	sshra.s32 s5, $0x1F  }
0x1f9: {  	v34 =	vld.idx.msk [tilespmem:v34+s15+$0x0], $0xffff;
	s6 =	sshrl.u32 s6, $0x19;
	p0 =	por !p6, !p5  }
0x1fa: {  	s5 =	sadd.s32 s6, s5;
	p0 =	por !p0, !p0;
	s6 =	simm.s32 $0x1  }
0x1fb: {  	s5 =	sshrl.u32 s5, $0x7;
	s6 =	simm.s32 @!p0 $0x0  }
0x1fc: {  	s5 =	ssub.s32 s5, s6  }
0x1fd: {  	(v2sf) =	vpush v22, $0x9;
	s5 =	sshll.u32 s5, $0x7  }
0x1fe: {  	v31 =	vmul.f32 v33, v31;
	v32 =	vmul.f32 v34, v32;
	s5 =	sand.u32 $0x1FFFFF80, s5  }
0x1ff: {  	s5 =	sadd.s32 s1, s5  }
0x200: {  	v31 =	vadd.f32 v32, v31;
	[tilespmem:s14], [sflag:$0x1] =	stream.strided.gather [hbm4b:s5+s12], $0x1000, s13, s12, $0x38;
	[tilespmem:$0x10700] =	vst v63  }
0x201: {  	s5 =	spop (v2sf)  }
0x202: {  	(xrf2) =	vadd.scan.msk.f32 $0xffff, v31;
	s6 =	sand.u32 $0x7F, s5  }
0x203: {  	p2 =	slt.s32 s5, $0x1;
	p1 =	sne.s32 s6, $0x0;
	s6 =	sshra.s32 s5, $0x1F  }
0x204: {  	s6 =	sshrl.u32 s6, $0x19;
	p0 =	por !p2, !p1  }
0x205: {  	s5 =	sadd.s32 s6, s5;
	p0 =	por !p0, !p0;
	s6 =	simm.s32 $0x1  }
0x206: {  	s5 =	sshrl.u32 s5, $0x7;
	s6 =	simm.s32 @!p0 $0x0  }
0x207: {  	s5 =	ssub.s32 s5, s6  }
0x208: {  	s5 =	sshll.u32 s5, $0x7  }
0x209: {  	s5 =	sand.u32 $0x1FFFFF80, s5  }
0x20a: {  	s5 =	sadd.s32 s2, s5  }
0x20b: {  	[tilespmem:s15], [sflag:$0x2] =	stream.strided.gather [hbm4b:s5+s12], $0x1000, s13, s12, $0x38;
	[tilespmem:$0x10700] =	vst v63  }
0x20c: {  	v31, _, _ =	vpop (xrf2);
	s5 =	spop (v2sf)  }
0x20d: {  	_ =	swait.ge [sflag:s11], $0x1000  }
0x20e: {  	(v2sf) =	vpush v21, $0x9;
	_ =	sdelay $0xd  }
0x20f: {  	[sflag:s11] =	ssyncset.done $0x0  }
0x210: {  	[sflag:s11] =	ssyncadd.s32 $0xFFFFF000;
	s6 =	spop (v2sf)  }
0x211: {  	_ =	swait.ge [sflag:s31], $0x1000  }
0x212: {  	(v2sf) =	vpush v20, $0x9;
	_ =	sdelay $0x8  }
0x213: {  	s5 =	sand.u32 $0x7F, s5  }
0x214: {  	v40 =	vor.u32 s5, v13  }
0x215: {  	v41 =	vor.u32 s5, v17;
	s6 =	sand.u32 $0x7F, s6;
	(v2sf) =	vpush v19, $0x9  }
0x216: {  	v42 =	vor.u32 s6, v13  }
0x217: {  	[sflag:s31] =	ssyncset.done $0x0;
	v35 =	vor.u32 s6, v17  }
0x218: {  	[sflag:s31] =	ssyncadd.s32 $0xFFFFF000  }
0x219: {  	v32 =	vld.idx.msk [tilespmem:v40+s16+$0x0], $0xffff;
	s5 =	spop (v2sf)  }
0x21a: {  	v33 =	vld.idx.msk [tilespmem:v41+s16+$0x0], $0xffff;
	s6 =	sand.u32 $0x7F, s5  }
0x21b: {  	v34 =	vld.idx.msk [tilespmem:v42+s17+$0x0], $0xffff;
	p4 =	slt.s32 s5, $0x1;
	p3 =	sne.s32 s6, $0x0;
	s6 =	sshra.s32 s5, $0x1F  }
0x21c: {  	v35 =	vld.idx.msk [tilespmem:v35+s17+$0x0], $0xffff;
	s6 =	sshrl.u32 s6, $0x19;
	p0 =	por !p4, !p3  }
0x21d: {  	s5 =	sadd.s32 s6, s5;
	p0 =	por !p0, !p0;
	s6 =	simm.s32 $0x1  }
0x21e: {  	s5 =	sshrl.u32 s5, $0x7;
	s6 =	simm.s32 @!p0 $0x0  }
0x21f: {  	s5 =	ssub.s32 s5, s6  }
0x220: {  	(v2sf) =	vpush v22, $0xA;
	s5 =	sshll.u32 s5, $0x7  }
0x221: {  	v32 =	vmul.f32 v34, v32;
	v33 =	vmul.f32 v35, v33;
	s5 =	sand.u32 $0x1FFFFF80, s5  }
0x222: {  	s5 =	sadd.s32 s1, s5  }
0x223: {  	v32 =	vadd.f32 v33, v32;
	[tilespmem:s16], [sflag:$0x1] =	stream.strided.gather [hbm4b:s5+s12], $0x1000, s13, s12, $0x38;
	[tilespmem:$0x10700] =	vst v63  }
0x224: {  	s5 =	spop (v2sf)  }
0x225: {  	(xrf2) =	vadd.scan.msk.f32 $0xffff, v32;
	s6 =	sand.u32 $0x7F, s5  }
0x226: {  	p6 =	slt.s32 s5, $0x1;
	p5 =	sne.s32 s6, $0x0;
	s6 =	sshra.s32 s5, $0x1F  }
0x227: {  	s6 =	sshrl.u32 s6, $0x19;
	p0 =	por !p6, !p5  }
0x228: {  	s5 =	sadd.s32 s6, s5;
	p0 =	por !p0, !p0;
	s6 =	simm.s32 $0x1  }
0x229: {  	s5 =	sshrl.u32 s5, $0x7;
	s6 =	simm.s32 @!p0 $0x0  }
0x22a: {  	s5 =	ssub.s32 s5, s6  }
0x22b: {  	s5 =	sshll.u32 s5, $0x7  }
0x22c: {  	s5 =	sand.u32 $0x1FFFFF80, s5  }
0x22d: {  	s5 =	sadd.s32 s2, s5  }
0x22e: {  	[tilespmem:s17], [sflag:$0x2] =	stream.strided.gather [hbm4b:s5+s12], $0x1000, s13, s12, $0x38;
	[tilespmem:$0x10700] =	vst v63  }
0x22f: {  	v32, _, _ =	vpop (xrf2);
	s5 =	spop (v2sf)  }
0x230: {  	_ =	swait.ge [sflag:s11], $0x1000  }
0x231: {  	(v2sf) =	vpush v21, $0xA;
	_ =	sdelay $0xd  }
0x232: {  	[sflag:s11] =	ssyncset.done $0x0  }
0x233: {  	[sflag:s11] =	ssyncadd.s32 $0xFFFFF000;
	s6 =	spop (v2sf)  }
0x234: {  	_ =	swait.ge [sflag:s31], $0x1000  }
0x235: {  	(v2sf) =	vpush v20, $0xA;
	_ =	sdelay $0x8  }
0x236: {  	s5 =	sand.u32 $0x7F, s5  }
0x237: {  	v43 =	vor.u32 s5, v13  }
0x238: {  	v44 =	vor.u32 s5, v17;
	s6 =	sand.u32 $0x7F, s6;
	(v2sf) =	vpush v19, $0xA  }
0x239: {  	v45 =	vor.u32 s6, v13  }
0x23a: {  	[sflag:s31] =	ssyncset.done $0x0;
	v36 =	vor.u32 s6, v17  }
0x23b: {  	[sflag:s31] =	ssyncadd.s32 $0xFFFFF000  }
0x23c: {  	v33 =	vld.idx.msk [tilespmem:v43+s18+$0x0], $0xffff;
	s5 =	spop (v2sf)  }
0x23d: {  	v34 =	vld.idx.msk [tilespmem:v44+s18+$0x0], $0xffff;
	s6 =	sand.u32 $0x7F, s5  }
0x23e: {  	v35 =	vld.idx.msk [tilespmem:v45+s19+$0x0], $0xffff;
	p2 =	slt.s32 s5, $0x1;
	p1 =	sne.s32 s6, $0x0;
	s6 =	sshra.s32 s5, $0x1F  }
0x23f: {  	v36 =	vld.idx.msk [tilespmem:v36+s19+$0x0], $0xffff;
	s6 =	sshrl.u32 s6, $0x19;
	p0 =	por !p2, !p1  }
0x240: {  	s5 =	sadd.s32 s6, s5;
	p0 =	por !p0, !p0;
	s6 =	simm.s32 $0x1  }
0x241: {  	s5 =	sshrl.u32 s5, $0x7;
	s6 =	simm.s32 @!p0 $0x0  }
0x242: {  	s5 =	ssub.s32 s5, s6  }
0x243: {  	(v2sf) =	vpush v22, $0xB;
	s5 =	sshll.u32 s5, $0x7  }
0x244: {  	v33 =	vmul.f32 v35, v33;
	v34 =	vmul.f32 v36, v34;
	s5 =	sand.u32 $0x1FFFFF80, s5  }
0x245: {  	s5 =	sadd.s32 s1, s5  }
0x246: {  	v33 =	vadd.f32 v34, v33;
	[tilespmem:s18], [sflag:$0x1] =	stream.strided.gather [hbm4b:s5+s12], $0x1000, s13, s12, $0x38;
	[tilespmem:$0x10700] =	vst v63  }
0x247: {  	s5 =	spop (v2sf)  }
0x248: {  	(xrf2) =	vadd.scan.msk.f32 $0xffff, v33;
	s6 =	sand.u32 $0x7F, s5  }
0x249: {  	p4 =	slt.s32 s5, $0x1;
	p3 =	sne.s32 s6, $0x0;
	s6 =	sshra.s32 s5, $0x1F  }
0x24a: {  	s6 =	sshrl.u32 s6, $0x19;
	p0 =	por !p4, !p3  }
0x24b: {  	s5 =	sadd.s32 s6, s5;
	p0 =	por !p0, !p0;
	s6 =	simm.s32 $0x1  }
0x24c: {  	s5 =	sshrl.u32 s5, $0x7;
	s6 =	simm.s32 @!p0 $0x0  }
0x24d: {  	s5 =	ssub.s32 s5, s6  }
0x24e: {  	s5 =	sshll.u32 s5, $0x7  }
0x24f: {  	s5 =	sand.u32 $0x1FFFFF80, s5  }
0x250: {  	s5 =	sadd.s32 s2, s5  }
0x251: {  	[tilespmem:s19], [sflag:$0x2] =	stream.strided.gather [hbm4b:s5+s12], $0x1000, s13, s12, $0x38;
	[tilespmem:$0x10700] =	vst v63  }
0x252: {  	v33, _, _ =	vpop (xrf2);
	s5 =	spop (v2sf)  }
0x253: {  	_ =	swait.ge [sflag:s11], $0x1000  }
0x254: {  	(v2sf) =	vpush v21, $0xB;
	_ =	sdelay $0xd  }
0x255: {  	[sflag:s11] =	ssyncset.done $0x0  }
0x256: {  	[sflag:s11] =	ssyncadd.s32 $0xFFFFF000;
	s6 =	spop (v2sf)  }
0x257: {  	_ =	swait.ge [sflag:s31], $0x1000  }
0x258: {  	(v2sf) =	vpush v20, $0xB;
	_ =	sdelay $0x8  }
0x259: {  	s5 =	sand.u32 $0x7F, s5  }
0x25a: {  	v46 =	vor.u32 s5, v13  }
0x25b: {  	v47 =	vor.u32 s5, v17;
	s6 =	sand.u32 $0x7F, s6;
	(v2sf) =	vpush v19, $0xB  }
0x25c: {  	v48 =	vor.u32 s6, v13  }
0x25d: {  	[sflag:s31] =	ssyncset.done $0x0;
	v37 =	vor.u32 s6, v17  }
0x25e: {  	[sflag:s31] =	ssyncadd.s32 $0xFFFFF000  }
0x25f: {  	v34 =	vld.idx.msk [tilespmem:v46+s20+$0x0], $0xffff;
	s5 =	spop (v2sf)  }
0x260: {  	v35 =	vld.idx.msk [tilespmem:v47+s20+$0x0], $0xffff;
	s6 =	sand.u32 $0x7F, s5  }
0x261: {  	v36 =	vld.idx.msk [tilespmem:v48+s21+$0x0], $0xffff;
	p6 =	slt.s32 s5, $0x1;
	p5 =	sne.s32 s6, $0x0;
	s6 =	sshra.s32 s5, $0x1F  }
0x262: {  	v37 =	vld.idx.msk [tilespmem:v37+s21+$0x0], $0xffff;
	s6 =	sshrl.u32 s6, $0x19;
	p0 =	por !p6, !p5  }
0x263: {  	s5 =	sadd.s32 s6, s5;
	p0 =	por !p0, !p0;
	s6 =	simm.s32 $0x1  }
0x264: {  	s5 =	sshrl.u32 s5, $0x7;
	s6 =	simm.s32 @!p0 $0x0  }
0x265: {  	s5 =	ssub.s32 s5, s6  }
0x266: {  	(v2sf) =	vpush v22, $0xC;
	s5 =	sshll.u32 s5, $0x7  }
0x267: {  	v34 =	vmul.f32 v36, v34;
	v35 =	vmul.f32 v37, v35;
	s5 =	sand.u32 $0x1FFFFF80, s5  }
0x268: {  	s5 =	sadd.s32 s1, s5  }
0x269: {  	v34 =	vadd.f32 v35, v34;
	[tilespmem:s20], [sflag:$0x1] =	stream.strided.gather [hbm4b:s5+s12], $0x1000, s13, s12, $0x38;
	[tilespmem:$0x10700] =	vst v63  }
0x26a: {  	s5 =	spop (v2sf)  }
0x26b: {  	(xrf2) =	vadd.scan.msk.f32 $0xffff, v34;
	s6 =	sand.u32 $0x7F, s5  }
0x26c: {  	p2 =	slt.s32 s5, $0x1;
	p1 =	sne.s32 s6, $0x0;
	s6 =	sshra.s32 s5, $0x1F  }
0x26d: {  	s6 =	sshrl.u32 s6, $0x19;
	p0 =	por !p2, !p1  }
0x26e: {  	s5 =	sadd.s32 s6, s5;
	p0 =	por !p0, !p0;
	s6 =	simm.s32 $0x1  }
0x26f: {  	s5 =	sshrl.u32 s5, $0x7;
	s6 =	simm.s32 @!p0 $0x0  }
0x270: {  	s5 =	ssub.s32 s5, s6  }
0x271: {  	s5 =	sshll.u32 s5, $0x7  }
0x272: {  	s5 =	sand.u32 $0x1FFFFF80, s5  }
0x273: {  	s5 =	sadd.s32 s2, s5  }
0x274: {  	[tilespmem:s21], [sflag:$0x2] =	stream.strided.gather [hbm4b:s5+s12], $0x1000, s13, s12, $0x38;
	[tilespmem:$0x10700] =	vst v63  }
0x275: {  	v34, _, _ =	vpop (xrf2);
	s5 =	spop (v2sf)  }
0x276: {  	_ =	swait.ge [sflag:s11], $0x1000  }
0x277: {  	(v2sf) =	vpush v21, $0xC;
	_ =	sdelay $0xd  }
0x278: {  	[sflag:s11] =	ssyncset.done $0x0  }
0x279: {  	[sflag:s11] =	ssyncadd.s32 $0xFFFFF000;
	s6 =	spop (v2sf)  }
0x27a: {  	_ =	swait.ge [sflag:s31], $0x1000  }
0x27b: {  	(v2sf) =	vpush v20, $0xC;
	_ =	sdelay $0x8  }
0x27c: {  	s5 =	sand.u32 $0x7F, s5  }
0x27d: {  	v49 =	vor.u32 s5, v13  }
0x27e: {  	v50 =	vor.u32 s5, v17;
	s6 =	sand.u32 $0x7F, s6;
	(v2sf) =	vpush v19, $0xC  }
0x27f: {  	v51 =	vor.u32 s6, v13  }
0x280: {  	[sflag:s31] =	ssyncset.done $0x0;
	v38 =	vor.u32 s6, v17  }
0x281: {  	[sflag:s31] =	ssyncadd.s32 $0xFFFFF000  }
0x282: {  	v35 =	vld.idx.msk [tilespmem:v49+s22+$0x0], $0xffff;
	s5 =	spop (v2sf)  }
0x283: {  	v36 =	vld.idx.msk [tilespmem:v50+s22+$0x0], $0xffff;
	s6 =	sand.u32 $0x7F, s5  }
0x284: {  	v37 =	vld.idx.msk [tilespmem:v51+s23+$0x0], $0xffff;
	p4 =	slt.s32 s5, $0x1;
	p3 =	sne.s32 s6, $0x0;
	s6 =	sshra.s32 s5, $0x1F  }
0x285: {  	v38 =	vld.idx.msk [tilespmem:v38+s23+$0x0], $0xffff;
	s6 =	sshrl.u32 s6, $0x19;
	p0 =	por !p4, !p3  }
0x286: {  	s5 =	sadd.s32 s6, s5;
	p0 =	por !p0, !p0;
	s6 =	simm.s32 $0x1  }
0x287: {  	s5 =	sshrl.u32 s5, $0x7;
	s6 =	simm.s32 @!p0 $0x0  }
0x288: {  	s5 =	ssub.s32 s5, s6  }
0x289: {  	(v2sf) =	vpush v22, $0xD;
	s5 =	sshll.u32 s5, $0x7  }
0x28a: {  	v35 =	vmul.f32 v37, v35;
	v36 =	vmul.f32 v38, v36;
	s5 =	sand.u32 $0x1FFFFF80, s5  }
0x28b: {  	s5 =	sadd.s32 s1, s5  }
0x28c: {  	v35 =	vadd.f32 v36, v35;
	[tilespmem:s22], [sflag:$0x1] =	stream.strided.gather [hbm4b:s5+s12], $0x1000, s13, s12, $0x38;
	[tilespmem:$0x10700] =	vst v63  }
0x28d: {  	s5 =	spop (v2sf)  }
0x28e: {  	(xrf2) =	vadd.scan.msk.f32 $0xffff, v35;
	s6 =	sand.u32 $0x7F, s5  }
0x28f: {  	p6 =	slt.s32 s5, $0x1;
	p5 =	sne.s32 s6, $0x0;
	s6 =	sshra.s32 s5, $0x1F  }
0x290: {  	s6 =	sshrl.u32 s6, $0x19;
	p0 =	por !p6, !p5  }
0x291: {  	s5 =	sadd.s32 s6, s5;
	p0 =	por !p0, !p0;
	s6 =	simm.s32 $0x1  }
0x292: {  	s5 =	sshrl.u32 s5, $0x7;
	s6 =	simm.s32 @!p0 $0x0  }
0x293: {  	s5 =	ssub.s32 s5, s6  }
0x294: {  	s5 =	sshll.u32 s5, $0x7  }
0x295: {  	s5 =	sand.u32 $0x1FFFFF80, s5  }
0x296: {  	s5 =	sadd.s32 s2, s5  }
0x297: {  	[tilespmem:s23], [sflag:$0x2] =	stream.strided.gather [hbm4b:s5+s12], $0x1000, s13, s12, $0x38;
	[tilespmem:$0x10700] =	vst v63  }
0x298: {  	v35, _, _ =	vpop (xrf2);
	s5 =	spop (v2sf)  }
0x299: {  	_ =	swait.ge [sflag:s11], $0x1000  }
0x29a: {  	(v2sf) =	vpush v21, $0xD;
	_ =	sdelay $0xd  }
0x29b: {  	[sflag:s11] =	ssyncset.done $0x0  }
0x29c: {  	[sflag:s11] =	ssyncadd.s32 $0xFFFFF000;
	s6 =	spop (v2sf)  }
0x29d: {  	_ =	swait.ge [sflag:s31], $0x1000  }
0x29e: {  	(v2sf) =	vpush v20, $0xD;
	_ =	sdelay $0x8  }
0x29f: {  	s5 =	sand.u32 $0x7F, s5  }
0x2a0: {  	v52 =	vor.u32 s5, v13  }
0x2a1: {  	v53 =	vor.u32 s5, v17;
	s6 =	sand.u32 $0x7F, s6;
	(v2sf) =	vpush v19, $0xD  }
0x2a2: {  	v54 =	vor.u32 s6, v13  }
0x2a3: {  	[sflag:s31] =	ssyncset.done $0x0;
	v39 =	vor.u32 s6, v17  }
0x2a4: {  	[sflag:s31] =	ssyncadd.s32 $0xFFFFF000  }
0x2a5: {  	v36 =	vld.idx.msk [tilespmem:v52+s24+$0x0], $0xffff;
	s5 =	spop (v2sf)  }
0x2a6: {  	v37 =	vld.idx.msk [tilespmem:v53+s24+$0x0], $0xffff;
	s6 =	sand.u32 $0x7F, s5  }
0x2a7: {  	v38 =	vld.idx.msk [tilespmem:v54+s25+$0x0], $0xffff;
	p2 =	slt.s32 s5, $0x1;
	p1 =	sne.s32 s6, $0x0;
	s6 =	sshra.s32 s5, $0x1F  }
0x2a8: {  	v39 =	vld.idx.msk [tilespmem:v39+s25+$0x0], $0xffff;
	s6 =	sshrl.u32 s6, $0x19;
	p0 =	por !p2, !p1  }
0x2a9: {  	s5 =	sadd.s32 s6, s5;
	p0 =	por !p0, !p0;
	s6 =	simm.s32 $0x1  }
0x2aa: {  	s5 =	sshrl.u32 s5, $0x7;
	s6 =	simm.s32 @!p0 $0x0  }
0x2ab: {  	s5 =	ssub.s32 s5, s6  }
0x2ac: {  	(v2sf) =	vpush v22, $0xE;
	s5 =	sshll.u32 s5, $0x7  }
0x2ad: {  	v36 =	vmul.f32 v38, v36;
	v37 =	vmul.f32 v39, v37;
	s5 =	sand.u32 $0x1FFFFF80, s5  }
0x2ae: {  	s5 =	sadd.s32 s1, s5  }
0x2af: {  	v36 =	vadd.f32 v37, v36;
	[tilespmem:s24], [sflag:$0x1] =	stream.strided.gather [hbm4b:s5+s12], $0x1000, s13, s12, $0x38;
	[tilespmem:$0x10700] =	vst v63  }
0x2b0: {  	s5 =	spop (v2sf)  }
0x2b1: {  	(xrf2) =	vadd.scan.msk.f32 $0xffff, v36;
	s6 =	sand.u32 $0x7F, s5  }
0x2b2: {  	p4 =	slt.s32 s5, $0x1;
	p3 =	sne.s32 s6, $0x0;
	s6 =	sshra.s32 s5, $0x1F  }
0x2b3: {  	s6 =	sshrl.u32 s6, $0x19;
	p0 =	por !p4, !p3  }
0x2b4: {  	s5 =	sadd.s32 s6, s5;
	p0 =	por !p0, !p0;
	s6 =	simm.s32 $0x1  }
0x2b5: {  	s5 =	sshrl.u32 s5, $0x7;
	s6 =	simm.s32 @!p0 $0x0  }
0x2b6: {  	s5 =	ssub.s32 s5, s6  }
0x2b7: {  	s5 =	sshll.u32 s5, $0x7  }
0x2b8: {  	s5 =	sand.u32 $0x1FFFFF80, s5  }
0x2b9: {  	s5 =	sadd.s32 s2, s5  }
0x2ba: {  	[tilespmem:s25], [sflag:$0x2] =	stream.strided.gather [hbm4b:s5+s12], $0x1000, s13, s12, $0x38;
	[tilespmem:$0x10700] =	vst v63  }
0x2bb: {  	v36, _, _ =	vpop (xrf2);
	s5 =	spop (v2sf)  }
0x2bc: {  	_ =	swait.ge [sflag:s11], $0x1000  }
0x2bd: {  	(v2sf) =	vpush v21, $0xE;
	_ =	sdelay $0xd  }
0x2be: {  	[sflag:s11] =	ssyncset.done $0x0  }
0x2bf: {  	[sflag:s11] =	ssyncadd.s32 $0xFFFFF000;
	s6 =	spop (v2sf)  }
0x2c0: {  	_ =	swait.ge [sflag:s31], $0x1000  }
0x2c1: {  	(v2sf) =	vpush v20, $0xE;
	_ =	sdelay $0x8  }
0x2c2: {  	s5 =	sand.u32 $0x7F, s5  }
0x2c3: {  	v55 =	vor.u32 s5, v13  }
0x2c4: {  	v56 =	vor.u32 s5, v17;
	s6 =	sand.u32 $0x7F, s6;
	(v2sf) =	vpush v19, $0xE  }
0x2c5: {  	v57 =	vor.u32 s6, v13  }
0x2c6: {  	[sflag:s31] =	ssyncset.done $0x0;
	v40 =	vor.u32 s6, v17  }
0x2c7: {  	[sflag:s31] =	ssyncadd.s32 $0xFFFFF000  }
0x2c8: {  	v37 =	vld.idx.msk [tilespmem:v55+s26+$0x0], $0xffff;
	s5 =	spop (v2sf)  }
0x2c9: {  	v38 =	vld.idx.msk [tilespmem:v56+s26+$0x0], $0xffff;
	s6 =	sand.u32 $0x7F, s5  }
0x2ca: {  	v39 =	vld.idx.msk [tilespmem:v57+s28+$0x0], $0xffff;
	p6 =	slt.s32 s5, $0x1;
	p5 =	sne.s32 s6, $0x0;
	s6 =	sshra.s32 s5, $0x1F  }
0x2cb: {  	v40 =	vld.idx.msk [tilespmem:v40+s28+$0x0], $0xffff;
	s6 =	sshrl.u32 s6, $0x19;
	p0 =	por !p6, !p5  }
0x2cc: {  	s5 =	sadd.s32 s6, s5;
	p0 =	por !p0, !p0;
	s6 =	simm.s32 $0x1  }
0x2cd: {  	s5 =	sshrl.u32 s5, $0x7;
	s6 =	simm.s32 @!p0 $0x0  }
0x2ce: {  	s5 =	ssub.s32 s5, s6  }
0x2cf: {  	(v2sf) =	vpush v22, $0xF;
	s5 =	sshll.u32 s5, $0x7  }
0x2d0: {  	v58 =	vmul.f32 v39, v37;
	v59 =	vmul.f32 v40, v38;
	s5 =	sand.u32 $0x1FFFFF80, s5  }
0x2d1: {  	s5 =	sadd.s32 s1, s5  }
0x2d2: {  	v22 =	vadd.f32 v59, v58;
	[tilespmem:s26], [sflag:$0x1] =	stream.strided.gather [hbm4b:s5+s12], $0x1000, s13, s12, $0x38;
	[tilespmem:$0x10700] =	vst v63  }
0x2d3: {  	s5 =	spop (v2sf)  }
0x2d4: {  	(xrf2) =	vadd.scan.msk.f32 $0xffff, v22;
	s6 =	sand.u32 $0x7F, s5  }
0x2d5: {  	p2 =	slt.s32 s5, $0x1;
	p1 =	sne.s32 s6, $0x0;
	s6 =	sshra.s32 s5, $0x1F  }
0x2d6: {  	s6 =	sshrl.u32 s6, $0x19;
	p0 =	por !p2, !p1  }
0x2d7: {  	s5 =	sadd.s32 s6, s5;
	p0 =	por !p0, !p0;
	s6 =	simm.s32 $0x1  }
0x2d8: {  	s5 =	sshrl.u32 s5, $0x7;
	s6 =	simm.s32 @!p0 $0x0  }
0x2d9: {  	s5 =	ssub.s32 s5, s6  }
0x2da: {  	s5 =	sshll.u32 s5, $0x7  }
0x2db: {  	s5 =	sand.u32 $0x1FFFFF80, s5  }
0x2dc: {  	s5 =	sadd.s32 s2, s5  }
0x2dd: {  	[tilespmem:s28], [sflag:$0x2] =	stream.strided.gather [hbm4b:s5+s12], $0x1000, s13, s12, $0x38;
	[tilespmem:$0x10700] =	vst v63  }
0x2de: {  	v22, _, _ =	vpop (xrf2);
	s5 =	spop (v2sf)  }
0x2df: {  	_ =	swait.ge [sflag:s11], $0x1000  }
0x2e0: {  	(v2sf) =	vpush v21, $0xF;
	_ =	sdelay $0xd  }
0x2e1: {  	[sflag:s11] =	ssyncset.done $0x0  }
0x2e2: {  	[sflag:s11] =	ssyncadd.s32 $0xFFFFF000;
	s6 =	spop (v2sf)  }
0x2e3: {  	_ =	swait.ge [sflag:s31], $0x1000  }
0x2e4: {  	(v2sf) =	vpush v20, $0xF  }
0x2e5: {  	v20 =	vbroadcast v23, $0xF  }
0x2e6: {  	s5 =	sand.u32 $0x7F, s5  }
0x2e7: {  	v60 =	vbroadcast v24, $0xF;
	v61 =	vor.u32 s5, v13;
	v20 =	vmul.f32 v0, v20  }
0x2e8: {  	v25 =	vbroadcast v25, $0xF;
	v62 =	vor.u32 s5, v17;
	s6 =	sand.u32 $0x7F, s6  }
0x2e9: {  	v21 =	vmul.f32 v1, v60;
	v63 =	vor.u32 s6, v13;
	v20 =	vadd.f32 $0.0e+00, v20  }
0x2ea: {  	[sflag:s31] =	ssyncset.done $0x0;
	v40 =	vor.u32 s6, v17  }
0x2eb: {  	v41 =	vmul.f32 v2, v25;
	v42 =	vbroadcast v26, $0xF;
	[sflag:s31] =	ssyncadd.s32 $0xFFFFF000;
	v20 =	vadd.f32 v21, v20  }
0x2ec: {  	v23 =	vld.idx.msk [tilespmem:v61+s29+$0x0], $0xffff  }
0x2ed: {  	v43 =	vmul.f32 v3, v42;
	v44 =	vbroadcast v27, $0xF;
	v24 =	vld.idx.msk [tilespmem:v62+s29+$0x0], $0xffff;
	v20 =	vadd.f32 v41, v20  }
0x2ee: {  	(v2sf) =	vpush v19, $0xF;
	v19 =	vld.idx.msk [tilespmem:v63+s30+$0x0], $0xffff  }
0x2ef: {  	v45 =	vmul.f32 v4, v44;
	v46 =	vbroadcast v28, $0xF;
	v47 =	vld.idx.msk [tilespmem:v40+s30+$0x0], $0xffff;
	v20 =	vadd.f32 v43, v20;
	_ =	sdelay $0x1  }
0x2f0: {  	v48 =	vmul.f32 v5, v46;
	v49 =	vbroadcast v29, $0xF;
	v20 =	vadd.f32 v45, v20;
	_ =	sdelay $0x1  }
0x2f1: {  	v50 =	vmul.f32 v6, v49;
	v51 =	vbroadcast v30, $0xF;
	v20 =	vadd.f32 v48, v20;
	s5 =	spop (v2sf)  }
0x2f2: {  	v19 =	vmul.f32 v19, v23;
	v52 =	vmul.f32 v47, v24;
	s6 =	sand.u32 $0x7F, s5  }
0x2f3: {  	v53 =	vmul.f32 v7, v51;
	v54 =	vbroadcast v31, $0xF;
	p4 =	slt.s32 s5, $0x1;
	v20 =	vadd.f32 v50, v20;
	p3 =	sne.s32 s6, $0x0;
	s6 =	sshra.s32 s5, $0x1F  }
0x2f4: {  	v19 =	vadd.f32 v52, v19;
	s6 =	sshrl.u32 s6, $0x19;
	p0 =	por !p4, !p3  }
0x2f5: {  	v55 =	vmul.f32 v8, v54;
	v56 =	vbroadcast v32, $0xF;
	v20 =	vadd.f32 v53, v20;
	s5 =	sadd.s32 s6, s5;
	p0 =	por !p0, !p0;
	s6 =	simm.s32 $0x1  }
0x2f6: {  	(xrf2) =	vadd.scan.msk.f32 $0xffff, v19;
	s5 =	sshrl.u32 s5, $0x7;
	s6 =	simm.s32 @!p0 $0x0  }
0x2f7: {  	v57 =	vbroadcast v33, $0xF;
	v19 =	vadd.f32 v55, v20;
	v20 =	vmul.f32 v9, v56;
	s5 =	ssub.s32 s5, s6  }
0x2f8: {  	s5 =	sshll.u32 s5, $0x7  }
0x2f9: {  	v58 =	vbroadcast v34, $0xF;
	v19 =	vadd.f32 v20, v19;
	v20 =	vmul.f32 v10, v57;
	s5 =	sand.u32 $0x1FFFFF80, s5  }
0x2fa: {  	s5 =	sadd.s32 s1, s5  }
0x2fb: {  	v59 =	vbroadcast v35, $0xF;
	v19 =	vadd.f32 v20, v19;
	v20 =	vmul.f32 v11, v58;
	[tilespmem:s29], [sflag:$0x1] =	stream.strided.gather [hbm4b:s5+s12], $0x1000, s13, s12, $0x38;
	[tilespmem:$0x10700] =	vst v63  }
0x2fc: {  	s5 =	spop (v2sf)  }
0x2fd: {  	v60 =	vbroadcast v36, $0xF;
	s6 =	sand.u32 $0x7F, s5;
	v19 =	vadd.f32 v20, v19;
	v20 =	vmul.f32 v12, v59  }
0x2fe: {  	p6 =	slt.s32 s5, $0x1;
	p5 =	sne.s32 s6, $0x0;
	s6 =	sshra.s32 s5, $0x1F  }
0x2ff: {  	v61 =	vbroadcast v22, $0xF;
	s6 =	sshrl.u32 s6, $0x19;
	p0 =	por !p6, !p5;
	v19 =	vadd.f32 v20, v19;
	v20 =	vmul.f32 v14, v60  }
0x300: {  	v62, _, _ =	vpop (xrf2);
	s5 =	sadd.s32 s6, s5;
	p0 =	por !p0, !p0;
	s6 =	simm.s32 $0x1  }
0x301: {  	v63 =	vbroadcast v62, $0xF;
	s5 =	sshrl.u32 s5, $0x7;
	s6 =	simm.s32 @!p0 $0x0;
	v19 =	vadd.f32 v20, v19;
	v20 =	vmul.f32 v15, v61  }
0x302: {  	p0 =	sne.s32 s10, $0x7C0;
	s5 =	ssub.s32 s5, s6  }
.Ltmp0:
0x303: {  	s5 =	sshll.u32 s5, $0x7;
	v19 =	vadd.f32 v20, v19;
	v20 =	vmul.f32 v18, v63;
	(pc) =	sbr.rel @p0 .LBB2_2-.Ltmp0, $4  }
0x304: {  	s5 =	sand.u32 $0x1FFFFF80, s5  }
0x305: {  	s5 =	sadd.s32 s2, s5;
	v19 =	vadd.f32 v20, v19  }
0x306: {  	[tilespmem:s30], [sflag:$0x2] =	stream.strided.gather [hbm4b:s5+s12], $0x1000, s13, s12, $0x38;
	[tilespmem:$0x10700] =	vst v63  }
0x307: {  	s10 =	sadd.s32 $0x40, s10;
	[tilespmem:s0+$0x10500] =	vst v19  }
0x308: {  	_ =	swait.ge [sflag:s11], $0x1000  }
0x309: {  	[sflag:s11] =	ssyncset.done $0x0  }
0x30a: {  	[sflag:s11] =	ssyncadd.s32 $0xFFFFF000  }
0x30b: {  	_ =	swait.ge [sflag:s31], $0x1000  }
0x30c: {  	[sflag:s31] =	ssyncset.done $0x0  }
0x30d: {  	[sflag:s31] =	ssyncadd.s32 $0xFFFFF000  }
0x30e: {  	_ =	swait.ge [sflag:s11], $0x1000  }
0x30f: {  	[sflag:s11] =	ssyncset.done $0x0  }
0x310: {  	[sflag:s11] =	ssyncadd.s32 $0xFFFFF000  }
0x311: {  	_ =	swait.ge [sflag:s31], $0x1000  }
0x312: {  	[sflag:s31] =	ssyncset.done $0x0  }
0x313: {  	[sflag:s31] =	ssyncadd.s32 $0xFFFFF000  }
0x314: {  	_ =	swait.ge [sflag:s11], $0x1000  }
0x315: {  	[sflag:s11] =	ssyncset.done $0x0  }
0x316: {  	[sflag:s11] =	ssyncadd.s32 $0xFFFFF000  }
0x317: {  	_ =	swait.ge [sflag:s31], $0x1000  }
0x318: {  	[sflag:s31] =	ssyncset.done $0x0  }
0x319: {  	[sflag:s31] =	ssyncadd.s32 $0xFFFFF000  }
0x31a: {  	_ =	swait.ge [sflag:s11], $0x1000  }
0x31b: {  	[sflag:s11] =	ssyncset.done $0x0  }
0x31c: {  	[sflag:s11] =	ssyncadd.s32 $0xFFFFF000  }
0x31d: {  	_ =	swait.ge [sflag:s31], $0x1000  }
0x31e: {  	[sflag:s31] =	ssyncset.done $0x0  }
0x31f: {  	[sflag:s31] =	ssyncadd.s32 $0xFFFFF000  }
0x320: {  	_ =	swait.ge [sflag:s11], $0x1000  }
0x321: {  	[sflag:s11] =	ssyncset.done $0x0  }
0x322: {  	[sflag:s11] =	ssyncadd.s32 $0xFFFFF000  }
0x323: {  	_ =	swait.ge [sflag:s31], $0x1000  }
0x324: {  	[sflag:s31] =	ssyncset.done $0x0  }
0x325: {  	[sflag:s31] =	ssyncadd.s32 $0xFFFFF000  }
0x326: {  	_ =	swait.ge [sflag:s11], $0x1000  }
0x327: {  	[sflag:s11] =	ssyncset.done $0x0  }
0x328: {  	[sflag:s11] =	ssyncadd.s32 $0xFFFFF000  }
0x329: {  	_ =	swait.ge [sflag:s31], $0x1000  }
0x32a: {  	[sflag:s31] =	ssyncset.done $0x0  }
0x32b: {  	[sflag:s31] =	ssyncadd.s32 $0xFFFFF000  }
0x32c: {  	_ =	swait.ge [sflag:s11], $0x1000  }
0x32d: {  	[sflag:s11] =	ssyncset.done $0x0  }
0x32e: {  	[sflag:s11] =	ssyncadd.s32 $0xFFFFF000  }
0x32f: {  	_ =	swait.ge [sflag:s31], $0x1000  }
0x330: {  	[sflag:s31] =	ssyncset.done $0x0  }
0x331: {  	[sflag:s31] =	ssyncadd.s32 $0xFFFFF000  }
0x332: {  	_ =	swait.ge [sflag:s11], $0x1000  }
0x333: {  	[sflag:s11] =	ssyncset.done $0x0  }
0x334: {  	[sflag:s11] =	ssyncadd.s32 $0xFFFFF000  }
0x335: {  	s3 =	sadd.s32 $0x1, s3;
	_ =	swait.ge [sflag:s31], $0x1000  }
0x336: {  	p0 =	sne.s32 s3, s8;
	[sflag:s31] =	ssyncset.done $0x0  }
.Ltmp1:
0x337: {  	s0 =	simm.s32 $0x10500;
	[sflag:s31] =	ssyncadd.s32 $0xFFFFF000;
	(pc) =	sbr.rel @p0 .LBB2_1-.Ltmp1, $4  }
0x338: {  	[hbm4b:s7+s4] =	stream.linear.scatter [tilespmem:s0], [sflag:$0x3], $0x200, $0x38;
	[tilespmem:$0x10700] =	vst v63  }
0x339: {  	_ =	swait.ge [sflag:s9], $0x200  }
0x33a: {  	[sflag:s9] =	ssyncset.done $0x0  }
0x33b: {  	[sflag:s9] =	ssyncadd.s32 $0xFFFFFE00  }
0x33c: {  	_ =	sfence.sel $0x180000  }
0x33d: {  	[bflag:$0x0] =	sbarrier.arrive $0xFFFF  }
0x33e: {  	_ =	strace $0x90000047  }
0x33f: {  	s0 =	stileid.u32;
	[bflag:$0x2] =	sbarrier.arrive $0xFFFF  }
0x340: {  	p0 =	sne.s32 s0, $0x0;
	s0 =	rddreg [dreg:$0x5]  }
0x341: {  	s0 =	sadd.s32 @!p0 $0x100000, s0  }
0x342: {  	[sflag:s0] =	ssyncadd.tile.s32 @!p0 $0x1;
	_ =	shalt  }
.Lfunc_end2:
_tile_overlayer_lowered:
.L_overlay_start_2:
0x343: {  	(tag) =	ssettag $0x2  }
0x344: {  	s0 =	rddreg [dreg:$0x0];
	s2 =	stileid.u32  }
0x345: {  	s1 =	rddreg [dreg:$0x1];
	p0 =	sne.s32 s2, $0x0  }
0x346: {  	s3 =	rddreg [dreg:$0x2];
	[bflag:$0x3] =	sbarrier.arrive $0xFFFF;
	s2 =	simm.s32 @!p0 $0x1C03  }
0x347: {  	[timem:s3], [sflag:s2] =	dma.local @!p0 [hbm:s0], s1  }
0x348: {  	s0 =	simm.s32 @!p0 $0x3  }
0x349: {  	_ =	swait.ge @!p0 [sflag:s0], s1  }
0x34a: {  	s1 =	ssub.s32 @!p0 $0x0, s1;
	[sflag:s0] =	ssyncset.done @!p0 $0x0  }
0x34b: {  	[sflag:s0] =	ssyncadd.s32 @!p0 s1  }
0x34c: {  	[bflag:$0x3] =	sbarrier.arrive $0xFFFF  }
0x34d: {  	_ =	shalt  }

</sc_bundles>
